<compile_context>
chip_gen: v7x
topology: tpu7x:2x2x1
jax: 0.10.2.dev20260603
libtpu: 0.0.44.dev20260713+nightly
codegen_flags: <defaults>
</compile_context>

<pallas_src>
import functools

import jax
import jax.numpy as jnp
from jax import lax
from jax.experimental import pallas as pl
from jax.experimental.pallas import tpu as pltpu
from jax.experimental.pallas import tpu_sc as plsc

B, H, W, C = 4, 224, 224, 384
NW = 32
ROWS_PER_TILE = (B * H) // NW
K = 16
CHUNKS = W // K
TOTAL = ROWS_PER_TILE * CHUNKS
NSLICE = C // 16


def _splat(v, dtype=jnp.int32):
    return jnp.full((16,), v, dtype)


def _bf16r(v):
    u = plsc.bitcast(v, jnp.int32)
    r = u + 0x7FFF + (jnp.right_shift(u, 16) & 1)
    r = r & jnp.int32(-65536)
    return plsc.bitcast(r, jnp.float32)


def _body(x_hbm, theta_hbm, grid_hbm, out_hbm, theta_v, grid_v,
          idx_a, idx_b, w_a, w_b, g_a, g_b, o_a, o_b, z_v, flag_s,
          sem_a, sem_b, ssem_a, ssem_b):
    wid = lax.axis_index("s") * 2 + lax.axis_index("c")
    pltpu.sync_copy(theta_hbm, theta_v)
    pltpu.sync_copy(grid_hbm, grid_v)

    for k in range(2):
        sl = pl.ds(k * 16, 16)
        theta_v[sl] = _bf16r(theta_v[sl])
    for k in range((W + H) // 16):
        sl = pl.ds(k * 16, 16)
        grid_v[sl] = _bf16r(grid_v[sl])

    def zero_body(p, _):
        for s in range(NSLICE):
            z_v[p, pl.ds(s * 16, 16)] = jnp.zeros((16,), jnp.float32)
        return 0

    lax.fori_loop(0, K, zero_body, 0)

    def fire(q, idx_v, w_v, g_v, sem, slot):
        qg = wid + NW * q
        r = qg // CHUNKS
        c = qg - r * CHUNKS
        b = r // H
        i = r - b * H
        tb = b * 6
        t0 = plsc.load_gather(theta_v, [_splat(tb + 0)])
        t1 = plsc.load_gather(theta_v, [_splat(tb + 1)])
        t2 = plsc.load_gather(theta_v, [_splat(tb + 2)])
        t3 = plsc.load_gather(theta_v, [_splat(tb + 3)])
        t4 = plsc.load_gather(theta_v, [_splat(tb + 4)])
        t5 = plsc.load_gather(theta_v, [_splat(tb + 5)])
        gy = plsc.load_gather(grid_v, [_splat(W + i)])
        gx = grid_v[pl.ds(c * K, 16)]
        x = t0 * gx + (t1 * gy + t2)
        y = t3 * gx + (t4 * gy + t5)
        px = 0.5 * (x + 1.0) * jnp.float32(W)
        py = 0.5 * (y + 1.0) * jnp.float32(H)
        xt = px.astype(jnp.int32)
        yt = py.astype(jnp.int32)
        x0 = jnp.where(xt.astype(jnp.float32) > px, xt - 1, xt)
        y0 = jnp.where(yt.astype(jnp.float32) > py, yt - 1, yt)
        x1 = x0 + 1
        y1 = y0 + 1
        x0 = jnp.clip(x0, 0, W - 1)
        x1 = jnp.clip(x1, 0, W - 1)
        y0 = jnp.clip(y0, 0, H - 1)
        y1 = jnp.clip(y1, 0, H - 1)
        x0f = x0.astype(jnp.float32)
        x1f = x1.astype(jnp.float32)
        y0f = y0.astype(jnp.float32)
        y1f = y1.astype(jnp.float32)
        nz = jnp.any((x0 != x1) & (y0 != y1))
        flag_s[slot] = nz.astype(jnp.int32)

        @pl.when(nz)
        def _():
            w_v[pl.ds(0, 16)] = (x1f - px) * (y1f - py)
            w_v[pl.ds(16, 16)] = (x1f - px) * (py - y0f)
            w_v[pl.ds(32, 16)] = (px - x0f) * (y1f - py)
            w_v[pl.ds(48, 16)] = (px - x0f) * (py - y0f)
            base = b * (H * W)
            row0 = y0 * W + base
            row1 = y1 * W + base
            idx_v[pl.ds(0, 16)] = row0 + x0
            idx_v[pl.ds(16, 16)] = row1 + x0
            idx_v[pl.ds(32, 16)] = row0 + x1
            idx_v[pl.ds(48, 16)] = row1 + x1
            pltpu.async_copy(x_hbm.at[idx_v], g_v, sem)

    def drain(q, w_v, g_v, sem, slot, o_v, ssem, do_wait):
        out_slice = out_hbm.at[pl.ds((wid + NW * q) * K, K)]

        @pl.when(do_wait)
        def _():
            pltpu.make_async_copy(z_v, out_hbm.at[pl.ds(0, K)], ssem).wait()

        nz = flag_s[slot] != 0

        @pl.when(nz)
        def _():
            pltpu.make_async_copy(x_hbm.at[pl.ds(0, 64)], g_v, sem).wait()

            def pix_body(p, _):
                pv = _splat(p)
                wa = plsc.load_gather(w_v, [pv])
                wb = plsc.load_gather(w_v, [pv + 16])
                wc = plsc.load_gather(w_v, [pv + 32])
                wd = plsc.load_gather(w_v, [pv + 48])
                for s in range(NSLICE):
                    sl = pl.ds(s * 16, 16)
                    o_v[p, sl] = (wa * g_v[p, sl] + wb * g_v[16 + p, sl]
                                  + wc * g_v[32 + p, sl] + wd * g_v[48 + p, sl])
                return 0

            lax.fori_loop(0, K, pix_body, 0)
            pltpu.async_copy(o_v, out_slice, ssem)

        @pl.when(jnp.logical_not(nz))
        def _():
            pltpu.async_copy(z_v, out_slice, ssem)

    fire(0, idx_a, w_a, g_a, sem_a, 0)

    def pair_body(g, _):
        q0 = 2 * g
        fire(q0 + 1, idx_b, w_b, g_b, sem_b, 1)
        drain(q0, w_a, g_a, sem_a, 0, o_a, ssem_a, g > 0)

        @pl.when(q0 + 2 < TOTAL)
        def _():
            fire(q0 + 2, idx_a, w_a, g_a, sem_a, 0)

        drain(q0 + 1, w_b, g_b, sem_b, 1, o_b, ssem_b, g > 0)
        return 0

    lax.fori_loop(0, TOTAL // 2, pair_body, 0)
    pltpu.make_async_copy(z_v, out_hbm.at[pl.ds(0, K)], ssem_a).wait()
    pltpu.make_async_copy(z_v, out_hbm.at[pl.ds(0, K)], ssem_b).wait()


@jax.jit
def _sample(x_flat, theta_flat, grid):
    f = functools.partial(
        pl.kernel,
        out_type=jax.ShapeDtypeStruct((B * H * W, C), jnp.float32),
        mesh=plsc.VectorSubcoreMesh(core_axis_name="c", subcore_axis_name="s"),
        compiler_params=pltpu.CompilerParams(needs_layout_passes=False),
        scratch_types=[
            pltpu.VMEM((32,), jnp.float32),
            pltpu.VMEM((W + H,), jnp.float32),
            pltpu.VMEM((64,), jnp.int32),
            pltpu.VMEM((64,), jnp.int32),
            pltpu.VMEM((64,), jnp.float32),
            pltpu.VMEM((64,), jnp.float32),
            pltpu.VMEM((64, C), jnp.float32),
            pltpu.VMEM((64, C), jnp.float32),
            pltpu.VMEM((K, C), jnp.float32),
            pltpu.VMEM((K, C), jnp.float32),
            pltpu.VMEM((K, C), jnp.float32),
            pltpu.SMEM((2,), jnp.int32),
            pltpu.SemaphoreType.DMA,
            pltpu.SemaphoreType.DMA,
            pltpu.SemaphoreType.DMA,
            pltpu.SemaphoreType.DMA,
        ],
    )(_body)
    return f(x_flat, theta_flat, grid)


def kernel(X, theta):
    x_flat = jnp.reshape(X, (B * H * W, C)).astype(jnp.float32)
    theta_flat = jnp.pad(jnp.reshape(theta, (-1,)).astype(jnp.float32), (0, 8))
    grid = jnp.concatenate(
        [jnp.linspace(-1.0, 1.0, W), jnp.linspace(-1.0, 1.0, H)]
    ).astype(jnp.float32)
    out = _sample(x_flat, theta_flat, grid)
    return jnp.reshape(out, (B, H, W, C))

# --- scband reference (transcript-rebuilt; emitter-appended) ---
"""Pipeline reference for scband-bilinear-interpolation-85461259255915 (READ-ONLY COPY).

The authoritative reference and input builder live on the scoring server;
editing this copy changes nothing except your own understanding.
"""

import jax, jax.numpy as jnp
import numpy as np

B, H, W, C = 4, 224, 224, 384

def setup_inputs(seed: int = 0) -> dict:
    key = jax.random.key(seed)
    k1, k2 = jax.random.split(key)
    X = jax.random.normal(k1, (B, H, W, C), dtype=jnp.float32)
    theta = jax.random.normal(k2, (B, 6), dtype=jnp.float32)
    return {"X": X, "theta": theta}

def _repeat(x, num_repeats):
    # x: int32[B] -> int32[B*num_repeats], each element repeated num_repeats times
    return jnp.reshape(jnp.reshape(x, (-1, 1)) * jnp.ones((1, num_repeats), dtype=jnp.int32), (-1,))

def reference(X, theta):
    batch_size, height, width, num_channels = X.shape
    out_h, out_w = height, width
    # meshgrid in normalized coords, row order: x, y, ones
    x_lin = jnp.linspace(-1.0, 1.0, out_w)
    y_lin = jnp.linspace(-1.0, 1.0, out_h)
    x_coords, y_coords = jnp.meshgrid(x_lin, y_lin)
    x_coords = jnp.reshape(x_coords, (1, -1))
    y_coords = jnp.reshape(y_coords, (1, -1))
    ones = jnp.ones_like(x_coords)
    indices_grid = jnp.concatenate([x_coords, y_coords, ones], axis=0)  # [3, HW]
    indices_grid = jnp.tile(indices_grid[None], (batch_size, 1, 1))  # [B, 3, HW]
    locnet_y = jnp.reshape(theta, (batch_size, 2, 3)).astype(jnp.float32)
    transformed_grid = jnp.matmul(locnet_y, indices_grid)  # [B, 2, HW]
    x = jnp.reshape(transformed_grid[:, 0:1, :], (-1,))
    y = jnp.reshape(transformed_grid[:, 1:2, :], (-1,))
    height_f = jnp.float32(height)
    width_f = jnp.float32(width)
    x = 0.5 * (x + 1.0) * width_f
    y = 0.5 * (y + 1.0) * height_f
    x0 = jnp.floor(x).astype(jnp.int32)
    x1 = x0 + 1
    y0 = jnp.floor(y).astype(jnp.int32)
    y1 = y0 + 1
    max_y = height - 1
    max_x = width - 1
    x0 = jnp.clip(x0, 0, max_x)
    x1 = jnp.clip(x1, 0, max_x)
    y0 = jnp.clip(y0, 0, max_y)
    y1 = jnp.clip(y1, 0, max_y)
    flat_image_dims = width * height
    pixels_batch = jnp.arange(batch_size, dtype=jnp.int32) * flat_image_dims
    flat_output_dims = out_h * out_w
    base = _repeat(pixels_batch, flat_output_dims)
    base_y0 = base + y0 * width
    base_y1 = base + y1 * width
    indices_a = base_y0 + x0
    indices_b = base_y1 + x0
    indices_c = base_y0 + x1
    indices_d = base_y1 + x1
    flat_image = jnp.reshape(X, (-1, num_channels)).astype(jnp.float32)
    pa = jnp.take(flat_image, indices_a, axis=0)
    pb = jnp.take(flat_image, indices_b, axis=0)
    pc = jnp.take(flat_image, indices_c, axis=0)
    pd = jnp.take(flat_image, indices_d, axis=0)
    x0f = x0.astype(jnp.float32)
    x1f = x1.astype(jnp.float32)
    y0f = y0.astype(jnp.float32)
    y1f = y1.astype(jnp.float32)
    area_a = ((x1f - x) * (y1f - y))[:, None]
    area_b = ((x1f - x) * (y - y0f))[:, None]
    area_c = ((x - x0f) * (y1f - y))[:, None]
    area_d = ((x - x0f) * (y - y0f))[:, None]
    out = area_a * pa + area_b * pb + area_c * pc + area_d * pd
    return jnp.reshape(out, (batch_size, out_h, out_w, num_channels))

if __name__ == "__main__":
    import jax
    _d = setup_inputs()
    print(jax.jit(kernel)(*tuple(_d.values())))

</pallas_src>

<mosaic_0001>
#map = affine_map<(d0, d1) -> (0, 0)>
#map1 = affine_map<(d0, d1) -> (0)>
module attributes {stable_mosaic.version = 14 : i64} {
  func.func @_body(%arg0: i32, %arg1: i32, %arg2: memref<200704x384xf32, #tpu.memory_space<hbm>>, %arg3: memref<32xf32, #tpu.memory_space<hbm>>, %arg4: memref<448xf32, #tpu.memory_space<hbm>>, %arg5: memref<200704x384xf32, #tpu.memory_space<hbm>>, %arg6: memref<32xf32, #tpu.memory_space<vmem>>, %arg7: memref<448xf32, #tpu.memory_space<vmem>>, %arg8: memref<64xi32, #tpu.memory_space<vmem>>, %arg9: memref<64xi32, #tpu.memory_space<vmem>>, %arg10: memref<64xf32, #tpu.memory_space<vmem>>, %arg11: memref<64xf32, #tpu.memory_space<vmem>>, %arg12: memref<64x384xf32, #tpu.memory_space<vmem>>, %arg13: memref<64x384xf32, #tpu.memory_space<vmem>>, %arg14: memref<16x384xf32, #tpu.memory_space<vmem>>, %arg15: memref<16x384xf32, #tpu.memory_space<vmem>>, %arg16: memref<16x384xf32, #tpu.memory_space<vmem>>, %arg17: memref<2xi32, #tpu.memory_space<smem>>, %arg18: memref<!tpu.dma_semaphore, #tpu.memory_space<semaphore_mem>>, %arg19: memref<!tpu.dma_semaphore, #tpu.memory_space<semaphore_mem>>, %arg20: memref<!tpu.dma_semaphore, #tpu.memory_space<semaphore_mem>>, %arg21: memref<!tpu.dma_semaphore, #tpu.memory_space<semaphore_mem>>) attributes {dimension_semantics = [#tpu.dimension_semantics<core_parallel>, #tpu.dimension_semantics<subcore_parallel>], iteration_bounds = array<i64: 2, 16>, scalar_prefetch = 0 : i64, scratch_operands = 16 : i64, tpu.core_type = #tpu.core_type<sc_vector_subcore>, window_params = [{transform_indices = #map}, {transform_indices = #map1}, {transform_indices = #map1}, {transform_indices = #map}]} {
    %mul3A = arith.constant 2 : i32
    %mul3A_0 = arith.muli %arg1, %mul3A : i32
    %add3A = arith.addi %mul3A_0, %arg0 : i32
    "tpu.region"() ({
      %run_scoped3A = tpu.sem_alloc : memref<!tpu.dma_semaphore, #tpu.memory_space<semaphore_mem>>
      tpu.enqueue_dma source(%arg3 : memref<32xf32, #tpu.memory_space<hbm>>) target(%arg6 : memref<32xf32, #tpu.memory_space<vmem>>) target_semaphore(%run_scoped3A : memref<!tpu.dma_semaphore, #tpu.memory_space<semaphore_mem>>)
      tpu.wait_dma2 semaphore(%run_scoped3A : memref<!tpu.dma_semaphore, #tpu.memory_space<semaphore_mem>>) src(%arg3 : memref<32xf32, #tpu.memory_space<hbm>>) dst(%arg6 : memref<32xf32, #tpu.memory_space<vmem>>)
      tpu.yield
    }) : () -> ()
    "tpu.region"() ({
      %run_scoped3A = tpu.sem_alloc : memref<!tpu.dma_semaphore, #tpu.memory_space<semaphore_mem>>
      tpu.enqueue_dma source(%arg4 : memref<448xf32, #tpu.memory_space<hbm>>) target(%arg7 : memref<448xf32, #tpu.memory_space<vmem>>) target_semaphore(%run_scoped3A : memref<!tpu.dma_semaphore, #tpu.memory_space<semaphore_mem>>)
      tpu.wait_dma2 semaphore(%run_scoped3A : memref<!tpu.dma_semaphore, #tpu.memory_space<semaphore_mem>>) src(%arg4 : memref<448xf32, #tpu.memory_space<hbm>>) dst(%arg7 : memref<448xf32, #tpu.memory_space<vmem>>)
      tpu.yield
    }) : () -> ()
    %get3A = arith.constant 0 : index
    %get3A_1 = tpu.vector_load %arg6[%get3A] {strides = array<i32>} : memref<32xf32, #tpu.memory_space<vmem>>, vector<16xf32>,
    %bitcast3A = vector.bitcast %get3A_1 : vector<16xf32> to vector<16xi32>
    %add3A_2 = arith.constant 32767 : i32
    %add3A_3 = vector.broadcast %add3A_2 : i32 to vector<16xi32>
    %add3A_4 = arith.addi %bitcast3A, %add3A_3 : vector<16xi32>
    %shift_right_arithmetic3A = arith.constant 16 : i32
    %shift_right_arithmetic3A_5 = vector.broadcast %shift_right_arithmetic3A : i32 to vector<16xi32>
    %shift_right_arithmetic3A_6 = arith.shrsi %bitcast3A, %shift_right_arithmetic3A_5 : vector<16xi32>
    %and3A = arith.constant 1 : i32
    %and3A_7 = vector.broadcast %and3A : i32 to vector<16xi32>
    %and3A_8 = arith.andi %shift_right_arithmetic3A_6, %and3A_7 : vector<16xi32>
    %add3A_9 = arith.addi %add3A_4, %and3A_8 : vector<16xi32>
    %and3A_10 = arith.constant -65536 : i32
    %and3A_11 = vector.broadcast %and3A_10 : i32 to vector<16xi32>
    %and3A_12 = arith.andi %add3A_9, %and3A_11 : vector<16xi32>
    %bitcast3A_13 = vector.bitcast %and3A_12 : vector<16xi32> to vector<16xf32>
    %swap3A = arith.constant 0 : index
    %swap3A_14 = tpu.vector_load %arg6[%swap3A] {strides = array<i32>} : memref<32xf32, #tpu.memory_space<vmem>>, vector<16xf32>,
    tpu.vector_store %arg6[%swap3A], %bitcast3A_13 {strides = array<i32>} : memref<32xf32, #tpu.memory_space<vmem>>, vector<16xf32>,
    %get3A_15 = arith.constant 16 : index
    %get3A_16 = tpu.vector_load %arg6[%get3A_15] {strides = array<i32>} : memref<32xf32, #tpu.memory_space<vmem>>, vector<16xf32>,
    %bitcast3A_17 = vector.bitcast %get3A_16 : vector<16xf32> to vector<16xi32>
    %add3A_18 = arith.constant 32767 : i32
    %add3A_19 = vector.broadcast %add3A_18 : i32 to vector<16xi32>
    %add3A_20 = arith.addi %bitcast3A_17, %add3A_19 : vector<16xi32>
    %shift_right_arithmetic3A_21 = arith.constant 16 : i32
    %shift_right_arithmetic3A_22 = vector.broadcast %shift_right_arithmetic3A_21 : i32 to vector<16xi32>
    %shift_right_arithmetic3A_23 = arith.shrsi %bitcast3A_17, %shift_right_arithmetic3A_22 : vector<16xi32>
    %and3A_24 = arith.constant 1 : i32
    %and3A_25 = vector.broadcast %and3A_24 : i32 to vector<16xi32>
    %and3A_26 = arith.andi %shift_right_arithmetic3A_23, %and3A_25 : vector<16xi32>
    %add3A_27 = arith.addi %add3A_20, %and3A_26 : vector<16xi32>
    %and3A_28 = arith.constant -65536 : i32
    %and3A_29 = vector.broadcast %and3A_28 : i32 to vector<16xi32>
    %and3A_30 = arith.andi %add3A_27, %and3A_29 : vector<16xi32>
    %bitcast3A_31 = vector.bitcast %and3A_30 : vector<16xi32> to vector<16xf32>
    %swap3A_32 = arith.constant 16 : index
    %swap3A_33 = tpu.vector_load %arg6[%swap3A_32] {strides = array<i32>} : memref<32xf32, #tpu.memory_space<vmem>>, vector<16xf32>,
    tpu.vector_store %arg6[%swap3A_32], %bitcast3A_31 {strides = array<i32>} : memref<32xf32, #tpu.memory_space<vmem>>, vector<16xf32>,
    %get3A_34 = arith.constant 0 : index
    %get3A_35 = tpu.vector_load %arg7[%get3A_34] {strides = array<i32>} : memref<448xf32, #tpu.memory_space<vmem>>, vector<16xf32>,
    %bitcast3A_36 = vector.bitcast %get3A_35 : vector<16xf32> to vector<16xi32>
    %add3A_37 = arith.constant 32767 : i32
    %add3A_38 = vector.broadcast %add3A_37 : i32 to vector<16xi32>
    %add3A_39 = arith.addi %bitcast3A_36, %add3A_38 : vector<16xi32>
    %shift_right_arithmetic3A_40 = arith.constant 16 : i32
    %shift_right_arithmetic3A_41 = vector.broadcast %shift_right_arithmetic3A_40 : i32 to vector<16xi32>
    %shift_right_arithmetic3A_42 = arith.shrsi %bitcast3A_36, %shift_right_arithmetic3A_41 : vector<16xi32>
    %and3A_43 = arith.constant 1 : i32
    %and3A_44 = vector.broadcast %and3A_43 : i32 to vector<16xi32>
    %and3A_45 = arith.andi %shift_right_arithmetic3A_42, %and3A_44 : vector<16xi32>
    %add3A_46 = arith.addi %add3A_39, %and3A_45 : vector<16xi32>
    %and3A_47 = arith.constant -65536 : i32
    %and3A_48 = vector.broadcast %and3A_47 : i32 to vector<16xi32>
    %and3A_49 = arith.andi %add3A_46, %and3A_48 : vector<16xi32>
    %bitcast3A_50 = vector.bitcast %and3A_49 : vector<16xi32> to vector<16xf32>
    %swap3A_51 = arith.constant 0 : index
    %swap3A_52 = tpu.vector_load %arg7[%swap3A_51] {strides = array<i32>} : memref<448xf32, #tpu.memory_space<vmem>>, vector<16xf32>,
    tpu.vector_store %arg7[%swap3A_51], %bitcast3A_50 {strides = array<i32>} : memref<448xf32, #tpu.memory_space<vmem>>, vector<16xf32>,
    %get3A_53 = arith.constant 16 : index
    %get3A_54 = tpu.vector_load %arg7[%get3A_53] {strides = array<i32>} : memref<448xf32, #tpu.memory_space<vmem>>, vector<16xf32>,
    %bitcast3A_55 = vector.bitcast %get3A_54 : vector<16xf32> to vector<16xi32>
    %add3A_56 = arith.constant 32767 : i32
    %add3A_57 = vector.broadcast %add3A_56 : i32 to vector<16xi32>
    %add3A_58 = arith.addi %bitcast3A_55, %add3A_57 : vector<16xi32>
    %shift_right_arithmetic3A_59 = arith.constant 16 : i32
    %shift_right_arithmetic3A_60 = vector.broadcast %shift_right_arithmetic3A_59 : i32 to vector<16xi32>
    %shift_right_arithmetic3A_61 = arith.shrsi %bitcast3A_55, %shift_right_arithmetic3A_60 : vector<16xi32>
    %and3A_62 = arith.constant 1 : i32
    %and3A_63 = vector.broadcast %and3A_62 : i32 to vector<16xi32>
    %and3A_64 = arith.andi %shift_right_arithmetic3A_61, %and3A_63 : vector<16xi32>
    %add3A_65 = arith.addi %add3A_58, %and3A_64 : vector<16xi32>
    %and3A_66 = arith.constant -65536 : i32
    %and3A_67 = vector.broadcast %and3A_66 : i32 to vector<16xi32>
    %and3A_68 = arith.andi %add3A_65, %and3A_67 : vector<16xi32>
    %bitcast3A_69 = vector.bitcast %and3A_68 : vector<16xi32> to vector<16xf32>
    %swap3A_70 = arith.constant 16 : index
    %swap3A_71 = tpu.vector_load %arg7[%swap3A_70] {strides = array<i32>} : memref<448xf32, #tpu.memory_space<vmem>>, vector<16xf32>,
    tpu.vector_store %arg7[%swap3A_70], %bitcast3A_69 {strides = array<i32>} : memref<448xf32, #tpu.memory_space<vmem>>, vector<16xf32>,
    %get3A_72 = arith.constant 32 : index
    %get3A_73 = tpu.vector_load %arg7[%get3A_72] {strides = array<i32>} : memref<448xf32, #tpu.memory_space<vmem>>, vector<16xf32>,
    %bitcast3A_74 = vector.bitcast %get3A_73 : vector<16xf32> to vector<16xi32>
    %add3A_75 = arith.constant 32767 : i32
    %add3A_76 = vector.broadcast %add3A_75 : i32 to vector<16xi32>
    %add3A_77 = arith.addi %bitcast3A_74, %add3A_76 : vector<16xi32>
    %shift_right_arithmetic3A_78 = arith.constant 16 : i32
    %shift_right_arithmetic3A_79 = vector.broadcast %shift_right_arithmetic3A_78 : i32 to vector<16xi32>
    %shift_right_arithmetic3A_80 = arith.shrsi %bitcast3A_74, %shift_right_arithmetic3A_79 : vector<16xi32>
    %and3A_81 = arith.constant 1 : i32
    %and3A_82 = vector.broadcast %and3A_81 : i32 to vector<16xi32>
    %and3A_83 = arith.andi %shift_right_arithmetic3A_80, %and3A_82 : vector<16xi32>
    %add3A_84 = arith.addi %add3A_77, %and3A_83 : vector<16xi32>
    %and3A_85 = arith.constant -65536 : i32
    %and3A_86 = vector.broadcast %and3A_85 : i32 to vector<16xi32>
    %and3A_87 = arith.andi %add3A_84, %and3A_86 : vector<16xi32>
    %bitcast3A_88 = vector.bitcast %and3A_87 : vector<16xi32> to vector<16xf32>
    %swap3A_89 = arith.constant 32 : index
    %swap3A_90 = tpu.vector_load %arg7[%swap3A_89] {strides = array<i32>} : memref<448xf32, #tpu.memory_space<vmem>>, vector<16xf32>,
    tpu.vector_store %arg7[%swap3A_89], %bitcast3A_88 {strides = array<i32>} : memref<448xf32, #tpu.memory_space<vmem>>, vector<16xf32>,
    %get3A_91 = arith.constant 48 : index
    %get3A_92 = tpu.vector_load %arg7[%get3A_91] {strides = array<i32>} : memref<448xf32, #tpu.memory_space<vmem>>, vector<16xf32>,
    %bitcast3A_93 = vector.bitcast %get3A_92 : vector<16xf32> to vector<16xi32>
    %add3A_94 = arith.constant 32767 : i32
    %add3A_95 = vector.broadcast %add3A_94 : i32 to vector<16xi32>
    %add3A_96 = arith.addi %bitcast3A_93, %add3A_95 : vector<16xi32>
    %shift_right_arithmetic3A_97 = arith.constant 16 : i32
    %shift_right_arithmetic3A_98 = vector.broadcast %shift_right_arithmetic3A_97 : i32 to vector<16xi32>
    %shift_right_arithmetic3A_99 = arith.shrsi %bitcast3A_93, %shift_right_arithmetic3A_98 : vector<16xi32>
    %and3A_100 = arith.constant 1 : i32
    %and3A_101 = vector.broadcast %and3A_100 : i32 to vector<16xi32>
    %and3A_102 = arith.andi %shift_right_arithmetic3A_99, %and3A_101 : vector<16xi32>
    %add3A_103 = arith.addi %add3A_96, %and3A_102 : vector<16xi32>
    %and3A_104 = arith.constant -65536 : i32
    %and3A_105 = vector.broadcast %and3A_104 : i32 to vector<16xi32>
    %and3A_106 = arith.andi %add3A_103, %and3A_105 : vector<16xi32>
    %bitcast3A_107 = vector.bitcast %and3A_106 : vector<16xi32> to vector<16xf32>
    %swap3A_108 = arith.constant 48 : index
    %swap3A_109 = tpu.vector_load %arg7[%swap3A_108] {strides = array<i32>} : memref<448xf32, #tpu.memory_space<vmem>>, vector<16xf32>,
    tpu.vector_store %arg7[%swap3A_108], %bitcast3A_107 {strides = array<i32>} : memref<448xf32, #tpu.memory_space<vmem>>, vector<16xf32>,
    %get3A_110 = arith.constant 64 : index
    %get3A_111 = tpu.vector_load %arg7[%get3A_110] {strides = array<i32>} : memref<448xf32, #tpu.memory_space<vmem>>, vector<16xf32>,
    %bitcast3A_112 = vector.bitcast %get3A_111 : vector<16xf32> to vector<16xi32>
    %add3A_113 = arith.constant 32767 : i32
    %add3A_114 = vector.broadcast %add3A_113 : i32 to vector<16xi32>
    %add3A_115 = arith.addi %bitcast3A_112, %add3A_114 : vector<16xi32>
    %shift_right_arithmetic3A_116 = arith.constant 16 : i32
    %shift_right_arithmetic3A_117 = vector.broadcast %shift_right_arithmetic3A_116 : i32 to vector<16xi32>
    %shift_right_arithmetic3A_118 = arith.shrsi %bitcast3A_112, %shift_right_arithmetic3A_117 : vector<16xi32>
    %and3A_119 = arith.constant 1 : i32
    %and3A_120 = vector.broadcast %and3A_119 : i32 to vector<16xi32>
    %and3A_121 = arith.andi %shift_right_arithmetic3A_118, %and3A_120 : vector<16xi32>
    %add3A_122 = arith.addi %add3A_115, %and3A_121 : vector<16xi32>
    %and3A_123 = arith.constant -65536 : i32
    %and3A_124 = vector.broadcast %and3A_123 : i32 to vector<16xi32>
    %and3A_125 = arith.andi %add3A_122, %and3A_124 : vector<16xi32>
    %bitcast3A_126 = vector.bitcast %and3A_125 : vector<16xi32> to vector<16xf32>
    %swap3A_127 = arith.constant 64 : index
    %swap3A_128 = tpu.vector_load %arg7[%swap3A_127] {strides = array<i32>} : memref<448xf32, #tpu.memory_space<vmem>>, vector<16xf32>,
    tpu.vector_store %arg7[%swap3A_127], %bitcast3A_126 {strides = array<i32>} : memref<448xf32, #tpu.memory_space<vmem>>, vector<16xf32>,
    %get3A_129 = arith.constant 80 : index
    %get3A_130 = tpu.vector_load %arg7[%get3A_129] {strides = array<i32>} : memref<448xf32, #tpu.memory_space<vmem>>, vector<16xf32>,
    %bitcast3A_131 = vector.bitcast %get3A_130 : vector<16xf32> to vector<16xi32>
    %add3A_132 = arith.constant 32767 : i32
    %add3A_133 = vector.broadcast %add3A_132 : i32 to vector<16xi32>
    %add3A_134 = arith.addi %bitcast3A_131, %add3A_133 : vector<16xi32>
    %shift_right_arithmetic3A_135 = arith.constant 16 : i32
    %shift_right_arithmetic3A_136 = vector.broadcast %shift_right_arithmetic3A_135 : i32 to vector<16xi32>
    %shift_right_arithmetic3A_137 = arith.shrsi %bitcast3A_131, %shift_right_arithmetic3A_136 : vector<16xi32>
    %and3A_138 = arith.constant 1 : i32
    %and3A_139 = vector.broadcast %and3A_138 : i32 to vector<16xi32>
    %and3A_140 = arith.andi %shift_right_arithmetic3A_137, %and3A_139 : vector<16xi32>
    %add3A_141 = arith.addi %add3A_134, %and3A_140 : vector<16xi32>
    %and3A_142 = arith.constant -65536 : i32
    %and3A_143 = vector.broadcast %and3A_142 : i32 to vector<16xi32>
    %and3A_144 = arith.andi %add3A_141, %and3A_143 : vector<16xi32>
    %bitcast3A_145 = vector.bitcast %and3A_144 : vector<16xi32> to vector<16xf32>
    %swap3A_146 = arith.constant 80 : index
    %swap3A_147 = tpu.vector_load %arg7[%swap3A_146] {strides = array<i32>} : memref<448xf32, #tpu.memory_space<vmem>>, vector<16xf32>,
    tpu.vector_store %arg7[%swap3A_146], %bitcast3A_145 {strides = array<i32>} : memref<448xf32, #tpu.memory_space<vmem>>, vector<16xf32>,
    %get3A_148 = arith.constant 96 : index
    %get3A_149 = tpu.vector_load %arg7[%get3A_148] {strides = array<i32>} : memref<448xf32, #tpu.memory_space<vmem>>, vector<16xf32>,
    %bitcast3A_150 = vector.bitcast %get3A_149 : vector<16xf32> to vector<16xi32>
    %add3A_151 = arith.constant 32767 : i32
    %add3A_152 = vector.broadcast %add3A_151 : i32 to vector<16xi32>
    %add3A_153 = arith.addi %bitcast3A_150, %add3A_152 : vector<16xi32>
    %shift_right_arithmetic3A_154 = arith.constant 16 : i32
    %shift_right_arithmetic3A_155 = vector.broadcast %shift_right_arithmetic3A_154 : i32 to vector<16xi32>
    %shift_right_arithmetic3A_156 = arith.shrsi %bitcast3A_150, %shift_right_arithmetic3A_155 : vector<16xi32>
    %and3A_157 = arith.constant 1 : i32
    %and3A_158 = vector.broadcast %and3A_157 : i32 to vector<16xi32>
    %and3A_159 = arith.andi %shift_right_arithmetic3A_156, %and3A_158 : vector<16xi32>
    %add3A_160 = arith.addi %add3A_153, %and3A_159 : vector<16xi32>
    %and3A_161 = arith.constant -65536 : i32
    %and3A_162 = vector.broadcast %and3A_161 : i32 to vector<16xi32>
    %and3A_163 = arith.andi %add3A_160, %and3A_162 : vector<16xi32>
    %bitcast3A_164 = vector.bitcast %and3A_163 : vector<16xi32> to vector<16xf32>
    %swap3A_165 = arith.constant 96 : index
    %swap3A_166 = tpu.vector_load %arg7[%swap3A_165] {strides = array<i32>} : memref<448xf32, #tpu.memory_space<vmem>>, vector<16xf32>,
    tpu.vector_store %arg7[%swap3A_165], %bitcast3A_164 {strides = array<i32>} : memref<448xf32, #tpu.memory_space<vmem>>, vector<16xf32>,
    %get3A_167 = arith.constant 112 : index
    %get3A_168 = tpu.vector_load %arg7[%get3A_167] {strides = array<i32>} : memref<448xf32, #tpu.memory_space<vmem>>, vector<16xf32>,
    %bitcast3A_169 = vector.bitcast %get3A_168 : vector<16xf32> to vector<16xi32>
    %add3A_170 = arith.constant 32767 : i32
    %add3A_171 = vector.broadcast %add3A_170 : i32 to vector<16xi32>
    %add3A_172 = arith.addi %bitcast3A_169, %add3A_171 : vector<16xi32>
    %shift_right_arithmetic3A_173 = arith.constant 16 : i32
    %shift_right_arithmetic3A_174 = vector.broadcast %shift_right_arithmetic3A_173 : i32 to vector<16xi32>
    %shift_right_arithmetic3A_175 = arith.shrsi %bitcast3A_169, %shift_right_arithmetic3A_174 : vector<16xi32>
    %and3A_176 = arith.constant 1 : i32
    %and3A_177 = vector.broadcast %and3A_176 : i32 to vector<16xi32>
    %and3A_178 = arith.andi %shift_right_arithmetic3A_175, %and3A_177 : vector<16xi32>
    %add3A_179 = arith.addi %add3A_172, %and3A_178 : vector<16xi32>
    %and3A_180 = arith.constant -65536 : i32
    %and3A_181 = vector.broadcast %and3A_180 : i32 to vector<16xi32>
    %and3A_182 = arith.andi %add3A_179, %and3A_181 : vector<16xi32>
    %bitcast3A_183 = vector.bitcast %and3A_182 : vector<16xi32> to vector<16xf32>
    %swap3A_184 = arith.constant 112 : index
    %swap3A_185 = tpu.vector_load %arg7[%swap3A_184] {strides = array<i32>} : memref<448xf32, #tpu.memory_space<vmem>>, vector<16xf32>,
    tpu.vector_store %arg7[%swap3A_184], %bitcast3A_183 {strides = array<i32>} : memref<448xf32, #tpu.memory_space<vmem>>, vector<16xf32>,
    %get3A_186 = arith.constant 128 : index
    %get3A_187 = tpu.vector_load %arg7[%get3A_186] {strides = array<i32>} : memref<448xf32, #tpu.memory_space<vmem>>, vector<16xf32>,
    %bitcast3A_188 = vector.bitcast %get3A_187 : vector<16xf32> to vector<16xi32>
    %add3A_189 = arith.constant 32767 : i32
    %add3A_190 = vector.broadcast %add3A_189 : i32 to vector<16xi32>
    %add3A_191 = arith.addi %bitcast3A_188, %add3A_190 : vector<16xi32>
    %shift_right_arithmetic3A_192 = arith.constant 16 : i32
    %shift_right_arithmetic3A_193 = vector.broadcast %shift_right_arithmetic3A_192 : i32 to vector<16xi32>
    %shift_right_arithmetic3A_194 = arith.shrsi %bitcast3A_188, %shift_right_arithmetic3A_193 : vector<16xi32>
    %and3A_195 = arith.constant 1 : i32
    %and3A_196 = vector.broadcast %and3A_195 : i32 to vector<16xi32>
    %and3A_197 = arith.andi %shift_right_arithmetic3A_194, %and3A_196 : vector<16xi32>
    %add3A_198 = arith.addi %add3A_191, %and3A_197 : vector<16xi32>
    %and3A_199 = arith.constant -65536 : i32
    %and3A_200 = vector.broadcast %and3A_199 : i32 to vector<16xi32>
    %and3A_201 = arith.andi %add3A_198, %and3A_200 : vector<16xi32>
    %bitcast3A_202 = vector.bitcast %and3A_201 : vector<16xi32> to vector<16xf32>
    %swap3A_203 = arith.constant 128 : index
    %swap3A_204 = tpu.vector_load %arg7[%swap3A_203] {strides = array<i32>} : memref<448xf32, #tpu.memory_space<vmem>>, vector<16xf32>,
    tpu.vector_store %arg7[%swap3A_203], %bitcast3A_202 {strides = array<i32>} : memref<448xf32, #tpu.memory_space<vmem>>, vector<16xf32>,
    %get3A_205 = arith.constant 144 : index
    %get3A_206 = tpu.vector_load %arg7[%get3A_205] {strides = array<i32>} : memref<448xf32, #tpu.memory_space<vmem>>, vector<16xf32>,
    %bitcast3A_207 = vector.bitcast %get3A_206 : vector<16xf32> to vector<16xi32>
    %add3A_208 = arith.constant 32767 : i32
    %add3A_209 = vector.broadcast %add3A_208 : i32 to vector<16xi32>
    %add3A_210 = arith.addi %bitcast3A_207, %add3A_209 : vector<16xi32>
    %shift_right_arithmetic3A_211 = arith.constant 16 : i32
    %shift_right_arithmetic3A_212 = vector.broadcast %shift_right_arithmetic3A_211 : i32 to vector<16xi32>
    %shift_right_arithmetic3A_213 = arith.shrsi %bitcast3A_207, %shift_right_arithmetic3A_212 : vector<16xi32>
    %and3A_214 = arith.constant 1 : i32
    %and3A_215 = vector.broadcast %and3A_214 : i32 to vector<16xi32>
    %and3A_216 = arith.andi %shift_right_arithmetic3A_213, %and3A_215 : vector<16xi32>
    %add3A_217 = arith.addi %add3A_210, %and3A_216 : vector<16xi32>
    %and3A_218 = arith.constant -65536 : i32
    %and3A_219 = vector.broadcast %and3A_218 : i32 to vector<16xi32>
    %and3A_220 = arith.andi %add3A_217, %and3A_219 : vector<16xi32>
    %bitcast3A_221 = vector.bitcast %and3A_220 : vector<16xi32> to vector<16xf32>
    %swap3A_222 = arith.constant 144 : index
    %swap3A_223 = tpu.vector_load %arg7[%swap3A_222] {strides = array<i32>} : memref<448xf32, #tpu.memory_space<vmem>>, vector<16xf32>,
    tpu.vector_store %arg7[%swap3A_222], %bitcast3A_221 {strides = array<i32>} : memref<448xf32, #tpu.memory_space<vmem>>, vector<16xf32>,
    %get3A_224 = arith.constant 160 : index
    %get3A_225 = tpu.vector_load %arg7[%get3A_224] {strides = array<i32>} : memref<448xf32, #tpu.memory_space<vmem>>, vector<16xf32>,
    %bitcast3A_226 = vector.bitcast %get3A_225 : vector<16xf32> to vector<16xi32>
    %add3A_227 = arith.constant 32767 : i32
    %add3A_228 = vector.broadcast %add3A_227 : i32 to vector<16xi32>
    %add3A_229 = arith.addi %bitcast3A_226, %add3A_228 : vector<16xi32>
    %shift_right_arithmetic3A_230 = arith.constant 16 : i32
    %shift_right_arithmetic3A_231 = vector.broadcast %shift_right_arithmetic3A_230 : i32 to vector<16xi32>
    %shift_right_arithmetic3A_232 = arith.shrsi %bitcast3A_226, %shift_right_arithmetic3A_231 : vector<16xi32>
    %and3A_233 = arith.constant 1 : i32
    %and3A_234 = vector.broadcast %and3A_233 : i32 to vector<16xi32>
    %and3A_235 = arith.andi %shift_right_arithmetic3A_232, %and3A_234 : vector<16xi32>
    %add3A_236 = arith.addi %add3A_229, %and3A_235 : vector<16xi32>
    %and3A_237 = arith.constant -65536 : i32
    %and3A_238 = vector.broadcast %and3A_237 : i32 to vector<16xi32>
    %and3A_239 = arith.andi %add3A_236, %and3A_238 : vector<16xi32>
    %bitcast3A_240 = vector.bitcast %and3A_239 : vector<16xi32> to vector<16xf32>
    %swap3A_241 = arith.constant 160 : index
    %swap3A_242 = tpu.vector_load %arg7[%swap3A_241] {strides = array<i32>} : memref<448xf32, #tpu.memory_space<vmem>>, vector<16xf32>,
    tpu.vector_store %arg7[%swap3A_241], %bitcast3A_240 {strides = array<i32>} : memref<448xf32, #tpu.memory_space<vmem>>, vector<16xf32>,
    %get3A_243 = arith.constant 176 : index
    %get3A_244 = tpu.vector_load %arg7[%get3A_243] {strides = array<i32>} : memref<448xf32, #tpu.memory_space<vmem>>, vector<16xf32>,
    %bitcast3A_245 = vector.bitcast %get3A_244 : vector<16xf32> to vector<16xi32>
    %add3A_246 = arith.constant 32767 : i32
    %add3A_247 = vector.broadcast %add3A_246 : i32 to vector<16xi32>
    %add3A_248 = arith.addi %bitcast3A_245, %add3A_247 : vector<16xi32>
    %shift_right_arithmetic3A_249 = arith.constant 16 : i32
    %shift_right_arithmetic3A_250 = vector.broadcast %shift_right_arithmetic3A_249 : i32 to vector<16xi32>
    %shift_right_arithmetic3A_251 = arith.shrsi %bitcast3A_245, %shift_right_arithmetic3A_250 : vector<16xi32>
    %and3A_252 = arith.constant 1 : i32
    %and3A_253 = vector.broadcast %and3A_252 : i32 to vector<16xi32>
    %and3A_254 = arith.andi %shift_right_arithmetic3A_251, %and3A_253 : vector<16xi32>
    %add3A_255 = arith.addi %add3A_248, %and3A_254 : vector<16xi32>
    %and3A_256 = arith.constant -65536 : i32
    %and3A_257 = vector.broadcast %and3A_256 : i32 to vector<16xi32>
    %and3A_258 = arith.andi %add3A_255, %and3A_257 : vector<16xi32>
    %bitcast3A_259 = vector.bitcast %and3A_258 : vector<16xi32> to vector<16xf32>
    %swap3A_260 = arith.constant 176 : index
    %swap3A_261 = tpu.vector_load %arg7[%swap3A_260] {strides = array<i32>} : memref<448xf32, #tpu.memory_space<vmem>>, vector<16xf32>,
    tpu.vector_store %arg7[%swap3A_260], %bitcast3A_259 {strides = array<i32>} : memref<448xf32, #tpu.memory_space<vmem>>, vector<16xf32>,
    %get3A_262 = arith.constant 192 : index
    %get3A_263 = tpu.vector_load %arg7[%get3A_262] {strides = array<i32>} : memref<448xf32, #tpu.memory_space<vmem>>, vector<16xf32>,
    %bitcast3A_264 = vector.bitcast %get3A_263 : vector<16xf32> to vector<16xi32>
    %add3A_265 = arith.constant 32767 : i32
    %add3A_266 = vector.broadcast %add3A_265 : i32 to vector<16xi32>
    %add3A_267 = arith.addi %bitcast3A_264, %add3A_266 : vector<16xi32>
    %shift_right_arithmetic3A_268 = arith.constant 16 : i32
    %shift_right_arithmetic3A_269 = vector.broadcast %shift_right_arithmetic3A_268 : i32 to vector<16xi32>
    %shift_right_arithmetic3A_270 = arith.shrsi %bitcast3A_264, %shift_right_arithmetic3A_269 : vector<16xi32>
    %and3A_271 = arith.constant 1 : i32
    %and3A_272 = vector.broadcast %and3A_271 : i32 to vector<16xi32>
    %and3A_273 = arith.andi %shift_right_arithmetic3A_270, %and3A_272 : vector<16xi32>
    %add3A_274 = arith.addi %add3A_267, %and3A_273 : vector<16xi32>
    %and3A_275 = arith.constant -65536 : i32
    %and3A_276 = vector.broadcast %and3A_275 : i32 to vector<16xi32>
    %and3A_277 = arith.andi %add3A_274, %and3A_276 : vector<16xi32>
    %bitcast3A_278 = vector.bitcast %and3A_277 : vector<16xi32> to vector<16xf32>
    %swap3A_279 = arith.constant 192 : index
    %swap3A_280 = tpu.vector_load %arg7[%swap3A_279] {strides = array<i32>} : memref<448xf32, #tpu.memory_space<vmem>>, vector<16xf32>,
    tpu.vector_store %arg7[%swap3A_279], %bitcast3A_278 {strides = array<i32>} : memref<448xf32, #tpu.memory_space<vmem>>, vector<16xf32>,
    %get3A_281 = arith.constant 208 : index
    %get3A_282 = tpu.vector_load %arg7[%get3A_281] {strides = array<i32>} : memref<448xf32, #tpu.memory_space<vmem>>, vector<16xf32>,
    %bitcast3A_283 = vector.bitcast %get3A_282 : vector<16xf32> to vector<16xi32>
    %add3A_284 = arith.constant 32767 : i32
    %add3A_285 = vector.broadcast %add3A_284 : i32 to vector<16xi32>
    %add3A_286 = arith.addi %bitcast3A_283, %add3A_285 : vector<16xi32>
    %shift_right_arithmetic3A_287 = arith.constant 16 : i32
    %shift_right_arithmetic3A_288 = vector.broadcast %shift_right_arithmetic3A_287 : i32 to vector<16xi32>
    %shift_right_arithmetic3A_289 = arith.shrsi %bitcast3A_283, %shift_right_arithmetic3A_288 : vector<16xi32>
    %and3A_290 = arith.constant 1 : i32
    %and3A_291 = vector.broadcast %and3A_290 : i32 to vector<16xi32>
    %and3A_292 = arith.andi %shift_right_arithmetic3A_289, %and3A_291 : vector<16xi32>
    %add3A_293 = arith.addi %add3A_286, %and3A_292 : vector<16xi32>
    %and3A_294 = arith.constant -65536 : i32
    %and3A_295 = vector.broadcast %and3A_294 : i32 to vector<16xi32>
    %and3A_296 = arith.andi %add3A_293, %and3A_295 : vector<16xi32>
    %bitcast3A_297 = vector.bitcast %and3A_296 : vector<16xi32> to vector<16xf32>
    %swap3A_298 = arith.constant 208 : index
    %swap3A_299 = tpu.vector_load %arg7[%swap3A_298] {strides = array<i32>} : memref<448xf32, #tpu.memory_space<vmem>>, vector<16xf32>,
    tpu.vector_store %arg7[%swap3A_298], %bitcast3A_297 {strides = array<i32>} : memref<448xf32, #tpu.memory_space<vmem>>, vector<16xf32>,
    %get3A_300 = arith.constant 224 : index
    %get3A_301 = tpu.vector_load %arg7[%get3A_300] {strides = array<i32>} : memref<448xf32, #tpu.memory_space<vmem>>, vector<16xf32>,
    %bitcast3A_302 = vector.bitcast %get3A_301 : vector<16xf32> to vector<16xi32>
    %add3A_303 = arith.constant 32767 : i32
    %add3A_304 = vector.broadcast %add3A_303 : i32 to vector<16xi32>
    %add3A_305 = arith.addi %bitcast3A_302, %add3A_304 : vector<16xi32>
    %shift_right_arithmetic3A_306 = arith.constant 16 : i32
    %shift_right_arithmetic3A_307 = vector.broadcast %shift_right_arithmetic3A_306 : i32 to vector<16xi32>
    %shift_right_arithmetic3A_308 = arith.shrsi %bitcast3A_302, %shift_right_arithmetic3A_307 : vector<16xi32>
    %and3A_309 = arith.constant 1 : i32
    %and3A_310 = vector.broadcast %and3A_309 : i32 to vector<16xi32>
    %and3A_311 = arith.andi %shift_right_arithmetic3A_308, %and3A_310 : vector<16xi32>
    %add3A_312 = arith.addi %add3A_305, %and3A_311 : vector<16xi32>
    %and3A_313 = arith.constant -65536 : i32
    %and3A_314 = vector.broadcast %and3A_313 : i32 to vector<16xi32>
    %and3A_315 = arith.andi %add3A_312, %and3A_314 : vector<16xi32>
    %bitcast3A_316 = vector.bitcast %and3A_315 : vector<16xi32> to vector<16xf32>
    %swap3A_317 = arith.constant 224 : index
    %swap3A_318 = tpu.vector_load %arg7[%swap3A_317] {strides = array<i32>} : memref<448xf32, #tpu.memory_space<vmem>>, vector<16xf32>,
    tpu.vector_store %arg7[%swap3A_317], %bitcast3A_316 {strides = array<i32>} : memref<448xf32, #tpu.memory_space<vmem>>, vector<16xf32>,
    %get3A_319 = arith.constant 240 : index
    %get3A_320 = tpu.vector_load %arg7[%get3A_319] {strides = array<i32>} : memref<448xf32, #tpu.memory_space<vmem>>, vector<16xf32>,
    %bitcast3A_321 = vector.bitcast %get3A_320 : vector<16xf32> to vector<16xi32>
    %add3A_322 = arith.constant 32767 : i32
    %add3A_323 = vector.broadcast %add3A_322 : i32 to vector<16xi32>
    %add3A_324 = arith.addi %bitcast3A_321, %add3A_323 : vector<16xi32>
    %shift_right_arithmetic3A_325 = arith.constant 16 : i32
    %shift_right_arithmetic3A_326 = vector.broadcast %shift_right_arithmetic3A_325 : i32 to vector<16xi32>
    %shift_right_arithmetic3A_327 = arith.shrsi %bitcast3A_321, %shift_right_arithmetic3A_326 : vector<16xi32>
    %and3A_328 = arith.constant 1 : i32
    %and3A_329 = vector.broadcast %and3A_328 : i32 to vector<16xi32>
    %and3A_330 = arith.andi %shift_right_arithmetic3A_327, %and3A_329 : vector<16xi32>
    %add3A_331 = arith.addi %add3A_324, %and3A_330 : vector<16xi32>
    %and3A_332 = arith.constant -65536 : i32
    %and3A_333 = vector.broadcast %and3A_332 : i32 to vector<16xi32>
    %and3A_334 = arith.andi %add3A_331, %and3A_333 : vector<16xi32>
    %bitcast3A_335 = vector.bitcast %and3A_334 : vector<16xi32> to vector<16xf32>
    %swap3A_336 = arith.constant 240 : index
    %swap3A_337 = tpu.vector_load %arg7[%swap3A_336] {strides = array<i32>} : memref<448xf32, #tpu.memory_space<vmem>>, vector<16xf32>,
    tpu.vector_store %arg7[%swap3A_336], %bitcast3A_335 {strides = array<i32>} : memref<448xf32, #tpu.memory_space<vmem>>, vector<16xf32>,
    %get3A_338 = arith.constant 256 : index
    %get3A_339 = tpu.vector_load %arg7[%get3A_338] {strides = array<i32>} : memref<448xf32, #tpu.memory_space<vmem>>, vector<16xf32>,
    %bitcast3A_340 = vector.bitcast %get3A_339 : vector<16xf32> to vector<16xi32>
    %add3A_341 = arith.constant 32767 : i32
    %add3A_342 = vector.broadcast %add3A_341 : i32 to vector<16xi32>
    %add3A_343 = arith.addi %bitcast3A_340, %add3A_342 : vector<16xi32>
    %shift_right_arithmetic3A_344 = arith.constant 16 : i32
    %shift_right_arithmetic3A_345 = vector.broadcast %shift_right_arithmetic3A_344 : i32 to vector<16xi32>
    %shift_right_arithmetic3A_346 = arith.shrsi %bitcast3A_340, %shift_right_arithmetic3A_345 : vector<16xi32>
    %and3A_347 = arith.constant 1 : i32
    %and3A_348 = vector.broadcast %and3A_347 : i32 to vector<16xi32>
    %and3A_349 = arith.andi %shift_right_arithmetic3A_346, %and3A_348 : vector<16xi32>
    %add3A_350 = arith.addi %add3A_343, %and3A_349 : vector<16xi32>
    %and3A_351 = arith.constant -65536 : i32
    %and3A_352 = vector.broadcast %and3A_351 : i32 to vector<16xi32>
    %and3A_353 = arith.andi %add3A_350, %and3A_352 : vector<16xi32>
    %bitcast3A_354 = vector.bitcast %and3A_353 : vector<16xi32> to vector<16xf32>
    %swap3A_355 = arith.constant 256 : index
    %swap3A_356 = tpu.vector_load %arg7[%swap3A_355] {strides = array<i32>} : memref<448xf32, #tpu.memory_space<vmem>>, vector<16xf32>,
    tpu.vector_store %arg7[%swap3A_355], %bitcast3A_354 {strides = array<i32>} : memref<448xf32, #tpu.memory_space<vmem>>, vector<16xf32>,
    %get3A_357 = arith.constant 272 : index
    %get3A_358 = tpu.vector_load %arg7[%get3A_357] {strides = array<i32>} : memref<448xf32, #tpu.memory_space<vmem>>, vector<16xf32>,
    %bitcast3A_359 = vector.bitcast %get3A_358 : vector<16xf32> to vector<16xi32>
    %add3A_360 = arith.constant 32767 : i32
    %add3A_361 = vector.broadcast %add3A_360 : i32 to vector<16xi32>
    %add3A_362 = arith.addi %bitcast3A_359, %add3A_361 : vector<16xi32>
    %shift_right_arithmetic3A_363 = arith.constant 16 : i32
    %shift_right_arithmetic3A_364 = vector.broadcast %shift_right_arithmetic3A_363 : i32 to vector<16xi32>
    %shift_right_arithmetic3A_365 = arith.shrsi %bitcast3A_359, %shift_right_arithmetic3A_364 : vector<16xi32>
    %and3A_366 = arith.constant 1 : i32
    %and3A_367 = vector.broadcast %and3A_366 : i32 to vector<16xi32>
    %and3A_368 = arith.andi %shift_right_arithmetic3A_365, %and3A_367 : vector<16xi32>
    %add3A_369 = arith.addi %add3A_362, %and3A_368 : vector<16xi32>
    %and3A_370 = arith.constant -65536 : i32
    %and3A_371 = vector.broadcast %and3A_370 : i32 to vector<16xi32>
    %and3A_372 = arith.andi %add3A_369, %and3A_371 : vector<16xi32>
    %bitcast3A_373 = vector.bitcast %and3A_372 : vector<16xi32> to vector<16xf32>
    %swap3A_374 = arith.constant 272 : index
    %swap3A_375 = tpu.vector_load %arg7[%swap3A_374] {strides = array<i32>} : memref<448xf32, #tpu.memory_space<vmem>>, vector<16xf32>,
    tpu.vector_store %arg7[%swap3A_374], %bitcast3A_373 {strides = array<i32>} : memref<448xf32, #tpu.memory_space<vmem>>, vector<16xf32>,
    %get3A_376 = arith.constant 288 : index
    %get3A_377 = tpu.vector_load %arg7[%get3A_376] {strides = array<i32>} : memref<448xf32, #tpu.memory_space<vmem>>, vector<16xf32>,
    %bitcast3A_378 = vector.bitcast %get3A_377 : vector<16xf32> to vector<16xi32>
    %add3A_379 = arith.constant 32767 : i32
    %add3A_380 = vector.broadcast %add3A_379 : i32 to vector<16xi32>
    %add3A_381 = arith.addi %bitcast3A_378, %add3A_380 : vector<16xi32>
    %shift_right_arithmetic3A_382 = arith.constant 16 : i32
    %shift_right_arithmetic3A_383 = vector.broadcast %shift_right_arithmetic3A_382 : i32 to vector<16xi32>
    %shift_right_arithmetic3A_384 = arith.shrsi %bitcast3A_378, %shift_right_arithmetic3A_383 : vector<16xi32>
    %and3A_385 = arith.constant 1 : i32
    %and3A_386 = vector.broadcast %and3A_385 : i32 to vector<16xi32>
    %and3A_387 = arith.andi %shift_right_arithmetic3A_384, %and3A_386 : vector<16xi32>
    %add3A_388 = arith.addi %add3A_381, %and3A_387 : vector<16xi32>
    %and3A_389 = arith.constant -65536 : i32
    %and3A_390 = vector.broadcast %and3A_389 : i32 to vector<16xi32>
    %and3A_391 = arith.andi %add3A_388, %and3A_390 : vector<16xi32>
    %bitcast3A_392 = vector.bitcast %and3A_391 : vector<16xi32> to vector<16xf32>
    %swap3A_393 = arith.constant 288 : index
    %swap3A_394 = tpu.vector_load %arg7[%swap3A_393] {strides = array<i32>} : memref<448xf32, #tpu.memory_space<vmem>>, vector<16xf32>,
    tpu.vector_store %arg7[%swap3A_393], %bitcast3A_392 {strides = array<i32>} : memref<448xf32, #tpu.memory_space<vmem>>, vector<16xf32>,
    %get3A_395 = arith.constant 304 : index
    %get3A_396 = tpu.vector_load %arg7[%get3A_395] {strides = array<i32>} : memref<448xf32, #tpu.memory_space<vmem>>, vector<16xf32>,
    %bitcast3A_397 = vector.bitcast %get3A_396 : vector<16xf32> to vector<16xi32>
    %add3A_398 = arith.constant 32767 : i32
    %add3A_399 = vector.broadcast %add3A_398 : i32 to vector<16xi32>
    %add3A_400 = arith.addi %bitcast3A_397, %add3A_399 : vector<16xi32>
    %shift_right_arithmetic3A_401 = arith.constant 16 : i32
    %shift_right_arithmetic3A_402 = vector.broadcast %shift_right_arithmetic3A_401 : i32 to vector<16xi32>
    %shift_right_arithmetic3A_403 = arith.shrsi %bitcast3A_397, %shift_right_arithmetic3A_402 : vector<16xi32>
    %and3A_404 = arith.constant 1 : i32
    %and3A_405 = vector.broadcast %and3A_404 : i32 to vector<16xi32>
    %and3A_406 = arith.andi %shift_right_arithmetic3A_403, %and3A_405 : vector<16xi32>
    %add3A_407 = arith.addi %add3A_400, %and3A_406 : vector<16xi32>
    %and3A_408 = arith.constant -65536 : i32
    %and3A_409 = vector.broadcast %and3A_408 : i32 to vector<16xi32>
    %and3A_410 = arith.andi %add3A_407, %and3A_409 : vector<16xi32>
    %bitcast3A_411 = vector.bitcast %and3A_410 : vector<16xi32> to vector<16xf32>
    %swap3A_412 = arith.constant 304 : index
    %swap3A_413 = tpu.vector_load %arg7[%swap3A_412] {strides = array<i32>} : memref<448xf32, #tpu.memory_space<vmem>>, vector<16xf32>,
    tpu.vector_store %arg7[%swap3A_412], %bitcast3A_411 {strides = array<i32>} : memref<448xf32, #tpu.memory_space<vmem>>, vector<16xf32>,
    %get3A_414 = arith.constant 320 : index
    %get3A_415 = tpu.vector_load %arg7[%get3A_414] {strides = array<i32>} : memref<448xf32, #tpu.memory_space<vmem>>, vector<16xf32>,
    %bitcast3A_416 = vector.bitcast %get3A_415 : vector<16xf32> to vector<16xi32>
    %add3A_417 = arith.constant 32767 : i32
    %add3A_418 = vector.broadcast %add3A_417 : i32 to vector<16xi32>
    %add3A_419 = arith.addi %bitcast3A_416, %add3A_418 : vector<16xi32>
    %shift_right_arithmetic3A_420 = arith.constant 16 : i32
    %shift_right_arithmetic3A_421 = vector.broadcast %shift_right_arithmetic3A_420 : i32 to vector<16xi32>
    %shift_right_arithmetic3A_422 = arith.shrsi %bitcast3A_416, %shift_right_arithmetic3A_421 : vector<16xi32>
    %and3A_423 = arith.constant 1 : i32
    %and3A_424 = vector.broadcast %and3A_423 : i32 to vector<16xi32>
    %and3A_425 = arith.andi %shift_right_arithmetic3A_422, %and3A_424 : vector<16xi32>
    %add3A_426 = arith.addi %add3A_419, %and3A_425 : vector<16xi32>
    %and3A_427 = arith.constant -65536 : i32
    %and3A_428 = vector.broadcast %and3A_427 : i32 to vector<16xi32>
    %and3A_429 = arith.andi %add3A_426, %and3A_428 : vector<16xi32>
    %bitcast3A_430 = vector.bitcast %and3A_429 : vector<16xi32> to vector<16xf32>
    %swap3A_431 = arith.constant 320 : index
    %swap3A_432 = tpu.vector_load %arg7[%swap3A_431] {strides = array<i32>} : memref<448xf32, #tpu.memory_space<vmem>>, vector<16xf32>,
    tpu.vector_store %arg7[%swap3A_431], %bitcast3A_430 {strides = array<i32>} : memref<448xf32, #tpu.memory_space<vmem>>, vector<16xf32>,
    %get3A_433 = arith.constant 336 : index
    %get3A_434 = tpu.vector_load %arg7[%get3A_433] {strides = array<i32>} : memref<448xf32, #tpu.memory_space<vmem>>, vector<16xf32>,
    %bitcast3A_435 = vector.bitcast %get3A_434 : vector<16xf32> to vector<16xi32>
    %add3A_436 = arith.constant 32767 : i32
    %add3A_437 = vector.broadcast %add3A_436 : i32 to vector<16xi32>
    %add3A_438 = arith.addi %bitcast3A_435, %add3A_437 : vector<16xi32>
    %shift_right_arithmetic3A_439 = arith.constant 16 : i32
    %shift_right_arithmetic3A_440 = vector.broadcast %shift_right_arithmetic3A_439 : i32 to vector<16xi32>
    %shift_right_arithmetic3A_441 = arith.shrsi %bitcast3A_435, %shift_right_arithmetic3A_440 : vector<16xi32>
    %and3A_442 = arith.constant 1 : i32
    %and3A_443 = vector.broadcast %and3A_442 : i32 to vector<16xi32>
    %and3A_444 = arith.andi %shift_right_arithmetic3A_441, %and3A_443 : vector<16xi32>
    %add3A_445 = arith.addi %add3A_438, %and3A_444 : vector<16xi32>
    %and3A_446 = arith.constant -65536 : i32
    %and3A_447 = vector.broadcast %and3A_446 : i32 to vector<16xi32>
    %and3A_448 = arith.andi %add3A_445, %and3A_447 : vector<16xi32>
    %bitcast3A_449 = vector.bitcast %and3A_448 : vector<16xi32> to vector<16xf32>
    %swap3A_450 = arith.constant 336 : index
    %swap3A_451 = tpu.vector_load %arg7[%swap3A_450] {strides = array<i32>} : memref<448xf32, #tpu.memory_space<vmem>>, vector<16xf32>,
    tpu.vector_store %arg7[%swap3A_450], %bitcast3A_449 {strides = array<i32>} : memref<448xf32, #tpu.memory_space<vmem>>, vector<16xf32>,
    %get3A_452 = arith.constant 352 : index
    %get3A_453 = tpu.vector_load %arg7[%get3A_452] {strides = array<i32>} : memref<448xf32, #tpu.memory_space<vmem>>, vector<16xf32>,
    %bitcast3A_454 = vector.bitcast %get3A_453 : vector<16xf32> to vector<16xi32>
    %add3A_455 = arith.constant 32767 : i32
    %add3A_456 = vector.broadcast %add3A_455 : i32 to vector<16xi32>
    %add3A_457 = arith.addi %bitcast3A_454, %add3A_456 : vector<16xi32>
    %shift_right_arithmetic3A_458 = arith.constant 16 : i32
    %shift_right_arithmetic3A_459 = vector.broadcast %shift_right_arithmetic3A_458 : i32 to vector<16xi32>
    %shift_right_arithmetic3A_460 = arith.shrsi %bitcast3A_454, %shift_right_arithmetic3A_459 : vector<16xi32>
    %and3A_461 = arith.constant 1 : i32
    %and3A_462 = vector.broadcast %and3A_461 : i32 to vector<16xi32>
    %and3A_463 = arith.andi %shift_right_arithmetic3A_460, %and3A_462 : vector<16xi32>
    %add3A_464 = arith.addi %add3A_457, %and3A_463 : vector<16xi32>
    %and3A_465 = arith.constant -65536 : i32
    %and3A_466 = vector.broadcast %and3A_465 : i32 to vector<16xi32>
    %and3A_467 = arith.andi %add3A_464, %and3A_466 : vector<16xi32>
    %bitcast3A_468 = vector.bitcast %and3A_467 : vector<16xi32> to vector<16xf32>
    %swap3A_469 = arith.constant 352 : index
    %swap3A_470 = tpu.vector_load %arg7[%swap3A_469] {strides = array<i32>} : memref<448xf32, #tpu.memory_space<vmem>>, vector<16xf32>,
    tpu.vector_store %arg7[%swap3A_469], %bitcast3A_468 {strides = array<i32>} : memref<448xf32, #tpu.memory_space<vmem>>, vector<16xf32>,
    %get3A_471 = arith.constant 368 : index
    %get3A_472 = tpu.vector_load %arg7[%get3A_471] {strides = array<i32>} : memref<448xf32, #tpu.memory_space<vmem>>, vector<16xf32>,
    %bitcast3A_473 = vector.bitcast %get3A_472 : vector<16xf32> to vector<16xi32>
    %add3A_474 = arith.constant 32767 : i32
    %add3A_475 = vector.broadcast %add3A_474 : i32 to vector<16xi32>
    %add3A_476 = arith.addi %bitcast3A_473, %add3A_475 : vector<16xi32>
    %shift_right_arithmetic3A_477 = arith.constant 16 : i32
    %shift_right_arithmetic3A_478 = vector.broadcast %shift_right_arithmetic3A_477 : i32 to vector<16xi32>
    %shift_right_arithmetic3A_479 = arith.shrsi %bitcast3A_473, %shift_right_arithmetic3A_478 : vector<16xi32>
    %and3A_480 = arith.constant 1 : i32
    %and3A_481 = vector.broadcast %and3A_480 : i32 to vector<16xi32>
    %and3A_482 = arith.andi %shift_right_arithmetic3A_479, %and3A_481 : vector<16xi32>
    %add3A_483 = arith.addi %add3A_476, %and3A_482 : vector<16xi32>
    %and3A_484 = arith.constant -65536 : i32
    %and3A_485 = vector.broadcast %and3A_484 : i32 to vector<16xi32>
    %and3A_486 = arith.andi %add3A_483, %and3A_485 : vector<16xi32>
    %bitcast3A_487 = vector.bitcast %and3A_486 : vector<16xi32> to vector<16xf32>
    %swap3A_488 = arith.constant 368 : index
    %swap3A_489 = tpu.vector_load %arg7[%swap3A_488] {strides = array<i32>} : memref<448xf32, #tpu.memory_space<vmem>>, vector<16xf32>,
    tpu.vector_store %arg7[%swap3A_488], %bitcast3A_487 {strides = array<i32>} : memref<448xf32, #tpu.memory_space<vmem>>, vector<16xf32>,
    %get3A_490 = arith.constant 384 : index
    %get3A_491 = tpu.vector_load %arg7[%get3A_490] {strides = array<i32>} : memref<448xf32, #tpu.memory_space<vmem>>, vector<16xf32>,
    %bitcast3A_492 = vector.bitcast %get3A_491 : vector<16xf32> to vector<16xi32>
    %add3A_493 = arith.constant 32767 : i32
    %add3A_494 = vector.broadcast %add3A_493 : i32 to vector<16xi32>
    %add3A_495 = arith.addi %bitcast3A_492, %add3A_494 : vector<16xi32>
    %shift_right_arithmetic3A_496 = arith.constant 16 : i32
    %shift_right_arithmetic3A_497 = vector.broadcast %shift_right_arithmetic3A_496 : i32 to vector<16xi32>
    %shift_right_arithmetic3A_498 = arith.shrsi %bitcast3A_492, %shift_right_arithmetic3A_497 : vector<16xi32>
    %and3A_499 = arith.constant 1 : i32
    %and3A_500 = vector.broadcast %and3A_499 : i32 to vector<16xi32>
    %and3A_501 = arith.andi %shift_right_arithmetic3A_498, %and3A_500 : vector<16xi32>
    %add3A_502 = arith.addi %add3A_495, %and3A_501 : vector<16xi32>
    %and3A_503 = arith.constant -65536 : i32
    %and3A_504 = vector.broadcast %and3A_503 : i32 to vector<16xi32>
    %and3A_505 = arith.andi %add3A_502, %and3A_504 : vector<16xi32>
    %bitcast3A_506 = vector.bitcast %and3A_505 : vector<16xi32> to vector<16xf32>
    %swap3A_507 = arith.constant 384 : index
    %swap3A_508 = tpu.vector_load %arg7[%swap3A_507] {strides = array<i32>} : memref<448xf32, #tpu.memory_space<vmem>>, vector<16xf32>,
    tpu.vector_store %arg7[%swap3A_507], %bitcast3A_506 {strides = array<i32>} : memref<448xf32, #tpu.memory_space<vmem>>, vector<16xf32>,
    %get3A_509 = arith.constant 400 : index
    %get3A_510 = tpu.vector_load %arg7[%get3A_509] {strides = array<i32>} : memref<448xf32, #tpu.memory_space<vmem>>, vector<16xf32>,
    %bitcast3A_511 = vector.bitcast %get3A_510 : vector<16xf32> to vector<16xi32>
    %add3A_512 = arith.constant 32767 : i32
    %add3A_513 = vector.broadcast %add3A_512 : i32 to vector<16xi32>
    %add3A_514 = arith.addi %bitcast3A_511, %add3A_513 : vector<16xi32>
    %shift_right_arithmetic3A_515 = arith.constant 16 : i32
    %shift_right_arithmetic3A_516 = vector.broadcast %shift_right_arithmetic3A_515 : i32 to vector<16xi32>
    %shift_right_arithmetic3A_517 = arith.shrsi %bitcast3A_511, %shift_right_arithmetic3A_516 : vector<16xi32>
    %and3A_518 = arith.constant 1 : i32
    %and3A_519 = vector.broadcast %and3A_518 : i32 to vector<16xi32>
    %and3A_520 = arith.andi %shift_right_arithmetic3A_517, %and3A_519 : vector<16xi32>
    %add3A_521 = arith.addi %add3A_514, %and3A_520 : vector<16xi32>
    %and3A_522 = arith.constant -65536 : i32
    %and3A_523 = vector.broadcast %and3A_522 : i32 to vector<16xi32>
    %and3A_524 = arith.andi %add3A_521, %and3A_523 : vector<16xi32>
    %bitcast3A_525 = vector.bitcast %and3A_524 : vector<16xi32> to vector<16xf32>
    %swap3A_526 = arith.constant 400 : index
    %swap3A_527 = tpu.vector_load %arg7[%swap3A_526] {strides = array<i32>} : memref<448xf32, #tpu.memory_space<vmem>>, vector<16xf32>,
    tpu.vector_store %arg7[%swap3A_526], %bitcast3A_525 {strides = array<i32>} : memref<448xf32, #tpu.memory_space<vmem>>, vector<16xf32>,
    %get3A_528 = arith.constant 416 : index
    %get3A_529 = tpu.vector_load %arg7[%get3A_528] {strides = array<i32>} : memref<448xf32, #tpu.memory_space<vmem>>, vector<16xf32>,
    %bitcast3A_530 = vector.bitcast %get3A_529 : vector<16xf32> to vector<16xi32>
    %add3A_531 = arith.constant 32767 : i32
    %add3A_532 = vector.broadcast %add3A_531 : i32 to vector<16xi32>
    %add3A_533 = arith.addi %bitcast3A_530, %add3A_532 : vector<16xi32>
    %shift_right_arithmetic3A_534 = arith.constant 16 : i32
    %shift_right_arithmetic3A_535 = vector.broadcast %shift_right_arithmetic3A_534 : i32 to vector<16xi32>
    %shift_right_arithmetic3A_536 = arith.shrsi %bitcast3A_530, %shift_right_arithmetic3A_535 : vector<16xi32>
    %and3A_537 = arith.constant 1 : i32
    %and3A_538 = vector.broadcast %and3A_537 : i32 to vector<16xi32>
    %and3A_539 = arith.andi %shift_right_arithmetic3A_536, %and3A_538 : vector<16xi32>
    %add3A_540 = arith.addi %add3A_533, %and3A_539 : vector<16xi32>
    %and3A_541 = arith.constant -65536 : i32
    %and3A_542 = vector.broadcast %and3A_541 : i32 to vector<16xi32>
    %and3A_543 = arith.andi %add3A_540, %and3A_542 : vector<16xi32>
    %bitcast3A_544 = vector.bitcast %and3A_543 : vector<16xi32> to vector<16xf32>
    %swap3A_545 = arith.constant 416 : index
    %swap3A_546 = tpu.vector_load %arg7[%swap3A_545] {strides = array<i32>} : memref<448xf32, #tpu.memory_space<vmem>>, vector<16xf32>,
    tpu.vector_store %arg7[%swap3A_545], %bitcast3A_544 {strides = array<i32>} : memref<448xf32, #tpu.memory_space<vmem>>, vector<16xf32>,
    %get3A_547 = arith.constant 432 : index
    %get3A_548 = tpu.vector_load %arg7[%get3A_547] {strides = array<i32>} : memref<448xf32, #tpu.memory_space<vmem>>, vector<16xf32>,
    %bitcast3A_549 = vector.bitcast %get3A_548 : vector<16xf32> to vector<16xi32>
    %add3A_550 = arith.constant 32767 : i32
    %add3A_551 = vector.broadcast %add3A_550 : i32 to vector<16xi32>
    %add3A_552 = arith.addi %bitcast3A_549, %add3A_551 : vector<16xi32>
    %shift_right_arithmetic3A_553 = arith.constant 16 : i32
    %shift_right_arithmetic3A_554 = vector.broadcast %shift_right_arithmetic3A_553 : i32 to vector<16xi32>
    %shift_right_arithmetic3A_555 = arith.shrsi %bitcast3A_549, %shift_right_arithmetic3A_554 : vector<16xi32>
    %and3A_556 = arith.constant 1 : i32
    %and3A_557 = vector.broadcast %and3A_556 : i32 to vector<16xi32>
    %and3A_558 = arith.andi %shift_right_arithmetic3A_555, %and3A_557 : vector<16xi32>
    %add3A_559 = arith.addi %add3A_552, %and3A_558 : vector<16xi32>
    %and3A_560 = arith.constant -65536 : i32
    %and3A_561 = vector.broadcast %and3A_560 : i32 to vector<16xi32>
    %and3A_562 = arith.andi %add3A_559, %and3A_561 : vector<16xi32>
    %bitcast3A_563 = vector.bitcast %and3A_562 : vector<16xi32> to vector<16xf32>
    %swap3A_564 = arith.constant 432 : index
    %swap3A_565 = tpu.vector_load %arg7[%swap3A_564] {strides = array<i32>} : memref<448xf32, #tpu.memory_space<vmem>>, vector<16xf32>,
    tpu.vector_store %arg7[%swap3A_564], %bitcast3A_563 {strides = array<i32>} : memref<448xf32, #tpu.memory_space<vmem>>, vector<16xf32>,
    %scan3A = arith.constant 0 : i32
    %scan3A_566 = arith.constant 0 : i32
    %scan3A_567 = arith.constant 16 : i32
    %scan3A_568 = arith.addi %scan3A_566, %scan3A_567 : i32
    %scan3A_569 = arith.constant 1 : i32
    %scan3A_570 = scf.for %scan3A_760 = %scan3A_566 to %scan3A_568 step %scan3A_569 iter_args(%scan3A_761 = %scan3A) -> (i32)  : i32 {
      %broadcast_in_dim3A_762 = arith.constant 0.000000e+00 : f32
      %broadcast_in_dim3A_763 = vector.broadcast %broadcast_in_dim3A_762 : f32 to vector<16xf32>
      %swap3A_764 = arith.index_cast %scan3A_760 : i32 to index
      %swap3A_765 = arith.constant 0 : index
      %swap3A_766 = tpu.vector_load %arg16[%swap3A_764, %swap3A_765] {strides = array<i32>} : memref<16x384xf32, #tpu.memory_space<vmem>>, vector<16xf32>,
      tpu.vector_store %arg16[%swap3A_764, %swap3A_765], %broadcast_in_dim3A_763 {strides = array<i32>} : memref<16x384xf32, #tpu.memory_space<vmem>>, vector<16xf32>,
      %broadcast_in_dim3A_767 = arith.constant 0.000000e+00 : f32
      %broadcast_in_dim3A_768 = vector.broadcast %broadcast_in_dim3A_767 : f32 to vector<16xf32>
      %swap3A_769 = arith.index_cast %scan3A_760 : i32 to index
      %swap3A_770 = arith.constant 16 : index
      %swap3A_771 = tpu.vector_load %arg16[%swap3A_769, %swap3A_770] {strides = array<i32>} : memref<16x384xf32, #tpu.memory_space<vmem>>, vector<16xf32>,
      tpu.vector_store %arg16[%swap3A_769, %swap3A_770], %broadcast_in_dim3A_768 {strides = array<i32>} : memref<16x384xf32, #tpu.memory_space<vmem>>, vector<16xf32>,
      %broadcast_in_dim3A_772 = arith.constant 0.000000e+00 : f32
      %broadcast_in_dim3A_773 = vector.broadcast %broadcast_in_dim3A_772 : f32 to vector<16xf32>
      %swap3A_774 = arith.index_cast %scan3A_760 : i32 to index
      %swap3A_775 = arith.constant 32 : index
      %swap3A_776 = tpu.vector_load %arg16[%swap3A_774, %swap3A_775] {strides = array<i32>} : memref<16x384xf32, #tpu.memory_space<vmem>>, vector<16xf32>,
      tpu.vector_store %arg16[%swap3A_774, %swap3A_775], %broadcast_in_dim3A_773 {strides = array<i32>} : memref<16x384xf32, #tpu.memory_space<vmem>>, vector<16xf32>,
      %broadcast_in_dim3A_777 = arith.constant 0.000000e+00 : f32
      %broadcast_in_dim3A_778 = vector.broadcast %broadcast_in_dim3A_777 : f32 to vector<16xf32>
      %swap3A_779 = arith.index_cast %scan3A_760 : i32 to index
      %swap3A_780 = arith.constant 48 : index
      %swap3A_781 = tpu.vector_load %arg16[%swap3A_779, %swap3A_780] {strides = array<i32>} : memref<16x384xf32, #tpu.memory_space<vmem>>, vector<16xf32>,
      tpu.vector_store %arg16[%swap3A_779, %swap3A_780], %broadcast_in_dim3A_778 {strides = array<i32>} : memref<16x384xf32, #tpu.memory_space<vmem>>, vector<16xf32>,
      %broadcast_in_dim3A_782 = arith.constant 0.000000e+00 : f32
      %broadcast_in_dim3A_783 = vector.broadcast %broadcast_in_dim3A_782 : f32 to vector<16xf32>
      %swap3A_784 = arith.index_cast %scan3A_760 : i32 to index
      %swap3A_785 = arith.constant 64 : index
      %swap3A_786 = tpu.vector_load %arg16[%swap3A_784, %swap3A_785] {strides = array<i32>} : memref<16x384xf32, #tpu.memory_space<vmem>>, vector<16xf32>,
      tpu.vector_store %arg16[%swap3A_784, %swap3A_785], %broadcast_in_dim3A_783 {strides = array<i32>} : memref<16x384xf32, #tpu.memory_space<vmem>>, vector<16xf32>,
      %broadcast_in_dim3A_787 = arith.constant 0.000000e+00 : f32
      %broadcast_in_dim3A_788 = vector.broadcast %broadcast_in_dim3A_787 : f32 to vector<16xf32>
      %swap3A_789 = arith.index_cast %scan3A_760 : i32 to index
      %swap3A_790 = arith.constant 80 : index
      %swap3A_791 = tpu.vector_load %arg16[%swap3A_789, %swap3A_790] {strides = array<i32>} : memref<16x384xf32, #tpu.memory_space<vmem>>, vector<16xf32>,
      tpu.vector_store %arg16[%swap3A_789, %swap3A_790], %broadcast_in_dim3A_788 {strides = array<i32>} : memref<16x384xf32, #tpu.memory_space<vmem>>, vector<16xf32>,
      %broadcast_in_dim3A_792 = arith.constant 0.000000e+00 : f32
      %broadcast_in_dim3A_793 = vector.broadcast %broadcast_in_dim3A_792 : f32 to vector<16xf32>
      %swap3A_794 = arith.index_cast %scan3A_760 : i32 to index
      %swap3A_795 = arith.constant 96 : index
      %swap3A_796 = tpu.vector_load %arg16[%swap3A_794, %swap3A_795] {strides = array<i32>} : memref<16x384xf32, #tpu.memory_space<vmem>>, vector<16xf32>,
      tpu.vector_store %arg16[%swap3A_794, %swap3A_795], %broadcast_in_dim3A_793 {strides = array<i32>} : memref<16x384xf32, #tpu.memory_space<vmem>>, vector<16xf32>,
      %broadcast_in_dim3A_797 = arith.constant 0.000000e+00 : f32
      %broadcast_in_dim3A_798 = vector.broadcast %broadcast_in_dim3A_797 : f32 to vector<16xf32>
      %swap3A_799 = arith.index_cast %scan3A_760 : i32 to index
      %swap3A_800 = arith.constant 112 : index
      %swap3A_801 = tpu.vector_load %arg16[%swap3A_799, %swap3A_800] {strides = array<i32>} : memref<16x384xf32, #tpu.memory_space<vmem>>, vector<16xf32>,
      tpu.vector_store %arg16[%swap3A_799, %swap3A_800], %broadcast_in_dim3A_798 {strides = array<i32>} : memref<16x384xf32, #tpu.memory_space<vmem>>, vector<16xf32>,
      %broadcast_in_dim3A_802 = arith.constant 0.000000e+00 : f32
      %broadcast_in_dim3A_803 = vector.broadcast %broadcast_in_dim3A_802 : f32 to vector<16xf32>
      %swap3A_804 = arith.index_cast %scan3A_760 : i32 to index
      %swap3A_805 = arith.constant 128 : index
      %swap3A_806 = tpu.vector_load %arg16[%swap3A_804, %swap3A_805] {strides = array<i32>} : memref<16x384xf32, #tpu.memory_space<vmem>>, vector<16xf32>,
      tpu.vector_store %arg16[%swap3A_804, %swap3A_805], %broadcast_in_dim3A_803 {strides = array<i32>} : memref<16x384xf32, #tpu.memory_space<vmem>>, vector<16xf32>,
      %broadcast_in_dim3A_807 = arith.constant 0.000000e+00 : f32
      %broadcast_in_dim3A_808 = vector.broadcast %broadcast_in_dim3A_807 : f32 to vector<16xf32>
      %swap3A_809 = arith.index_cast %scan3A_760 : i32 to index
      %swap3A_810 = arith.constant 144 : index
      %swap3A_811 = tpu.vector_load %arg16[%swap3A_809, %swap3A_810] {strides = array<i32>} : memref<16x384xf32, #tpu.memory_space<vmem>>, vector<16xf32>,
      tpu.vector_store %arg16[%swap3A_809, %swap3A_810], %broadcast_in_dim3A_808 {strides = array<i32>} : memref<16x384xf32, #tpu.memory_space<vmem>>, vector<16xf32>,
      %broadcast_in_dim3A_812 = arith.constant 0.000000e+00 : f32
      %broadcast_in_dim3A_813 = vector.broadcast %broadcast_in_dim3A_812 : f32 to vector<16xf32>
      %swap3A_814 = arith.index_cast %scan3A_760 : i32 to index
      %swap3A_815 = arith.constant 160 : index
      %swap3A_816 = tpu.vector_load %arg16[%swap3A_814, %swap3A_815] {strides = array<i32>} : memref<16x384xf32, #tpu.memory_space<vmem>>, vector<16xf32>,
      tpu.vector_store %arg16[%swap3A_814, %swap3A_815], %broadcast_in_dim3A_813 {strides = array<i32>} : memref<16x384xf32, #tpu.memory_space<vmem>>, vector<16xf32>,
      %broadcast_in_dim3A_817 = arith.constant 0.000000e+00 : f32
      %broadcast_in_dim3A_818 = vector.broadcast %broadcast_in_dim3A_817 : f32 to vector<16xf32>
      %swap3A_819 = arith.index_cast %scan3A_760 : i32 to index
      %swap3A_820 = arith.constant 176 : index
      %swap3A_821 = tpu.vector_load %arg16[%swap3A_819, %swap3A_820] {strides = array<i32>} : memref<16x384xf32, #tpu.memory_space<vmem>>, vector<16xf32>,
      tpu.vector_store %arg16[%swap3A_819, %swap3A_820], %broadcast_in_dim3A_818 {strides = array<i32>} : memref<16x384xf32, #tpu.memory_space<vmem>>, vector<16xf32>,
      %broadcast_in_dim3A_822 = arith.constant 0.000000e+00 : f32
      %broadcast_in_dim3A_823 = vector.broadcast %broadcast_in_dim3A_822 : f32 to vector<16xf32>
      %swap3A_824 = arith.index_cast %scan3A_760 : i32 to index
      %swap3A_825 = arith.constant 192 : index
      %swap3A_826 = tpu.vector_load %arg16[%swap3A_824, %swap3A_825] {strides = array<i32>} : memref<16x384xf32, #tpu.memory_space<vmem>>, vector<16xf32>,
      tpu.vector_store %arg16[%swap3A_824, %swap3A_825], %broadcast_in_dim3A_823 {strides = array<i32>} : memref<16x384xf32, #tpu.memory_space<vmem>>, vector<16xf32>,
      %broadcast_in_dim3A_827 = arith.constant 0.000000e+00 : f32
      %broadcast_in_dim3A_828 = vector.broadcast %broadcast_in_dim3A_827 : f32 to vector<16xf32>
      %swap3A_829 = arith.index_cast %scan3A_760 : i32 to index
      %swap3A_830 = arith.constant 208 : index
      %swap3A_831 = tpu.vector_load %arg16[%swap3A_829, %swap3A_830] {strides = array<i32>} : memref<16x384xf32, #tpu.memory_space<vmem>>, vector<16xf32>,
      tpu.vector_store %arg16[%swap3A_829, %swap3A_830], %broadcast_in_dim3A_828 {strides = array<i32>} : memref<16x384xf32, #tpu.memory_space<vmem>>, vector<16xf32>,
      %broadcast_in_dim3A_832 = arith.constant 0.000000e+00 : f32
      %broadcast_in_dim3A_833 = vector.broadcast %broadcast_in_dim3A_832 : f32 to vector<16xf32>
      %swap3A_834 = arith.index_cast %scan3A_760 : i32 to index
      %swap3A_835 = arith.constant 224 : index
      %swap3A_836 = tpu.vector_load %arg16[%swap3A_834, %swap3A_835] {strides = array<i32>} : memref<16x384xf32, #tpu.memory_space<vmem>>, vector<16xf32>,
      tpu.vector_store %arg16[%swap3A_834, %swap3A_835], %broadcast_in_dim3A_833 {strides = array<i32>} : memref<16x384xf32, #tpu.memory_space<vmem>>, vector<16xf32>,
      %broadcast_in_dim3A_837 = arith.constant 0.000000e+00 : f32
      %broadcast_in_dim3A_838 = vector.broadcast %broadcast_in_dim3A_837 : f32 to vector<16xf32>
      %swap3A_839 = arith.index_cast %scan3A_760 : i32 to index
      %swap3A_840 = arith.constant 240 : index
      %swap3A_841 = tpu.vector_load %arg16[%swap3A_839, %swap3A_840] {strides = array<i32>} : memref<16x384xf32, #tpu.memory_space<vmem>>, vector<16xf32>,
      tpu.vector_store %arg16[%swap3A_839, %swap3A_840], %broadcast_in_dim3A_838 {strides = array<i32>} : memref<16x384xf32, #tpu.memory_space<vmem>>, vector<16xf32>,
      %broadcast_in_dim3A_842 = arith.constant 0.000000e+00 : f32
      %broadcast_in_dim3A_843 = vector.broadcast %broadcast_in_dim3A_842 : f32 to vector<16xf32>
      %swap3A_844 = arith.index_cast %scan3A_760 : i32 to index
      %swap3A_845 = arith.constant 256 : index
      %swap3A_846 = tpu.vector_load %arg16[%swap3A_844, %swap3A_845] {strides = array<i32>} : memref<16x384xf32, #tpu.memory_space<vmem>>, vector<16xf32>,
      tpu.vector_store %arg16[%swap3A_844, %swap3A_845], %broadcast_in_dim3A_843 {strides = array<i32>} : memref<16x384xf32, #tpu.memory_space<vmem>>, vector<16xf32>,
      %broadcast_in_dim3A_847 = arith.constant 0.000000e+00 : f32
      %broadcast_in_dim3A_848 = vector.broadcast %broadcast_in_dim3A_847 : f32 to vector<16xf32>
      %swap3A_849 = arith.index_cast %scan3A_760 : i32 to index
      %swap3A_850 = arith.constant 272 : index
      %swap3A_851 = tpu.vector_load %arg16[%swap3A_849, %swap3A_850] {strides = array<i32>} : memref<16x384xf32, #tpu.memory_space<vmem>>, vector<16xf32>,
      tpu.vector_store %arg16[%swap3A_849, %swap3A_850], %broadcast_in_dim3A_848 {strides = array<i32>} : memref<16x384xf32, #tpu.memory_space<vmem>>, vector<16xf32>,
      %broadcast_in_dim3A_852 = arith.constant 0.000000e+00 : f32
      %broadcast_in_dim3A_853 = vector.broadcast %broadcast_in_dim3A_852 : f32 to vector<16xf32>
      %swap3A_854 = arith.index_cast %scan3A_760 : i32 to index
      %swap3A_855 = arith.constant 288 : index
      %swap3A_856 = tpu.vector_load %arg16[%swap3A_854, %swap3A_855] {strides = array<i32>} : memref<16x384xf32, #tpu.memory_space<vmem>>, vector<16xf32>,
      tpu.vector_store %arg16[%swap3A_854, %swap3A_855], %broadcast_in_dim3A_853 {strides = array<i32>} : memref<16x384xf32, #tpu.memory_space<vmem>>, vector<16xf32>,
      %broadcast_in_dim3A_857 = arith.constant 0.000000e+00 : f32
      %broadcast_in_dim3A_858 = vector.broadcast %broadcast_in_dim3A_857 : f32 to vector<16xf32>
      %swap3A_859 = arith.index_cast %scan3A_760 : i32 to index
      %swap3A_860 = arith.constant 304 : index
      %swap3A_861 = tpu.vector_load %arg16[%swap3A_859, %swap3A_860] {strides = array<i32>} : memref<16x384xf32, #tpu.memory_space<vmem>>, vector<16xf32>,
      tpu.vector_store %arg16[%swap3A_859, %swap3A_860], %broadcast_in_dim3A_858 {strides = array<i32>} : memref<16x384xf32, #tpu.memory_space<vmem>>, vector<16xf32>,
      %broadcast_in_dim3A_862 = arith.constant 0.000000e+00 : f32
      %broadcast_in_dim3A_863 = vector.broadcast %broadcast_in_dim3A_862 : f32 to vector<16xf32>
      %swap3A_864 = arith.index_cast %scan3A_760 : i32 to index
      %swap3A_865 = arith.constant 320 : index
      %swap3A_866 = tpu.vector_load %arg16[%swap3A_864, %swap3A_865] {strides = array<i32>} : memref<16x384xf32, #tpu.memory_space<vmem>>, vector<16xf32>,
      tpu.vector_store %arg16[%swap3A_864, %swap3A_865], %broadcast_in_dim3A_863 {strides = array<i32>} : memref<16x384xf32, #tpu.memory_space<vmem>>, vector<16xf32>,
      %broadcast_in_dim3A_867 = arith.constant 0.000000e+00 : f32
      %broadcast_in_dim3A_868 = vector.broadcast %broadcast_in_dim3A_867 : f32 to vector<16xf32>
      %swap3A_869 = arith.index_cast %scan3A_760 : i32 to index
      %swap3A_870 = arith.constant 336 : index
      %swap3A_871 = tpu.vector_load %arg16[%swap3A_869, %swap3A_870] {strides = array<i32>} : memref<16x384xf32, #tpu.memory_space<vmem>>, vector<16xf32>,
      tpu.vector_store %arg16[%swap3A_869, %swap3A_870], %broadcast_in_dim3A_868 {strides = array<i32>} : memref<16x384xf32, #tpu.memory_space<vmem>>, vector<16xf32>,
      %broadcast_in_dim3A_872 = arith.constant 0.000000e+00 : f32
      %broadcast_in_dim3A_873 = vector.broadcast %broadcast_in_dim3A_872 : f32 to vector<16xf32>
      %swap3A_874 = arith.index_cast %scan3A_760 : i32 to index
      %swap3A_875 = arith.constant 352 : index
      %swap3A_876 = tpu.vector_load %arg16[%swap3A_874, %swap3A_875] {strides = array<i32>} : memref<16x384xf32, #tpu.memory_space<vmem>>, vector<16xf32>,
      tpu.vector_store %arg16[%swap3A_874, %swap3A_875], %broadcast_in_dim3A_873 {strides = array<i32>} : memref<16x384xf32, #tpu.memory_space<vmem>>, vector<16xf32>,
      %broadcast_in_dim3A_877 = arith.constant 0.000000e+00 : f32
      %broadcast_in_dim3A_878 = vector.broadcast %broadcast_in_dim3A_877 : f32 to vector<16xf32>
      %swap3A_879 = arith.index_cast %scan3A_760 : i32 to index
      %swap3A_880 = arith.constant 368 : index
      %swap3A_881 = tpu.vector_load %arg16[%swap3A_879, %swap3A_880] {strides = array<i32>} : memref<16x384xf32, #tpu.memory_space<vmem>>, vector<16xf32>,
      tpu.vector_store %arg16[%swap3A_879, %swap3A_880], %broadcast_in_dim3A_878 {strides = array<i32>} : memref<16x384xf32, #tpu.memory_space<vmem>>, vector<16xf32>,
      %scan3A_882 = arith.constant 0 : i32
      scf.yield %scan3A_882 : i32
    }
    %scan3A_571 = arith.constant 16 : i32
    %add3A_572 = arith.constant 0 : i32
    %add3A_573 = arith.addi %add3A, %add3A_572 : i32
    %jit3A = arith.constant 14 : i32
    %div3A = arith.divsi %add3A_573, %jit3A : i32
    %sign3A = arith.constant 0 : i32
    %sign3A_574 = arith.cmpi sgt, %add3A_573, %sign3A : i32
    %sign3A_575 = arith.extui %sign3A_574 : i1 to i32
    %sign3A_576 = arith.constant 0 : i32
    %sign3A_577 = arith.cmpi slt, %add3A_573, %sign3A_576 : i32
    %sign3A_578 = arith.extui %sign3A_577 : i1 to i32
    %sign3A_579 = arith.subi %sign3A_575, %sign3A_578 : i32
    %sign3A_580 = arith.constant 0 : i32
    %sign3A_581 = arith.cmpi sgt, %jit3A, %sign3A_580 : i32
    %sign3A_582 = arith.extui %sign3A_581 : i1 to i32
    %sign3A_583 = arith.constant 0 : i32
    %sign3A_584 = arith.cmpi slt, %jit3A, %sign3A_583 : i32
    %sign3A_585 = arith.extui %sign3A_584 : i1 to i32
    %sign3A_586 = arith.subi %sign3A_582, %sign3A_585 : i32
    %ne3A = arith.cmpi ne, %sign3A_579, %sign3A_586 : i32
    %rem3A = arith.remsi %add3A_573, %jit3A : i32
    %ne3A_587 = arith.constant 0 : i32
    %ne3A_588 = arith.cmpi ne, %rem3A, %ne3A_587 : i32
    %and3A_589 = arith.andi %ne3A, %ne3A_588 : i1
    %sub3A = arith.constant 1 : i32
    %sub3A_590 = arith.subi %div3A, %sub3A : i32
    %select_n3A = arith.select %and3A_589, %sub3A_590, %div3A : i32
    %mul3A_591 = arith.constant 14 : i32
    %mul3A_592 = arith.muli %select_n3A, %mul3A_591 : i32
    %sub3A_593 = arith.subi %add3A_573, %mul3A_592 : i32
    %jit3A_594 = arith.constant 224 : i32
    %div3A_595 = arith.divsi %select_n3A, %jit3A_594 : i32
    %sign3A_596 = arith.constant 0 : i32
    %sign3A_597 = arith.cmpi sgt, %select_n3A, %sign3A_596 : i32
    %sign3A_598 = arith.extui %sign3A_597 : i1 to i32
    %sign3A_599 = arith.constant 0 : i32
    %sign3A_600 = arith.cmpi slt, %select_n3A, %sign3A_599 : i32
    %sign3A_601 = arith.extui %sign3A_600 : i1 to i32
    %sign3A_602 = arith.subi %sign3A_598, %sign3A_601 : i32
    %sign3A_603 = arith.constant 0 : i32
    %sign3A_604 = arith.cmpi sgt, %jit3A_594, %sign3A_603 : i32
    %sign3A_605 = arith.extui %sign3A_604 : i1 to i32
    %sign3A_606 = arith.constant 0 : i32
    %sign3A_607 = arith.cmpi slt, %jit3A_594, %sign3A_606 : i32
    %sign3A_608 = arith.extui %sign3A_607 : i1 to i32
    %sign3A_609 = arith.subi %sign3A_605, %sign3A_608 : i32
    %ne3A_610 = arith.cmpi ne, %sign3A_602, %sign3A_609 : i32
    %rem3A_611 = arith.remsi %select_n3A, %jit3A_594 : i32
    %ne3A_612 = arith.constant 0 : i32
    %ne3A_613 = arith.cmpi ne, %rem3A_611, %ne3A_612 : i32
    %and3A_614 = arith.andi %ne3A_610, %ne3A_613 : i1
    %sub3A_615 = arith.constant 1 : i32
    %sub3A_616 = arith.subi %div3A_595, %sub3A_615 : i32
    %select_n3A_617 = arith.select %and3A_614, %sub3A_616, %div3A_595 : i32
    %mul3A_618 = arith.constant 224 : i32
    %mul3A_619 = arith.muli %select_n3A_617, %mul3A_618 : i32
    %sub3A_620 = arith.subi %select_n3A, %mul3A_619 : i32
    %mul3A_621 = arith.constant 6 : i32
    %mul3A_622 = arith.muli %select_n3A_617, %mul3A_621 : i32
    %add3A_623 = arith.constant 0 : i32
    %add3A_624 = arith.addi %mul3A_622, %add3A_623 : i32
    %broadcast_in_dim3A = vector.broadcast %add3A_624 : i32 to vector<16xi32>
    %gather3A = tpu.vector_load_idx %arg6[%broadcast_in_dim3A] : memref<32xf32, #tpu.memory_space<vmem>>[vector<16xi32>], vector<16xf32>,
    %add3A_625 = arith.constant 1 : i32
    %add3A_626 = arith.addi %mul3A_622, %add3A_625 : i32
    %broadcast_in_dim3A_627 = vector.broadcast %add3A_626 : i32 to vector<16xi32>
    %gather3A_628 = tpu.vector_load_idx %arg6[%broadcast_in_dim3A_627] : memref<32xf32, #tpu.memory_space<vmem>>[vector<16xi32>], vector<16xf32>,
    %add3A_629 = arith.constant 2 : i32
    %add3A_630 = arith.addi %mul3A_622, %add3A_629 : i32
    %broadcast_in_dim3A_631 = vector.broadcast %add3A_630 : i32 to vector<16xi32>
    %gather3A_632 = tpu.vector_load_idx %arg6[%broadcast_in_dim3A_631] : memref<32xf32, #tpu.memory_space<vmem>>[vector<16xi32>], vector<16xf32>,
    %add3A_633 = arith.constant 3 : i32
    %add3A_634 = arith.addi %mul3A_622, %add3A_633 : i32
    %broadcast_in_dim3A_635 = vector.broadcast %add3A_634 : i32 to vector<16xi32>
    %gather3A_636 = tpu.vector_load_idx %arg6[%broadcast_in_dim3A_635] : memref<32xf32, #tpu.memory_space<vmem>>[vector<16xi32>], vector<16xf32>,
    %add3A_637 = arith.constant 4 : i32
    %add3A_638 = arith.addi %mul3A_622, %add3A_637 : i32
    %broadcast_in_dim3A_639 = vector.broadcast %add3A_638 : i32 to vector<16xi32>
    %gather3A_640 = tpu.vector_load_idx %arg6[%broadcast_in_dim3A_639] : memref<32xf32, #tpu.memory_space<vmem>>[vector<16xi32>], vector<16xf32>,
    %add3A_641 = arith.constant 5 : i32
    %add3A_642 = arith.addi %mul3A_622, %add3A_641 : i32
    %broadcast_in_dim3A_643 = vector.broadcast %add3A_642 : i32 to vector<16xi32>
    %gather3A_644 = tpu.vector_load_idx %arg6[%broadcast_in_dim3A_643] : memref<32xf32, #tpu.memory_space<vmem>>[vector<16xi32>], vector<16xf32>,
    %add3A_645 = arith.constant 224 : i32
    %add3A_646 = arith.addi %add3A_645, %sub3A_620 : i32
    %broadcast_in_dim3A_647 = vector.broadcast %add3A_646 : i32 to vector<16xi32>
    %gather3A_648 = tpu.vector_load_idx %arg7[%broadcast_in_dim3A_647] : memref<448xf32, #tpu.memory_space<vmem>>[vector<16xi32>], vector<16xf32>,
    %mul3A_649 = arith.constant 16 : i32
    %mul3A_650 = arith.muli %sub3A_593, %mul3A_649 : i32
    %get3A_651 = arith.index_cast %mul3A_650 : i32 to index
    %get3A_652 = tpu.vector_load %arg7[%get3A_651] {strides = array<i32>} : memref<448xf32, #tpu.memory_space<vmem>>, vector<16xf32>,
    %mul3A_653 = arith.mulf %gather3A, %get3A_652 : vector<16xf32>
    %mul3A_654 = arith.mulf %gather3A_628, %gather3A_648 : vector<16xf32>
    %add3A_655 = arith.addf %mul3A_654, %gather3A_632 : vector<16xf32>
    %add3A_656 = arith.addf %mul3A_653, %add3A_655 : vector<16xf32>
    %mul3A_657 = arith.mulf %gather3A_636, %get3A_652 : vector<16xf32>
    %mul3A_658 = arith.mulf %gather3A_640, %gather3A_648 : vector<16xf32>
    %add3A_659 = arith.addf %mul3A_658, %gather3A_644 : vector<16xf32>
    %add3A_660 = arith.addf %mul3A_657, %add3A_659 : vector<16xf32>
    %add3A_661 = arith.constant 1.000000e+00 : f32
    %add3A_662 = vector.broadcast %add3A_661 : f32 to vector<16xf32>
    %add3A_663 = arith.addf %add3A_656, %add3A_662 : vector<16xf32>
    %mul3A_664 = arith.constant 5.000000e-01 : f32
    %mul3A_665 = vector.broadcast %mul3A_664 : f32 to vector<16xf32>
    %mul3A_666 = arith.mulf %mul3A_665, %add3A_663 : vector<16xf32>
    %mul3A_667 = arith.constant 2.240000e+02 : f32
    %mul3A_668 = vector.broadcast %mul3A_667 : f32 to vector<16xf32>
    %mul3A_669 = arith.mulf %mul3A_666, %mul3A_668 : vector<16xf32>
    %add3A_670 = arith.constant 1.000000e+00 : f32
    %add3A_671 = vector.broadcast %add3A_670 : f32 to vector<16xf32>
    %add3A_672 = arith.addf %add3A_660, %add3A_671 : vector<16xf32>
    %mul3A_673 = arith.constant 5.000000e-01 : f32
    %mul3A_674 = vector.broadcast %mul3A_673 : f32 to vector<16xf32>
    %mul3A_675 = arith.mulf %mul3A_674, %add3A_672 : vector<16xf32>
    %mul3A_676 = arith.constant 2.240000e+02 : f32
    %mul3A_677 = vector.broadcast %mul3A_676 : f32 to vector<16xf32>
    %mul3A_678 = arith.mulf %mul3A_675, %mul3A_677 : vector<16xf32>
    %convert_element_type3A = arith.fptosi %mul3A_669 : vector<16xf32> to vector<16xi32>
    %convert_element_type3A_679 = arith.fptosi %mul3A_678 : vector<16xf32> to vector<16xi32>
    %convert_element_type3A_680 = arith.sitofp %convert_element_type3A : vector<16xi32> to vector<16xf32>
    %gt3A = arith.cmpf ogt, %convert_element_type3A_680, %mul3A_669 : vector<16xf32>
    %sub3A_681 = arith.constant 1 : i32
    %sub3A_682 = vector.broadcast %sub3A_681 : i32 to vector<16xi32>
    %sub3A_683 = arith.subi %convert_element_type3A, %sub3A_682 : vector<16xi32>
    %select_n3A_684 = arith.select %gt3A, %sub3A_683, %convert_element_type3A : vector<16xi1>, vector<16xi32>
    %convert_element_type3A_685 = arith.sitofp %convert_element_type3A_679 : vector<16xi32> to vector<16xf32>
    %gt3A_686 = arith.cmpf ogt, %convert_element_type3A_685, %mul3A_678 : vector<16xf32>
    %sub3A_687 = arith.constant 1 : i32
    %sub3A_688 = vector.broadcast %sub3A_687 : i32 to vector<16xi32>
    %sub3A_689 = arith.subi %convert_element_type3A_679, %sub3A_688 : vector<16xi32>
    %select_n3A_690 = arith.select %gt3A_686, %sub3A_689, %convert_element_type3A_679 : vector<16xi1>, vector<16xi32>
    %add3A_691 = arith.constant 1 : i32
    %add3A_692 = vector.broadcast %add3A_691 : i32 to vector<16xi32>
    %add3A_693 = arith.addi %select_n3A_684, %add3A_692 : vector<16xi32>
    %add3A_694 = arith.constant 1 : i32
    %add3A_695 = vector.broadcast %add3A_694 : i32 to vector<16xi32>
    %add3A_696 = arith.addi %select_n3A_690, %add3A_695 : vector<16xi32>
    %jit3A_697 = arith.constant 0 : i32
    %jit3A_698 = arith.constant 223 : i32
    %max3A = vector.broadcast %jit3A_697 : i32 to vector<16xi32>
    %max3A_699 = arith.maxsi %max3A, %select_n3A_684 : vector<16xi32>
    %min3A = vector.broadcast %jit3A_698 : i32 to vector<16xi32>
    %min3A_700 = arith.minsi %min3A, %max3A_699 : vector<16xi32>
    %jit3A_701 = arith.constant 0 : i32
    %jit3A_702 = arith.constant 223 : i32
    %max3A_703 = vector.broadcast %jit3A_701 : i32 to vector<16xi32>
    %max3A_704 = arith.maxsi %max3A_703, %add3A_693 : vector<16xi32>
    %min3A_705 = vector.broadcast %jit3A_702 : i32 to vector<16xi32>
    %min3A_706 = arith.minsi %min3A_705, %max3A_704 : vector<16xi32>
    %jit3A_707 = arith.constant 0 : i32
    %jit3A_708 = arith.constant 223 : i32
    %max3A_709 = vector.broadcast %jit3A_707 : i32 to vector<16xi32>
    %max3A_710 = arith.maxsi %max3A_709, %select_n3A_690 : vector<16xi32>
    %min3A_711 = vector.broadcast %jit3A_708 : i32 to vector<16xi32>
    %min3A_712 = arith.minsi %min3A_711, %max3A_710 : vector<16xi32>
    %jit3A_713 = arith.constant 0 : i32
    %jit3A_714 = arith.constant 223 : i32
    %max3A_715 = vector.broadcast %jit3A_713 : i32 to vector<16xi32>
    %max3A_716 = arith.maxsi %max3A_715, %add3A_696 : vector<16xi32>
    %min3A_717 = vector.broadcast %jit3A_714 : i32 to vector<16xi32>
    %min3A_718 = arith.minsi %min3A_717, %max3A_716 : vector<16xi32>
    %convert_element_type3A_719 = arith.sitofp %min3A_700 : vector<16xi32> to vector<16xf32>
    %convert_element_type3A_720 = arith.sitofp %min3A_706 : vector<16xi32> to vector<16xf32>
    %convert_element_type3A_721 = arith.sitofp %min3A_712 : vector<16xi32> to vector<16xf32>
    %convert_element_type3A_722 = arith.sitofp %min3A_718 : vector<16xi32> to vector<16xf32>
    %ne3A_723 = arith.cmpi ne, %min3A_700, %min3A_706 : vector<16xi32>
    %ne3A_724 = arith.cmpi ne, %min3A_712, %min3A_718 : vector<16xi32>
    %and3A_725 = arith.andi %ne3A_723, %ne3A_724 : vector<16xi1>
    %reduce_or3A = arith.constant 1.000000e+00 : f32
    %reduce_or3A_726 = arith.constant 0.000000e+00 : f32
    %reduce_or3A_727 = vector.broadcast %reduce_or3A : f32 to vector<16xf32>
    %reduce_or3A_728 = vector.broadcast %reduce_or3A_726 : f32 to vector<16xf32>
    %reduce_or3A_729 = arith.select %and3A_725, %reduce_or3A_727, %reduce_or3A_728 : vector<16xi1>, vector<16xf32>
    %reduce_or3A_730 = arith.constant true
    %reduce_or3A_731 = vector.broadcast %reduce_or3A_730 : i1 to vector<16xi1>
    %reduce_or3A_732 = tpu.scan <max>, %reduce_or3A_729 masked %reduce_or3A_731 : vector<16xf32>, vector<16xi1> -> vector<16xf32>
    %reduce_or3A_733 = vector.extract %reduce_or3A_732[15] : f32 from vector<16xf32>
    %reduce_or3A_734 = arith.constant 0.000000e+00 : f32
    %reduce_or3A_735 = arith.cmpf ogt, %reduce_or3A_733, %reduce_or3A_734 : f32
    %convert_element_type3A_736 = arith.extui %reduce_or3A_735 : i1 to i32
    %swap3A_737 = arith.constant 0 : i32
    %swap3A_738 = arith.index_cast %swap3A_737 : i32 to index
    %swap3A_739 = memref.load %arg17[%swap3A_738] : memref<2xi32, #tpu.memory_space<smem>>
    memref.store %convert_element_type3A_736, %arg17[%swap3A_738] : memref<2xi32, #tpu.memory_space<smem>>
    %convert_element_type3A_740 = arith.extui %reduce_or3A_735 : i1 to i32
    %cond3A = arith.constant 0 : i32
    %cond3A_741 = arith.cmpi ne, %convert_element_type3A_740, %cond3A : i32
    scf.if %cond3A_741 {
      %sub3A_760 = arith.subf %convert_element_type3A_720, %mul3A_669 : vector<16xf32>
      %sub3A_761 = arith.subf %convert_element_type3A_722, %mul3A_678 : vector<16xf32>
      %mul3A_762 = arith.mulf %sub3A_760, %sub3A_761 : vector<16xf32>
      %swap3A_763 = arith.constant 0 : index
      %swap3A_764 = tpu.vector_load %arg10[%swap3A_763] {strides = array<i32>} : memref<64xf32, #tpu.memory_space<vmem>>, vector<16xf32>,
      tpu.vector_store %arg10[%swap3A_763], %mul3A_762 {strides = array<i32>} : memref<64xf32, #tpu.memory_space<vmem>>, vector<16xf32>,
      %sub3A_765 = arith.subf %convert_element_type3A_720, %mul3A_669 : vector<16xf32>
      %sub3A_766 = arith.subf %mul3A_678, %convert_element_type3A_721 : vector<16xf32>
      %mul3A_767 = arith.mulf %sub3A_765, %sub3A_766 : vector<16xf32>
      %swap3A_768 = arith.constant 16 : index
      %swap3A_769 = tpu.vector_load %arg10[%swap3A_768] {strides = array<i32>} : memref<64xf32, #tpu.memory_space<vmem>>, vector<16xf32>,
      tpu.vector_store %arg10[%swap3A_768], %mul3A_767 {strides = array<i32>} : memref<64xf32, #tpu.memory_space<vmem>>, vector<16xf32>,
      %sub3A_770 = arith.subf %mul3A_669, %convert_element_type3A_719 : vector<16xf32>
      %sub3A_771 = arith.subf %convert_element_type3A_722, %mul3A_678 : vector<16xf32>
      %mul3A_772 = arith.mulf %sub3A_770, %sub3A_771 : vector<16xf32>
      %swap3A_773 = arith.constant 32 : index
      %swap3A_774 = tpu.vector_load %arg10[%swap3A_773] {strides = array<i32>} : memref<64xf32, #tpu.memory_space<vmem>>, vector<16xf32>,
      tpu.vector_store %arg10[%swap3A_773], %mul3A_772 {strides = array<i32>} : memref<64xf32, #tpu.memory_space<vmem>>, vector<16xf32>,
      %sub3A_775 = arith.subf %mul3A_669, %convert_element_type3A_719 : vector<16xf32>
      %sub3A_776 = arith.subf %mul3A_678, %convert_element_type3A_721 : vector<16xf32>
      %mul3A_777 = arith.mulf %sub3A_775, %sub3A_776 : vector<16xf32>
      %swap3A_778 = arith.constant 48 : index
      %swap3A_779 = tpu.vector_load %arg10[%swap3A_778] {strides = array<i32>} : memref<64xf32, #tpu.memory_space<vmem>>, vector<16xf32>,
      tpu.vector_store %arg10[%swap3A_778], %mul3A_777 {strides = array<i32>} : memref<64xf32, #tpu.memory_space<vmem>>, vector<16xf32>,
      %mul3A_780 = arith.constant 50176 : i32
      %mul3A_781 = arith.muli %select_n3A_617, %mul3A_780 : i32
      %mul3A_782 = arith.constant 224 : i32
      %mul3A_783 = vector.broadcast %mul3A_782 : i32 to vector<16xi32>
      %mul3A_784 = arith.muli %min3A_712, %mul3A_783 : vector<16xi32>
      %add3A_785 = vector.broadcast %mul3A_781 : i32 to vector<16xi32>
      %add3A_786 = arith.addi %mul3A_784, %add3A_785 : vector<16xi32>
      %mul3A_787 = arith.constant 224 : i32
      %mul3A_788 = vector.broadcast %mul3A_787 : i32 to vector<16xi32>
      %mul3A_789 = arith.muli %min3A_718, %mul3A_788 : vector<16xi32>
      %add3A_790 = vector.broadcast %mul3A_781 : i32 to vector<16xi32>
      %add3A_791 = arith.addi %mul3A_789, %add3A_790 : vector<16xi32>
      %add3A_792 = arith.addi %add3A_786, %min3A_700 : vector<16xi32>
      %swap3A_793 = arith.constant 0 : index
      %swap3A_794 = tpu.vector_load %arg8[%swap3A_793] {strides = array<i32>} : memref<64xi32, #tpu.memory_space<vmem>>, vector<16xi32>,
      tpu.vector_store %arg8[%swap3A_793], %add3A_792 {strides = array<i32>} : memref<64xi32, #tpu.memory_space<vmem>>, vector<16xi32>,
      %add3A_795 = arith.addi %add3A_791, %min3A_700 : vector<16xi32>
      %swap3A_796 = arith.constant 16 : index
      %swap3A_797 = tpu.vector_load %arg8[%swap3A_796] {strides = array<i32>} : memref<64xi32, #tpu.memory_space<vmem>>, vector<16xi32>,
      tpu.vector_store %arg8[%swap3A_796], %add3A_795 {strides = array<i32>} : memref<64xi32, #tpu.memory_space<vmem>>, vector<16xi32>,
      %add3A_798 = arith.addi %add3A_786, %min3A_706 : vector<16xi32>
      %swap3A_799 = arith.constant 32 : index
      %swap3A_800 = tpu.vector_load %arg8[%swap3A_799] {strides = array<i32>} : memref<64xi32, #tpu.memory_space<vmem>>, vector<16xi32>,
      tpu.vector_store %arg8[%swap3A_799], %add3A_798 {strides = array<i32>} : memref<64xi32, #tpu.memory_space<vmem>>, vector<16xi32>,
      %add3A_801 = arith.addi %add3A_791, %min3A_706 : vector<16xi32>
      %swap3A_802 = arith.constant 48 : index
      %swap3A_803 = tpu.vector_load %arg8[%swap3A_802] {strides = array<i32>} : memref<64xi32, #tpu.memory_space<vmem>>, vector<16xi32>,
      tpu.vector_store %arg8[%swap3A_802], %add3A_801 {strides = array<i32>} : memref<64xi32, #tpu.memory_space<vmem>>, vector<16xi32>,
      %dma_start3A = arith.constant 0 : i32
      %dma_start3A_804 = arith.constant 0 : i32
      %dma_start3A_805 = tpu.memref_slice %arg2[%dma_start3A, %dma_start3A_804] : memref<200704x384xf32, #tpu.memory_space<hbm>> -> memref<200704x384xf32, #tpu.memory_space<hbm>>
      tpu.enqueue_indirect_dma source(%dma_start3A_805 : memref<200704x384xf32, #tpu.memory_space<hbm>>) target(%arg12 : memref<64x384xf32, #tpu.memory_space<vmem>>) offsets(%arg8 : memref<64xi32, #tpu.memory_space<vmem>>) semaphore(%arg18 : memref<!tpu.dma_semaphore, #tpu.memory_space<semaphore_mem>>)
    } else {
    }
    %scan3A_742 = arith.constant 0 : i32
    %scan3A_743 = arith.constant 0 : i32
    %scan3A_744 = arith.constant 196 : i32
    %scan3A_745 = arith.addi %scan3A_743, %scan3A_744 : i32
    %scan3A_746 = arith.constant 1 : i32
    %scan3A_747 = scf.for %scan3A_760 = %scan3A_743 to %scan3A_745 step %scan3A_746 iter_args(%scan3A_761 = %scan3A_742) -> (i32)  : i32 {
      %mul3A_762 = arith.constant 2 : i32
      %mul3A_763 = arith.muli %mul3A_762, %scan3A_760 : i32
      %add3A_764 = arith.constant 1 : i32
      %add3A_765 = arith.addi %mul3A_763, %add3A_764 : i32
      %mul3A_766 = arith.constant 32 : i32
      %mul3A_767 = arith.muli %mul3A_766, %add3A_765 : i32
      %add3A_768 = arith.addi %add3A, %mul3A_767 : i32
      %jit3A_769 = arith.constant 14 : i32
      %div3A_770 = arith.divsi %add3A_768, %jit3A_769 : i32
      %sign3A_771 = arith.constant 0 : i32
      %sign3A_772 = arith.cmpi sgt, %add3A_768, %sign3A_771 : i32
      %sign3A_773 = arith.extui %sign3A_772 : i1 to i32
      %sign3A_774 = arith.constant 0 : i32
      %sign3A_775 = arith.cmpi slt, %add3A_768, %sign3A_774 : i32
      %sign3A_776 = arith.extui %sign3A_775 : i1 to i32
      %sign3A_777 = arith.subi %sign3A_773, %sign3A_776 : i32
      %sign3A_778 = arith.constant 0 : i32
      %sign3A_779 = arith.cmpi sgt, %jit3A_769, %sign3A_778 : i32
      %sign3A_780 = arith.extui %sign3A_779 : i1 to i32
      %sign3A_781 = arith.constant 0 : i32
      %sign3A_782 = arith.cmpi slt, %jit3A_769, %sign3A_781 : i32
      %sign3A_783 = arith.extui %sign3A_782 : i1 to i32
      %sign3A_784 = arith.subi %sign3A_780, %sign3A_783 : i32
      %ne3A_785 = arith.cmpi ne, %sign3A_777, %sign3A_784 : i32
      %rem3A_786 = arith.remsi %add3A_768, %jit3A_769 : i32
      %ne3A_787 = arith.constant 0 : i32
      %ne3A_788 = arith.cmpi ne, %rem3A_786, %ne3A_787 : i32
      %and3A_789 = arith.andi %ne3A_785, %ne3A_788 : i1
      %sub3A_790 = arith.constant 1 : i32
      %sub3A_791 = arith.subi %div3A_770, %sub3A_790 : i32
      %select_n3A_792 = arith.select %and3A_789, %sub3A_791, %div3A_770 : i32
      %mul3A_793 = arith.constant 14 : i32
      %mul3A_794 = arith.muli %select_n3A_792, %mul3A_793 : i32
      %sub3A_795 = arith.subi %add3A_768, %mul3A_794 : i32
      %jit3A_796 = arith.constant 224 : i32
      %div3A_797 = arith.divsi %select_n3A_792, %jit3A_796 : i32
      %sign3A_798 = arith.constant 0 : i32
      %sign3A_799 = arith.cmpi sgt, %select_n3A_792, %sign3A_798 : i32
      %sign3A_800 = arith.extui %sign3A_799 : i1 to i32
      %sign3A_801 = arith.constant 0 : i32
      %sign3A_802 = arith.cmpi slt, %select_n3A_792, %sign3A_801 : i32
      %sign3A_803 = arith.extui %sign3A_802 : i1 to i32
      %sign3A_804 = arith.subi %sign3A_800, %sign3A_803 : i32
      %sign3A_805 = arith.constant 0 : i32
      %sign3A_806 = arith.cmpi sgt, %jit3A_796, %sign3A_805 : i32
      %sign3A_807 = arith.extui %sign3A_806 : i1 to i32
      %sign3A_808 = arith.constant 0 : i32
      %sign3A_809 = arith.cmpi slt, %jit3A_796, %sign3A_808 : i32
      %sign3A_810 = arith.extui %sign3A_809 : i1 to i32
      %sign3A_811 = arith.subi %sign3A_807, %sign3A_810 : i32
      %ne3A_812 = arith.cmpi ne, %sign3A_804, %sign3A_811 : i32
      %rem3A_813 = arith.remsi %select_n3A_792, %jit3A_796 : i32
      %ne3A_814 = arith.constant 0 : i32
      %ne3A_815 = arith.cmpi ne, %rem3A_813, %ne3A_814 : i32
      %and3A_816 = arith.andi %ne3A_812, %ne3A_815 : i1
      %sub3A_817 = arith.constant 1 : i32
      %sub3A_818 = arith.subi %div3A_797, %sub3A_817 : i32
      %select_n3A_819 = arith.select %and3A_816, %sub3A_818, %div3A_797 : i32
      %mul3A_820 = arith.constant 224 : i32
      %mul3A_821 = arith.muli %select_n3A_819, %mul3A_820 : i32
      %sub3A_822 = arith.subi %select_n3A_792, %mul3A_821 : i32
      %mul3A_823 = arith.constant 6 : i32
      %mul3A_824 = arith.muli %select_n3A_819, %mul3A_823 : i32
      %add3A_825 = arith.constant 0 : i32
      %add3A_826 = arith.addi %mul3A_824, %add3A_825 : i32
      %broadcast_in_dim3A_827 = vector.broadcast %add3A_826 : i32 to vector<16xi32>
      %gather3A_828 = tpu.vector_load_idx %arg6[%broadcast_in_dim3A_827] : memref<32xf32, #tpu.memory_space<vmem>>[vector<16xi32>], vector<16xf32>,
      %add3A_829 = arith.constant 1 : i32
      %add3A_830 = arith.addi %mul3A_824, %add3A_829 : i32
      %broadcast_in_dim3A_831 = vector.broadcast %add3A_830 : i32 to vector<16xi32>
      %gather3A_832 = tpu.vector_load_idx %arg6[%broadcast_in_dim3A_831] : memref<32xf32, #tpu.memory_space<vmem>>[vector<16xi32>], vector<16xf32>,
      %add3A_833 = arith.constant 2 : i32
      %add3A_834 = arith.addi %mul3A_824, %add3A_833 : i32
      %broadcast_in_dim3A_835 = vector.broadcast %add3A_834 : i32 to vector<16xi32>
      %gather3A_836 = tpu.vector_load_idx %arg6[%broadcast_in_dim3A_835] : memref<32xf32, #tpu.memory_space<vmem>>[vector<16xi32>], vector<16xf32>,
      %add3A_837 = arith.constant 3 : i32
      %add3A_838 = arith.addi %mul3A_824, %add3A_837 : i32
      %broadcast_in_dim3A_839 = vector.broadcast %add3A_838 : i32 to vector<16xi32>
      %gather3A_840 = tpu.vector_load_idx %arg6[%broadcast_in_dim3A_839] : memref<32xf32, #tpu.memory_space<vmem>>[vector<16xi32>], vector<16xf32>,
      %add3A_841 = arith.constant 4 : i32
      %add3A_842 = arith.addi %mul3A_824, %add3A_841 : i32
      %broadcast_in_dim3A_843 = vector.broadcast %add3A_842 : i32 to vector<16xi32>
      %gather3A_844 = tpu.vector_load_idx %arg6[%broadcast_in_dim3A_843] : memref<32xf32, #tpu.memory_space<vmem>>[vector<16xi32>], vector<16xf32>,
      %add3A_845 = arith.constant 5 : i32
      %add3A_846 = arith.addi %mul3A_824, %add3A_845 : i32
      %broadcast_in_dim3A_847 = vector.broadcast %add3A_846 : i32 to vector<16xi32>
      %gather3A_848 = tpu.vector_load_idx %arg6[%broadcast_in_dim3A_847] : memref<32xf32, #tpu.memory_space<vmem>>[vector<16xi32>], vector<16xf32>,
      %add3A_849 = arith.constant 224 : i32
      %add3A_850 = arith.addi %add3A_849, %sub3A_822 : i32
      %broadcast_in_dim3A_851 = vector.broadcast %add3A_850 : i32 to vector<16xi32>
      %gather3A_852 = tpu.vector_load_idx %arg7[%broadcast_in_dim3A_851] : memref<448xf32, #tpu.memory_space<vmem>>[vector<16xi32>], vector<16xf32>,
      %mul3A_853 = arith.constant 16 : i32
      %mul3A_854 = arith.muli %sub3A_795, %mul3A_853 : i32
      %get3A_855 = arith.index_cast %mul3A_854 : i32 to index
      %get3A_856 = tpu.vector_load %arg7[%get3A_855] {strides = array<i32>} : memref<448xf32, #tpu.memory_space<vmem>>, vector<16xf32>,
      %mul3A_857 = arith.mulf %gather3A_828, %get3A_856 : vector<16xf32>
      %mul3A_858 = arith.mulf %gather3A_832, %gather3A_852 : vector<16xf32>
      %add3A_859 = arith.addf %mul3A_858, %gather3A_836 : vector<16xf32>
      %add3A_860 = arith.addf %mul3A_857, %add3A_859 : vector<16xf32>
      %mul3A_861 = arith.mulf %gather3A_840, %get3A_856 : vector<16xf32>
      %mul3A_862 = arith.mulf %gather3A_844, %gather3A_852 : vector<16xf32>
      %add3A_863 = arith.addf %mul3A_862, %gather3A_848 : vector<16xf32>
      %add3A_864 = arith.addf %mul3A_861, %add3A_863 : vector<16xf32>
      %add3A_865 = arith.constant 1.000000e+00 : f32
      %add3A_866 = vector.broadcast %add3A_865 : f32 to vector<16xf32>
      %add3A_867 = arith.addf %add3A_860, %add3A_866 : vector<16xf32>
      %mul3A_868 = arith.constant 5.000000e-01 : f32
      %mul3A_869 = vector.broadcast %mul3A_868 : f32 to vector<16xf32>
      %mul3A_870 = arith.mulf %mul3A_869, %add3A_867 : vector<16xf32>
      %mul3A_871 = arith.constant 2.240000e+02 : f32
      %mul3A_872 = vector.broadcast %mul3A_871 : f32 to vector<16xf32>
      %mul3A_873 = arith.mulf %mul3A_870, %mul3A_872 : vector<16xf32>
      %add3A_874 = arith.constant 1.000000e+00 : f32
      %add3A_875 = vector.broadcast %add3A_874 : f32 to vector<16xf32>
      %add3A_876 = arith.addf %add3A_864, %add3A_875 : vector<16xf32>
      %mul3A_877 = arith.constant 5.000000e-01 : f32
      %mul3A_878 = vector.broadcast %mul3A_877 : f32 to vector<16xf32>
      %mul3A_879 = arith.mulf %mul3A_878, %add3A_876 : vector<16xf32>
      %mul3A_880 = arith.constant 2.240000e+02 : f32
      %mul3A_881 = vector.broadcast %mul3A_880 : f32 to vector<16xf32>
      %mul3A_882 = arith.mulf %mul3A_879, %mul3A_881 : vector<16xf32>
      %convert_element_type3A_883 = arith.fptosi %mul3A_873 : vector<16xf32> to vector<16xi32>
      %convert_element_type3A_884 = arith.fptosi %mul3A_882 : vector<16xf32> to vector<16xi32>
      %convert_element_type3A_885 = arith.sitofp %convert_element_type3A_883 : vector<16xi32> to vector<16xf32>
      %gt3A_886 = arith.cmpf ogt, %convert_element_type3A_885, %mul3A_873 : vector<16xf32>
      %sub3A_887 = arith.constant 1 : i32
      %sub3A_888 = vector.broadcast %sub3A_887 : i32 to vector<16xi32>
      %sub3A_889 = arith.subi %convert_element_type3A_883, %sub3A_888 : vector<16xi32>
      %select_n3A_890 = arith.select %gt3A_886, %sub3A_889, %convert_element_type3A_883 : vector<16xi1>, vector<16xi32>
      %convert_element_type3A_891 = arith.sitofp %convert_element_type3A_884 : vector<16xi32> to vector<16xf32>
      %gt3A_892 = arith.cmpf ogt, %convert_element_type3A_891, %mul3A_882 : vector<16xf32>
      %sub3A_893 = arith.constant 1 : i32
      %sub3A_894 = vector.broadcast %sub3A_893 : i32 to vector<16xi32>
      %sub3A_895 = arith.subi %convert_element_type3A_884, %sub3A_894 : vector<16xi32>
      %select_n3A_896 = arith.select %gt3A_892, %sub3A_895, %convert_element_type3A_884 : vector<16xi1>, vector<16xi32>
      %add3A_897 = arith.constant 1 : i32
      %add3A_898 = vector.broadcast %add3A_897 : i32 to vector<16xi32>
      %add3A_899 = arith.addi %select_n3A_890, %add3A_898 : vector<16xi32>
      %add3A_900 = arith.constant 1 : i32
      %add3A_901 = vector.broadcast %add3A_900 : i32 to vector<16xi32>
      %add3A_902 = arith.addi %select_n3A_896, %add3A_901 : vector<16xi32>
      %jit3A_903 = arith.constant 0 : i32
      %jit3A_904 = arith.constant 223 : i32
      %max3A_905 = vector.broadcast %jit3A_903 : i32 to vector<16xi32>
      %max3A_906 = arith.maxsi %max3A_905, %select_n3A_890 : vector<16xi32>
      %min3A_907 = vector.broadcast %jit3A_904 : i32 to vector<16xi32>
      %min3A_908 = arith.minsi %min3A_907, %max3A_906 : vector<16xi32>
      %jit3A_909 = arith.constant 0 : i32
      %jit3A_910 = arith.constant 223 : i32
      %max3A_911 = vector.broadcast %jit3A_909 : i32 to vector<16xi32>
      %max3A_912 = arith.maxsi %max3A_911, %add3A_899 : vector<16xi32>
      %min3A_913 = vector.broadcast %jit3A_910 : i32 to vector<16xi32>
      %min3A_914 = arith.minsi %min3A_913, %max3A_912 : vector<16xi32>
      %jit3A_915 = arith.constant 0 : i32
      %jit3A_916 = arith.constant 223 : i32
      %max3A_917 = vector.broadcast %jit3A_915 : i32 to vector<16xi32>
      %max3A_918 = arith.maxsi %max3A_917, %select_n3A_896 : vector<16xi32>
      %min3A_919 = vector.broadcast %jit3A_916 : i32 to vector<16xi32>
      %min3A_920 = arith.minsi %min3A_919, %max3A_918 : vector<16xi32>
      %jit3A_921 = arith.constant 0 : i32
      %jit3A_922 = arith.constant 223 : i32
      %max3A_923 = vector.broadcast %jit3A_921 : i32 to vector<16xi32>
      %max3A_924 = arith.maxsi %max3A_923, %add3A_902 : vector<16xi32>
      %min3A_925 = vector.broadcast %jit3A_922 : i32 to vector<16xi32>
      %min3A_926 = arith.minsi %min3A_925, %max3A_924 : vector<16xi32>
      %convert_element_type3A_927 = arith.sitofp %min3A_908 : vector<16xi32> to vector<16xf32>
      %convert_element_type3A_928 = arith.sitofp %min3A_914 : vector<16xi32> to vector<16xf32>
      %convert_element_type3A_929 = arith.sitofp %min3A_920 : vector<16xi32> to vector<16xf32>
      %convert_element_type3A_930 = arith.sitofp %min3A_926 : vector<16xi32> to vector<16xf32>
      %ne3A_931 = arith.cmpi ne, %min3A_908, %min3A_914 : vector<16xi32>
      %ne3A_932 = arith.cmpi ne, %min3A_920, %min3A_926 : vector<16xi32>
      %and3A_933 = arith.andi %ne3A_931, %ne3A_932 : vector<16xi1>
      %reduce_or3A_934 = arith.constant 1.000000e+00 : f32
      %reduce_or3A_935 = arith.constant 0.000000e+00 : f32
      %reduce_or3A_936 = vector.broadcast %reduce_or3A_934 : f32 to vector<16xf32>
      %reduce_or3A_937 = vector.broadcast %reduce_or3A_935 : f32 to vector<16xf32>
      %reduce_or3A_938 = arith.select %and3A_933, %reduce_or3A_936, %reduce_or3A_937 : vector<16xi1>, vector<16xf32>
      %reduce_or3A_939 = arith.constant true
      %reduce_or3A_940 = vector.broadcast %reduce_or3A_939 : i1 to vector<16xi1>
      %reduce_or3A_941 = tpu.scan <max>, %reduce_or3A_938 masked %reduce_or3A_940 : vector<16xf32>, vector<16xi1> -> vector<16xf32>
      %reduce_or3A_942 = vector.extract %reduce_or3A_941[15] : f32 from vector<16xf32>
      %reduce_or3A_943 = arith.constant 0.000000e+00 : f32
      %reduce_or3A_944 = arith.cmpf ogt, %reduce_or3A_942, %reduce_or3A_943 : f32
      %convert_element_type3A_945 = arith.extui %reduce_or3A_944 : i1 to i32
      %swap3A_946 = arith.constant 1 : i32
      %swap3A_947 = arith.index_cast %swap3A_946 : i32 to index
      %swap3A_948 = memref.load %arg17[%swap3A_947] : memref<2xi32, #tpu.memory_space<smem>>
      memref.store %convert_element_type3A_945, %arg17[%swap3A_947] : memref<2xi32, #tpu.memory_space<smem>>
      %convert_element_type3A_949 = arith.extui %reduce_or3A_944 : i1 to i32
      %cond3A_950 = arith.constant 0 : i32
      %cond3A_951 = arith.cmpi ne, %convert_element_type3A_949, %cond3A_950 : i32
      scf.if %cond3A_951 {
        %sub3A_1006 = arith.subf %convert_element_type3A_928, %mul3A_873 : vector<16xf32>
        %sub3A_1007 = arith.subf %convert_element_type3A_930, %mul3A_882 : vector<16xf32>
        %mul3A_1008 = arith.mulf %sub3A_1006, %sub3A_1007 : vector<16xf32>
        %swap3A_1009 = arith.constant 0 : index
        %swap3A_1010 = tpu.vector_load %arg11[%swap3A_1009] {strides = array<i32>} : memref<64xf32, #tpu.memory_space<vmem>>, vector<16xf32>,
        tpu.vector_store %arg11[%swap3A_1009], %mul3A_1008 {strides = array<i32>} : memref<64xf32, #tpu.memory_space<vmem>>, vector<16xf32>,
        %sub3A_1011 = arith.subf %convert_element_type3A_928, %mul3A_873 : vector<16xf32>
        %sub3A_1012 = arith.subf %mul3A_882, %convert_element_type3A_929 : vector<16xf32>
        %mul3A_1013 = arith.mulf %sub3A_1011, %sub3A_1012 : vector<16xf32>
        %swap3A_1014 = arith.constant 16 : index
        %swap3A_1015 = tpu.vector_load %arg11[%swap3A_1014] {strides = array<i32>} : memref<64xf32, #tpu.memory_space<vmem>>, vector<16xf32>,
        tpu.vector_store %arg11[%swap3A_1014], %mul3A_1013 {strides = array<i32>} : memref<64xf32, #tpu.memory_space<vmem>>, vector<16xf32>,
        %sub3A_1016 = arith.subf %mul3A_873, %convert_element_type3A_927 : vector<16xf32>
        %sub3A_1017 = arith.subf %convert_element_type3A_930, %mul3A_882 : vector<16xf32>
        %mul3A_1018 = arith.mulf %sub3A_1016, %sub3A_1017 : vector<16xf32>
        %swap3A_1019 = arith.constant 32 : index
        %swap3A_1020 = tpu.vector_load %arg11[%swap3A_1019] {strides = array<i32>} : memref<64xf32, #tpu.memory_space<vmem>>, vector<16xf32>,
        tpu.vector_store %arg11[%swap3A_1019], %mul3A_1018 {strides = array<i32>} : memref<64xf32, #tpu.memory_space<vmem>>, vector<16xf32>,
        %sub3A_1021 = arith.subf %mul3A_873, %convert_element_type3A_927 : vector<16xf32>
        %sub3A_1022 = arith.subf %mul3A_882, %convert_element_type3A_929 : vector<16xf32>
        %mul3A_1023 = arith.mulf %sub3A_1021, %sub3A_1022 : vector<16xf32>
        %swap3A_1024 = arith.constant 48 : index
        %swap3A_1025 = tpu.vector_load %arg11[%swap3A_1024] {strides = array<i32>} : memref<64xf32, #tpu.memory_space<vmem>>, vector<16xf32>,
        tpu.vector_store %arg11[%swap3A_1024], %mul3A_1023 {strides = array<i32>} : memref<64xf32, #tpu.memory_space<vmem>>, vector<16xf32>,
        %mul3A_1026 = arith.constant 50176 : i32
        %mul3A_1027 = arith.muli %select_n3A_819, %mul3A_1026 : i32
        %mul3A_1028 = arith.constant 224 : i32
        %mul3A_1029 = vector.broadcast %mul3A_1028 : i32 to vector<16xi32>
        %mul3A_1030 = arith.muli %min3A_920, %mul3A_1029 : vector<16xi32>
        %add3A_1031 = vector.broadcast %mul3A_1027 : i32 to vector<16xi32>
        %add3A_1032 = arith.addi %mul3A_1030, %add3A_1031 : vector<16xi32>
        %mul3A_1033 = arith.constant 224 : i32
        %mul3A_1034 = vector.broadcast %mul3A_1033 : i32 to vector<16xi32>
        %mul3A_1035 = arith.muli %min3A_926, %mul3A_1034 : vector<16xi32>
        %add3A_1036 = vector.broadcast %mul3A_1027 : i32 to vector<16xi32>
        %add3A_1037 = arith.addi %mul3A_1035, %add3A_1036 : vector<16xi32>
        %add3A_1038 = arith.addi %add3A_1032, %min3A_908 : vector<16xi32>
        %swap3A_1039 = arith.constant 0 : index
        %swap3A_1040 = tpu.vector_load %arg9[%swap3A_1039] {strides = array<i32>} : memref<64xi32, #tpu.memory_space<vmem>>, vector<16xi32>,
        tpu.vector_store %arg9[%swap3A_1039], %add3A_1038 {strides = array<i32>} : memref<64xi32, #tpu.memory_space<vmem>>, vector<16xi32>,
        %add3A_1041 = arith.addi %add3A_1037, %min3A_908 : vector<16xi32>
        %swap3A_1042 = arith.constant 16 : index
        %swap3A_1043 = tpu.vector_load %arg9[%swap3A_1042] {strides = array<i32>} : memref<64xi32, #tpu.memory_space<vmem>>, vector<16xi32>,
        tpu.vector_store %arg9[%swap3A_1042], %add3A_1041 {strides = array<i32>} : memref<64xi32, #tpu.memory_space<vmem>>, vector<16xi32>,
        %add3A_1044 = arith.addi %add3A_1032, %min3A_914 : vector<16xi32>
        %swap3A_1045 = arith.constant 32 : index
        %swap3A_1046 = tpu.vector_load %arg9[%swap3A_1045] {strides = array<i32>} : memref<64xi32, #tpu.memory_space<vmem>>, vector<16xi32>,
        tpu.vector_store %arg9[%swap3A_1045], %add3A_1044 {strides = array<i32>} : memref<64xi32, #tpu.memory_space<vmem>>, vector<16xi32>,
        %add3A_1047 = arith.addi %add3A_1037, %min3A_914 : vector<16xi32>
        %swap3A_1048 = arith.constant 48 : index
        %swap3A_1049 = tpu.vector_load %arg9[%swap3A_1048] {strides = array<i32>} : memref<64xi32, #tpu.memory_space<vmem>>, vector<16xi32>,
        tpu.vector_store %arg9[%swap3A_1048], %add3A_1047 {strides = array<i32>} : memref<64xi32, #tpu.memory_space<vmem>>, vector<16xi32>,
        %dma_start3A = arith.constant 0 : i32
        %dma_start3A_1050 = arith.constant 0 : i32
        %dma_start3A_1051 = tpu.memref_slice %arg2[%dma_start3A, %dma_start3A_1050] : memref<200704x384xf32, #tpu.memory_space<hbm>> -> memref<200704x384xf32, #tpu.memory_space<hbm>>
        tpu.enqueue_indirect_dma source(%dma_start3A_1051 : memref<200704x384xf32, #tpu.memory_space<hbm>>) target(%arg13 : memref<64x384xf32, #tpu.memory_space<vmem>>) offsets(%arg9 : memref<64xi32, #tpu.memory_space<vmem>>) semaphore(%arg19 : memref<!tpu.dma_semaphore, #tpu.memory_space<semaphore_mem>>)
      } else {
      }
      %gt3A_952 = arith.constant 0 : i32
      %gt3A_953 = arith.cmpi sgt, %scan3A_760, %gt3A_952 : i32
      %mul3A_954 = arith.constant 32 : i32
      %mul3A_955 = arith.muli %mul3A_954, %mul3A_763 : i32
      %add3A_956 = arith.addi %add3A, %mul3A_955 : i32
      %mul3A_957 = arith.constant 16 : i32
      %mul3A_958 = arith.muli %add3A_956, %mul3A_957 : i32
      %convert_element_type3A_959 = arith.extui %gt3A_953 : i1 to i32
      %cond3A_960 = arith.constant 0 : i32
      %cond3A_961 = arith.cmpi ne, %convert_element_type3A_959, %cond3A_960 : i32
      scf.if %cond3A_961 {
        %dma_wait3A_1006 = arith.constant 0 : i32
        %dma_wait3A_1007 = arith.constant 0 : i32
        %dma_wait3A_1008 = tpu.memref_slice %arg5[%dma_wait3A_1006, %dma_wait3A_1007] : memref<200704x384xf32, #tpu.memory_space<hbm>> -> memref<16x384xf32, #tpu.memory_space<hbm>>
        %dma_wait3A_1009 = arith.constant 0 : i32
        %dma_wait3A_1010 = arith.constant 0 : i32
        %dma_wait3A_1011 = tpu.memref_slice %arg5[%dma_wait3A_1009, %dma_wait3A_1010] : memref<200704x384xf32, #tpu.memory_space<hbm>> -> memref<16x384xf32, #tpu.memory_space<hbm>>
        tpu.wait_dma2 semaphore(%arg20 : memref<!tpu.dma_semaphore, #tpu.memory_space<semaphore_mem>>) src(%arg16 : memref<16x384xf32, #tpu.memory_space<vmem>>) dst(%dma_wait3A_1011 : memref<16x384xf32, #tpu.memory_space<hbm>>)
      } else {
      }
      %get3A_962 = arith.constant 0 : i32
      %get3A_963 = arith.index_cast %get3A_962 : i32 to index
      %get3A_964 = memref.load %arg17[%get3A_963] : memref<2xi32, #tpu.memory_space<smem>>
      %ne3A_965 = arith.constant 0 : i32
      %ne3A_966 = arith.cmpi ne, %get3A_964, %ne3A_965 : i32
      %convert_element_type3A_967 = arith.extui %ne3A_966 : i1 to i32
      %cond3A_968 = arith.constant 0 : i32
      %cond3A_969 = arith.cmpi ne, %convert_element_type3A_967, %cond3A_968 : i32
      scf.if %cond3A_969 {
        %dma_wait3A_1006 = arith.constant 0 : i32
        %dma_wait3A_1007 = arith.constant 0 : i32
        %dma_wait3A_1008 = tpu.memref_slice %arg2[%dma_wait3A_1006, %dma_wait3A_1007] : memref<200704x384xf32, #tpu.memory_space<hbm>> -> memref<64x384xf32, #tpu.memory_space<hbm>>
        %dma_wait3A_1009 = arith.constant 0 : i32
        %dma_wait3A_1010 = arith.constant 0 : i32
        %dma_wait3A_1011 = tpu.memref_slice %arg2[%dma_wait3A_1009, %dma_wait3A_1010] : memref<200704x384xf32, #tpu.memory_space<hbm>> -> memref<64x384xf32, #tpu.memory_space<hbm>>
        tpu.wait_dma2 semaphore(%arg18 : memref<!tpu.dma_semaphore, #tpu.memory_space<semaphore_mem>>) src(%dma_wait3A_1011 : memref<64x384xf32, #tpu.memory_space<hbm>>) dst(%arg12 : memref<64x384xf32, #tpu.memory_space<vmem>>)
        %scan3A_1012 = arith.constant 0 : i32
        %scan3A_1013 = arith.constant 0 : i32
        %scan3A_1014 = arith.constant 16 : i32
        %scan3A_1015 = arith.addi %scan3A_1013, %scan3A_1014 : i32
        %scan3A_1016 = arith.constant 1 : i32
        %scan3A_1017 = scf.for %scan3A_1022 = %scan3A_1013 to %scan3A_1015 step %scan3A_1016 iter_args(%scan3A_1023 = %scan3A_1012) -> (i32)  : i32 {
          %broadcast_in_dim3A_1024 = vector.broadcast %scan3A_1022 : i32 to vector<16xi32>
          %gather3A_1025 = tpu.vector_load_idx %arg10[%broadcast_in_dim3A_1024] : memref<64xf32, #tpu.memory_space<vmem>>[vector<16xi32>], vector<16xf32>,
          %add3A_1026 = arith.constant 16 : i32
          %add3A_1027 = vector.broadcast %add3A_1026 : i32 to vector<16xi32>
          %add3A_1028 = arith.addi %broadcast_in_dim3A_1024, %add3A_1027 : vector<16xi32>
          %gather3A_1029 = tpu.vector_load_idx %arg10[%add3A_1028] : memref<64xf32, #tpu.memory_space<vmem>>[vector<16xi32>], vector<16xf32>,
          %add3A_1030 = arith.constant 32 : i32
          %add3A_1031 = vector.broadcast %add3A_1030 : i32 to vector<16xi32>
          %add3A_1032 = arith.addi %broadcast_in_dim3A_1024, %add3A_1031 : vector<16xi32>
          %gather3A_1033 = tpu.vector_load_idx %arg10[%add3A_1032] : memref<64xf32, #tpu.memory_space<vmem>>[vector<16xi32>], vector<16xf32>,
          %add3A_1034 = arith.constant 48 : i32
          %add3A_1035 = vector.broadcast %add3A_1034 : i32 to vector<16xi32>
          %add3A_1036 = arith.addi %broadcast_in_dim3A_1024, %add3A_1035 : vector<16xi32>
          %gather3A_1037 = tpu.vector_load_idx %arg10[%add3A_1036] : memref<64xf32, #tpu.memory_space<vmem>>[vector<16xi32>], vector<16xf32>,
          %get3A_1038 = arith.index_cast %scan3A_1022 : i32 to index
          %get3A_1039 = arith.constant 0 : index
          %get3A_1040 = tpu.vector_load %arg12[%get3A_1038, %get3A_1039] {strides = array<i32>} : memref<64x384xf32, #tpu.memory_space<vmem>>, vector<16xf32>,
          %mul3A_1041 = arith.mulf %gather3A_1025, %get3A_1040 : vector<16xf32>
          %add3A_1042 = arith.constant 16 : i32
          %add3A_1043 = arith.addi %add3A_1042, %scan3A_1022 : i32
          %get3A_1044 = arith.index_cast %add3A_1043 : i32 to index
          %get3A_1045 = arith.constant 0 : index
          %get3A_1046 = tpu.vector_load %arg12[%get3A_1044, %get3A_1045] {strides = array<i32>} : memref<64x384xf32, #tpu.memory_space<vmem>>, vector<16xf32>,
          %mul3A_1047 = arith.mulf %gather3A_1029, %get3A_1046 : vector<16xf32>
          %add3A_1048 = arith.addf %mul3A_1041, %mul3A_1047 : vector<16xf32>
          %add3A_1049 = arith.constant 32 : i32
          %add3A_1050 = arith.addi %add3A_1049, %scan3A_1022 : i32
          %get3A_1051 = arith.index_cast %add3A_1050 : i32 to index
          %get3A_1052 = arith.constant 0 : index
          %get3A_1053 = tpu.vector_load %arg12[%get3A_1051, %get3A_1052] {strides = array<i32>} : memref<64x384xf32, #tpu.memory_space<vmem>>, vector<16xf32>,
          %mul3A_1054 = arith.mulf %gather3A_1033, %get3A_1053 : vector<16xf32>
          %add3A_1055 = arith.addf %add3A_1048, %mul3A_1054 : vector<16xf32>
          %add3A_1056 = arith.constant 48 : i32
          %add3A_1057 = arith.addi %add3A_1056, %scan3A_1022 : i32
          %get3A_1058 = arith.index_cast %add3A_1057 : i32 to index
          %get3A_1059 = arith.constant 0 : index
          %get3A_1060 = tpu.vector_load %arg12[%get3A_1058, %get3A_1059] {strides = array<i32>} : memref<64x384xf32, #tpu.memory_space<vmem>>, vector<16xf32>,
          %mul3A_1061 = arith.mulf %gather3A_1037, %get3A_1060 : vector<16xf32>
          %add3A_1062 = arith.addf %add3A_1055, %mul3A_1061 : vector<16xf32>
          %swap3A_1063 = arith.index_cast %scan3A_1022 : i32 to index
          %swap3A_1064 = arith.constant 0 : index
          %swap3A_1065 = tpu.vector_load %arg14[%swap3A_1063, %swap3A_1064] {strides = array<i32>} : memref<16x384xf32, #tpu.memory_space<vmem>>, vector<16xf32>,
          tpu.vector_store %arg14[%swap3A_1063, %swap3A_1064], %add3A_1062 {strides = array<i32>} : memref<16x384xf32, #tpu.memory_space<vmem>>, vector<16xf32>,
          %get3A_1066 = arith.index_cast %scan3A_1022 : i32 to index
          %get3A_1067 = arith.constant 16 : index
          %get3A_1068 = tpu.vector_load %arg12[%get3A_1066, %get3A_1067] {strides = array<i32>} : memref<64x384xf32, #tpu.memory_space<vmem>>, vector<16xf32>,
          %mul3A_1069 = arith.mulf %gather3A_1025, %get3A_1068 : vector<16xf32>
          %add3A_1070 = arith.constant 16 : i32
          %add3A_1071 = arith.addi %add3A_1070, %scan3A_1022 : i32
          %get3A_1072 = arith.index_cast %add3A_1071 : i32 to index
          %get3A_1073 = arith.constant 16 : index
          %get3A_1074 = tpu.vector_load %arg12[%get3A_1072, %get3A_1073] {strides = array<i32>} : memref<64x384xf32, #tpu.memory_space<vmem>>, vector<16xf32>,
          %mul3A_1075 = arith.mulf %gather3A_1029, %get3A_1074 : vector<16xf32>
          %add3A_1076 = arith.addf %mul3A_1069, %mul3A_1075 : vector<16xf32>
          %add3A_1077 = arith.constant 32 : i32
          %add3A_1078 = arith.addi %add3A_1077, %scan3A_1022 : i32
          %get3A_1079 = arith.index_cast %add3A_1078 : i32 to index
          %get3A_1080 = arith.constant 16 : index
          %get3A_1081 = tpu.vector_load %arg12[%get3A_1079, %get3A_1080] {strides = array<i32>} : memref<64x384xf32, #tpu.memory_space<vmem>>, vector<16xf32>,
          %mul3A_1082 = arith.mulf %gather3A_1033, %get3A_1081 : vector<16xf32>
          %add3A_1083 = arith.addf %add3A_1076, %mul3A_1082 : vector<16xf32>
          %add3A_1084 = arith.constant 48 : i32
          %add3A_1085 = arith.addi %add3A_1084, %scan3A_1022 : i32
          %get3A_1086 = arith.index_cast %add3A_1085 : i32 to index
          %get3A_1087 = arith.constant 16 : index
          %get3A_1088 = tpu.vector_load %arg12[%get3A_1086, %get3A_1087] {strides = array<i32>} : memref<64x384xf32, #tpu.memory_space<vmem>>, vector<16xf32>,
          %mul3A_1089 = arith.mulf %gather3A_1037, %get3A_1088 : vector<16xf32>
          %add3A_1090 = arith.addf %add3A_1083, %mul3A_1089 : vector<16xf32>
          %swap3A_1091 = arith.index_cast %scan3A_1022 : i32 to index
          %swap3A_1092 = arith.constant 16 : index
          %swap3A_1093 = tpu.vector_load %arg14[%swap3A_1091, %swap3A_1092] {strides = array<i32>} : memref<16x384xf32, #tpu.memory_space<vmem>>, vector<16xf32>,
          tpu.vector_store %arg14[%swap3A_1091, %swap3A_1092], %add3A_1090 {strides = array<i32>} : memref<16x384xf32, #tpu.memory_space<vmem>>, vector<16xf32>,
          %get3A_1094 = arith.index_cast %scan3A_1022 : i32 to index
          %get3A_1095 = arith.constant 32 : index
          %get3A_1096 = tpu.vector_load %arg12[%get3A_1094, %get3A_1095] {strides = array<i32>} : memref<64x384xf32, #tpu.memory_space<vmem>>, vector<16xf32>,
          %mul3A_1097 = arith.mulf %gather3A_1025, %get3A_1096 : vector<16xf32>
          %add3A_1098 = arith.constant 16 : i32
          %add3A_1099 = arith.addi %add3A_1098, %scan3A_1022 : i32
          %get3A_1100 = arith.index_cast %add3A_1099 : i32 to index
          %get3A_1101 = arith.constant 32 : index
          %get3A_1102 = tpu.vector_load %arg12[%get3A_1100, %get3A_1101] {strides = array<i32>} : memref<64x384xf32, #tpu.memory_space<vmem>>, vector<16xf32>,
          %mul3A_1103 = arith.mulf %gather3A_1029, %get3A_1102 : vector<16xf32>
          %add3A_1104 = arith.addf %mul3A_1097, %mul3A_1103 : vector<16xf32>
          %add3A_1105 = arith.constant 32 : i32
          %add3A_1106 = arith.addi %add3A_1105, %scan3A_1022 : i32
          %get3A_1107 = arith.index_cast %add3A_1106 : i32 to index
          %get3A_1108 = arith.constant 32 : index
          %get3A_1109 = tpu.vector_load %arg12[%get3A_1107, %get3A_1108] {strides = array<i32>} : memref<64x384xf32, #tpu.memory_space<vmem>>, vector<16xf32>,
          %mul3A_1110 = arith.mulf %gather3A_1033, %get3A_1109 : vector<16xf32>
          %add3A_1111 = arith.addf %add3A_1104, %mul3A_1110 : vector<16xf32>
          %add3A_1112 = arith.constant 48 : i32
          %add3A_1113 = arith.addi %add3A_1112, %scan3A_1022 : i32
          %get3A_1114 = arith.index_cast %add3A_1113 : i32 to index
          %get3A_1115 = arith.constant 32 : index
          %get3A_1116 = tpu.vector_load %arg12[%get3A_1114, %get3A_1115] {strides = array<i32>} : memref<64x384xf32, #tpu.memory_space<vmem>>, vector<16xf32>,
          %mul3A_1117 = arith.mulf %gather3A_1037, %get3A_1116 : vector<16xf32>
          %add3A_1118 = arith.addf %add3A_1111, %mul3A_1117 : vector<16xf32>
          %swap3A_1119 = arith.index_cast %scan3A_1022 : i32 to index
          %swap3A_1120 = arith.constant 32 : index
          %swap3A_1121 = tpu.vector_load %arg14[%swap3A_1119, %swap3A_1120] {strides = array<i32>} : memref<16x384xf32, #tpu.memory_space<vmem>>, vector<16xf32>,
          tpu.vector_store %arg14[%swap3A_1119, %swap3A_1120], %add3A_1118 {strides = array<i32>} : memref<16x384xf32, #tpu.memory_space<vmem>>, vector<16xf32>,
          %get3A_1122 = arith.index_cast %scan3A_1022 : i32 to index
          %get3A_1123 = arith.constant 48 : index
          %get3A_1124 = tpu.vector_load %arg12[%get3A_1122, %get3A_1123] {strides = array<i32>} : memref<64x384xf32, #tpu.memory_space<vmem>>, vector<16xf32>,
          %mul3A_1125 = arith.mulf %gather3A_1025, %get3A_1124 : vector<16xf32>
          %add3A_1126 = arith.constant 16 : i32
          %add3A_1127 = arith.addi %add3A_1126, %scan3A_1022 : i32
          %get3A_1128 = arith.index_cast %add3A_1127 : i32 to index
          %get3A_1129 = arith.constant 48 : index
          %get3A_1130 = tpu.vector_load %arg12[%get3A_1128, %get3A_1129] {strides = array<i32>} : memref<64x384xf32, #tpu.memory_space<vmem>>, vector<16xf32>,
          %mul3A_1131 = arith.mulf %gather3A_1029, %get3A_1130 : vector<16xf32>
          %add3A_1132 = arith.addf %mul3A_1125, %mul3A_1131 : vector<16xf32>
          %add3A_1133 = arith.constant 32 : i32
          %add3A_1134 = arith.addi %add3A_1133, %scan3A_1022 : i32
          %get3A_1135 = arith.index_cast %add3A_1134 : i32 to index
          %get3A_1136 = arith.constant 48 : index
          %get3A_1137 = tpu.vector_load %arg12[%get3A_1135, %get3A_1136] {strides = array<i32>} : memref<64x384xf32, #tpu.memory_space<vmem>>, vector<16xf32>,
          %mul3A_1138 = arith.mulf %gather3A_1033, %get3A_1137 : vector<16xf32>
          %add3A_1139 = arith.addf %add3A_1132, %mul3A_1138 : vector<16xf32>
          %add3A_1140 = arith.constant 48 : i32
          %add3A_1141 = arith.addi %add3A_1140, %scan3A_1022 : i32
          %get3A_1142 = arith.index_cast %add3A_1141 : i32 to index
          %get3A_1143 = arith.constant 48 : index
          %get3A_1144 = tpu.vector_load %arg12[%get3A_1142, %get3A_1143] {strides = array<i32>} : memref<64x384xf32, #tpu.memory_space<vmem>>, vector<16xf32>,
          %mul3A_1145 = arith.mulf %gather3A_1037, %get3A_1144 : vector<16xf32>
          %add3A_1146 = arith.addf %add3A_1139, %mul3A_1145 : vector<16xf32>
          %swap3A_1147 = arith.index_cast %scan3A_1022 : i32 to index
          %swap3A_1148 = arith.constant 48 : index
          %swap3A_1149 = tpu.vector_load %arg14[%swap3A_1147, %swap3A_1148] {strides = array<i32>} : memref<16x384xf32, #tpu.memory_space<vmem>>, vector<16xf32>,
          tpu.vector_store %arg14[%swap3A_1147, %swap3A_1148], %add3A_1146 {strides = array<i32>} : memref<16x384xf32, #tpu.memory_space<vmem>>, vector<16xf32>,
          %get3A_1150 = arith.index_cast %scan3A_1022 : i32 to index
          %get3A_1151 = arith.constant 64 : index
          %get3A_1152 = tpu.vector_load %arg12[%get3A_1150, %get3A_1151] {strides = array<i32>} : memref<64x384xf32, #tpu.memory_space<vmem>>, vector<16xf32>,
          %mul3A_1153 = arith.mulf %gather3A_1025, %get3A_1152 : vector<16xf32>
          %add3A_1154 = arith.constant 16 : i32
          %add3A_1155 = arith.addi %add3A_1154, %scan3A_1022 : i32
          %get3A_1156 = arith.index_cast %add3A_1155 : i32 to index
          %get3A_1157 = arith.constant 64 : index
          %get3A_1158 = tpu.vector_load %arg12[%get3A_1156, %get3A_1157] {strides = array<i32>} : memref<64x384xf32, #tpu.memory_space<vmem>>, vector<16xf32>,
          %mul3A_1159 = arith.mulf %gather3A_1029, %get3A_1158 : vector<16xf32>
          %add3A_1160 = arith.addf %mul3A_1153, %mul3A_1159 : vector<16xf32>
          %add3A_1161 = arith.constant 32 : i32
          %add3A_1162 = arith.addi %add3A_1161, %scan3A_1022 : i32
          %get3A_1163 = arith.index_cast %add3A_1162 : i32 to index
          %get3A_1164 = arith.constant 64 : index
          %get3A_1165 = tpu.vector_load %arg12[%get3A_1163, %get3A_1164] {strides = array<i32>} : memref<64x384xf32, #tpu.memory_space<vmem>>, vector<16xf32>,
          %mul3A_1166 = arith.mulf %gather3A_1033, %get3A_1165 : vector<16xf32>
          %add3A_1167 = arith.addf %add3A_1160, %mul3A_1166 : vector<16xf32>
          %add3A_1168 = arith.constant 48 : i32
          %add3A_1169 = arith.addi %add3A_1168, %scan3A_1022 : i32
          %get3A_1170 = arith.index_cast %add3A_1169 : i32 to index
          %get3A_1171 = arith.constant 64 : index
          %get3A_1172 = tpu.vector_load %arg12[%get3A_1170, %get3A_1171] {strides = array<i32>} : memref<64x384xf32, #tpu.memory_space<vmem>>, vector<16xf32>,
          %mul3A_1173 = arith.mulf %gather3A_1037, %get3A_1172 : vector<16xf32>
          %add3A_1174 = arith.addf %add3A_1167, %mul3A_1173 : vector<16xf32>
          %swap3A_1175 = arith.index_cast %scan3A_1022 : i32 to index
          %swap3A_1176 = arith.constant 64 : index
          %swap3A_1177 = tpu.vector_load %arg14[%swap3A_1175, %swap3A_1176] {strides = array<i32>} : memref<16x384xf32, #tpu.memory_space<vmem>>, vector<16xf32>,
          tpu.vector_store %arg14[%swap3A_1175, %swap3A_1176], %add3A_1174 {strides = array<i32>} : memref<16x384xf32, #tpu.memory_space<vmem>>, vector<16xf32>,
          %get3A_1178 = arith.index_cast %scan3A_1022 : i32 to index
          %get3A_1179 = arith.constant 80 : index
          %get3A_1180 = tpu.vector_load %arg12[%get3A_1178, %get3A_1179] {strides = array<i32>} : memref<64x384xf32, #tpu.memory_space<vmem>>, vector<16xf32>,
          %mul3A_1181 = arith.mulf %gather3A_1025, %get3A_1180 : vector<16xf32>
          %add3A_1182 = arith.constant 16 : i32
          %add3A_1183 = arith.addi %add3A_1182, %scan3A_1022 : i32
          %get3A_1184 = arith.index_cast %add3A_1183 : i32 to index
          %get3A_1185 = arith.constant 80 : index
          %get3A_1186 = tpu.vector_load %arg12[%get3A_1184, %get3A_1185] {strides = array<i32>} : memref<64x384xf32, #tpu.memory_space<vmem>>, vector<16xf32>,
          %mul3A_1187 = arith.mulf %gather3A_1029, %get3A_1186 : vector<16xf32>
          %add3A_1188 = arith.addf %mul3A_1181, %mul3A_1187 : vector<16xf32>
          %add3A_1189 = arith.constant 32 : i32
          %add3A_1190 = arith.addi %add3A_1189, %scan3A_1022 : i32
          %get3A_1191 = arith.index_cast %add3A_1190 : i32 to index
          %get3A_1192 = arith.constant 80 : index
          %get3A_1193 = tpu.vector_load %arg12[%get3A_1191, %get3A_1192] {strides = array<i32>} : memref<64x384xf32, #tpu.memory_space<vmem>>, vector<16xf32>,
          %mul3A_1194 = arith.mulf %gather3A_1033, %get3A_1193 : vector<16xf32>
          %add3A_1195 = arith.addf %add3A_1188, %mul3A_1194 : vector<16xf32>
          %add3A_1196 = arith.constant 48 : i32
          %add3A_1197 = arith.addi %add3A_1196, %scan3A_1022 : i32
          %get3A_1198 = arith.index_cast %add3A_1197 : i32 to index
          %get3A_1199 = arith.constant 80 : index
          %get3A_1200 = tpu.vector_load %arg12[%get3A_1198, %get3A_1199] {strides = array<i32>} : memref<64x384xf32, #tpu.memory_space<vmem>>, vector<16xf32>,
          %mul3A_1201 = arith.mulf %gather3A_1037, %get3A_1200 : vector<16xf32>
          %add3A_1202 = arith.addf %add3A_1195, %mul3A_1201 : vector<16xf32>
          %swap3A_1203 = arith.index_cast %scan3A_1022 : i32 to index
          %swap3A_1204 = arith.constant 80 : index
          %swap3A_1205 = tpu.vector_load %arg14[%swap3A_1203, %swap3A_1204] {strides = array<i32>} : memref<16x384xf32, #tpu.memory_space<vmem>>, vector<16xf32>,
          tpu.vector_store %arg14[%swap3A_1203, %swap3A_1204], %add3A_1202 {strides = array<i32>} : memref<16x384xf32, #tpu.memory_space<vmem>>, vector<16xf32>,
          %get3A_1206 = arith.index_cast %scan3A_1022 : i32 to index
          %get3A_1207 = arith.constant 96 : index
          %get3A_1208 = tpu.vector_load %arg12[%get3A_1206, %get3A_1207] {strides = array<i32>} : memref<64x384xf32, #tpu.memory_space<vmem>>, vector<16xf32>,
          %mul3A_1209 = arith.mulf %gather3A_1025, %get3A_1208 : vector<16xf32>
          %add3A_1210 = arith.constant 16 : i32
          %add3A_1211 = arith.addi %add3A_1210, %scan3A_1022 : i32
          %get3A_1212 = arith.index_cast %add3A_1211 : i32 to index
          %get3A_1213 = arith.constant 96 : index
          %get3A_1214 = tpu.vector_load %arg12[%get3A_1212, %get3A_1213] {strides = array<i32>} : memref<64x384xf32, #tpu.memory_space<vmem>>, vector<16xf32>,
          %mul3A_1215 = arith.mulf %gather3A_1029, %get3A_1214 : vector<16xf32>
          %add3A_1216 = arith.addf %mul3A_1209, %mul3A_1215 : vector<16xf32>
          %add3A_1217 = arith.constant 32 : i32
          %add3A_1218 = arith.addi %add3A_1217, %scan3A_1022 : i32
          %get3A_1219 = arith.index_cast %add3A_1218 : i32 to index
          %get3A_1220 = arith.constant 96 : index
          %get3A_1221 = tpu.vector_load %arg12[%get3A_1219, %get3A_1220] {strides = array<i32>} : memref<64x384xf32, #tpu.memory_space<vmem>>, vector<16xf32>,
          %mul3A_1222 = arith.mulf %gather3A_1033, %get3A_1221 : vector<16xf32>
          %add3A_1223 = arith.addf %add3A_1216, %mul3A_1222 : vector<16xf32>
          %add3A_1224 = arith.constant 48 : i32
          %add3A_1225 = arith.addi %add3A_1224, %scan3A_1022 : i32
          %get3A_1226 = arith.index_cast %add3A_1225 : i32 to index
          %get3A_1227 = arith.constant 96 : index
          %get3A_1228 = tpu.vector_load %arg12[%get3A_1226, %get3A_1227] {strides = array<i32>} : memref<64x384xf32, #tpu.memory_space<vmem>>, vector<16xf32>,
          %mul3A_1229 = arith.mulf %gather3A_1037, %get3A_1228 : vector<16xf32>
          %add3A_1230 = arith.addf %add3A_1223, %mul3A_1229 : vector<16xf32>
          %swap3A_1231 = arith.index_cast %scan3A_1022 : i32 to index
          %swap3A_1232 = arith.constant 96 : index
          %swap3A_1233 = tpu.vector_load %arg14[%swap3A_1231, %swap3A_1232] {strides = array<i32>} : memref<16x384xf32, #tpu.memory_space<vmem>>, vector<16xf32>,
          tpu.vector_store %arg14[%swap3A_1231, %swap3A_1232], %add3A_1230 {strides = array<i32>} : memref<16x384xf32, #tpu.memory_space<vmem>>, vector<16xf32>,
          %get3A_1234 = arith.index_cast %scan3A_1022 : i32 to index
          %get3A_1235 = arith.constant 112 : index
          %get3A_1236 = tpu.vector_load %arg12[%get3A_1234, %get3A_1235] {strides = array<i32>} : memref<64x384xf32, #tpu.memory_space<vmem>>, vector<16xf32>,
          %mul3A_1237 = arith.mulf %gather3A_1025, %get3A_1236 : vector<16xf32>
          %add3A_1238 = arith.constant 16 : i32
          %add3A_1239 = arith.addi %add3A_1238, %scan3A_1022 : i32
          %get3A_1240 = arith.index_cast %add3A_1239 : i32 to index
          %get3A_1241 = arith.constant 112 : index
          %get3A_1242 = tpu.vector_load %arg12[%get3A_1240, %get3A_1241] {strides = array<i32>} : memref<64x384xf32, #tpu.memory_space<vmem>>, vector<16xf32>,
          %mul3A_1243 = arith.mulf %gather3A_1029, %get3A_1242 : vector<16xf32>
          %add3A_1244 = arith.addf %mul3A_1237, %mul3A_1243 : vector<16xf32>
          %add3A_1245 = arith.constant 32 : i32
          %add3A_1246 = arith.addi %add3A_1245, %scan3A_1022 : i32
          %get3A_1247 = arith.index_cast %add3A_1246 : i32 to index
          %get3A_1248 = arith.constant 112 : index
          %get3A_1249 = tpu.vector_load %arg12[%get3A_1247, %get3A_1248] {strides = array<i32>} : memref<64x384xf32, #tpu.memory_space<vmem>>, vector<16xf32>,
          %mul3A_1250 = arith.mulf %gather3A_1033, %get3A_1249 : vector<16xf32>
          %add3A_1251 = arith.addf %add3A_1244, %mul3A_1250 : vector<16xf32>
          %add3A_1252 = arith.constant 48 : i32
          %add3A_1253 = arith.addi %add3A_1252, %scan3A_1022 : i32
          %get3A_1254 = arith.index_cast %add3A_1253 : i32 to index
          %get3A_1255 = arith.constant 112 : index
          %get3A_1256 = tpu.vector_load %arg12[%get3A_1254, %get3A_1255] {strides = array<i32>} : memref<64x384xf32, #tpu.memory_space<vmem>>, vector<16xf32>,
          %mul3A_1257 = arith.mulf %gather3A_1037, %get3A_1256 : vector<16xf32>
          %add3A_1258 = arith.addf %add3A_1251, %mul3A_1257 : vector<16xf32>
          %swap3A_1259 = arith.index_cast %scan3A_1022 : i32 to index
          %swap3A_1260 = arith.constant 112 : index
          %swap3A_1261 = tpu.vector_load %arg14[%swap3A_1259, %swap3A_1260] {strides = array<i32>} : memref<16x384xf32, #tpu.memory_space<vmem>>, vector<16xf32>,
          tpu.vector_store %arg14[%swap3A_1259, %swap3A_1260], %add3A_1258 {strides = array<i32>} : memref<16x384xf32, #tpu.memory_space<vmem>>, vector<16xf32>,
          %get3A_1262 = arith.index_cast %scan3A_1022 : i32 to index
          %get3A_1263 = arith.constant 128 : index
          %get3A_1264 = tpu.vector_load %arg12[%get3A_1262, %get3A_1263] {strides = array<i32>} : memref<64x384xf32, #tpu.memory_space<vmem>>, vector<16xf32>,
          %mul3A_1265 = arith.mulf %gather3A_1025, %get3A_1264 : vector<16xf32>
          %add3A_1266 = arith.constant 16 : i32
          %add3A_1267 = arith.addi %add3A_1266, %scan3A_1022 : i32
          %get3A_1268 = arith.index_cast %add3A_1267 : i32 to index
          %get3A_1269 = arith.constant 128 : index
          %get3A_1270 = tpu.vector_load %arg12[%get3A_1268, %get3A_1269] {strides = array<i32>} : memref<64x384xf32, #tpu.memory_space<vmem>>, vector<16xf32>,
          %mul3A_1271 = arith.mulf %gather3A_1029, %get3A_1270 : vector<16xf32>
          %add3A_1272 = arith.addf %mul3A_1265, %mul3A_1271 : vector<16xf32>
          %add3A_1273 = arith.constant 32 : i32
          %add3A_1274 = arith.addi %add3A_1273, %scan3A_1022 : i32
          %get3A_1275 = arith.index_cast %add3A_1274 : i32 to index
          %get3A_1276 = arith.constant 128 : index
          %get3A_1277 = tpu.vector_load %arg12[%get3A_1275, %get3A_1276] {strides = array<i32>} : memref<64x384xf32, #tpu.memory_space<vmem>>, vector<16xf32>,
          %mul3A_1278 = arith.mulf %gather3A_1033, %get3A_1277 : vector<16xf32>
          %add3A_1279 = arith.addf %add3A_1272, %mul3A_1278 : vector<16xf32>
          %add3A_1280 = arith.constant 48 : i32
          %add3A_1281 = arith.addi %add3A_1280, %scan3A_1022 : i32
          %get3A_1282 = arith.index_cast %add3A_1281 : i32 to index
          %get3A_1283 = arith.constant 128 : index
          %get3A_1284 = tpu.vector_load %arg12[%get3A_1282, %get3A_1283] {strides = array<i32>} : memref<64x384xf32, #tpu.memory_space<vmem>>, vector<16xf32>,
          %mul3A_1285 = arith.mulf %gather3A_1037, %get3A_1284 : vector<16xf32>
          %add3A_1286 = arith.addf %add3A_1279, %mul3A_1285 : vector<16xf32>
          %swap3A_1287 = arith.index_cast %scan3A_1022 : i32 to index
          %swap3A_1288 = arith.constant 128 : index
          %swap3A_1289 = tpu.vector_load %arg14[%swap3A_1287, %swap3A_1288] {strides = array<i32>} : memref<16x384xf32, #tpu.memory_space<vmem>>, vector<16xf32>,
          tpu.vector_store %arg14[%swap3A_1287, %swap3A_1288], %add3A_1286 {strides = array<i32>} : memref<16x384xf32, #tpu.memory_space<vmem>>, vector<16xf32>,
          %get3A_1290 = arith.index_cast %scan3A_1022 : i32 to index
          %get3A_1291 = arith.constant 144 : index
          %get3A_1292 = tpu.vector_load %arg12[%get3A_1290, %get3A_1291] {strides = array<i32>} : memref<64x384xf32, #tpu.memory_space<vmem>>, vector<16xf32>,
          %mul3A_1293 = arith.mulf %gather3A_1025, %get3A_1292 : vector<16xf32>
          %add3A_1294 = arith.constant 16 : i32
          %add3A_1295 = arith.addi %add3A_1294, %scan3A_1022 : i32
          %get3A_1296 = arith.index_cast %add3A_1295 : i32 to index
          %get3A_1297 = arith.constant 144 : index
          %get3A_1298 = tpu.vector_load %arg12[%get3A_1296, %get3A_1297] {strides = array<i32>} : memref<64x384xf32, #tpu.memory_space<vmem>>, vector<16xf32>,
          %mul3A_1299 = arith.mulf %gather3A_1029, %get3A_1298 : vector<16xf32>
          %add3A_1300 = arith.addf %mul3A_1293, %mul3A_1299 : vector<16xf32>
          %add3A_1301 = arith.constant 32 : i32
          %add3A_1302 = arith.addi %add3A_1301, %scan3A_1022 : i32
          %get3A_1303 = arith.index_cast %add3A_1302 : i32 to index
          %get3A_1304 = arith.constant 144 : index
          %get3A_1305 = tpu.vector_load %arg12[%get3A_1303, %get3A_1304] {strides = array<i32>} : memref<64x384xf32, #tpu.memory_space<vmem>>, vector<16xf32>,
          %mul3A_1306 = arith.mulf %gather3A_1033, %get3A_1305 : vector<16xf32>
          %add3A_1307 = arith.addf %add3A_1300, %mul3A_1306 : vector<16xf32>
          %add3A_1308 = arith.constant 48 : i32
          %add3A_1309 = arith.addi %add3A_1308, %scan3A_1022 : i32
          %get3A_1310 = arith.index_cast %add3A_1309 : i32 to index
          %get3A_1311 = arith.constant 144 : index
          %get3A_1312 = tpu.vector_load %arg12[%get3A_1310, %get3A_1311] {strides = array<i32>} : memref<64x384xf32, #tpu.memory_space<vmem>>, vector<16xf32>,
          %mul3A_1313 = arith.mulf %gather3A_1037, %get3A_1312 : vector<16xf32>
          %add3A_1314 = arith.addf %add3A_1307, %mul3A_1313 : vector<16xf32>
          %swap3A_1315 = arith.index_cast %scan3A_1022 : i32 to index
          %swap3A_1316 = arith.constant 144 : index
          %swap3A_1317 = tpu.vector_load %arg14[%swap3A_1315, %swap3A_1316] {strides = array<i32>} : memref<16x384xf32, #tpu.memory_space<vmem>>, vector<16xf32>,
          tpu.vector_store %arg14[%swap3A_1315, %swap3A_1316], %add3A_1314 {strides = array<i32>} : memref<16x384xf32, #tpu.memory_space<vmem>>, vector<16xf32>,
          %get3A_1318 = arith.index_cast %scan3A_1022 : i32 to index
          %get3A_1319 = arith.constant 160 : index
          %get3A_1320 = tpu.vector_load %arg12[%get3A_1318, %get3A_1319] {strides = array<i32>} : memref<64x384xf32, #tpu.memory_space<vmem>>, vector<16xf32>,
          %mul3A_1321 = arith.mulf %gather3A_1025, %get3A_1320 : vector<16xf32>
          %add3A_1322 = arith.constant 16 : i32
          %add3A_1323 = arith.addi %add3A_1322, %scan3A_1022 : i32
          %get3A_1324 = arith.index_cast %add3A_1323 : i32 to index
          %get3A_1325 = arith.constant 160 : index
          %get3A_1326 = tpu.vector_load %arg12[%get3A_1324, %get3A_1325] {strides = array<i32>} : memref<64x384xf32, #tpu.memory_space<vmem>>, vector<16xf32>,
          %mul3A_1327 = arith.mulf %gather3A_1029, %get3A_1326 : vector<16xf32>
          %add3A_1328 = arith.addf %mul3A_1321, %mul3A_1327 : vector<16xf32>
          %add3A_1329 = arith.constant 32 : i32
          %add3A_1330 = arith.addi %add3A_1329, %scan3A_1022 : i32
          %get3A_1331 = arith.index_cast %add3A_1330 : i32 to index
          %get3A_1332 = arith.constant 160 : index
          %get3A_1333 = tpu.vector_load %arg12[%get3A_1331, %get3A_1332] {strides = array<i32>} : memref<64x384xf32, #tpu.memory_space<vmem>>, vector<16xf32>,
          %mul3A_1334 = arith.mulf %gather3A_1033, %get3A_1333 : vector<16xf32>
          %add3A_1335 = arith.addf %add3A_1328, %mul3A_1334 : vector<16xf32>
          %add3A_1336 = arith.constant 48 : i32
          %add3A_1337 = arith.addi %add3A_1336, %scan3A_1022 : i32
          %get3A_1338 = arith.index_cast %add3A_1337 : i32 to index
          %get3A_1339 = arith.constant 160 : index
          %get3A_1340 = tpu.vector_load %arg12[%get3A_1338, %get3A_1339] {strides = array<i32>} : memref<64x384xf32, #tpu.memory_space<vmem>>, vector<16xf32>,
          %mul3A_1341 = arith.mulf %gather3A_1037, %get3A_1340 : vector<16xf32>
          %add3A_1342 = arith.addf %add3A_1335, %mul3A_1341 : vector<16xf32>
          %swap3A_1343 = arith.index_cast %scan3A_1022 : i32 to index
          %swap3A_1344 = arith.constant 160 : index
          %swap3A_1345 = tpu.vector_load %arg14[%swap3A_1343, %swap3A_1344] {strides = array<i32>} : memref<16x384xf32, #tpu.memory_space<vmem>>, vector<16xf32>,
          tpu.vector_store %arg14[%swap3A_1343, %swap3A_1344], %add3A_1342 {strides = array<i32>} : memref<16x384xf32, #tpu.memory_space<vmem>>, vector<16xf32>,
          %get3A_1346 = arith.index_cast %scan3A_1022 : i32 to index
          %get3A_1347 = arith.constant 176 : index
          %get3A_1348 = tpu.vector_load %arg12[%get3A_1346, %get3A_1347] {strides = array<i32>} : memref<64x384xf32, #tpu.memory_space<vmem>>, vector<16xf32>,
          %mul3A_1349 = arith.mulf %gather3A_1025, %get3A_1348 : vector<16xf32>
          %add3A_1350 = arith.constant 16 : i32
          %add3A_1351 = arith.addi %add3A_1350, %scan3A_1022 : i32
          %get3A_1352 = arith.index_cast %add3A_1351 : i32 to index
          %get3A_1353 = arith.constant 176 : index
          %get3A_1354 = tpu.vector_load %arg12[%get3A_1352, %get3A_1353] {strides = array<i32>} : memref<64x384xf32, #tpu.memory_space<vmem>>, vector<16xf32>,
          %mul3A_1355 = arith.mulf %gather3A_1029, %get3A_1354 : vector<16xf32>
          %add3A_1356 = arith.addf %mul3A_1349, %mul3A_1355 : vector<16xf32>
          %add3A_1357 = arith.constant 32 : i32
          %add3A_1358 = arith.addi %add3A_1357, %scan3A_1022 : i32
          %get3A_1359 = arith.index_cast %add3A_1358 : i32 to index
          %get3A_1360 = arith.constant 176 : index
          %get3A_1361 = tpu.vector_load %arg12[%get3A_1359, %get3A_1360] {strides = array<i32>} : memref<64x384xf32, #tpu.memory_space<vmem>>, vector<16xf32>,
          %mul3A_1362 = arith.mulf %gather3A_1033, %get3A_1361 : vector<16xf32>
          %add3A_1363 = arith.addf %add3A_1356, %mul3A_1362 : vector<16xf32>
          %add3A_1364 = arith.constant 48 : i32
          %add3A_1365 = arith.addi %add3A_1364, %scan3A_1022 : i32
          %get3A_1366 = arith.index_cast %add3A_1365 : i32 to index
          %get3A_1367 = arith.constant 176 : index
          %get3A_1368 = tpu.vector_load %arg12[%get3A_1366, %get3A_1367] {strides = array<i32>} : memref<64x384xf32, #tpu.memory_space<vmem>>, vector<16xf32>,
          %mul3A_1369 = arith.mulf %gather3A_1037, %get3A_1368 : vector<16xf32>
          %add3A_1370 = arith.addf %add3A_1363, %mul3A_1369 : vector<16xf32>
          %swap3A_1371 = arith.index_cast %scan3A_1022 : i32 to index
          %swap3A_1372 = arith.constant 176 : index
          %swap3A_1373 = tpu.vector_load %arg14[%swap3A_1371, %swap3A_1372] {strides = array<i32>} : memref<16x384xf32, #tpu.memory_space<vmem>>, vector<16xf32>,
          tpu.vector_store %arg14[%swap3A_1371, %swap3A_1372], %add3A_1370 {strides = array<i32>} : memref<16x384xf32, #tpu.memory_space<vmem>>, vector<16xf32>,
          %get3A_1374 = arith.index_cast %scan3A_1022 : i32 to index
          %get3A_1375 = arith.constant 192 : index
          %get3A_1376 = tpu.vector_load %arg12[%get3A_1374, %get3A_1375] {strides = array<i32>} : memref<64x384xf32, #tpu.memory_space<vmem>>, vector<16xf32>,
          %mul3A_1377 = arith.mulf %gather3A_1025, %get3A_1376 : vector<16xf32>
          %add3A_1378 = arith.constant 16 : i32
          %add3A_1379 = arith.addi %add3A_1378, %scan3A_1022 : i32
          %get3A_1380 = arith.index_cast %add3A_1379 : i32 to index
          %get3A_1381 = arith.constant 192 : index
          %get3A_1382 = tpu.vector_load %arg12[%get3A_1380, %get3A_1381] {strides = array<i32>} : memref<64x384xf32, #tpu.memory_space<vmem>>, vector<16xf32>,
          %mul3A_1383 = arith.mulf %gather3A_1029, %get3A_1382 : vector<16xf32>
          %add3A_1384 = arith.addf %mul3A_1377, %mul3A_1383 : vector<16xf32>
          %add3A_1385 = arith.constant 32 : i32
          %add3A_1386 = arith.addi %add3A_1385, %scan3A_1022 : i32
          %get3A_1387 = arith.index_cast %add3A_1386 : i32 to index
          %get3A_1388 = arith.constant 192 : index
          %get3A_1389 = tpu.vector_load %arg12[%get3A_1387, %get3A_1388] {strides = array<i32>} : memref<64x384xf32, #tpu.memory_space<vmem>>, vector<16xf32>,
          %mul3A_1390 = arith.mulf %gather3A_1033, %get3A_1389 : vector<16xf32>
          %add3A_1391 = arith.addf %add3A_1384, %mul3A_1390 : vector<16xf32>
          %add3A_1392 = arith.constant 48 : i32
          %add3A_1393 = arith.addi %add3A_1392, %scan3A_1022 : i32
          %get3A_1394 = arith.index_cast %add3A_1393 : i32 to index
          %get3A_1395 = arith.constant 192 : index
          %get3A_1396 = tpu.vector_load %arg12[%get3A_1394, %get3A_1395] {strides = array<i32>} : memref<64x384xf32, #tpu.memory_space<vmem>>, vector<16xf32>,
          %mul3A_1397 = arith.mulf %gather3A_1037, %get3A_1396 : vector<16xf32>
          %add3A_1398 = arith.addf %add3A_1391, %mul3A_1397 : vector<16xf32>
          %swap3A_1399 = arith.index_cast %scan3A_1022 : i32 to index
          %swap3A_1400 = arith.constant 192 : index
          %swap3A_1401 = tpu.vector_load %arg14[%swap3A_1399, %swap3A_1400] {strides = array<i32>} : memref<16x384xf32, #tpu.memory_space<vmem>>, vector<16xf32>,
          tpu.vector_store %arg14[%swap3A_1399, %swap3A_1400], %add3A_1398 {strides = array<i32>} : memref<16x384xf32, #tpu.memory_space<vmem>>, vector<16xf32>,
          %get3A_1402 = arith.index_cast %scan3A_1022 : i32 to index
          %get3A_1403 = arith.constant 208 : index
          %get3A_1404 = tpu.vector_load %arg12[%get3A_1402, %get3A_1403] {strides = array<i32>} : memref<64x384xf32, #tpu.memory_space<vmem>>, vector<16xf32>,
          %mul3A_1405 = arith.mulf %gather3A_1025, %get3A_1404 : vector<16xf32>
          %add3A_1406 = arith.constant 16 : i32
          %add3A_1407 = arith.addi %add3A_1406, %scan3A_1022 : i32
          %get3A_1408 = arith.index_cast %add3A_1407 : i32 to index
          %get3A_1409 = arith.constant 208 : index
          %get3A_1410 = tpu.vector_load %arg12[%get3A_1408, %get3A_1409] {strides = array<i32>} : memref<64x384xf32, #tpu.memory_space<vmem>>, vector<16xf32>,
          %mul3A_1411 = arith.mulf %gather3A_1029, %get3A_1410 : vector<16xf32>
          %add3A_1412 = arith.addf %mul3A_1405, %mul3A_1411 : vector<16xf32>
          %add3A_1413 = arith.constant 32 : i32
          %add3A_1414 = arith.addi %add3A_1413, %scan3A_1022 : i32
          %get3A_1415 = arith.index_cast %add3A_1414 : i32 to index
          %get3A_1416 = arith.constant 208 : index
          %get3A_1417 = tpu.vector_load %arg12[%get3A_1415, %get3A_1416] {strides = array<i32>} : memref<64x384xf32, #tpu.memory_space<vmem>>, vector<16xf32>,
          %mul3A_1418 = arith.mulf %gather3A_1033, %get3A_1417 : vector<16xf32>
          %add3A_1419 = arith.addf %add3A_1412, %mul3A_1418 : vector<16xf32>
          %add3A_1420 = arith.constant 48 : i32
          %add3A_1421 = arith.addi %add3A_1420, %scan3A_1022 : i32
          %get3A_1422 = arith.index_cast %add3A_1421 : i32 to index
          %get3A_1423 = arith.constant 208 : index
          %get3A_1424 = tpu.vector_load %arg12[%get3A_1422, %get3A_1423] {strides = array<i32>} : memref<64x384xf32, #tpu.memory_space<vmem>>, vector<16xf32>,
          %mul3A_1425 = arith.mulf %gather3A_1037, %get3A_1424 : vector<16xf32>
          %add3A_1426 = arith.addf %add3A_1419, %mul3A_1425 : vector<16xf32>
          %swap3A_1427 = arith.index_cast %scan3A_1022 : i32 to index
          %swap3A_1428 = arith.constant 208 : index
          %swap3A_1429 = tpu.vector_load %arg14[%swap3A_1427, %swap3A_1428] {strides = array<i32>} : memref<16x384xf32, #tpu.memory_space<vmem>>, vector<16xf32>,
          tpu.vector_store %arg14[%swap3A_1427, %swap3A_1428], %add3A_1426 {strides = array<i32>} : memref<16x384xf32, #tpu.memory_space<vmem>>, vector<16xf32>,
          %get3A_1430 = arith.index_cast %scan3A_1022 : i32 to index
          %get3A_1431 = arith.constant 224 : index
          %get3A_1432 = tpu.vector_load %arg12[%get3A_1430, %get3A_1431] {strides = array<i32>} : memref<64x384xf32, #tpu.memory_space<vmem>>, vector<16xf32>,
          %mul3A_1433 = arith.mulf %gather3A_1025, %get3A_1432 : vector<16xf32>
          %add3A_1434 = arith.constant 16 : i32
          %add3A_1435 = arith.addi %add3A_1434, %scan3A_1022 : i32
          %get3A_1436 = arith.index_cast %add3A_1435 : i32 to index
          %get3A_1437 = arith.constant 224 : index
          %get3A_1438 = tpu.vector_load %arg12[%get3A_1436, %get3A_1437] {strides = array<i32>} : memref<64x384xf32, #tpu.memory_space<vmem>>, vector<16xf32>,
          %mul3A_1439 = arith.mulf %gather3A_1029, %get3A_1438 : vector<16xf32>
          %add3A_1440 = arith.addf %mul3A_1433, %mul3A_1439 : vector<16xf32>
          %add3A_1441 = arith.constant 32 : i32
          %add3A_1442 = arith.addi %add3A_1441, %scan3A_1022 : i32
          %get3A_1443 = arith.index_cast %add3A_1442 : i32 to index
          %get3A_1444 = arith.constant 224 : index
          %get3A_1445 = tpu.vector_load %arg12[%get3A_1443, %get3A_1444] {strides = array<i32>} : memref<64x384xf32, #tpu.memory_space<vmem>>, vector<16xf32>,
          %mul3A_1446 = arith.mulf %gather3A_1033, %get3A_1445 : vector<16xf32>
          %add3A_1447 = arith.addf %add3A_1440, %mul3A_1446 : vector<16xf32>
          %add3A_1448 = arith.constant 48 : i32
          %add3A_1449 = arith.addi %add3A_1448, %scan3A_1022 : i32
          %get3A_1450 = arith.index_cast %add3A_1449 : i32 to index
          %get3A_1451 = arith.constant 224 : index
          %get3A_1452 = tpu.vector_load %arg12[%get3A_1450, %get3A_1451] {strides = array<i32>} : memref<64x384xf32, #tpu.memory_space<vmem>>, vector<16xf32>,
          %mul3A_1453 = arith.mulf %gather3A_1037, %get3A_1452 : vector<16xf32>
          %add3A_1454 = arith.addf %add3A_1447, %mul3A_1453 : vector<16xf32>
          %swap3A_1455 = arith.index_cast %scan3A_1022 : i32 to index
          %swap3A_1456 = arith.constant 224 : index
          %swap3A_1457 = tpu.vector_load %arg14[%swap3A_1455, %swap3A_1456] {strides = array<i32>} : memref<16x384xf32, #tpu.memory_space<vmem>>, vector<16xf32>,
          tpu.vector_store %arg14[%swap3A_1455, %swap3A_1456], %add3A_1454 {strides = array<i32>} : memref<16x384xf32, #tpu.memory_space<vmem>>, vector<16xf32>,
          %get3A_1458 = arith.index_cast %scan3A_1022 : i32 to index
          %get3A_1459 = arith.constant 240 : index
          %get3A_1460 = tpu.vector_load %arg12[%get3A_1458, %get3A_1459] {strides = array<i32>} : memref<64x384xf32, #tpu.memory_space<vmem>>, vector<16xf32>,
          %mul3A_1461 = arith.mulf %gather3A_1025, %get3A_1460 : vector<16xf32>
          %add3A_1462 = arith.constant 16 : i32
          %add3A_1463 = arith.addi %add3A_1462, %scan3A_1022 : i32
          %get3A_1464 = arith.index_cast %add3A_1463 : i32 to index
          %get3A_1465 = arith.constant 240 : index
          %get3A_1466 = tpu.vector_load %arg12[%get3A_1464, %get3A_1465] {strides = array<i32>} : memref<64x384xf32, #tpu.memory_space<vmem>>, vector<16xf32>,
          %mul3A_1467 = arith.mulf %gather3A_1029, %get3A_1466 : vector<16xf32>
          %add3A_1468 = arith.addf %mul3A_1461, %mul3A_1467 : vector<16xf32>
          %add3A_1469 = arith.constant 32 : i32
          %add3A_1470 = arith.addi %add3A_1469, %scan3A_1022 : i32
          %get3A_1471 = arith.index_cast %add3A_1470 : i32 to index
          %get3A_1472 = arith.constant 240 : index
          %get3A_1473 = tpu.vector_load %arg12[%get3A_1471, %get3A_1472] {strides = array<i32>} : memref<64x384xf32, #tpu.memory_space<vmem>>, vector<16xf32>,
          %mul3A_1474 = arith.mulf %gather3A_1033, %get3A_1473 : vector<16xf32>
          %add3A_1475 = arith.addf %add3A_1468, %mul3A_1474 : vector<16xf32>
          %add3A_1476 = arith.constant 48 : i32
          %add3A_1477 = arith.addi %add3A_1476, %scan3A_1022 : i32
          %get3A_1478 = arith.index_cast %add3A_1477 : i32 to index
          %get3A_1479 = arith.constant 240 : index
          %get3A_1480 = tpu.vector_load %arg12[%get3A_1478, %get3A_1479] {strides = array<i32>} : memref<64x384xf32, #tpu.memory_space<vmem>>, vector<16xf32>,
          %mul3A_1481 = arith.mulf %gather3A_1037, %get3A_1480 : vector<16xf32>
          %add3A_1482 = arith.addf %add3A_1475, %mul3A_1481 : vector<16xf32>
          %swap3A_1483 = arith.index_cast %scan3A_1022 : i32 to index
          %swap3A_1484 = arith.constant 240 : index
          %swap3A_1485 = tpu.vector_load %arg14[%swap3A_1483, %swap3A_1484] {strides = array<i32>} : memref<16x384xf32, #tpu.memory_space<vmem>>, vector<16xf32>,
          tpu.vector_store %arg14[%swap3A_1483, %swap3A_1484], %add3A_1482 {strides = array<i32>} : memref<16x384xf32, #tpu.memory_space<vmem>>, vector<16xf32>,
          %get3A_1486 = arith.index_cast %scan3A_1022 : i32 to index
          %get3A_1487 = arith.constant 256 : index
          %get3A_1488 = tpu.vector_load %arg12[%get3A_1486, %get3A_1487] {strides = array<i32>} : memref<64x384xf32, #tpu.memory_space<vmem>>, vector<16xf32>,
          %mul3A_1489 = arith.mulf %gather3A_1025, %get3A_1488 : vector<16xf32>
          %add3A_1490 = arith.constant 16 : i32
          %add3A_1491 = arith.addi %add3A_1490, %scan3A_1022 : i32
          %get3A_1492 = arith.index_cast %add3A_1491 : i32 to index
          %get3A_1493 = arith.constant 256 : index
          %get3A_1494 = tpu.vector_load %arg12[%get3A_1492, %get3A_1493] {strides = array<i32>} : memref<64x384xf32, #tpu.memory_space<vmem>>, vector<16xf32>,
          %mul3A_1495 = arith.mulf %gather3A_1029, %get3A_1494 : vector<16xf32>
          %add3A_1496 = arith.addf %mul3A_1489, %mul3A_1495 : vector<16xf32>
          %add3A_1497 = arith.constant 32 : i32
          %add3A_1498 = arith.addi %add3A_1497, %scan3A_1022 : i32
          %get3A_1499 = arith.index_cast %add3A_1498 : i32 to index
          %get3A_1500 = arith.constant 256 : index
          %get3A_1501 = tpu.vector_load %arg12[%get3A_1499, %get3A_1500] {strides = array<i32>} : memref<64x384xf32, #tpu.memory_space<vmem>>, vector<16xf32>,
          %mul3A_1502 = arith.mulf %gather3A_1033, %get3A_1501 : vector<16xf32>
          %add3A_1503 = arith.addf %add3A_1496, %mul3A_1502 : vector<16xf32>
          %add3A_1504 = arith.constant 48 : i32
          %add3A_1505 = arith.addi %add3A_1504, %scan3A_1022 : i32
          %get3A_1506 = arith.index_cast %add3A_1505 : i32 to index
          %get3A_1507 = arith.constant 256 : index
          %get3A_1508 = tpu.vector_load %arg12[%get3A_1506, %get3A_1507] {strides = array<i32>} : memref<64x384xf32, #tpu.memory_space<vmem>>, vector<16xf32>,
          %mul3A_1509 = arith.mulf %gather3A_1037, %get3A_1508 : vector<16xf32>
          %add3A_1510 = arith.addf %add3A_1503, %mul3A_1509 : vector<16xf32>
          %swap3A_1511 = arith.index_cast %scan3A_1022 : i32 to index
          %swap3A_1512 = arith.constant 256 : index
          %swap3A_1513 = tpu.vector_load %arg14[%swap3A_1511, %swap3A_1512] {strides = array<i32>} : memref<16x384xf32, #tpu.memory_space<vmem>>, vector<16xf32>,
          tpu.vector_store %arg14[%swap3A_1511, %swap3A_1512], %add3A_1510 {strides = array<i32>} : memref<16x384xf32, #tpu.memory_space<vmem>>, vector<16xf32>,
          %get3A_1514 = arith.index_cast %scan3A_1022 : i32 to index
          %get3A_1515 = arith.constant 272 : index
          %get3A_1516 = tpu.vector_load %arg12[%get3A_1514, %get3A_1515] {strides = array<i32>} : memref<64x384xf32, #tpu.memory_space<vmem>>, vector<16xf32>,
          %mul3A_1517 = arith.mulf %gather3A_1025, %get3A_1516 : vector<16xf32>
          %add3A_1518 = arith.constant 16 : i32
          %add3A_1519 = arith.addi %add3A_1518, %scan3A_1022 : i32
          %get3A_1520 = arith.index_cast %add3A_1519 : i32 to index
          %get3A_1521 = arith.constant 272 : index
          %get3A_1522 = tpu.vector_load %arg12[%get3A_1520, %get3A_1521] {strides = array<i32>} : memref<64x384xf32, #tpu.memory_space<vmem>>, vector<16xf32>,
          %mul3A_1523 = arith.mulf %gather3A_1029, %get3A_1522 : vector<16xf32>
          %add3A_1524 = arith.addf %mul3A_1517, %mul3A_1523 : vector<16xf32>
          %add3A_1525 = arith.constant 32 : i32
          %add3A_1526 = arith.addi %add3A_1525, %scan3A_1022 : i32
          %get3A_1527 = arith.index_cast %add3A_1526 : i32 to index
          %get3A_1528 = arith.constant 272 : index
          %get3A_1529 = tpu.vector_load %arg12[%get3A_1527, %get3A_1528] {strides = array<i32>} : memref<64x384xf32, #tpu.memory_space<vmem>>, vector<16xf32>,
          %mul3A_1530 = arith.mulf %gather3A_1033, %get3A_1529 : vector<16xf32>
          %add3A_1531 = arith.addf %add3A_1524, %mul3A_1530 : vector<16xf32>
          %add3A_1532 = arith.constant 48 : i32
          %add3A_1533 = arith.addi %add3A_1532, %scan3A_1022 : i32
          %get3A_1534 = arith.index_cast %add3A_1533 : i32 to index
          %get3A_1535 = arith.constant 272 : index
          %get3A_1536 = tpu.vector_load %arg12[%get3A_1534, %get3A_1535] {strides = array<i32>} : memref<64x384xf32, #tpu.memory_space<vmem>>, vector<16xf32>,
          %mul3A_1537 = arith.mulf %gather3A_1037, %get3A_1536 : vector<16xf32>
          %add3A_1538 = arith.addf %add3A_1531, %mul3A_1537 : vector<16xf32>
          %swap3A_1539 = arith.index_cast %scan3A_1022 : i32 to index
          %swap3A_1540 = arith.constant 272 : index
          %swap3A_1541 = tpu.vector_load %arg14[%swap3A_1539, %swap3A_1540] {strides = array<i32>} : memref<16x384xf32, #tpu.memory_space<vmem>>, vector<16xf32>,
          tpu.vector_store %arg14[%swap3A_1539, %swap3A_1540], %add3A_1538 {strides = array<i32>} : memref<16x384xf32, #tpu.memory_space<vmem>>, vector<16xf32>,
          %get3A_1542 = arith.index_cast %scan3A_1022 : i32 to index
          %get3A_1543 = arith.constant 288 : index
          %get3A_1544 = tpu.vector_load %arg12[%get3A_1542, %get3A_1543] {strides = array<i32>} : memref<64x384xf32, #tpu.memory_space<vmem>>, vector<16xf32>,
          %mul3A_1545 = arith.mulf %gather3A_1025, %get3A_1544 : vector<16xf32>
          %add3A_1546 = arith.constant 16 : i32
          %add3A_1547 = arith.addi %add3A_1546, %scan3A_1022 : i32
          %get3A_1548 = arith.index_cast %add3A_1547 : i32 to index
          %get3A_1549 = arith.constant 288 : index
          %get3A_1550 = tpu.vector_load %arg12[%get3A_1548, %get3A_1549] {strides = array<i32>} : memref<64x384xf32, #tpu.memory_space<vmem>>, vector<16xf32>,
          %mul3A_1551 = arith.mulf %gather3A_1029, %get3A_1550 : vector<16xf32>
          %add3A_1552 = arith.addf %mul3A_1545, %mul3A_1551 : vector<16xf32>
          %add3A_1553 = arith.constant 32 : i32
          %add3A_1554 = arith.addi %add3A_1553, %scan3A_1022 : i32
          %get3A_1555 = arith.index_cast %add3A_1554 : i32 to index
          %get3A_1556 = arith.constant 288 : index
          %get3A_1557 = tpu.vector_load %arg12[%get3A_1555, %get3A_1556] {strides = array<i32>} : memref<64x384xf32, #tpu.memory_space<vmem>>, vector<16xf32>,
          %mul3A_1558 = arith.mulf %gather3A_1033, %get3A_1557 : vector<16xf32>
          %add3A_1559 = arith.addf %add3A_1552, %mul3A_1558 : vector<16xf32>
          %add3A_1560 = arith.constant 48 : i32
          %add3A_1561 = arith.addi %add3A_1560, %scan3A_1022 : i32
          %get3A_1562 = arith.index_cast %add3A_1561 : i32 to index
          %get3A_1563 = arith.constant 288 : index
          %get3A_1564 = tpu.vector_load %arg12[%get3A_1562, %get3A_1563] {strides = array<i32>} : memref<64x384xf32, #tpu.memory_space<vmem>>, vector<16xf32>,
          %mul3A_1565 = arith.mulf %gather3A_1037, %get3A_1564 : vector<16xf32>
          %add3A_1566 = arith.addf %add3A_1559, %mul3A_1565 : vector<16xf32>
          %swap3A_1567 = arith.index_cast %scan3A_1022 : i32 to index
          %swap3A_1568 = arith.constant 288 : index
          %swap3A_1569 = tpu.vector_load %arg14[%swap3A_1567, %swap3A_1568] {strides = array<i32>} : memref<16x384xf32, #tpu.memory_space<vmem>>, vector<16xf32>,
          tpu.vector_store %arg14[%swap3A_1567, %swap3A_1568], %add3A_1566 {strides = array<i32>} : memref<16x384xf32, #tpu.memory_space<vmem>>, vector<16xf32>,
          %get3A_1570 = arith.index_cast %scan3A_1022 : i32 to index
          %get3A_1571 = arith.constant 304 : index
          %get3A_1572 = tpu.vector_load %arg12[%get3A_1570, %get3A_1571] {strides = array<i32>} : memref<64x384xf32, #tpu.memory_space<vmem>>, vector<16xf32>,
          %mul3A_1573 = arith.mulf %gather3A_1025, %get3A_1572 : vector<16xf32>
          %add3A_1574 = arith.constant 16 : i32
          %add3A_1575 = arith.addi %add3A_1574, %scan3A_1022 : i32
          %get3A_1576 = arith.index_cast %add3A_1575 : i32 to index
          %get3A_1577 = arith.constant 304 : index
          %get3A_1578 = tpu.vector_load %arg12[%get3A_1576, %get3A_1577] {strides = array<i32>} : memref<64x384xf32, #tpu.memory_space<vmem>>, vector<16xf32>,
          %mul3A_1579 = arith.mulf %gather3A_1029, %get3A_1578 : vector<16xf32>
          %add3A_1580 = arith.addf %mul3A_1573, %mul3A_1579 : vector<16xf32>
          %add3A_1581 = arith.constant 32 : i32
          %add3A_1582 = arith.addi %add3A_1581, %scan3A_1022 : i32
          %get3A_1583 = arith.index_cast %add3A_1582 : i32 to index
          %get3A_1584 = arith.constant 304 : index
          %get3A_1585 = tpu.vector_load %arg12[%get3A_1583, %get3A_1584] {strides = array<i32>} : memref<64x384xf32, #tpu.memory_space<vmem>>, vector<16xf32>,
          %mul3A_1586 = arith.mulf %gather3A_1033, %get3A_1585 : vector<16xf32>
          %add3A_1587 = arith.addf %add3A_1580, %mul3A_1586 : vector<16xf32>
          %add3A_1588 = arith.constant 48 : i32
          %add3A_1589 = arith.addi %add3A_1588, %scan3A_1022 : i32
          %get3A_1590 = arith.index_cast %add3A_1589 : i32 to index
          %get3A_1591 = arith.constant 304 : index
          %get3A_1592 = tpu.vector_load %arg12[%get3A_1590, %get3A_1591] {strides = array<i32>} : memref<64x384xf32, #tpu.memory_space<vmem>>, vector<16xf32>,
          %mul3A_1593 = arith.mulf %gather3A_1037, %get3A_1592 : vector<16xf32>
          %add3A_1594 = arith.addf %add3A_1587, %mul3A_1593 : vector<16xf32>
          %swap3A_1595 = arith.index_cast %scan3A_1022 : i32 to index
          %swap3A_1596 = arith.constant 304 : index
          %swap3A_1597 = tpu.vector_load %arg14[%swap3A_1595, %swap3A_1596] {strides = array<i32>} : memref<16x384xf32, #tpu.memory_space<vmem>>, vector<16xf32>,
          tpu.vector_store %arg14[%swap3A_1595, %swap3A_1596], %add3A_1594 {strides = array<i32>} : memref<16x384xf32, #tpu.memory_space<vmem>>, vector<16xf32>,
          %get3A_1598 = arith.index_cast %scan3A_1022 : i32 to index
          %get3A_1599 = arith.constant 320 : index
          %get3A_1600 = tpu.vector_load %arg12[%get3A_1598, %get3A_1599] {strides = array<i32>} : memref<64x384xf32, #tpu.memory_space<vmem>>, vector<16xf32>,
          %mul3A_1601 = arith.mulf %gather3A_1025, %get3A_1600 : vector<16xf32>
          %add3A_1602 = arith.constant 16 : i32
          %add3A_1603 = arith.addi %add3A_1602, %scan3A_1022 : i32
          %get3A_1604 = arith.index_cast %add3A_1603 : i32 to index
          %get3A_1605 = arith.constant 320 : index
          %get3A_1606 = tpu.vector_load %arg12[%get3A_1604, %get3A_1605] {strides = array<i32>} : memref<64x384xf32, #tpu.memory_space<vmem>>, vector<16xf32>,
          %mul3A_1607 = arith.mulf %gather3A_1029, %get3A_1606 : vector<16xf32>
          %add3A_1608 = arith.addf %mul3A_1601, %mul3A_1607 : vector<16xf32>
          %add3A_1609 = arith.constant 32 : i32
          %add3A_1610 = arith.addi %add3A_1609, %scan3A_1022 : i32
          %get3A_1611 = arith.index_cast %add3A_1610 : i32 to index
          %get3A_1612 = arith.constant 320 : index
          %get3A_1613 = tpu.vector_load %arg12[%get3A_1611, %get3A_1612] {strides = array<i32>} : memref<64x384xf32, #tpu.memory_space<vmem>>, vector<16xf32>,
          %mul3A_1614 = arith.mulf %gather3A_1033, %get3A_1613 : vector<16xf32>
          %add3A_1615 = arith.addf %add3A_1608, %mul3A_1614 : vector<16xf32>
          %add3A_1616 = arith.constant 48 : i32
          %add3A_1617 = arith.addi %add3A_1616, %scan3A_1022 : i32
          %get3A_1618 = arith.index_cast %add3A_1617 : i32 to index
          %get3A_1619 = arith.constant 320 : index
          %get3A_1620 = tpu.vector_load %arg12[%get3A_1618, %get3A_1619] {strides = array<i32>} : memref<64x384xf32, #tpu.memory_space<vmem>>, vector<16xf32>,
          %mul3A_1621 = arith.mulf %gather3A_1037, %get3A_1620 : vector<16xf32>
          %add3A_1622 = arith.addf %add3A_1615, %mul3A_1621 : vector<16xf32>
          %swap3A_1623 = arith.index_cast %scan3A_1022 : i32 to index
          %swap3A_1624 = arith.constant 320 : index
          %swap3A_1625 = tpu.vector_load %arg14[%swap3A_1623, %swap3A_1624] {strides = array<i32>} : memref<16x384xf32, #tpu.memory_space<vmem>>, vector<16xf32>,
          tpu.vector_store %arg14[%swap3A_1623, %swap3A_1624], %add3A_1622 {strides = array<i32>} : memref<16x384xf32, #tpu.memory_space<vmem>>, vector<16xf32>,
          %get3A_1626 = arith.index_cast %scan3A_1022 : i32 to index
          %get3A_1627 = arith.constant 336 : index
          %get3A_1628 = tpu.vector_load %arg12[%get3A_1626, %get3A_1627] {strides = array<i32>} : memref<64x384xf32, #tpu.memory_space<vmem>>, vector<16xf32>,
          %mul3A_1629 = arith.mulf %gather3A_1025, %get3A_1628 : vector<16xf32>
          %add3A_1630 = arith.constant 16 : i32
          %add3A_1631 = arith.addi %add3A_1630, %scan3A_1022 : i32
          %get3A_1632 = arith.index_cast %add3A_1631 : i32 to index
          %get3A_1633 = arith.constant 336 : index
          %get3A_1634 = tpu.vector_load %arg12[%get3A_1632, %get3A_1633] {strides = array<i32>} : memref<64x384xf32, #tpu.memory_space<vmem>>, vector<16xf32>,
          %mul3A_1635 = arith.mulf %gather3A_1029, %get3A_1634 : vector<16xf32>
          %add3A_1636 = arith.addf %mul3A_1629, %mul3A_1635 : vector<16xf32>
          %add3A_1637 = arith.constant 32 : i32
          %add3A_1638 = arith.addi %add3A_1637, %scan3A_1022 : i32
          %get3A_1639 = arith.index_cast %add3A_1638 : i32 to index
          %get3A_1640 = arith.constant 336 : index
          %get3A_1641 = tpu.vector_load %arg12[%get3A_1639, %get3A_1640] {strides = array<i32>} : memref<64x384xf32, #tpu.memory_space<vmem>>, vector<16xf32>,
          %mul3A_1642 = arith.mulf %gather3A_1033, %get3A_1641 : vector<16xf32>
          %add3A_1643 = arith.addf %add3A_1636, %mul3A_1642 : vector<16xf32>
          %add3A_1644 = arith.constant 48 : i32
          %add3A_1645 = arith.addi %add3A_1644, %scan3A_1022 : i32
          %get3A_1646 = arith.index_cast %add3A_1645 : i32 to index
          %get3A_1647 = arith.constant 336 : index
          %get3A_1648 = tpu.vector_load %arg12[%get3A_1646, %get3A_1647] {strides = array<i32>} : memref<64x384xf32, #tpu.memory_space<vmem>>, vector<16xf32>,
          %mul3A_1649 = arith.mulf %gather3A_1037, %get3A_1648 : vector<16xf32>
          %add3A_1650 = arith.addf %add3A_1643, %mul3A_1649 : vector<16xf32>
          %swap3A_1651 = arith.index_cast %scan3A_1022 : i32 to index
          %swap3A_1652 = arith.constant 336 : index
          %swap3A_1653 = tpu.vector_load %arg14[%swap3A_1651, %swap3A_1652] {strides = array<i32>} : memref<16x384xf32, #tpu.memory_space<vmem>>, vector<16xf32>,
          tpu.vector_store %arg14[%swap3A_1651, %swap3A_1652], %add3A_1650 {strides = array<i32>} : memref<16x384xf32, #tpu.memory_space<vmem>>, vector<16xf32>,
          %get3A_1654 = arith.index_cast %scan3A_1022 : i32 to index
          %get3A_1655 = arith.constant 352 : index
          %get3A_1656 = tpu.vector_load %arg12[%get3A_1654, %get3A_1655] {strides = array<i32>} : memref<64x384xf32, #tpu.memory_space<vmem>>, vector<16xf32>,
          %mul3A_1657 = arith.mulf %gather3A_1025, %get3A_1656 : vector<16xf32>
          %add3A_1658 = arith.constant 16 : i32
          %add3A_1659 = arith.addi %add3A_1658, %scan3A_1022 : i32
          %get3A_1660 = arith.index_cast %add3A_1659 : i32 to index
          %get3A_1661 = arith.constant 352 : index
          %get3A_1662 = tpu.vector_load %arg12[%get3A_1660, %get3A_1661] {strides = array<i32>} : memref<64x384xf32, #tpu.memory_space<vmem>>, vector<16xf32>,
          %mul3A_1663 = arith.mulf %gather3A_1029, %get3A_1662 : vector<16xf32>
          %add3A_1664 = arith.addf %mul3A_1657, %mul3A_1663 : vector<16xf32>
          %add3A_1665 = arith.constant 32 : i32
          %add3A_1666 = arith.addi %add3A_1665, %scan3A_1022 : i32
          %get3A_1667 = arith.index_cast %add3A_1666 : i32 to index
          %get3A_1668 = arith.constant 352 : index
          %get3A_1669 = tpu.vector_load %arg12[%get3A_1667, %get3A_1668] {strides = array<i32>} : memref<64x384xf32, #tpu.memory_space<vmem>>, vector<16xf32>,
          %mul3A_1670 = arith.mulf %gather3A_1033, %get3A_1669 : vector<16xf32>
          %add3A_1671 = arith.addf %add3A_1664, %mul3A_1670 : vector<16xf32>
          %add3A_1672 = arith.constant 48 : i32
          %add3A_1673 = arith.addi %add3A_1672, %scan3A_1022 : i32
          %get3A_1674 = arith.index_cast %add3A_1673 : i32 to index
          %get3A_1675 = arith.constant 352 : index
          %get3A_1676 = tpu.vector_load %arg12[%get3A_1674, %get3A_1675] {strides = array<i32>} : memref<64x384xf32, #tpu.memory_space<vmem>>, vector<16xf32>,
          %mul3A_1677 = arith.mulf %gather3A_1037, %get3A_1676 : vector<16xf32>
          %add3A_1678 = arith.addf %add3A_1671, %mul3A_1677 : vector<16xf32>
          %swap3A_1679 = arith.index_cast %scan3A_1022 : i32 to index
          %swap3A_1680 = arith.constant 352 : index
          %swap3A_1681 = tpu.vector_load %arg14[%swap3A_1679, %swap3A_1680] {strides = array<i32>} : memref<16x384xf32, #tpu.memory_space<vmem>>, vector<16xf32>,
          tpu.vector_store %arg14[%swap3A_1679, %swap3A_1680], %add3A_1678 {strides = array<i32>} : memref<16x384xf32, #tpu.memory_space<vmem>>, vector<16xf32>,
          %get3A_1682 = arith.index_cast %scan3A_1022 : i32 to index
          %get3A_1683 = arith.constant 368 : index
          %get3A_1684 = tpu.vector_load %arg12[%get3A_1682, %get3A_1683] {strides = array<i32>} : memref<64x384xf32, #tpu.memory_space<vmem>>, vector<16xf32>,
          %mul3A_1685 = arith.mulf %gather3A_1025, %get3A_1684 : vector<16xf32>
          %add3A_1686 = arith.constant 16 : i32
          %add3A_1687 = arith.addi %add3A_1686, %scan3A_1022 : i32
          %get3A_1688 = arith.index_cast %add3A_1687 : i32 to index
          %get3A_1689 = arith.constant 368 : index
          %get3A_1690 = tpu.vector_load %arg12[%get3A_1688, %get3A_1689] {strides = array<i32>} : memref<64x384xf32, #tpu.memory_space<vmem>>, vector<16xf32>,
          %mul3A_1691 = arith.mulf %gather3A_1029, %get3A_1690 : vector<16xf32>
          %add3A_1692 = arith.addf %mul3A_1685, %mul3A_1691 : vector<16xf32>
          %add3A_1693 = arith.constant 32 : i32
          %add3A_1694 = arith.addi %add3A_1693, %scan3A_1022 : i32
          %get3A_1695 = arith.index_cast %add3A_1694 : i32 to index
          %get3A_1696 = arith.constant 368 : index
          %get3A_1697 = tpu.vector_load %arg12[%get3A_1695, %get3A_1696] {strides = array<i32>} : memref<64x384xf32, #tpu.memory_space<vmem>>, vector<16xf32>,
          %mul3A_1698 = arith.mulf %gather3A_1033, %get3A_1697 : vector<16xf32>
          %add3A_1699 = arith.addf %add3A_1692, %mul3A_1698 : vector<16xf32>
          %add3A_1700 = arith.constant 48 : i32
          %add3A_1701 = arith.addi %add3A_1700, %scan3A_1022 : i32
          %get3A_1702 = arith.index_cast %add3A_1701 : i32 to index
          %get3A_1703 = arith.constant 368 : index
          %get3A_1704 = tpu.vector_load %arg12[%get3A_1702, %get3A_1703] {strides = array<i32>} : memref<64x384xf32, #tpu.memory_space<vmem>>, vector<16xf32>,
          %mul3A_1705 = arith.mulf %gather3A_1037, %get3A_1704 : vector<16xf32>
          %add3A_1706 = arith.addf %add3A_1699, %mul3A_1705 : vector<16xf32>
          %swap3A_1707 = arith.index_cast %scan3A_1022 : i32 to index
          %swap3A_1708 = arith.constant 368 : index
          %swap3A_1709 = tpu.vector_load %arg14[%swap3A_1707, %swap3A_1708] {strides = array<i32>} : memref<16x384xf32, #tpu.memory_space<vmem>>, vector<16xf32>,
          tpu.vector_store %arg14[%swap3A_1707, %swap3A_1708], %add3A_1706 {strides = array<i32>} : memref<16x384xf32, #tpu.memory_space<vmem>>, vector<16xf32>,
          %scan3A_1710 = arith.constant 0 : i32
          scf.yield %scan3A_1710 : i32
        }
        %scan3A_1018 = arith.constant 16 : i32
        %dma_start3A = arith.constant 0 : i32
        %dma_start3A_1019 = tpu.memref_slice %arg5[%mul3A_958, %dma_start3A] : memref<200704x384xf32, #tpu.memory_space<hbm>> -> memref<16x384xf32, #tpu.memory_space<hbm>>
        %dma_start3A_1020 = arith.constant 0 : i32
        %dma_start3A_1021 = tpu.memref_slice %arg5[%mul3A_958, %dma_start3A_1020] : memref<200704x384xf32, #tpu.memory_space<hbm>> -> memref<16x384xf32, #tpu.memory_space<hbm>>
        tpu.enqueue_dma source(%arg14 : memref<16x384xf32, #tpu.memory_space<vmem>>) target(%dma_start3A_1021 : memref<16x384xf32, #tpu.memory_space<hbm>>) target_semaphore(%arg20 : memref<!tpu.dma_semaphore, #tpu.memory_space<semaphore_mem>>)
      } else {
      }
      %not3A = arith.constant true
      %not3A_970 = arith.xori %ne3A_966, %not3A : i1
      %convert_element_type3A_971 = arith.extui %not3A_970 : i1 to i32
      %cond3A_972 = arith.constant 0 : i32
      %cond3A_973 = arith.cmpi ne, %convert_element_type3A_971, %cond3A_972 : i32
      scf.if %cond3A_973 {
        %dma_start3A = arith.constant 0 : i32
        %dma_start3A_1006 = tpu.memref_slice %arg5[%mul3A_958, %dma_start3A] : memref<200704x384xf32, #tpu.memory_space<hbm>> -> memref<16x384xf32, #tpu.memory_space<hbm>>
        %dma_start3A_1007 = arith.constant 0 : i32
        %dma_start3A_1008 = tpu.memref_slice %arg5[%mul3A_958, %dma_start3A_1007] : memref<200704x384xf32, #tpu.memory_space<hbm>> -> memref<16x384xf32, #tpu.memory_space<hbm>>
        tpu.enqueue_dma source(%arg16 : memref<16x384xf32, #tpu.memory_space<vmem>>) target(%dma_start3A_1008 : memref<16x384xf32, #tpu.memory_space<hbm>>) target_semaphore(%arg20 : memref<!tpu.dma_semaphore, #tpu.memory_space<semaphore_mem>>)
      } else {
      }
      %add3A_974 = arith.constant 2 : i32
      %add3A_975 = arith.addi %mul3A_763, %add3A_974 : i32
      %lt3A = arith.constant 392 : i32
      %lt3A_976 = arith.cmpi slt, %add3A_975, %lt3A : i32
      %convert_element_type3A_977 = arith.extui %lt3A_976 : i1 to i32
      %cond3A_978 = arith.constant 0 : i32
      %cond3A_979 = arith.cmpi ne, %convert_element_type3A_977, %cond3A_978 : i32
      scf.if %cond3A_979 {
        %add3A_1006 = arith.constant 2 : i32
        %add3A_1007 = arith.addi %mul3A_763, %add3A_1006 : i32
        %mul3A_1008 = arith.constant 32 : i32
        %mul3A_1009 = arith.muli %mul3A_1008, %add3A_1007 : i32
        %add3A_1010 = arith.addi %add3A, %mul3A_1009 : i32
        %jit3A_1011 = arith.constant 14 : i32
        %div3A_1012 = arith.divsi %add3A_1010, %jit3A_1011 : i32
        %sign3A_1013 = arith.constant 0 : i32
        %sign3A_1014 = arith.cmpi sgt, %add3A_1010, %sign3A_1013 : i32
        %sign3A_1015 = arith.extui %sign3A_1014 : i1 to i32
        %sign3A_1016 = arith.constant 0 : i32
        %sign3A_1017 = arith.cmpi slt, %add3A_1010, %sign3A_1016 : i32
        %sign3A_1018 = arith.extui %sign3A_1017 : i1 to i32
        %sign3A_1019 = arith.subi %sign3A_1015, %sign3A_1018 : i32
        %sign3A_1020 = arith.constant 0 : i32
        %sign3A_1021 = arith.cmpi sgt, %jit3A_1011, %sign3A_1020 : i32
        %sign3A_1022 = arith.extui %sign3A_1021 : i1 to i32
        %sign3A_1023 = arith.constant 0 : i32
        %sign3A_1024 = arith.cmpi slt, %jit3A_1011, %sign3A_1023 : i32
        %sign3A_1025 = arith.extui %sign3A_1024 : i1 to i32
        %sign3A_1026 = arith.subi %sign3A_1022, %sign3A_1025 : i32
        %ne3A_1027 = arith.cmpi ne, %sign3A_1019, %sign3A_1026 : i32
        %rem3A_1028 = arith.remsi %add3A_1010, %jit3A_1011 : i32
        %ne3A_1029 = arith.constant 0 : i32
        %ne3A_1030 = arith.cmpi ne, %rem3A_1028, %ne3A_1029 : i32
        %and3A_1031 = arith.andi %ne3A_1027, %ne3A_1030 : i1
        %sub3A_1032 = arith.constant 1 : i32
        %sub3A_1033 = arith.subi %div3A_1012, %sub3A_1032 : i32
        %select_n3A_1034 = arith.select %and3A_1031, %sub3A_1033, %div3A_1012 : i32
        %mul3A_1035 = arith.constant 14 : i32
        %mul3A_1036 = arith.muli %select_n3A_1034, %mul3A_1035 : i32
        %sub3A_1037 = arith.subi %add3A_1010, %mul3A_1036 : i32
        %jit3A_1038 = arith.constant 224 : i32
        %div3A_1039 = arith.divsi %select_n3A_1034, %jit3A_1038 : i32
        %sign3A_1040 = arith.constant 0 : i32
        %sign3A_1041 = arith.cmpi sgt, %select_n3A_1034, %sign3A_1040 : i32
        %sign3A_1042 = arith.extui %sign3A_1041 : i1 to i32
        %sign3A_1043 = arith.constant 0 : i32
        %sign3A_1044 = arith.cmpi slt, %select_n3A_1034, %sign3A_1043 : i32
        %sign3A_1045 = arith.extui %sign3A_1044 : i1 to i32
        %sign3A_1046 = arith.subi %sign3A_1042, %sign3A_1045 : i32
        %sign3A_1047 = arith.constant 0 : i32
        %sign3A_1048 = arith.cmpi sgt, %jit3A_1038, %sign3A_1047 : i32
        %sign3A_1049 = arith.extui %sign3A_1048 : i1 to i32
        %sign3A_1050 = arith.constant 0 : i32
        %sign3A_1051 = arith.cmpi slt, %jit3A_1038, %sign3A_1050 : i32
        %sign3A_1052 = arith.extui %sign3A_1051 : i1 to i32
        %sign3A_1053 = arith.subi %sign3A_1049, %sign3A_1052 : i32
        %ne3A_1054 = arith.cmpi ne, %sign3A_1046, %sign3A_1053 : i32
        %rem3A_1055 = arith.remsi %select_n3A_1034, %jit3A_1038 : i32
        %ne3A_1056 = arith.constant 0 : i32
        %ne3A_1057 = arith.cmpi ne, %rem3A_1055, %ne3A_1056 : i32
        %and3A_1058 = arith.andi %ne3A_1054, %ne3A_1057 : i1
        %sub3A_1059 = arith.constant 1 : i32
        %sub3A_1060 = arith.subi %div3A_1039, %sub3A_1059 : i32
        %select_n3A_1061 = arith.select %and3A_1058, %sub3A_1060, %div3A_1039 : i32
        %mul3A_1062 = arith.constant 224 : i32
        %mul3A_1063 = arith.muli %select_n3A_1061, %mul3A_1062 : i32
        %sub3A_1064 = arith.subi %select_n3A_1034, %mul3A_1063 : i32
        %mul3A_1065 = arith.constant 6 : i32
        %mul3A_1066 = arith.muli %select_n3A_1061, %mul3A_1065 : i32
        %add3A_1067 = arith.constant 0 : i32
        %add3A_1068 = arith.addi %mul3A_1066, %add3A_1067 : i32
        %broadcast_in_dim3A_1069 = vector.broadcast %add3A_1068 : i32 to vector<16xi32>
        %gather3A_1070 = tpu.vector_load_idx %arg6[%broadcast_in_dim3A_1069] : memref<32xf32, #tpu.memory_space<vmem>>[vector<16xi32>], vector<16xf32>,
        %add3A_1071 = arith.constant 1 : i32
        %add3A_1072 = arith.addi %mul3A_1066, %add3A_1071 : i32
        %broadcast_in_dim3A_1073 = vector.broadcast %add3A_1072 : i32 to vector<16xi32>
        %gather3A_1074 = tpu.vector_load_idx %arg6[%broadcast_in_dim3A_1073] : memref<32xf32, #tpu.memory_space<vmem>>[vector<16xi32>], vector<16xf32>,
        %add3A_1075 = arith.constant 2 : i32
        %add3A_1076 = arith.addi %mul3A_1066, %add3A_1075 : i32
        %broadcast_in_dim3A_1077 = vector.broadcast %add3A_1076 : i32 to vector<16xi32>
        %gather3A_1078 = tpu.vector_load_idx %arg6[%broadcast_in_dim3A_1077] : memref<32xf32, #tpu.memory_space<vmem>>[vector<16xi32>], vector<16xf32>,
        %add3A_1079 = arith.constant 3 : i32
        %add3A_1080 = arith.addi %mul3A_1066, %add3A_1079 : i32
        %broadcast_in_dim3A_1081 = vector.broadcast %add3A_1080 : i32 to vector<16xi32>
        %gather3A_1082 = tpu.vector_load_idx %arg6[%broadcast_in_dim3A_1081] : memref<32xf32, #tpu.memory_space<vmem>>[vector<16xi32>], vector<16xf32>,
        %add3A_1083 = arith.constant 4 : i32
        %add3A_1084 = arith.addi %mul3A_1066, %add3A_1083 : i32
        %broadcast_in_dim3A_1085 = vector.broadcast %add3A_1084 : i32 to vector<16xi32>
        %gather3A_1086 = tpu.vector_load_idx %arg6[%broadcast_in_dim3A_1085] : memref<32xf32, #tpu.memory_space<vmem>>[vector<16xi32>], vector<16xf32>,
        %add3A_1087 = arith.constant 5 : i32
        %add3A_1088 = arith.addi %mul3A_1066, %add3A_1087 : i32
        %broadcast_in_dim3A_1089 = vector.broadcast %add3A_1088 : i32 to vector<16xi32>
        %gather3A_1090 = tpu.vector_load_idx %arg6[%broadcast_in_dim3A_1089] : memref<32xf32, #tpu.memory_space<vmem>>[vector<16xi32>], vector<16xf32>,
        %add3A_1091 = arith.constant 224 : i32
        %add3A_1092 = arith.addi %add3A_1091, %sub3A_1064 : i32
        %broadcast_in_dim3A_1093 = vector.broadcast %add3A_1092 : i32 to vector<16xi32>
        %gather3A_1094 = tpu.vector_load_idx %arg7[%broadcast_in_dim3A_1093] : memref<448xf32, #tpu.memory_space<vmem>>[vector<16xi32>], vector<16xf32>,
        %mul3A_1095 = arith.constant 16 : i32
        %mul3A_1096 = arith.muli %sub3A_1037, %mul3A_1095 : i32
        %get3A_1097 = arith.index_cast %mul3A_1096 : i32 to index
        %get3A_1098 = tpu.vector_load %arg7[%get3A_1097] {strides = array<i32>} : memref<448xf32, #tpu.memory_space<vmem>>, vector<16xf32>,
        %mul3A_1099 = arith.mulf %gather3A_1070, %get3A_1098 : vector<16xf32>
        %mul3A_1100 = arith.mulf %gather3A_1074, %gather3A_1094 : vector<16xf32>
        %add3A_1101 = arith.addf %mul3A_1100, %gather3A_1078 : vector<16xf32>
        %add3A_1102 = arith.addf %mul3A_1099, %add3A_1101 : vector<16xf32>
        %mul3A_1103 = arith.mulf %gather3A_1082, %get3A_1098 : vector<16xf32>
        %mul3A_1104 = arith.mulf %gather3A_1086, %gather3A_1094 : vector<16xf32>
        %add3A_1105 = arith.addf %mul3A_1104, %gather3A_1090 : vector<16xf32>
        %add3A_1106 = arith.addf %mul3A_1103, %add3A_1105 : vector<16xf32>
        %add3A_1107 = arith.constant 1.000000e+00 : f32
        %add3A_1108 = vector.broadcast %add3A_1107 : f32 to vector<16xf32>
        %add3A_1109 = arith.addf %add3A_1102, %add3A_1108 : vector<16xf32>
        %mul3A_1110 = arith.constant 5.000000e-01 : f32
        %mul3A_1111 = vector.broadcast %mul3A_1110 : f32 to vector<16xf32>
        %mul3A_1112 = arith.mulf %mul3A_1111, %add3A_1109 : vector<16xf32>
        %mul3A_1113 = arith.constant 2.240000e+02 : f32
        %mul3A_1114 = vector.broadcast %mul3A_1113 : f32 to vector<16xf32>
        %mul3A_1115 = arith.mulf %mul3A_1112, %mul3A_1114 : vector<16xf32>
        %add3A_1116 = arith.constant 1.000000e+00 : f32
        %add3A_1117 = vector.broadcast %add3A_1116 : f32 to vector<16xf32>
        %add3A_1118 = arith.addf %add3A_1106, %add3A_1117 : vector<16xf32>
        %mul3A_1119 = arith.constant 5.000000e-01 : f32
        %mul3A_1120 = vector.broadcast %mul3A_1119 : f32 to vector<16xf32>
        %mul3A_1121 = arith.mulf %mul3A_1120, %add3A_1118 : vector<16xf32>
        %mul3A_1122 = arith.constant 2.240000e+02 : f32
        %mul3A_1123 = vector.broadcast %mul3A_1122 : f32 to vector<16xf32>
        %mul3A_1124 = arith.mulf %mul3A_1121, %mul3A_1123 : vector<16xf32>
        %convert_element_type3A_1125 = arith.fptosi %mul3A_1115 : vector<16xf32> to vector<16xi32>
        %convert_element_type3A_1126 = arith.fptosi %mul3A_1124 : vector<16xf32> to vector<16xi32>
        %convert_element_type3A_1127 = arith.sitofp %convert_element_type3A_1125 : vector<16xi32> to vector<16xf32>
        %gt3A_1128 = arith.cmpf ogt, %convert_element_type3A_1127, %mul3A_1115 : vector<16xf32>
        %sub3A_1129 = arith.constant 1 : i32
        %sub3A_1130 = vector.broadcast %sub3A_1129 : i32 to vector<16xi32>
        %sub3A_1131 = arith.subi %convert_element_type3A_1125, %sub3A_1130 : vector<16xi32>
        %select_n3A_1132 = arith.select %gt3A_1128, %sub3A_1131, %convert_element_type3A_1125 : vector<16xi1>, vector<16xi32>
        %convert_element_type3A_1133 = arith.sitofp %convert_element_type3A_1126 : vector<16xi32> to vector<16xf32>
        %gt3A_1134 = arith.cmpf ogt, %convert_element_type3A_1133, %mul3A_1124 : vector<16xf32>
        %sub3A_1135 = arith.constant 1 : i32
        %sub3A_1136 = vector.broadcast %sub3A_1135 : i32 to vector<16xi32>
        %sub3A_1137 = arith.subi %convert_element_type3A_1126, %sub3A_1136 : vector<16xi32>
        %select_n3A_1138 = arith.select %gt3A_1134, %sub3A_1137, %convert_element_type3A_1126 : vector<16xi1>, vector<16xi32>
        %add3A_1139 = arith.constant 1 : i32
        %add3A_1140 = vector.broadcast %add3A_1139 : i32 to vector<16xi32>
        %add3A_1141 = arith.addi %select_n3A_1132, %add3A_1140 : vector<16xi32>
        %add3A_1142 = arith.constant 1 : i32
        %add3A_1143 = vector.broadcast %add3A_1142 : i32 to vector<16xi32>
        %add3A_1144 = arith.addi %select_n3A_1138, %add3A_1143 : vector<16xi32>
        %jit3A_1145 = arith.constant 0 : i32
        %jit3A_1146 = arith.constant 223 : i32
        %max3A_1147 = vector.broadcast %jit3A_1145 : i32 to vector<16xi32>
        %max3A_1148 = arith.maxsi %max3A_1147, %select_n3A_1132 : vector<16xi32>
        %min3A_1149 = vector.broadcast %jit3A_1146 : i32 to vector<16xi32>
        %min3A_1150 = arith.minsi %min3A_1149, %max3A_1148 : vector<16xi32>
        %jit3A_1151 = arith.constant 0 : i32
        %jit3A_1152 = arith.constant 223 : i32
        %max3A_1153 = vector.broadcast %jit3A_1151 : i32 to vector<16xi32>
        %max3A_1154 = arith.maxsi %max3A_1153, %add3A_1141 : vector<16xi32>
        %min3A_1155 = vector.broadcast %jit3A_1152 : i32 to vector<16xi32>
        %min3A_1156 = arith.minsi %min3A_1155, %max3A_1154 : vector<16xi32>
        %jit3A_1157 = arith.constant 0 : i32
        %jit3A_1158 = arith.constant 223 : i32
        %max3A_1159 = vector.broadcast %jit3A_1157 : i32 to vector<16xi32>
        %max3A_1160 = arith.maxsi %max3A_1159, %select_n3A_1138 : vector<16xi32>
        %min3A_1161 = vector.broadcast %jit3A_1158 : i32 to vector<16xi32>
        %min3A_1162 = arith.minsi %min3A_1161, %max3A_1160 : vector<16xi32>
        %jit3A_1163 = arith.constant 0 : i32
        %jit3A_1164 = arith.constant 223 : i32
        %max3A_1165 = vector.broadcast %jit3A_1163 : i32 to vector<16xi32>
        %max3A_1166 = arith.maxsi %max3A_1165, %add3A_1144 : vector<16xi32>
        %min3A_1167 = vector.broadcast %jit3A_1164 : i32 to vector<16xi32>
        %min3A_1168 = arith.minsi %min3A_1167, %max3A_1166 : vector<16xi32>
        %convert_element_type3A_1169 = arith.sitofp %min3A_1150 : vector<16xi32> to vector<16xf32>
        %convert_element_type3A_1170 = arith.sitofp %min3A_1156 : vector<16xi32> to vector<16xf32>
        %convert_element_type3A_1171 = arith.sitofp %min3A_1162 : vector<16xi32> to vector<16xf32>
        %convert_element_type3A_1172 = arith.sitofp %min3A_1168 : vector<16xi32> to vector<16xf32>
        %ne3A_1173 = arith.cmpi ne, %min3A_1150, %min3A_1156 : vector<16xi32>
        %ne3A_1174 = arith.cmpi ne, %min3A_1162, %min3A_1168 : vector<16xi32>
        %and3A_1175 = arith.andi %ne3A_1173, %ne3A_1174 : vector<16xi1>
        %reduce_or3A_1176 = arith.constant 1.000000e+00 : f32
        %reduce_or3A_1177 = arith.constant 0.000000e+00 : f32
        %reduce_or3A_1178 = vector.broadcast %reduce_or3A_1176 : f32 to vector<16xf32>
        %reduce_or3A_1179 = vector.broadcast %reduce_or3A_1177 : f32 to vector<16xf32>
        %reduce_or3A_1180 = arith.select %and3A_1175, %reduce_or3A_1178, %reduce_or3A_1179 : vector<16xi1>, vector<16xf32>
        %reduce_or3A_1181 = arith.constant true
        %reduce_or3A_1182 = vector.broadcast %reduce_or3A_1181 : i1 to vector<16xi1>
        %reduce_or3A_1183 = tpu.scan <max>, %reduce_or3A_1180 masked %reduce_or3A_1182 : vector<16xf32>, vector<16xi1> -> vector<16xf32>
        %reduce_or3A_1184 = vector.extract %reduce_or3A_1183[15] : f32 from vector<16xf32>
        %reduce_or3A_1185 = arith.constant 0.000000e+00 : f32
        %reduce_or3A_1186 = arith.cmpf ogt, %reduce_or3A_1184, %reduce_or3A_1185 : f32
        %convert_element_type3A_1187 = arith.extui %reduce_or3A_1186 : i1 to i32
        %swap3A_1188 = arith.constant 0 : i32
        %swap3A_1189 = arith.index_cast %swap3A_1188 : i32 to index
        %swap3A_1190 = memref.load %arg17[%swap3A_1189] : memref<2xi32, #tpu.memory_space<smem>>
        memref.store %convert_element_type3A_1187, %arg17[%swap3A_1189] : memref<2xi32, #tpu.memory_space<smem>>
        %convert_element_type3A_1191 = arith.extui %reduce_or3A_1186 : i1 to i32
        %cond3A_1192 = arith.constant 0 : i32
        %cond3A_1193 = arith.cmpi ne, %convert_element_type3A_1191, %cond3A_1192 : i32
        scf.if %cond3A_1193 {
          %sub3A_1194 = arith.subf %convert_element_type3A_1170, %mul3A_1115 : vector<16xf32>
          %sub3A_1195 = arith.subf %convert_element_type3A_1172, %mul3A_1124 : vector<16xf32>
          %mul3A_1196 = arith.mulf %sub3A_1194, %sub3A_1195 : vector<16xf32>
          %swap3A_1197 = arith.constant 0 : index
          %swap3A_1198 = tpu.vector_load %arg10[%swap3A_1197] {strides = array<i32>} : memref<64xf32, #tpu.memory_space<vmem>>, vector<16xf32>,
          tpu.vector_store %arg10[%swap3A_1197], %mul3A_1196 {strides = array<i32>} : memref<64xf32, #tpu.memory_space<vmem>>, vector<16xf32>,
          %sub3A_1199 = arith.subf %convert_element_type3A_1170, %mul3A_1115 : vector<16xf32>
          %sub3A_1200 = arith.subf %mul3A_1124, %convert_element_type3A_1171 : vector<16xf32>
          %mul3A_1201 = arith.mulf %sub3A_1199, %sub3A_1200 : vector<16xf32>
          %swap3A_1202 = arith.constant 16 : index
          %swap3A_1203 = tpu.vector_load %arg10[%swap3A_1202] {strides = array<i32>} : memref<64xf32, #tpu.memory_space<vmem>>, vector<16xf32>,
          tpu.vector_store %arg10[%swap3A_1202], %mul3A_1201 {strides = array<i32>} : memref<64xf32, #tpu.memory_space<vmem>>, vector<16xf32>,
          %sub3A_1204 = arith.subf %mul3A_1115, %convert_element_type3A_1169 : vector<16xf32>
          %sub3A_1205 = arith.subf %convert_element_type3A_1172, %mul3A_1124 : vector<16xf32>
          %mul3A_1206 = arith.mulf %sub3A_1204, %sub3A_1205 : vector<16xf32>
          %swap3A_1207 = arith.constant 32 : index
          %swap3A_1208 = tpu.vector_load %arg10[%swap3A_1207] {strides = array<i32>} : memref<64xf32, #tpu.memory_space<vmem>>, vector<16xf32>,
          tpu.vector_store %arg10[%swap3A_1207], %mul3A_1206 {strides = array<i32>} : memref<64xf32, #tpu.memory_space<vmem>>, vector<16xf32>,
          %sub3A_1209 = arith.subf %mul3A_1115, %convert_element_type3A_1169 : vector<16xf32>
          %sub3A_1210 = arith.subf %mul3A_1124, %convert_element_type3A_1171 : vector<16xf32>
          %mul3A_1211 = arith.mulf %sub3A_1209, %sub3A_1210 : vector<16xf32>
          %swap3A_1212 = arith.constant 48 : index
          %swap3A_1213 = tpu.vector_load %arg10[%swap3A_1212] {strides = array<i32>} : memref<64xf32, #tpu.memory_space<vmem>>, vector<16xf32>,
          tpu.vector_store %arg10[%swap3A_1212], %mul3A_1211 {strides = array<i32>} : memref<64xf32, #tpu.memory_space<vmem>>, vector<16xf32>,
          %mul3A_1214 = arith.constant 50176 : i32
          %mul3A_1215 = arith.muli %select_n3A_1061, %mul3A_1214 : i32
          %mul3A_1216 = arith.constant 224 : i32
          %mul3A_1217 = vector.broadcast %mul3A_1216 : i32 to vector<16xi32>
          %mul3A_1218 = arith.muli %min3A_1162, %mul3A_1217 : vector<16xi32>
          %add3A_1219 = vector.broadcast %mul3A_1215 : i32 to vector<16xi32>
          %add3A_1220 = arith.addi %mul3A_1218, %add3A_1219 : vector<16xi32>
          %mul3A_1221 = arith.constant 224 : i32
          %mul3A_1222 = vector.broadcast %mul3A_1221 : i32 to vector<16xi32>
          %mul3A_1223 = arith.muli %min3A_1168, %mul3A_1222 : vector<16xi32>
          %add3A_1224 = vector.broadcast %mul3A_1215 : i32 to vector<16xi32>
          %add3A_1225 = arith.addi %mul3A_1223, %add3A_1224 : vector<16xi32>
          %add3A_1226 = arith.addi %add3A_1220, %min3A_1150 : vector<16xi32>
          %swap3A_1227 = arith.constant 0 : index
          %swap3A_1228 = tpu.vector_load %arg8[%swap3A_1227] {strides = array<i32>} : memref<64xi32, #tpu.memory_space<vmem>>, vector<16xi32>,
          tpu.vector_store %arg8[%swap3A_1227], %add3A_1226 {strides = array<i32>} : memref<64xi32, #tpu.memory_space<vmem>>, vector<16xi32>,
          %add3A_1229 = arith.addi %add3A_1225, %min3A_1150 : vector<16xi32>
          %swap3A_1230 = arith.constant 16 : index
          %swap3A_1231 = tpu.vector_load %arg8[%swap3A_1230] {strides = array<i32>} : memref<64xi32, #tpu.memory_space<vmem>>, vector<16xi32>,
          tpu.vector_store %arg8[%swap3A_1230], %add3A_1229 {strides = array<i32>} : memref<64xi32, #tpu.memory_space<vmem>>, vector<16xi32>,
          %add3A_1232 = arith.addi %add3A_1220, %min3A_1156 : vector<16xi32>
          %swap3A_1233 = arith.constant 32 : index
          %swap3A_1234 = tpu.vector_load %arg8[%swap3A_1233] {strides = array<i32>} : memref<64xi32, #tpu.memory_space<vmem>>, vector<16xi32>,
          tpu.vector_store %arg8[%swap3A_1233], %add3A_1232 {strides = array<i32>} : memref<64xi32, #tpu.memory_space<vmem>>, vector<16xi32>,
          %add3A_1235 = arith.addi %add3A_1225, %min3A_1156 : vector<16xi32>
          %swap3A_1236 = arith.constant 48 : index
          %swap3A_1237 = tpu.vector_load %arg8[%swap3A_1236] {strides = array<i32>} : memref<64xi32, #tpu.memory_space<vmem>>, vector<16xi32>,
          tpu.vector_store %arg8[%swap3A_1236], %add3A_1235 {strides = array<i32>} : memref<64xi32, #tpu.memory_space<vmem>>, vector<16xi32>,
          %dma_start3A = arith.constant 0 : i32
          %dma_start3A_1238 = arith.constant 0 : i32
          %dma_start3A_1239 = tpu.memref_slice %arg2[%dma_start3A, %dma_start3A_1238] : memref<200704x384xf32, #tpu.memory_space<hbm>> -> memref<200704x384xf32, #tpu.memory_space<hbm>>
          tpu.enqueue_indirect_dma source(%dma_start3A_1239 : memref<200704x384xf32, #tpu.memory_space<hbm>>) target(%arg12 : memref<64x384xf32, #tpu.memory_space<vmem>>) offsets(%arg8 : memref<64xi32, #tpu.memory_space<vmem>>) semaphore(%arg18 : memref<!tpu.dma_semaphore, #tpu.memory_space<semaphore_mem>>)
        } else {
        }
      } else {
      }
      %add3A_980 = arith.constant 1 : i32
      %add3A_981 = arith.addi %mul3A_763, %add3A_980 : i32
      %gt3A_982 = arith.constant 0 : i32
      %gt3A_983 = arith.cmpi sgt, %scan3A_760, %gt3A_982 : i32
      %mul3A_984 = arith.constant 32 : i32
      %mul3A_985 = arith.muli %mul3A_984, %add3A_981 : i32
      %add3A_986 = arith.addi %add3A, %mul3A_985 : i32
      %mul3A_987 = arith.constant 16 : i32
      %mul3A_988 = arith.muli %add3A_986, %mul3A_987 : i32
      %convert_element_type3A_989 = arith.extui %gt3A_983 : i1 to i32
      %cond3A_990 = arith.constant 0 : i32
      %cond3A_991 = arith.cmpi ne, %convert_element_type3A_989, %cond3A_990 : i32
      scf.if %cond3A_991 {
        %dma_wait3A_1006 = arith.constant 0 : i32
        %dma_wait3A_1007 = arith.constant 0 : i32
        %dma_wait3A_1008 = tpu.memref_slice %arg5[%dma_wait3A_1006, %dma_wait3A_1007] : memref<200704x384xf32, #tpu.memory_space<hbm>> -> memref<16x384xf32, #tpu.memory_space<hbm>>
        %dma_wait3A_1009 = arith.constant 0 : i32
        %dma_wait3A_1010 = arith.constant 0 : i32
        %dma_wait3A_1011 = tpu.memref_slice %arg5[%dma_wait3A_1009, %dma_wait3A_1010] : memref<200704x384xf32, #tpu.memory_space<hbm>> -> memref<16x384xf32, #tpu.memory_space<hbm>>
        tpu.wait_dma2 semaphore(%arg21 : memref<!tpu.dma_semaphore, #tpu.memory_space<semaphore_mem>>) src(%arg16 : memref<16x384xf32, #tpu.memory_space<vmem>>) dst(%dma_wait3A_1011 : memref<16x384xf32, #tpu.memory_space<hbm>>)
      } else {
      }
      %get3A_992 = arith.constant 1 : i32
      %get3A_993 = arith.index_cast %get3A_992 : i32 to index
      %get3A_994 = memref.load %arg17[%get3A_993] : memref<2xi32, #tpu.memory_space<smem>>
      %ne3A_995 = arith.constant 0 : i32
      %ne3A_996 = arith.cmpi ne, %get3A_994, %ne3A_995 : i32
      %convert_element_type3A_997 = arith.extui %ne3A_996 : i1 to i32
      %cond3A_998 = arith.constant 0 : i32
      %cond3A_999 = arith.cmpi ne, %convert_element_type3A_997, %cond3A_998 : i32
      scf.if %cond3A_999 {
        %dma_wait3A_1006 = arith.constant 0 : i32
        %dma_wait3A_1007 = arith.constant 0 : i32
        %dma_wait3A_1008 = tpu.memref_slice %arg2[%dma_wait3A_1006, %dma_wait3A_1007] : memref<200704x384xf32, #tpu.memory_space<hbm>> -> memref<64x384xf32, #tpu.memory_space<hbm>>
        %dma_wait3A_1009 = arith.constant 0 : i32
        %dma_wait3A_1010 = arith.constant 0 : i32
        %dma_wait3A_1011 = tpu.memref_slice %arg2[%dma_wait3A_1009, %dma_wait3A_1010] : memref<200704x384xf32, #tpu.memory_space<hbm>> -> memref<64x384xf32, #tpu.memory_space<hbm>>
        tpu.wait_dma2 semaphore(%arg19 : memref<!tpu.dma_semaphore, #tpu.memory_space<semaphore_mem>>) src(%dma_wait3A_1011 : memref<64x384xf32, #tpu.memory_space<hbm>>) dst(%arg13 : memref<64x384xf32, #tpu.memory_space<vmem>>)
        %scan3A_1012 = arith.constant 0 : i32
        %scan3A_1013 = arith.constant 0 : i32
        %scan3A_1014 = arith.constant 16 : i32
        %scan3A_1015 = arith.addi %scan3A_1013, %scan3A_1014 : i32
        %scan3A_1016 = arith.constant 1 : i32
        %scan3A_1017 = scf.for %scan3A_1022 = %scan3A_1013 to %scan3A_1015 step %scan3A_1016 iter_args(%scan3A_1023 = %scan3A_1012) -> (i32)  : i32 {
          %broadcast_in_dim3A_1024 = vector.broadcast %scan3A_1022 : i32 to vector<16xi32>
          %gather3A_1025 = tpu.vector_load_idx %arg11[%broadcast_in_dim3A_1024] : memref<64xf32, #tpu.memory_space<vmem>>[vector<16xi32>], vector<16xf32>,
          %add3A_1026 = arith.constant 16 : i32
          %add3A_1027 = vector.broadcast %add3A_1026 : i32 to vector<16xi32>
          %add3A_1028 = arith.addi %broadcast_in_dim3A_1024, %add3A_1027 : vector<16xi32>
          %gather3A_1029 = tpu.vector_load_idx %arg11[%add3A_1028] : memref<64xf32, #tpu.memory_space<vmem>>[vector<16xi32>], vector<16xf32>,
          %add3A_1030 = arith.constant 32 : i32
          %add3A_1031 = vector.broadcast %add3A_1030 : i32 to vector<16xi32>
          %add3A_1032 = arith.addi %broadcast_in_dim3A_1024, %add3A_1031 : vector<16xi32>
          %gather3A_1033 = tpu.vector_load_idx %arg11[%add3A_1032] : memref<64xf32, #tpu.memory_space<vmem>>[vector<16xi32>], vector<16xf32>,
          %add3A_1034 = arith.constant 48 : i32
          %add3A_1035 = vector.broadcast %add3A_1034 : i32 to vector<16xi32>
          %add3A_1036 = arith.addi %broadcast_in_dim3A_1024, %add3A_1035 : vector<16xi32>
          %gather3A_1037 = tpu.vector_load_idx %arg11[%add3A_1036] : memref<64xf32, #tpu.memory_space<vmem>>[vector<16xi32>], vector<16xf32>,
          %get3A_1038 = arith.index_cast %scan3A_1022 : i32 to index
          %get3A_1039 = arith.constant 0 : index
          %get3A_1040 = tpu.vector_load %arg13[%get3A_1038, %get3A_1039] {strides = array<i32>} : memref<64x384xf32, #tpu.memory_space<vmem>>, vector<16xf32>,
          %mul3A_1041 = arith.mulf %gather3A_1025, %get3A_1040 : vector<16xf32>
          %add3A_1042 = arith.constant 16 : i32
          %add3A_1043 = arith.addi %add3A_1042, %scan3A_1022 : i32
          %get3A_1044 = arith.index_cast %add3A_1043 : i32 to index
          %get3A_1045 = arith.constant 0 : index
          %get3A_1046 = tpu.vector_load %arg13[%get3A_1044, %get3A_1045] {strides = array<i32>} : memref<64x384xf32, #tpu.memory_space<vmem>>, vector<16xf32>,
          %mul3A_1047 = arith.mulf %gather3A_1029, %get3A_1046 : vector<16xf32>
          %add3A_1048 = arith.addf %mul3A_1041, %mul3A_1047 : vector<16xf32>
          %add3A_1049 = arith.constant 32 : i32
          %add3A_1050 = arith.addi %add3A_1049, %scan3A_1022 : i32
          %get3A_1051 = arith.index_cast %add3A_1050 : i32 to index
          %get3A_1052 = arith.constant 0 : index
          %get3A_1053 = tpu.vector_load %arg13[%get3A_1051, %get3A_1052] {strides = array<i32>} : memref<64x384xf32, #tpu.memory_space<vmem>>, vector<16xf32>,
          %mul3A_1054 = arith.mulf %gather3A_1033, %get3A_1053 : vector<16xf32>
          %add3A_1055 = arith.addf %add3A_1048, %mul3A_1054 : vector<16xf32>
          %add3A_1056 = arith.constant 48 : i32
          %add3A_1057 = arith.addi %add3A_1056, %scan3A_1022 : i32
          %get3A_1058 = arith.index_cast %add3A_1057 : i32 to index
          %get3A_1059 = arith.constant 0 : index
          %get3A_1060 = tpu.vector_load %arg13[%get3A_1058, %get3A_1059] {strides = array<i32>} : memref<64x384xf32, #tpu.memory_space<vmem>>, vector<16xf32>,
          %mul3A_1061 = arith.mulf %gather3A_1037, %get3A_1060 : vector<16xf32>
          %add3A_1062 = arith.addf %add3A_1055, %mul3A_1061 : vector<16xf32>
          %swap3A_1063 = arith.index_cast %scan3A_1022 : i32 to index
          %swap3A_1064 = arith.constant 0 : index
          %swap3A_1065 = tpu.vector_load %arg15[%swap3A_1063, %swap3A_1064] {strides = array<i32>} : memref<16x384xf32, #tpu.memory_space<vmem>>, vector<16xf32>,
          tpu.vector_store %arg15[%swap3A_1063, %swap3A_1064], %add3A_1062 {strides = array<i32>} : memref<16x384xf32, #tpu.memory_space<vmem>>, vector<16xf32>,
          %get3A_1066 = arith.index_cast %scan3A_1022 : i32 to index
          %get3A_1067 = arith.constant 16 : index
          %get3A_1068 = tpu.vector_load %arg13[%get3A_1066, %get3A_1067] {strides = array<i32>} : memref<64x384xf32, #tpu.memory_space<vmem>>, vector<16xf32>,
          %mul3A_1069 = arith.mulf %gather3A_1025, %get3A_1068 : vector<16xf32>
          %add3A_1070 = arith.constant 16 : i32
          %add3A_1071 = arith.addi %add3A_1070, %scan3A_1022 : i32
          %get3A_1072 = arith.index_cast %add3A_1071 : i32 to index
          %get3A_1073 = arith.constant 16 : index
          %get3A_1074 = tpu.vector_load %arg13[%get3A_1072, %get3A_1073] {strides = array<i32>} : memref<64x384xf32, #tpu.memory_space<vmem>>, vector<16xf32>,
          %mul3A_1075 = arith.mulf %gather3A_1029, %get3A_1074 : vector<16xf32>
          %add3A_1076 = arith.addf %mul3A_1069, %mul3A_1075 : vector<16xf32>
          %add3A_1077 = arith.constant 32 : i32
          %add3A_1078 = arith.addi %add3A_1077, %scan3A_1022 : i32
          %get3A_1079 = arith.index_cast %add3A_1078 : i32 to index
          %get3A_1080 = arith.constant 16 : index
          %get3A_1081 = tpu.vector_load %arg13[%get3A_1079, %get3A_1080] {strides = array<i32>} : memref<64x384xf32, #tpu.memory_space<vmem>>, vector<16xf32>,
          %mul3A_1082 = arith.mulf %gather3A_1033, %get3A_1081 : vector<16xf32>
          %add3A_1083 = arith.addf %add3A_1076, %mul3A_1082 : vector<16xf32>
          %add3A_1084 = arith.constant 48 : i32
          %add3A_1085 = arith.addi %add3A_1084, %scan3A_1022 : i32
          %get3A_1086 = arith.index_cast %add3A_1085 : i32 to index
          %get3A_1087 = arith.constant 16 : index
          %get3A_1088 = tpu.vector_load %arg13[%get3A_1086, %get3A_1087] {strides = array<i32>} : memref<64x384xf32, #tpu.memory_space<vmem>>, vector<16xf32>,
          %mul3A_1089 = arith.mulf %gather3A_1037, %get3A_1088 : vector<16xf32>
          %add3A_1090 = arith.addf %add3A_1083, %mul3A_1089 : vector<16xf32>
          %swap3A_1091 = arith.index_cast %scan3A_1022 : i32 to index
          %swap3A_1092 = arith.constant 16 : index
          %swap3A_1093 = tpu.vector_load %arg15[%swap3A_1091, %swap3A_1092] {strides = array<i32>} : memref<16x384xf32, #tpu.memory_space<vmem>>, vector<16xf32>,
          tpu.vector_store %arg15[%swap3A_1091, %swap3A_1092], %add3A_1090 {strides = array<i32>} : memref<16x384xf32, #tpu.memory_space<vmem>>, vector<16xf32>,
          %get3A_1094 = arith.index_cast %scan3A_1022 : i32 to index
          %get3A_1095 = arith.constant 32 : index
          %get3A_1096 = tpu.vector_load %arg13[%get3A_1094, %get3A_1095] {strides = array<i32>} : memref<64x384xf32, #tpu.memory_space<vmem>>, vector<16xf32>,
          %mul3A_1097 = arith.mulf %gather3A_1025, %get3A_1096 : vector<16xf32>
          %add3A_1098 = arith.constant 16 : i32
          %add3A_1099 = arith.addi %add3A_1098, %scan3A_1022 : i32
          %get3A_1100 = arith.index_cast %add3A_1099 : i32 to index
          %get3A_1101 = arith.constant 32 : index
          %get3A_1102 = tpu.vector_load %arg13[%get3A_1100, %get3A_1101] {strides = array<i32>} : memref<64x384xf32, #tpu.memory_space<vmem>>, vector<16xf32>,
          %mul3A_1103 = arith.mulf %gather3A_1029, %get3A_1102 : vector<16xf32>
          %add3A_1104 = arith.addf %mul3A_1097, %mul3A_1103 : vector<16xf32>
          %add3A_1105 = arith.constant 32 : i32
          %add3A_1106 = arith.addi %add3A_1105, %scan3A_1022 : i32
          %get3A_1107 = arith.index_cast %add3A_1106 : i32 to index
          %get3A_1108 = arith.constant 32 : index
          %get3A_1109 = tpu.vector_load %arg13[%get3A_1107, %get3A_1108] {strides = array<i32>} : memref<64x384xf32, #tpu.memory_space<vmem>>, vector<16xf32>,
          %mul3A_1110 = arith.mulf %gather3A_1033, %get3A_1109 : vector<16xf32>
          %add3A_1111 = arith.addf %add3A_1104, %mul3A_1110 : vector<16xf32>
          %add3A_1112 = arith.constant 48 : i32
          %add3A_1113 = arith.addi %add3A_1112, %scan3A_1022 : i32
          %get3A_1114 = arith.index_cast %add3A_1113 : i32 to index
          %get3A_1115 = arith.constant 32 : index
          %get3A_1116 = tpu.vector_load %arg13[%get3A_1114, %get3A_1115] {strides = array<i32>} : memref<64x384xf32, #tpu.memory_space<vmem>>, vector<16xf32>,
          %mul3A_1117 = arith.mulf %gather3A_1037, %get3A_1116 : vector<16xf32>
          %add3A_1118 = arith.addf %add3A_1111, %mul3A_1117 : vector<16xf32>
          %swap3A_1119 = arith.index_cast %scan3A_1022 : i32 to index
          %swap3A_1120 = arith.constant 32 : index
          %swap3A_1121 = tpu.vector_load %arg15[%swap3A_1119, %swap3A_1120] {strides = array<i32>} : memref<16x384xf32, #tpu.memory_space<vmem>>, vector<16xf32>,
          tpu.vector_store %arg15[%swap3A_1119, %swap3A_1120], %add3A_1118 {strides = array<i32>} : memref<16x384xf32, #tpu.memory_space<vmem>>, vector<16xf32>,
          %get3A_1122 = arith.index_cast %scan3A_1022 : i32 to index
          %get3A_1123 = arith.constant 48 : index
          %get3A_1124 = tpu.vector_load %arg13[%get3A_1122, %get3A_1123] {strides = array<i32>} : memref<64x384xf32, #tpu.memory_space<vmem>>, vector<16xf32>,
          %mul3A_1125 = arith.mulf %gather3A_1025, %get3A_1124 : vector<16xf32>
          %add3A_1126 = arith.constant 16 : i32
          %add3A_1127 = arith.addi %add3A_1126, %scan3A_1022 : i32
          %get3A_1128 = arith.index_cast %add3A_1127 : i32 to index
          %get3A_1129 = arith.constant 48 : index
          %get3A_1130 = tpu.vector_load %arg13[%get3A_1128, %get3A_1129] {strides = array<i32>} : memref<64x384xf32, #tpu.memory_space<vmem>>, vector<16xf32>,
          %mul3A_1131 = arith.mulf %gather3A_1029, %get3A_1130 : vector<16xf32>
          %add3A_1132 = arith.addf %mul3A_1125, %mul3A_1131 : vector<16xf32>
          %add3A_1133 = arith.constant 32 : i32
          %add3A_1134 = arith.addi %add3A_1133, %scan3A_1022 : i32
          %get3A_1135 = arith.index_cast %add3A_1134 : i32 to index
          %get3A_1136 = arith.constant 48 : index
          %get3A_1137 = tpu.vector_load %arg13[%get3A_1135, %get3A_1136] {strides = array<i32>} : memref<64x384xf32, #tpu.memory_space<vmem>>, vector<16xf32>,
          %mul3A_1138 = arith.mulf %gather3A_1033, %get3A_1137 : vector<16xf32>
          %add3A_1139 = arith.addf %add3A_1132, %mul3A_1138 : vector<16xf32>
          %add3A_1140 = arith.constant 48 : i32
          %add3A_1141 = arith.addi %add3A_1140, %scan3A_1022 : i32
          %get3A_1142 = arith.index_cast %add3A_1141 : i32 to index
          %get3A_1143 = arith.constant 48 : index
          %get3A_1144 = tpu.vector_load %arg13[%get3A_1142, %get3A_1143] {strides = array<i32>} : memref<64x384xf32, #tpu.memory_space<vmem>>, vector<16xf32>,
          %mul3A_1145 = arith.mulf %gather3A_1037, %get3A_1144 : vector<16xf32>
          %add3A_1146 = arith.addf %add3A_1139, %mul3A_1145 : vector<16xf32>
          %swap3A_1147 = arith.index_cast %scan3A_1022 : i32 to index
          %swap3A_1148 = arith.constant 48 : index
          %swap3A_1149 = tpu.vector_load %arg15[%swap3A_1147, %swap3A_1148] {strides = array<i32>} : memref<16x384xf32, #tpu.memory_space<vmem>>, vector<16xf32>,
          tpu.vector_store %arg15[%swap3A_1147, %swap3A_1148], %add3A_1146 {strides = array<i32>} : memref<16x384xf32, #tpu.memory_space<vmem>>, vector<16xf32>,
          %get3A_1150 = arith.index_cast %scan3A_1022 : i32 to index
          %get3A_1151 = arith.constant 64 : index
          %get3A_1152 = tpu.vector_load %arg13[%get3A_1150, %get3A_1151] {strides = array<i32>} : memref<64x384xf32, #tpu.memory_space<vmem>>, vector<16xf32>,
          %mul3A_1153 = arith.mulf %gather3A_1025, %get3A_1152 : vector<16xf32>
          %add3A_1154 = arith.constant 16 : i32
          %add3A_1155 = arith.addi %add3A_1154, %scan3A_1022 : i32
          %get3A_1156 = arith.index_cast %add3A_1155 : i32 to index
          %get3A_1157 = arith.constant 64 : index
          %get3A_1158 = tpu.vector_load %arg13[%get3A_1156, %get3A_1157] {strides = array<i32>} : memref<64x384xf32, #tpu.memory_space<vmem>>, vector<16xf32>,
          %mul3A_1159 = arith.mulf %gather3A_1029, %get3A_1158 : vector<16xf32>
          %add3A_1160 = arith.addf %mul3A_1153, %mul3A_1159 : vector<16xf32>
          %add3A_1161 = arith.constant 32 : i32
          %add3A_1162 = arith.addi %add3A_1161, %scan3A_1022 : i32
          %get3A_1163 = arith.index_cast %add3A_1162 : i32 to index
          %get3A_1164 = arith.constant 64 : index
          %get3A_1165 = tpu.vector_load %arg13[%get3A_1163, %get3A_1164] {strides = array<i32>} : memref<64x384xf32, #tpu.memory_space<vmem>>, vector<16xf32>,
          %mul3A_1166 = arith.mulf %gather3A_1033, %get3A_1165 : vector<16xf32>
          %add3A_1167 = arith.addf %add3A_1160, %mul3A_1166 : vector<16xf32>
          %add3A_1168 = arith.constant 48 : i32
          %add3A_1169 = arith.addi %add3A_1168, %scan3A_1022 : i32
          %get3A_1170 = arith.index_cast %add3A_1169 : i32 to index
          %get3A_1171 = arith.constant 64 : index
          %get3A_1172 = tpu.vector_load %arg13[%get3A_1170, %get3A_1171] {strides = array<i32>} : memref<64x384xf32, #tpu.memory_space<vmem>>, vector<16xf32>,
          %mul3A_1173 = arith.mulf %gather3A_1037, %get3A_1172 : vector<16xf32>
          %add3A_1174 = arith.addf %add3A_1167, %mul3A_1173 : vector<16xf32>
          %swap3A_1175 = arith.index_cast %scan3A_1022 : i32 to index
          %swap3A_1176 = arith.constant 64 : index
          %swap3A_1177 = tpu.vector_load %arg15[%swap3A_1175, %swap3A_1176] {strides = array<i32>} : memref<16x384xf32, #tpu.memory_space<vmem>>, vector<16xf32>,
          tpu.vector_store %arg15[%swap3A_1175, %swap3A_1176], %add3A_1174 {strides = array<i32>} : memref<16x384xf32, #tpu.memory_space<vmem>>, vector<16xf32>,
          %get3A_1178 = arith.index_cast %scan3A_1022 : i32 to index
          %get3A_1179 = arith.constant 80 : index
          %get3A_1180 = tpu.vector_load %arg13[%get3A_1178, %get3A_1179] {strides = array<i32>} : memref<64x384xf32, #tpu.memory_space<vmem>>, vector<16xf32>,
          %mul3A_1181 = arith.mulf %gather3A_1025, %get3A_1180 : vector<16xf32>
          %add3A_1182 = arith.constant 16 : i32
          %add3A_1183 = arith.addi %add3A_1182, %scan3A_1022 : i32
          %get3A_1184 = arith.index_cast %add3A_1183 : i32 to index
          %get3A_1185 = arith.constant 80 : index
          %get3A_1186 = tpu.vector_load %arg13[%get3A_1184, %get3A_1185] {strides = array<i32>} : memref<64x384xf32, #tpu.memory_space<vmem>>, vector<16xf32>,
          %mul3A_1187 = arith.mulf %gather3A_1029, %get3A_1186 : vector<16xf32>
          %add3A_1188 = arith.addf %mul3A_1181, %mul3A_1187 : vector<16xf32>
          %add3A_1189 = arith.constant 32 : i32
          %add3A_1190 = arith.addi %add3A_1189, %scan3A_1022 : i32
          %get3A_1191 = arith.index_cast %add3A_1190 : i32 to index
          %get3A_1192 = arith.constant 80 : index
          %get3A_1193 = tpu.vector_load %arg13[%get3A_1191, %get3A_1192] {strides = array<i32>} : memref<64x384xf32, #tpu.memory_space<vmem>>, vector<16xf32>,
          %mul3A_1194 = arith.mulf %gather3A_1033, %get3A_1193 : vector<16xf32>
          %add3A_1195 = arith.addf %add3A_1188, %mul3A_1194 : vector<16xf32>
          %add3A_1196 = arith.constant 48 : i32
          %add3A_1197 = arith.addi %add3A_1196, %scan3A_1022 : i32
          %get3A_1198 = arith.index_cast %add3A_1197 : i32 to index
          %get3A_1199 = arith.constant 80 : index
          %get3A_1200 = tpu.vector_load %arg13[%get3A_1198, %get3A_1199] {strides = array<i32>} : memref<64x384xf32, #tpu.memory_space<vmem>>, vector<16xf32>,
          %mul3A_1201 = arith.mulf %gather3A_1037, %get3A_1200 : vector<16xf32>
          %add3A_1202 = arith.addf %add3A_1195, %mul3A_1201 : vector<16xf32>
          %swap3A_1203 = arith.index_cast %scan3A_1022 : i32 to index
          %swap3A_1204 = arith.constant 80 : index
          %swap3A_1205 = tpu.vector_load %arg15[%swap3A_1203, %swap3A_1204] {strides = array<i32>} : memref<16x384xf32, #tpu.memory_space<vmem>>, vector<16xf32>,
          tpu.vector_store %arg15[%swap3A_1203, %swap3A_1204], %add3A_1202 {strides = array<i32>} : memref<16x384xf32, #tpu.memory_space<vmem>>, vector<16xf32>,
          %get3A_1206 = arith.index_cast %scan3A_1022 : i32 to index
          %get3A_1207 = arith.constant 96 : index
          %get3A_1208 = tpu.vector_load %arg13[%get3A_1206, %get3A_1207] {strides = array<i32>} : memref<64x384xf32, #tpu.memory_space<vmem>>, vector<16xf32>,
          %mul3A_1209 = arith.mulf %gather3A_1025, %get3A_1208 : vector<16xf32>
          %add3A_1210 = arith.constant 16 : i32
          %add3A_1211 = arith.addi %add3A_1210, %scan3A_1022 : i32
          %get3A_1212 = arith.index_cast %add3A_1211 : i32 to index
          %get3A_1213 = arith.constant 96 : index
          %get3A_1214 = tpu.vector_load %arg13[%get3A_1212, %get3A_1213] {strides = array<i32>} : memref<64x384xf32, #tpu.memory_space<vmem>>, vector<16xf32>,
          %mul3A_1215 = arith.mulf %gather3A_1029, %get3A_1214 : vector<16xf32>
          %add3A_1216 = arith.addf %mul3A_1209, %mul3A_1215 : vector<16xf32>
          %add3A_1217 = arith.constant 32 : i32
          %add3A_1218 = arith.addi %add3A_1217, %scan3A_1022 : i32
          %get3A_1219 = arith.index_cast %add3A_1218 : i32 to index
          %get3A_1220 = arith.constant 96 : index
          %get3A_1221 = tpu.vector_load %arg13[%get3A_1219, %get3A_1220] {strides = array<i32>} : memref<64x384xf32, #tpu.memory_space<vmem>>, vector<16xf32>,
          %mul3A_1222 = arith.mulf %gather3A_1033, %get3A_1221 : vector<16xf32>
          %add3A_1223 = arith.addf %add3A_1216, %mul3A_1222 : vector<16xf32>
          %add3A_1224 = arith.constant 48 : i32
          %add3A_1225 = arith.addi %add3A_1224, %scan3A_1022 : i32
          %get3A_1226 = arith.index_cast %add3A_1225 : i32 to index
          %get3A_1227 = arith.constant 96 : index
          %get3A_1228 = tpu.vector_load %arg13[%get3A_1226, %get3A_1227] {strides = array<i32>} : memref<64x384xf32, #tpu.memory_space<vmem>>, vector<16xf32>,
          %mul3A_1229 = arith.mulf %gather3A_1037, %get3A_1228 : vector<16xf32>
          %add3A_1230 = arith.addf %add3A_1223, %mul3A_1229 : vector<16xf32>
          %swap3A_1231 = arith.index_cast %scan3A_1022 : i32 to index
          %swap3A_1232 = arith.constant 96 : index
          %swap3A_1233 = tpu.vector_load %arg15[%swap3A_1231, %swap3A_1232] {strides = array<i32>} : memref<16x384xf32, #tpu.memory_space<vmem>>, vector<16xf32>,
          tpu.vector_store %arg15[%swap3A_1231, %swap3A_1232], %add3A_1230 {strides = array<i32>} : memref<16x384xf32, #tpu.memory_space<vmem>>, vector<16xf32>,
          %get3A_1234 = arith.index_cast %scan3A_1022 : i32 to index
          %get3A_1235 = arith.constant 112 : index
          %get3A_1236 = tpu.vector_load %arg13[%get3A_1234, %get3A_1235] {strides = array<i32>} : memref<64x384xf32, #tpu.memory_space<vmem>>, vector<16xf32>,
          %mul3A_1237 = arith.mulf %gather3A_1025, %get3A_1236 : vector<16xf32>
          %add3A_1238 = arith.constant 16 : i32
          %add3A_1239 = arith.addi %add3A_1238, %scan3A_1022 : i32
          %get3A_1240 = arith.index_cast %add3A_1239 : i32 to index
          %get3A_1241 = arith.constant 112 : index
          %get3A_1242 = tpu.vector_load %arg13[%get3A_1240, %get3A_1241] {strides = array<i32>} : memref<64x384xf32, #tpu.memory_space<vmem>>, vector<16xf32>,
          %mul3A_1243 = arith.mulf %gather3A_1029, %get3A_1242 : vector<16xf32>
          %add3A_1244 = arith.addf %mul3A_1237, %mul3A_1243 : vector<16xf32>
          %add3A_1245 = arith.constant 32 : i32
          %add3A_1246 = arith.addi %add3A_1245, %scan3A_1022 : i32
          %get3A_1247 = arith.index_cast %add3A_1246 : i32 to index
          %get3A_1248 = arith.constant 112 : index
          %get3A_1249 = tpu.vector_load %arg13[%get3A_1247, %get3A_1248] {strides = array<i32>} : memref<64x384xf32, #tpu.memory_space<vmem>>, vector<16xf32>,
          %mul3A_1250 = arith.mulf %gather3A_1033, %get3A_1249 : vector<16xf32>
          %add3A_1251 = arith.addf %add3A_1244, %mul3A_1250 : vector<16xf32>
          %add3A_1252 = arith.constant 48 : i32
          %add3A_1253 = arith.addi %add3A_1252, %scan3A_1022 : i32
          %get3A_1254 = arith.index_cast %add3A_1253 : i32 to index
          %get3A_1255 = arith.constant 112 : index
          %get3A_1256 = tpu.vector_load %arg13[%get3A_1254, %get3A_1255] {strides = array<i32>} : memref<64x384xf32, #tpu.memory_space<vmem>>, vector<16xf32>,
          %mul3A_1257 = arith.mulf %gather3A_1037, %get3A_1256 : vector<16xf32>
          %add3A_1258 = arith.addf %add3A_1251, %mul3A_1257 : vector<16xf32>
          %swap3A_1259 = arith.index_cast %scan3A_1022 : i32 to index
          %swap3A_1260 = arith.constant 112 : index
          %swap3A_1261 = tpu.vector_load %arg15[%swap3A_1259, %swap3A_1260] {strides = array<i32>} : memref<16x384xf32, #tpu.memory_space<vmem>>, vector<16xf32>,
          tpu.vector_store %arg15[%swap3A_1259, %swap3A_1260], %add3A_1258 {strides = array<i32>} : memref<16x384xf32, #tpu.memory_space<vmem>>, vector<16xf32>,
          %get3A_1262 = arith.index_cast %scan3A_1022 : i32 to index
          %get3A_1263 = arith.constant 128 : index
          %get3A_1264 = tpu.vector_load %arg13[%get3A_1262, %get3A_1263] {strides = array<i32>} : memref<64x384xf32, #tpu.memory_space<vmem>>, vector<16xf32>,
          %mul3A_1265 = arith.mulf %gather3A_1025, %get3A_1264 : vector<16xf32>
          %add3A_1266 = arith.constant 16 : i32
          %add3A_1267 = arith.addi %add3A_1266, %scan3A_1022 : i32
          %get3A_1268 = arith.index_cast %add3A_1267 : i32 to index
          %get3A_1269 = arith.constant 128 : index
          %get3A_1270 = tpu.vector_load %arg13[%get3A_1268, %get3A_1269] {strides = array<i32>} : memref<64x384xf32, #tpu.memory_space<vmem>>, vector<16xf32>,
          %mul3A_1271 = arith.mulf %gather3A_1029, %get3A_1270 : vector<16xf32>
          %add3A_1272 = arith.addf %mul3A_1265, %mul3A_1271 : vector<16xf32>
          %add3A_1273 = arith.constant 32 : i32
          %add3A_1274 = arith.addi %add3A_1273, %scan3A_1022 : i32
          %get3A_1275 = arith.index_cast %add3A_1274 : i32 to index
          %get3A_1276 = arith.constant 128 : index
          %get3A_1277 = tpu.vector_load %arg13[%get3A_1275, %get3A_1276] {strides = array<i32>} : memref<64x384xf32, #tpu.memory_space<vmem>>, vector<16xf32>,
          %mul3A_1278 = arith.mulf %gather3A_1033, %get3A_1277 : vector<16xf32>
          %add3A_1279 = arith.addf %add3A_1272, %mul3A_1278 : vector<16xf32>
          %add3A_1280 = arith.constant 48 : i32
          %add3A_1281 = arith.addi %add3A_1280, %scan3A_1022 : i32
          %get3A_1282 = arith.index_cast %add3A_1281 : i32 to index
          %get3A_1283 = arith.constant 128 : index
          %get3A_1284 = tpu.vector_load %arg13[%get3A_1282, %get3A_1283] {strides = array<i32>} : memref<64x384xf32, #tpu.memory_space<vmem>>, vector<16xf32>,
          %mul3A_1285 = arith.mulf %gather3A_1037, %get3A_1284 : vector<16xf32>
          %add3A_1286 = arith.addf %add3A_1279, %mul3A_1285 : vector<16xf32>
          %swap3A_1287 = arith.index_cast %scan3A_1022 : i32 to index
          %swap3A_1288 = arith.constant 128 : index
          %swap3A_1289 = tpu.vector_load %arg15[%swap3A_1287, %swap3A_1288] {strides = array<i32>} : memref<16x384xf32, #tpu.memory_space<vmem>>, vector<16xf32>,
          tpu.vector_store %arg15[%swap3A_1287, %swap3A_1288], %add3A_1286 {strides = array<i32>} : memref<16x384xf32, #tpu.memory_space<vmem>>, vector<16xf32>,
          %get3A_1290 = arith.index_cast %scan3A_1022 : i32 to index
          %get3A_1291 = arith.constant 144 : index
          %get3A_1292 = tpu.vector_load %arg13[%get3A_1290, %get3A_1291] {strides = array<i32>} : memref<64x384xf32, #tpu.memory_space<vmem>>, vector<16xf32>,
          %mul3A_1293 = arith.mulf %gather3A_1025, %get3A_1292 : vector<16xf32>
          %add3A_1294 = arith.constant 16 : i32
          %add3A_1295 = arith.addi %add3A_1294, %scan3A_1022 : i32
          %get3A_1296 = arith.index_cast %add3A_1295 : i32 to index
          %get3A_1297 = arith.constant 144 : index
          %get3A_1298 = tpu.vector_load %arg13[%get3A_1296, %get3A_1297] {strides = array<i32>} : memref<64x384xf32, #tpu.memory_space<vmem>>, vector<16xf32>,
          %mul3A_1299 = arith.mulf %gather3A_1029, %get3A_1298 : vector<16xf32>
          %add3A_1300 = arith.addf %mul3A_1293, %mul3A_1299 : vector<16xf32>
          %add3A_1301 = arith.constant 32 : i32
          %add3A_1302 = arith.addi %add3A_1301, %scan3A_1022 : i32
          %get3A_1303 = arith.index_cast %add3A_1302 : i32 to index
          %get3A_1304 = arith.constant 144 : index
          %get3A_1305 = tpu.vector_load %arg13[%get3A_1303, %get3A_1304] {strides = array<i32>} : memref<64x384xf32, #tpu.memory_space<vmem>>, vector<16xf32>,
          %mul3A_1306 = arith.mulf %gather3A_1033, %get3A_1305 : vector<16xf32>
          %add3A_1307 = arith.addf %add3A_1300, %mul3A_1306 : vector<16xf32>
          %add3A_1308 = arith.constant 48 : i32
          %add3A_1309 = arith.addi %add3A_1308, %scan3A_1022 : i32
          %get3A_1310 = arith.index_cast %add3A_1309 : i32 to index
          %get3A_1311 = arith.constant 144 : index
          %get3A_1312 = tpu.vector_load %arg13[%get3A_1310, %get3A_1311] {strides = array<i32>} : memref<64x384xf32, #tpu.memory_space<vmem>>, vector<16xf32>,
          %mul3A_1313 = arith.mulf %gather3A_1037, %get3A_1312 : vector<16xf32>
          %add3A_1314 = arith.addf %add3A_1307, %mul3A_1313 : vector<16xf32>
          %swap3A_1315 = arith.index_cast %scan3A_1022 : i32 to index
          %swap3A_1316 = arith.constant 144 : index
          %swap3A_1317 = tpu.vector_load %arg15[%swap3A_1315, %swap3A_1316] {strides = array<i32>} : memref<16x384xf32, #tpu.memory_space<vmem>>, vector<16xf32>,
          tpu.vector_store %arg15[%swap3A_1315, %swap3A_1316], %add3A_1314 {strides = array<i32>} : memref<16x384xf32, #tpu.memory_space<vmem>>, vector<16xf32>,
          %get3A_1318 = arith.index_cast %scan3A_1022 : i32 to index
          %get3A_1319 = arith.constant 160 : index
          %get3A_1320 = tpu.vector_load %arg13[%get3A_1318, %get3A_1319] {strides = array<i32>} : memref<64x384xf32, #tpu.memory_space<vmem>>, vector<16xf32>,
          %mul3A_1321 = arith.mulf %gather3A_1025, %get3A_1320 : vector<16xf32>
          %add3A_1322 = arith.constant 16 : i32
          %add3A_1323 = arith.addi %add3A_1322, %scan3A_1022 : i32
          %get3A_1324 = arith.index_cast %add3A_1323 : i32 to index
          %get3A_1325 = arith.constant 160 : index
          %get3A_1326 = tpu.vector_load %arg13[%get3A_1324, %get3A_1325] {strides = array<i32>} : memref<64x384xf32, #tpu.memory_space<vmem>>, vector<16xf32>,
          %mul3A_1327 = arith.mulf %gather3A_1029, %get3A_1326 : vector<16xf32>
          %add3A_1328 = arith.addf %mul3A_1321, %mul3A_1327 : vector<16xf32>
          %add3A_1329 = arith.constant 32 : i32
          %add3A_1330 = arith.addi %add3A_1329, %scan3A_1022 : i32
          %get3A_1331 = arith.index_cast %add3A_1330 : i32 to index
          %get3A_1332 = arith.constant 160 : index
          %get3A_1333 = tpu.vector_load %arg13[%get3A_1331, %get3A_1332] {strides = array<i32>} : memref<64x384xf32, #tpu.memory_space<vmem>>, vector<16xf32>,
          %mul3A_1334 = arith.mulf %gather3A_1033, %get3A_1333 : vector<16xf32>
          %add3A_1335 = arith.addf %add3A_1328, %mul3A_1334 : vector<16xf32>
          %add3A_1336 = arith.constant 48 : i32
          %add3A_1337 = arith.addi %add3A_1336, %scan3A_1022 : i32
          %get3A_1338 = arith.index_cast %add3A_1337 : i32 to index
          %get3A_1339 = arith.constant 160 : index
          %get3A_1340 = tpu.vector_load %arg13[%get3A_1338, %get3A_1339] {strides = array<i32>} : memref<64x384xf32, #tpu.memory_space<vmem>>, vector<16xf32>,
          %mul3A_1341 = arith.mulf %gather3A_1037, %get3A_1340 : vector<16xf32>
          %add3A_1342 = arith.addf %add3A_1335, %mul3A_1341 : vector<16xf32>
          %swap3A_1343 = arith.index_cast %scan3A_1022 : i32 to index
          %swap3A_1344 = arith.constant 160 : index
          %swap3A_1345 = tpu.vector_load %arg15[%swap3A_1343, %swap3A_1344] {strides = array<i32>} : memref<16x384xf32, #tpu.memory_space<vmem>>, vector<16xf32>,
          tpu.vector_store %arg15[%swap3A_1343, %swap3A_1344], %add3A_1342 {strides = array<i32>} : memref<16x384xf32, #tpu.memory_space<vmem>>, vector<16xf32>,
          %get3A_1346 = arith.index_cast %scan3A_1022 : i32 to index
          %get3A_1347 = arith.constant 176 : index
          %get3A_1348 = tpu.vector_load %arg13[%get3A_1346, %get3A_1347] {strides = array<i32>} : memref<64x384xf32, #tpu.memory_space<vmem>>, vector<16xf32>,
          %mul3A_1349 = arith.mulf %gather3A_1025, %get3A_1348 : vector<16xf32>
          %add3A_1350 = arith.constant 16 : i32
          %add3A_1351 = arith.addi %add3A_1350, %scan3A_1022 : i32
          %get3A_1352 = arith.index_cast %add3A_1351 : i32 to index
          %get3A_1353 = arith.constant 176 : index
          %get3A_1354 = tpu.vector_load %arg13[%get3A_1352, %get3A_1353] {strides = array<i32>} : memref<64x384xf32, #tpu.memory_space<vmem>>, vector<16xf32>,
          %mul3A_1355 = arith.mulf %gather3A_1029, %get3A_1354 : vector<16xf32>
          %add3A_1356 = arith.addf %mul3A_1349, %mul3A_1355 : vector<16xf32>
          %add3A_1357 = arith.constant 32 : i32
          %add3A_1358 = arith.addi %add3A_1357, %scan3A_1022 : i32
          %get3A_1359 = arith.index_cast %add3A_1358 : i32 to index
          %get3A_1360 = arith.constant 176 : index
          %get3A_1361 = tpu.vector_load %arg13[%get3A_1359, %get3A_1360] {strides = array<i32>} : memref<64x384xf32, #tpu.memory_space<vmem>>, vector<16xf32>,
          %mul3A_1362 = arith.mulf %gather3A_1033, %get3A_1361 : vector<16xf32>
          %add3A_1363 = arith.addf %add3A_1356, %mul3A_1362 : vector<16xf32>
          %add3A_1364 = arith.constant 48 : i32
          %add3A_1365 = arith.addi %add3A_1364, %scan3A_1022 : i32
          %get3A_1366 = arith.index_cast %add3A_1365 : i32 to index
          %get3A_1367 = arith.constant 176 : index
          %get3A_1368 = tpu.vector_load %arg13[%get3A_1366, %get3A_1367] {strides = array<i32>} : memref<64x384xf32, #tpu.memory_space<vmem>>, vector<16xf32>,
          %mul3A_1369 = arith.mulf %gather3A_1037, %get3A_1368 : vector<16xf32>
          %add3A_1370 = arith.addf %add3A_1363, %mul3A_1369 : vector<16xf32>
          %swap3A_1371 = arith.index_cast %scan3A_1022 : i32 to index
          %swap3A_1372 = arith.constant 176 : index
          %swap3A_1373 = tpu.vector_load %arg15[%swap3A_1371, %swap3A_1372] {strides = array<i32>} : memref<16x384xf32, #tpu.memory_space<vmem>>, vector<16xf32>,
          tpu.vector_store %arg15[%swap3A_1371, %swap3A_1372], %add3A_1370 {strides = array<i32>} : memref<16x384xf32, #tpu.memory_space<vmem>>, vector<16xf32>,
          %get3A_1374 = arith.index_cast %scan3A_1022 : i32 to index
          %get3A_1375 = arith.constant 192 : index
          %get3A_1376 = tpu.vector_load %arg13[%get3A_1374, %get3A_1375] {strides = array<i32>} : memref<64x384xf32, #tpu.memory_space<vmem>>, vector<16xf32>,
          %mul3A_1377 = arith.mulf %gather3A_1025, %get3A_1376 : vector<16xf32>
          %add3A_1378 = arith.constant 16 : i32
          %add3A_1379 = arith.addi %add3A_1378, %scan3A_1022 : i32
          %get3A_1380 = arith.index_cast %add3A_1379 : i32 to index
          %get3A_1381 = arith.constant 192 : index
          %get3A_1382 = tpu.vector_load %arg13[%get3A_1380, %get3A_1381] {strides = array<i32>} : memref<64x384xf32, #tpu.memory_space<vmem>>, vector<16xf32>,
          %mul3A_1383 = arith.mulf %gather3A_1029, %get3A_1382 : vector<16xf32>
          %add3A_1384 = arith.addf %mul3A_1377, %mul3A_1383 : vector<16xf32>
          %add3A_1385 = arith.constant 32 : i32
          %add3A_1386 = arith.addi %add3A_1385, %scan3A_1022 : i32
          %get3A_1387 = arith.index_cast %add3A_1386 : i32 to index
          %get3A_1388 = arith.constant 192 : index
          %get3A_1389 = tpu.vector_load %arg13[%get3A_1387, %get3A_1388] {strides = array<i32>} : memref<64x384xf32, #tpu.memory_space<vmem>>, vector<16xf32>,
          %mul3A_1390 = arith.mulf %gather3A_1033, %get3A_1389 : vector<16xf32>
          %add3A_1391 = arith.addf %add3A_1384, %mul3A_1390 : vector<16xf32>
          %add3A_1392 = arith.constant 48 : i32
          %add3A_1393 = arith.addi %add3A_1392, %scan3A_1022 : i32
          %get3A_1394 = arith.index_cast %add3A_1393 : i32 to index
          %get3A_1395 = arith.constant 192 : index
          %get3A_1396 = tpu.vector_load %arg13[%get3A_1394, %get3A_1395] {strides = array<i32>} : memref<64x384xf32, #tpu.memory_space<vmem>>, vector<16xf32>,
          %mul3A_1397 = arith.mulf %gather3A_1037, %get3A_1396 : vector<16xf32>
          %add3A_1398 = arith.addf %add3A_1391, %mul3A_1397 : vector<16xf32>
          %swap3A_1399 = arith.index_cast %scan3A_1022 : i32 to index
          %swap3A_1400 = arith.constant 192 : index
          %swap3A_1401 = tpu.vector_load %arg15[%swap3A_1399, %swap3A_1400] {strides = array<i32>} : memref<16x384xf32, #tpu.memory_space<vmem>>, vector<16xf32>,
          tpu.vector_store %arg15[%swap3A_1399, %swap3A_1400], %add3A_1398 {strides = array<i32>} : memref<16x384xf32, #tpu.memory_space<vmem>>, vector<16xf32>,
          %get3A_1402 = arith.index_cast %scan3A_1022 : i32 to index
          %get3A_1403 = arith.constant 208 : index
          %get3A_1404 = tpu.vector_load %arg13[%get3A_1402, %get3A_1403] {strides = array<i32>} : memref<64x384xf32, #tpu.memory_space<vmem>>, vector<16xf32>,
          %mul3A_1405 = arith.mulf %gather3A_1025, %get3A_1404 : vector<16xf32>
          %add3A_1406 = arith.constant 16 : i32
          %add3A_1407 = arith.addi %add3A_1406, %scan3A_1022 : i32
          %get3A_1408 = arith.index_cast %add3A_1407 : i32 to index
          %get3A_1409 = arith.constant 208 : index
          %get3A_1410 = tpu.vector_load %arg13[%get3A_1408, %get3A_1409] {strides = array<i32>} : memref<64x384xf32, #tpu.memory_space<vmem>>, vector<16xf32>,
          %mul3A_1411 = arith.mulf %gather3A_1029, %get3A_1410 : vector<16xf32>
          %add3A_1412 = arith.addf %mul3A_1405, %mul3A_1411 : vector<16xf32>
          %add3A_1413 = arith.constant 32 : i32
          %add3A_1414 = arith.addi %add3A_1413, %scan3A_1022 : i32
          %get3A_1415 = arith.index_cast %add3A_1414 : i32 to index
          %get3A_1416 = arith.constant 208 : index
          %get3A_1417 = tpu.vector_load %arg13[%get3A_1415, %get3A_1416] {strides = array<i32>} : memref<64x384xf32, #tpu.memory_space<vmem>>, vector<16xf32>,
          %mul3A_1418 = arith.mulf %gather3A_1033, %get3A_1417 : vector<16xf32>
          %add3A_1419 = arith.addf %add3A_1412, %mul3A_1418 : vector<16xf32>
          %add3A_1420 = arith.constant 48 : i32
          %add3A_1421 = arith.addi %add3A_1420, %scan3A_1022 : i32
          %get3A_1422 = arith.index_cast %add3A_1421 : i32 to index
          %get3A_1423 = arith.constant 208 : index
          %get3A_1424 = tpu.vector_load %arg13[%get3A_1422, %get3A_1423] {strides = array<i32>} : memref<64x384xf32, #tpu.memory_space<vmem>>, vector<16xf32>,
          %mul3A_1425 = arith.mulf %gather3A_1037, %get3A_1424 : vector<16xf32>
          %add3A_1426 = arith.addf %add3A_1419, %mul3A_1425 : vector<16xf32>
          %swap3A_1427 = arith.index_cast %scan3A_1022 : i32 to index
          %swap3A_1428 = arith.constant 208 : index
          %swap3A_1429 = tpu.vector_load %arg15[%swap3A_1427, %swap3A_1428] {strides = array<i32>} : memref<16x384xf32, #tpu.memory_space<vmem>>, vector<16xf32>,
          tpu.vector_store %arg15[%swap3A_1427, %swap3A_1428], %add3A_1426 {strides = array<i32>} : memref<16x384xf32, #tpu.memory_space<vmem>>, vector<16xf32>,
          %get3A_1430 = arith.index_cast %scan3A_1022 : i32 to index
          %get3A_1431 = arith.constant 224 : index
          %get3A_1432 = tpu.vector_load %arg13[%get3A_1430, %get3A_1431] {strides = array<i32>} : memref<64x384xf32, #tpu.memory_space<vmem>>, vector<16xf32>,
          %mul3A_1433 = arith.mulf %gather3A_1025, %get3A_1432 : vector<16xf32>
          %add3A_1434 = arith.constant 16 : i32
          %add3A_1435 = arith.addi %add3A_1434, %scan3A_1022 : i32
          %get3A_1436 = arith.index_cast %add3A_1435 : i32 to index
          %get3A_1437 = arith.constant 224 : index
          %get3A_1438 = tpu.vector_load %arg13[%get3A_1436, %get3A_1437] {strides = array<i32>} : memref<64x384xf32, #tpu.memory_space<vmem>>, vector<16xf32>,
          %mul3A_1439 = arith.mulf %gather3A_1029, %get3A_1438 : vector<16xf32>
          %add3A_1440 = arith.addf %mul3A_1433, %mul3A_1439 : vector<16xf32>
          %add3A_1441 = arith.constant 32 : i32
          %add3A_1442 = arith.addi %add3A_1441, %scan3A_1022 : i32
          %get3A_1443 = arith.index_cast %add3A_1442 : i32 to index
          %get3A_1444 = arith.constant 224 : index
          %get3A_1445 = tpu.vector_load %arg13[%get3A_1443, %get3A_1444] {strides = array<i32>} : memref<64x384xf32, #tpu.memory_space<vmem>>, vector<16xf32>,
          %mul3A_1446 = arith.mulf %gather3A_1033, %get3A_1445 : vector<16xf32>
          %add3A_1447 = arith.addf %add3A_1440, %mul3A_1446 : vector<16xf32>
          %add3A_1448 = arith.constant 48 : i32
          %add3A_1449 = arith.addi %add3A_1448, %scan3A_1022 : i32
          %get3A_1450 = arith.index_cast %add3A_1449 : i32 to index
          %get3A_1451 = arith.constant 224 : index
          %get3A_1452 = tpu.vector_load %arg13[%get3A_1450, %get3A_1451] {strides = array<i32>} : memref<64x384xf32, #tpu.memory_space<vmem>>, vector<16xf32>,
          %mul3A_1453 = arith.mulf %gather3A_1037, %get3A_1452 : vector<16xf32>
          %add3A_1454 = arith.addf %add3A_1447, %mul3A_1453 : vector<16xf32>
          %swap3A_1455 = arith.index_cast %scan3A_1022 : i32 to index
          %swap3A_1456 = arith.constant 224 : index
          %swap3A_1457 = tpu.vector_load %arg15[%swap3A_1455, %swap3A_1456] {strides = array<i32>} : memref<16x384xf32, #tpu.memory_space<vmem>>, vector<16xf32>,
          tpu.vector_store %arg15[%swap3A_1455, %swap3A_1456], %add3A_1454 {strides = array<i32>} : memref<16x384xf32, #tpu.memory_space<vmem>>, vector<16xf32>,
          %get3A_1458 = arith.index_cast %scan3A_1022 : i32 to index
          %get3A_1459 = arith.constant 240 : index
          %get3A_1460 = tpu.vector_load %arg13[%get3A_1458, %get3A_1459] {strides = array<i32>} : memref<64x384xf32, #tpu.memory_space<vmem>>, vector<16xf32>,
          %mul3A_1461 = arith.mulf %gather3A_1025, %get3A_1460 : vector<16xf32>
          %add3A_1462 = arith.constant 16 : i32
          %add3A_1463 = arith.addi %add3A_1462, %scan3A_1022 : i32
          %get3A_1464 = arith.index_cast %add3A_1463 : i32 to index
          %get3A_1465 = arith.constant 240 : index
          %get3A_1466 = tpu.vector_load %arg13[%get3A_1464, %get3A_1465] {strides = array<i32>} : memref<64x384xf32, #tpu.memory_space<vmem>>, vector<16xf32>,
          %mul3A_1467 = arith.mulf %gather3A_1029, %get3A_1466 : vector<16xf32>
          %add3A_1468 = arith.addf %mul3A_1461, %mul3A_1467 : vector<16xf32>
          %add3A_1469 = arith.constant 32 : i32
          %add3A_1470 = arith.addi %add3A_1469, %scan3A_1022 : i32
          %get3A_1471 = arith.index_cast %add3A_1470 : i32 to index
          %get3A_1472 = arith.constant 240 : index
          %get3A_1473 = tpu.vector_load %arg13[%get3A_1471, %get3A_1472] {strides = array<i32>} : memref<64x384xf32, #tpu.memory_space<vmem>>, vector<16xf32>,
          %mul3A_1474 = arith.mulf %gather3A_1033, %get3A_1473 : vector<16xf32>
          %add3A_1475 = arith.addf %add3A_1468, %mul3A_1474 : vector<16xf32>
          %add3A_1476 = arith.constant 48 : i32
          %add3A_1477 = arith.addi %add3A_1476, %scan3A_1022 : i32
          %get3A_1478 = arith.index_cast %add3A_1477 : i32 to index
          %get3A_1479 = arith.constant 240 : index
          %get3A_1480 = tpu.vector_load %arg13[%get3A_1478, %get3A_1479] {strides = array<i32>} : memref<64x384xf32, #tpu.memory_space<vmem>>, vector<16xf32>,
          %mul3A_1481 = arith.mulf %gather3A_1037, %get3A_1480 : vector<16xf32>
          %add3A_1482 = arith.addf %add3A_1475, %mul3A_1481 : vector<16xf32>
          %swap3A_1483 = arith.index_cast %scan3A_1022 : i32 to index
          %swap3A_1484 = arith.constant 240 : index
          %swap3A_1485 = tpu.vector_load %arg15[%swap3A_1483, %swap3A_1484] {strides = array<i32>} : memref<16x384xf32, #tpu.memory_space<vmem>>, vector<16xf32>,
          tpu.vector_store %arg15[%swap3A_1483, %swap3A_1484], %add3A_1482 {strides = array<i32>} : memref<16x384xf32, #tpu.memory_space<vmem>>, vector<16xf32>,
          %get3A_1486 = arith.index_cast %scan3A_1022 : i32 to index
          %get3A_1487 = arith.constant 256 : index
          %get3A_1488 = tpu.vector_load %arg13[%get3A_1486, %get3A_1487] {strides = array<i32>} : memref<64x384xf32, #tpu.memory_space<vmem>>, vector<16xf32>,
          %mul3A_1489 = arith.mulf %gather3A_1025, %get3A_1488 : vector<16xf32>
          %add3A_1490 = arith.constant 16 : i32
          %add3A_1491 = arith.addi %add3A_1490, %scan3A_1022 : i32
          %get3A_1492 = arith.index_cast %add3A_1491 : i32 to index
          %get3A_1493 = arith.constant 256 : index
          %get3A_1494 = tpu.vector_load %arg13[%get3A_1492, %get3A_1493] {strides = array<i32>} : memref<64x384xf32, #tpu.memory_space<vmem>>, vector<16xf32>,
          %mul3A_1495 = arith.mulf %gather3A_1029, %get3A_1494 : vector<16xf32>
          %add3A_1496 = arith.addf %mul3A_1489, %mul3A_1495 : vector<16xf32>
          %add3A_1497 = arith.constant 32 : i32
          %add3A_1498 = arith.addi %add3A_1497, %scan3A_1022 : i32
          %get3A_1499 = arith.index_cast %add3A_1498 : i32 to index
          %get3A_1500 = arith.constant 256 : index
          %get3A_1501 = tpu.vector_load %arg13[%get3A_1499, %get3A_1500] {strides = array<i32>} : memref<64x384xf32, #tpu.memory_space<vmem>>, vector<16xf32>,
          %mul3A_1502 = arith.mulf %gather3A_1033, %get3A_1501 : vector<16xf32>
          %add3A_1503 = arith.addf %add3A_1496, %mul3A_1502 : vector<16xf32>
          %add3A_1504 = arith.constant 48 : i32
          %add3A_1505 = arith.addi %add3A_1504, %scan3A_1022 : i32
          %get3A_1506 = arith.index_cast %add3A_1505 : i32 to index
          %get3A_1507 = arith.constant 256 : index
          %get3A_1508 = tpu.vector_load %arg13[%get3A_1506, %get3A_1507] {strides = array<i32>} : memref<64x384xf32, #tpu.memory_space<vmem>>, vector<16xf32>,
          %mul3A_1509 = arith.mulf %gather3A_1037, %get3A_1508 : vector<16xf32>
          %add3A_1510 = arith.addf %add3A_1503, %mul3A_1509 : vector<16xf32>
          %swap3A_1511 = arith.index_cast %scan3A_1022 : i32 to index
          %swap3A_1512 = arith.constant 256 : index
          %swap3A_1513 = tpu.vector_load %arg15[%swap3A_1511, %swap3A_1512] {strides = array<i32>} : memref<16x384xf32, #tpu.memory_space<vmem>>, vector<16xf32>,
          tpu.vector_store %arg15[%swap3A_1511, %swap3A_1512], %add3A_1510 {strides = array<i32>} : memref<16x384xf32, #tpu.memory_space<vmem>>, vector<16xf32>,
          %get3A_1514 = arith.index_cast %scan3A_1022 : i32 to index
          %get3A_1515 = arith.constant 272 : index
          %get3A_1516 = tpu.vector_load %arg13[%get3A_1514, %get3A_1515] {strides = array<i32>} : memref<64x384xf32, #tpu.memory_space<vmem>>, vector<16xf32>,
          %mul3A_1517 = arith.mulf %gather3A_1025, %get3A_1516 : vector<16xf32>
          %add3A_1518 = arith.constant 16 : i32
          %add3A_1519 = arith.addi %add3A_1518, %scan3A_1022 : i32
          %get3A_1520 = arith.index_cast %add3A_1519 : i32 to index
          %get3A_1521 = arith.constant 272 : index
          %get3A_1522 = tpu.vector_load %arg13[%get3A_1520, %get3A_1521] {strides = array<i32>} : memref<64x384xf32, #tpu.memory_space<vmem>>, vector<16xf32>,
          %mul3A_1523 = arith.mulf %gather3A_1029, %get3A_1522 : vector<16xf32>
          %add3A_1524 = arith.addf %mul3A_1517, %mul3A_1523 : vector<16xf32>
          %add3A_1525 = arith.constant 32 : i32
          %add3A_1526 = arith.addi %add3A_1525, %scan3A_1022 : i32
          %get3A_1527 = arith.index_cast %add3A_1526 : i32 to index
          %get3A_1528 = arith.constant 272 : index
          %get3A_1529 = tpu.vector_load %arg13[%get3A_1527, %get3A_1528] {strides = array<i32>} : memref<64x384xf32, #tpu.memory_space<vmem>>, vector<16xf32>,
          %mul3A_1530 = arith.mulf %gather3A_1033, %get3A_1529 : vector<16xf32>
          %add3A_1531 = arith.addf %add3A_1524, %mul3A_1530 : vector<16xf32>
          %add3A_1532 = arith.constant 48 : i32
          %add3A_1533 = arith.addi %add3A_1532, %scan3A_1022 : i32
          %get3A_1534 = arith.index_cast %add3A_1533 : i32 to index
          %get3A_1535 = arith.constant 272 : index
          %get3A_1536 = tpu.vector_load %arg13[%get3A_1534, %get3A_1535] {strides = array<i32>} : memref<64x384xf32, #tpu.memory_space<vmem>>, vector<16xf32>,
          %mul3A_1537 = arith.mulf %gather3A_1037, %get3A_1536 : vector<16xf32>
          %add3A_1538 = arith.addf %add3A_1531, %mul3A_1537 : vector<16xf32>
          %swap3A_1539 = arith.index_cast %scan3A_1022 : i32 to index
          %swap3A_1540 = arith.constant 272 : index
          %swap3A_1541 = tpu.vector_load %arg15[%swap3A_1539, %swap3A_1540] {strides = array<i32>} : memref<16x384xf32, #tpu.memory_space<vmem>>, vector<16xf32>,
          tpu.vector_store %arg15[%swap3A_1539, %swap3A_1540], %add3A_1538 {strides = array<i32>} : memref<16x384xf32, #tpu.memory_space<vmem>>, vector<16xf32>,
          %get3A_1542 = arith.index_cast %scan3A_1022 : i32 to index
          %get3A_1543 = arith.constant 288 : index
          %get3A_1544 = tpu.vector_load %arg13[%get3A_1542, %get3A_1543] {strides = array<i32>} : memref<64x384xf32, #tpu.memory_space<vmem>>, vector<16xf32>,
          %mul3A_1545 = arith.mulf %gather3A_1025, %get3A_1544 : vector<16xf32>
          %add3A_1546 = arith.constant 16 : i32
          %add3A_1547 = arith.addi %add3A_1546, %scan3A_1022 : i32
          %get3A_1548 = arith.index_cast %add3A_1547 : i32 to index
          %get3A_1549 = arith.constant 288 : index
          %get3A_1550 = tpu.vector_load %arg13[%get3A_1548, %get3A_1549] {strides = array<i32>} : memref<64x384xf32, #tpu.memory_space<vmem>>, vector<16xf32>,
          %mul3A_1551 = arith.mulf %gather3A_1029, %get3A_1550 : vector<16xf32>
          %add3A_1552 = arith.addf %mul3A_1545, %mul3A_1551 : vector<16xf32>
          %add3A_1553 = arith.constant 32 : i32
          %add3A_1554 = arith.addi %add3A_1553, %scan3A_1022 : i32
          %get3A_1555 = arith.index_cast %add3A_1554 : i32 to index
          %get3A_1556 = arith.constant 288 : index
          %get3A_1557 = tpu.vector_load %arg13[%get3A_1555, %get3A_1556] {strides = array<i32>} : memref<64x384xf32, #tpu.memory_space<vmem>>, vector<16xf32>,
          %mul3A_1558 = arith.mulf %gather3A_1033, %get3A_1557 : vector<16xf32>
          %add3A_1559 = arith.addf %add3A_1552, %mul3A_1558 : vector<16xf32>
          %add3A_1560 = arith.constant 48 : i32
          %add3A_1561 = arith.addi %add3A_1560, %scan3A_1022 : i32
          %get3A_1562 = arith.index_cast %add3A_1561 : i32 to index
          %get3A_1563 = arith.constant 288 : index
          %get3A_1564 = tpu.vector_load %arg13[%get3A_1562, %get3A_1563] {strides = array<i32>} : memref<64x384xf32, #tpu.memory_space<vmem>>, vector<16xf32>,
          %mul3A_1565 = arith.mulf %gather3A_1037, %get3A_1564 : vector<16xf32>
          %add3A_1566 = arith.addf %add3A_1559, %mul3A_1565 : vector<16xf32>
          %swap3A_1567 = arith.index_cast %scan3A_1022 : i32 to index
          %swap3A_1568 = arith.constant 288 : index
          %swap3A_1569 = tpu.vector_load %arg15[%swap3A_1567, %swap3A_1568] {strides = array<i32>} : memref<16x384xf32, #tpu.memory_space<vmem>>, vector<16xf32>,
          tpu.vector_store %arg15[%swap3A_1567, %swap3A_1568], %add3A_1566 {strides = array<i32>} : memref<16x384xf32, #tpu.memory_space<vmem>>, vector<16xf32>,
          %get3A_1570 = arith.index_cast %scan3A_1022 : i32 to index
          %get3A_1571 = arith.constant 304 : index
          %get3A_1572 = tpu.vector_load %arg13[%get3A_1570, %get3A_1571] {strides = array<i32>} : memref<64x384xf32, #tpu.memory_space<vmem>>, vector<16xf32>,
          %mul3A_1573 = arith.mulf %gather3A_1025, %get3A_1572 : vector<16xf32>
          %add3A_1574 = arith.constant 16 : i32
          %add3A_1575 = arith.addi %add3A_1574, %scan3A_1022 : i32
          %get3A_1576 = arith.index_cast %add3A_1575 : i32 to index
          %get3A_1577 = arith.constant 304 : index
          %get3A_1578 = tpu.vector_load %arg13[%get3A_1576, %get3A_1577] {strides = array<i32>} : memref<64x384xf32, #tpu.memory_space<vmem>>, vector<16xf32>,
          %mul3A_1579 = arith.mulf %gather3A_1029, %get3A_1578 : vector<16xf32>
          %add3A_1580 = arith.addf %mul3A_1573, %mul3A_1579 : vector<16xf32>
          %add3A_1581 = arith.constant 32 : i32
          %add3A_1582 = arith.addi %add3A_1581, %scan3A_1022 : i32
          %get3A_1583 = arith.index_cast %add3A_1582 : i32 to index
          %get3A_1584 = arith.constant 304 : index
          %get3A_1585 = tpu.vector_load %arg13[%get3A_1583, %get3A_1584] {strides = array<i32>} : memref<64x384xf32, #tpu.memory_space<vmem>>, vector<16xf32>,
          %mul3A_1586 = arith.mulf %gather3A_1033, %get3A_1585 : vector<16xf32>
          %add3A_1587 = arith.addf %add3A_1580, %mul3A_1586 : vector<16xf32>
          %add3A_1588 = arith.constant 48 : i32
          %add3A_1589 = arith.addi %add3A_1588, %scan3A_1022 : i32
          %get3A_1590 = arith.index_cast %add3A_1589 : i32 to index
          %get3A_1591 = arith.constant 304 : index
          %get3A_1592 = tpu.vector_load %arg13[%get3A_1590, %get3A_1591] {strides = array<i32>} : memref<64x384xf32, #tpu.memory_space<vmem>>, vector<16xf32>,
          %mul3A_1593 = arith.mulf %gather3A_1037, %get3A_1592 : vector<16xf32>
          %add3A_1594 = arith.addf %add3A_1587, %mul3A_1593 : vector<16xf32>
          %swap3A_1595 = arith.index_cast %scan3A_1022 : i32 to index
          %swap3A_1596 = arith.constant 304 : index
          %swap3A_1597 = tpu.vector_load %arg15[%swap3A_1595, %swap3A_1596] {strides = array<i32>} : memref<16x384xf32, #tpu.memory_space<vmem>>, vector<16xf32>,
          tpu.vector_store %arg15[%swap3A_1595, %swap3A_1596], %add3A_1594 {strides = array<i32>} : memref<16x384xf32, #tpu.memory_space<vmem>>, vector<16xf32>,
          %get3A_1598 = arith.index_cast %scan3A_1022 : i32 to index
          %get3A_1599 = arith.constant 320 : index
          %get3A_1600 = tpu.vector_load %arg13[%get3A_1598, %get3A_1599] {strides = array<i32>} : memref<64x384xf32, #tpu.memory_space<vmem>>, vector<16xf32>,
          %mul3A_1601 = arith.mulf %gather3A_1025, %get3A_1600 : vector<16xf32>
          %add3A_1602 = arith.constant 16 : i32
          %add3A_1603 = arith.addi %add3A_1602, %scan3A_1022 : i32
          %get3A_1604 = arith.index_cast %add3A_1603 : i32 to index
          %get3A_1605 = arith.constant 320 : index
          %get3A_1606 = tpu.vector_load %arg13[%get3A_1604, %get3A_1605] {strides = array<i32>} : memref<64x384xf32, #tpu.memory_space<vmem>>, vector<16xf32>,
          %mul3A_1607 = arith.mulf %gather3A_1029, %get3A_1606 : vector<16xf32>
          %add3A_1608 = arith.addf %mul3A_1601, %mul3A_1607 : vector<16xf32>
          %add3A_1609 = arith.constant 32 : i32
          %add3A_1610 = arith.addi %add3A_1609, %scan3A_1022 : i32
          %get3A_1611 = arith.index_cast %add3A_1610 : i32 to index
          %get3A_1612 = arith.constant 320 : index
          %get3A_1613 = tpu.vector_load %arg13[%get3A_1611, %get3A_1612] {strides = array<i32>} : memref<64x384xf32, #tpu.memory_space<vmem>>, vector<16xf32>,
          %mul3A_1614 = arith.mulf %gather3A_1033, %get3A_1613 : vector<16xf32>
          %add3A_1615 = arith.addf %add3A_1608, %mul3A_1614 : vector<16xf32>
          %add3A_1616 = arith.constant 48 : i32
          %add3A_1617 = arith.addi %add3A_1616, %scan3A_1022 : i32
          %get3A_1618 = arith.index_cast %add3A_1617 : i32 to index
          %get3A_1619 = arith.constant 320 : index
          %get3A_1620 = tpu.vector_load %arg13[%get3A_1618, %get3A_1619] {strides = array<i32>} : memref<64x384xf32, #tpu.memory_space<vmem>>, vector<16xf32>,
          %mul3A_1621 = arith.mulf %gather3A_1037, %get3A_1620 : vector<16xf32>
          %add3A_1622 = arith.addf %add3A_1615, %mul3A_1621 : vector<16xf32>
          %swap3A_1623 = arith.index_cast %scan3A_1022 : i32 to index
          %swap3A_1624 = arith.constant 320 : index
          %swap3A_1625 = tpu.vector_load %arg15[%swap3A_1623, %swap3A_1624] {strides = array<i32>} : memref<16x384xf32, #tpu.memory_space<vmem>>, vector<16xf32>,
          tpu.vector_store %arg15[%swap3A_1623, %swap3A_1624], %add3A_1622 {strides = array<i32>} : memref<16x384xf32, #tpu.memory_space<vmem>>, vector<16xf32>,
          %get3A_1626 = arith.index_cast %scan3A_1022 : i32 to index
          %get3A_1627 = arith.constant 336 : index
          %get3A_1628 = tpu.vector_load %arg13[%get3A_1626, %get3A_1627] {strides = array<i32>} : memref<64x384xf32, #tpu.memory_space<vmem>>, vector<16xf32>,
          %mul3A_1629 = arith.mulf %gather3A_1025, %get3A_1628 : vector<16xf32>
          %add3A_1630 = arith.constant 16 : i32
          %add3A_1631 = arith.addi %add3A_1630, %scan3A_1022 : i32
          %get3A_1632 = arith.index_cast %add3A_1631 : i32 to index
          %get3A_1633 = arith.constant 336 : index
          %get3A_1634 = tpu.vector_load %arg13[%get3A_1632, %get3A_1633] {strides = array<i32>} : memref<64x384xf32, #tpu.memory_space<vmem>>, vector<16xf32>,
          %mul3A_1635 = arith.mulf %gather3A_1029, %get3A_1634 : vector<16xf32>
          %add3A_1636 = arith.addf %mul3A_1629, %mul3A_1635 : vector<16xf32>
          %add3A_1637 = arith.constant 32 : i32
          %add3A_1638 = arith.addi %add3A_1637, %scan3A_1022 : i32
          %get3A_1639 = arith.index_cast %add3A_1638 : i32 to index
          %get3A_1640 = arith.constant 336 : index
          %get3A_1641 = tpu.vector_load %arg13[%get3A_1639, %get3A_1640] {strides = array<i32>} : memref<64x384xf32, #tpu.memory_space<vmem>>, vector<16xf32>,
          %mul3A_1642 = arith.mulf %gather3A_1033, %get3A_1641 : vector<16xf32>
          %add3A_1643 = arith.addf %add3A_1636, %mul3A_1642 : vector<16xf32>
          %add3A_1644 = arith.constant 48 : i32
          %add3A_1645 = arith.addi %add3A_1644, %scan3A_1022 : i32
          %get3A_1646 = arith.index_cast %add3A_1645 : i32 to index
          %get3A_1647 = arith.constant 336 : index
          %get3A_1648 = tpu.vector_load %arg13[%get3A_1646, %get3A_1647] {strides = array<i32>} : memref<64x384xf32, #tpu.memory_space<vmem>>, vector<16xf32>,
          %mul3A_1649 = arith.mulf %gather3A_1037, %get3A_1648 : vector<16xf32>
          %add3A_1650 = arith.addf %add3A_1643, %mul3A_1649 : vector<16xf32>
          %swap3A_1651 = arith.index_cast %scan3A_1022 : i32 to index
          %swap3A_1652 = arith.constant 336 : index
          %swap3A_1653 = tpu.vector_load %arg15[%swap3A_1651, %swap3A_1652] {strides = array<i32>} : memref<16x384xf32, #tpu.memory_space<vmem>>, vector<16xf32>,
          tpu.vector_store %arg15[%swap3A_1651, %swap3A_1652], %add3A_1650 {strides = array<i32>} : memref<16x384xf32, #tpu.memory_space<vmem>>, vector<16xf32>,
          %get3A_1654 = arith.index_cast %scan3A_1022 : i32 to index
          %get3A_1655 = arith.constant 352 : index
          %get3A_1656 = tpu.vector_load %arg13[%get3A_1654, %get3A_1655] {strides = array<i32>} : memref<64x384xf32, #tpu.memory_space<vmem>>, vector<16xf32>,
          %mul3A_1657 = arith.mulf %gather3A_1025, %get3A_1656 : vector<16xf32>
          %add3A_1658 = arith.constant 16 : i32
          %add3A_1659 = arith.addi %add3A_1658, %scan3A_1022 : i32
          %get3A_1660 = arith.index_cast %add3A_1659 : i32 to index
          %get3A_1661 = arith.constant 352 : index
          %get3A_1662 = tpu.vector_load %arg13[%get3A_1660, %get3A_1661] {strides = array<i32>} : memref<64x384xf32, #tpu.memory_space<vmem>>, vector<16xf32>,
          %mul3A_1663 = arith.mulf %gather3A_1029, %get3A_1662 : vector<16xf32>
          %add3A_1664 = arith.addf %mul3A_1657, %mul3A_1663 : vector<16xf32>
          %add3A_1665 = arith.constant 32 : i32
          %add3A_1666 = arith.addi %add3A_1665, %scan3A_1022 : i32
          %get3A_1667 = arith.index_cast %add3A_1666 : i32 to index
          %get3A_1668 = arith.constant 352 : index
          %get3A_1669 = tpu.vector_load %arg13[%get3A_1667, %get3A_1668] {strides = array<i32>} : memref<64x384xf32, #tpu.memory_space<vmem>>, vector<16xf32>,
          %mul3A_1670 = arith.mulf %gather3A_1033, %get3A_1669 : vector<16xf32>
          %add3A_1671 = arith.addf %add3A_1664, %mul3A_1670 : vector<16xf32>
          %add3A_1672 = arith.constant 48 : i32
          %add3A_1673 = arith.addi %add3A_1672, %scan3A_1022 : i32
          %get3A_1674 = arith.index_cast %add3A_1673 : i32 to index
          %get3A_1675 = arith.constant 352 : index
          %get3A_1676 = tpu.vector_load %arg13[%get3A_1674, %get3A_1675] {strides = array<i32>} : memref<64x384xf32, #tpu.memory_space<vmem>>, vector<16xf32>,
          %mul3A_1677 = arith.mulf %gather3A_1037, %get3A_1676 : vector<16xf32>
          %add3A_1678 = arith.addf %add3A_1671, %mul3A_1677 : vector<16xf32>
          %swap3A_1679 = arith.index_cast %scan3A_1022 : i32 to index
          %swap3A_1680 = arith.constant 352 : index
          %swap3A_1681 = tpu.vector_load %arg15[%swap3A_1679, %swap3A_1680] {strides = array<i32>} : memref<16x384xf32, #tpu.memory_space<vmem>>, vector<16xf32>,
          tpu.vector_store %arg15[%swap3A_1679, %swap3A_1680], %add3A_1678 {strides = array<i32>} : memref<16x384xf32, #tpu.memory_space<vmem>>, vector<16xf32>,
          %get3A_1682 = arith.index_cast %scan3A_1022 : i32 to index
          %get3A_1683 = arith.constant 368 : index
          %get3A_1684 = tpu.vector_load %arg13[%get3A_1682, %get3A_1683] {strides = array<i32>} : memref<64x384xf32, #tpu.memory_space<vmem>>, vector<16xf32>,
          %mul3A_1685 = arith.mulf %gather3A_1025, %get3A_1684 : vector<16xf32>
          %add3A_1686 = arith.constant 16 : i32
          %add3A_1687 = arith.addi %add3A_1686, %scan3A_1022 : i32
          %get3A_1688 = arith.index_cast %add3A_1687 : i32 to index
          %get3A_1689 = arith.constant 368 : index
          %get3A_1690 = tpu.vector_load %arg13[%get3A_1688, %get3A_1689] {strides = array<i32>} : memref<64x384xf32, #tpu.memory_space<vmem>>, vector<16xf32>,
          %mul3A_1691 = arith.mulf %gather3A_1029, %get3A_1690 : vector<16xf32>
          %add3A_1692 = arith.addf %mul3A_1685, %mul3A_1691 : vector<16xf32>
          %add3A_1693 = arith.constant 32 : i32
          %add3A_1694 = arith.addi %add3A_1693, %scan3A_1022 : i32
          %get3A_1695 = arith.index_cast %add3A_1694 : i32 to index
          %get3A_1696 = arith.constant 368 : index
          %get3A_1697 = tpu.vector_load %arg13[%get3A_1695, %get3A_1696] {strides = array<i32>} : memref<64x384xf32, #tpu.memory_space<vmem>>, vector<16xf32>,
          %mul3A_1698 = arith.mulf %gather3A_1033, %get3A_1697 : vector<16xf32>
          %add3A_1699 = arith.addf %add3A_1692, %mul3A_1698 : vector<16xf32>
          %add3A_1700 = arith.constant 48 : i32
          %add3A_1701 = arith.addi %add3A_1700, %scan3A_1022 : i32
          %get3A_1702 = arith.index_cast %add3A_1701 : i32 to index
          %get3A_1703 = arith.constant 368 : index
          %get3A_1704 = tpu.vector_load %arg13[%get3A_1702, %get3A_1703] {strides = array<i32>} : memref<64x384xf32, #tpu.memory_space<vmem>>, vector<16xf32>,
          %mul3A_1705 = arith.mulf %gather3A_1037, %get3A_1704 : vector<16xf32>
          %add3A_1706 = arith.addf %add3A_1699, %mul3A_1705 : vector<16xf32>
          %swap3A_1707 = arith.index_cast %scan3A_1022 : i32 to index
          %swap3A_1708 = arith.constant 368 : index
          %swap3A_1709 = tpu.vector_load %arg15[%swap3A_1707, %swap3A_1708] {strides = array<i32>} : memref<16x384xf32, #tpu.memory_space<vmem>>, vector<16xf32>,
          tpu.vector_store %arg15[%swap3A_1707, %swap3A_1708], %add3A_1706 {strides = array<i32>} : memref<16x384xf32, #tpu.memory_space<vmem>>, vector<16xf32>,
          %scan3A_1710 = arith.constant 0 : i32
          scf.yield %scan3A_1710 : i32
        }
        %scan3A_1018 = arith.constant 16 : i32
        %dma_start3A = arith.constant 0 : i32
        %dma_start3A_1019 = tpu.memref_slice %arg5[%mul3A_988, %dma_start3A] : memref<200704x384xf32, #tpu.memory_space<hbm>> -> memref<16x384xf32, #tpu.memory_space<hbm>>
        %dma_start3A_1020 = arith.constant 0 : i32
        %dma_start3A_1021 = tpu.memref_slice %arg5[%mul3A_988, %dma_start3A_1020] : memref<200704x384xf32, #tpu.memory_space<hbm>> -> memref<16x384xf32, #tpu.memory_space<hbm>>
        tpu.enqueue_dma source(%arg15 : memref<16x384xf32, #tpu.memory_space<vmem>>) target(%dma_start3A_1021 : memref<16x384xf32, #tpu.memory_space<hbm>>) target_semaphore(%arg21 : memref<!tpu.dma_semaphore, #tpu.memory_space<semaphore_mem>>)
      } else {
      }
      %not3A_1000 = arith.constant true
      %not3A_1001 = arith.xori %ne3A_996, %not3A_1000 : i1
      %convert_element_type3A_1002 = arith.extui %not3A_1001 : i1 to i32
      %cond3A_1003 = arith.constant 0 : i32
      %cond3A_1004 = arith.cmpi ne, %convert_element_type3A_1002, %cond3A_1003 : i32
      scf.if %cond3A_1004 {
        %dma_start3A = arith.constant 0 : i32
        %dma_start3A_1006 = tpu.memref_slice %arg5[%mul3A_988, %dma_start3A] : memref<200704x384xf32, #tpu.memory_space<hbm>> -> memref<16x384xf32, #tpu.memory_space<hbm>>
        %dma_start3A_1007 = arith.constant 0 : i32
        %dma_start3A_1008 = tpu.memref_slice %arg5[%mul3A_988, %dma_start3A_1007] : memref<200704x384xf32, #tpu.memory_space<hbm>> -> memref<16x384xf32, #tpu.memory_space<hbm>>
        tpu.enqueue_dma source(%arg16 : memref<16x384xf32, #tpu.memory_space<vmem>>) target(%dma_start3A_1008 : memref<16x384xf32, #tpu.memory_space<hbm>>) target_semaphore(%arg21 : memref<!tpu.dma_semaphore, #tpu.memory_space<semaphore_mem>>)
      } else {
      }
      %scan3A_1005 = arith.constant 0 : i32
      scf.yield %scan3A_1005 : i32
    }
    %scan3A_748 = arith.constant 196 : i32
    %dma_wait3A = arith.constant 0 : i32
    %dma_wait3A_749 = arith.constant 0 : i32
    %dma_wait3A_750 = tpu.memref_slice %arg5[%dma_wait3A, %dma_wait3A_749] : memref<200704x384xf32, #tpu.memory_space<hbm>> -> memref<16x384xf32, #tpu.memory_space<hbm>>
    %dma_wait3A_751 = arith.constant 0 : i32
    %dma_wait3A_752 = arith.constant 0 : i32
    %dma_wait3A_753 = tpu.memref_slice %arg5[%dma_wait3A_751, %dma_wait3A_752] : memref<200704x384xf32, #tpu.memory_space<hbm>> -> memref<16x384xf32, #tpu.memory_space<hbm>>
    tpu.wait_dma2 semaphore(%arg20 : memref<!tpu.dma_semaphore, #tpu.memory_space<semaphore_mem>>) src(%arg16 : memref<16x384xf32, #tpu.memory_space<vmem>>) dst(%dma_wait3A_753 : memref<16x384xf32, #tpu.memory_space<hbm>>)
    %dma_wait3A_754 = arith.constant 0 : i32
    %dma_wait3A_755 = arith.constant 0 : i32
    %dma_wait3A_756 = tpu.memref_slice %arg5[%dma_wait3A_754, %dma_wait3A_755] : memref<200704x384xf32, #tpu.memory_space<hbm>> -> memref<16x384xf32, #tpu.memory_space<hbm>>
    %dma_wait3A_757 = arith.constant 0 : i32
    %dma_wait3A_758 = arith.constant 0 : i32
    %dma_wait3A_759 = tpu.memref_slice %arg5[%dma_wait3A_757, %dma_wait3A_758] : memref<200704x384xf32, #tpu.memory_space<hbm>> -> memref<16x384xf32, #tpu.memory_space<hbm>>
    tpu.wait_dma2 semaphore(%arg21 : memref<!tpu.dma_semaphore, #tpu.memory_space<semaphore_mem>>) src(%arg16 : memref<16x384xf32, #tpu.memory_space<vmem>>) dst(%dma_wait3A_759 : memref<16x384xf32, #tpu.memory_space<hbm>>)
    return
  }
}

</mosaic_0001>

<sc_bundles>
// kernel: _sample.3.cloned.1.call-start
scs
__scs_entry_jumppad:
0x0: {  	(pc) =	sbr.rel $0x88, $3  }
0x1: {  	(tag) =	ssettag $0x0;
	lr =	simm.s32 $0x1  }
0x2: {  	[smem:$0x3F9E] =	sst lr;
	_ =	strace $0xD0000000  }
0x3: {  	_ = 	snop  }
0x4: {  	_ = 	snop  }
0x5: {  	_ = 	snop  }
0x6: {  	_ = 	snop  }
0x7: {  	_ = 	snop  }
__scs_overlays_trampoline_lowered:
0x8: {  	[smem:$0x3FAD] =	sst s0  }
0x9: {  	[smem:$0x3FAE] =	sst s1  }
0xa: {  	[smem:$0x3FAF] =	sst s2  }
0xb: {  	[smem:$0x3FB0] =	sst s3  }
0xc: {  	[smem:$0x3FB1] =	sst s4  }
0xd: {  	[smem:$0x3FB2] =	sst s5  }
0xe: {  	[smem:$0x3FB3] =	sst s6  }
0xf: {  	[smem:$0x3FB4] =	sst s7  }
0x10: {  	[smem:$0x3FB5] =	sst s8  }
0x11: {  	[smem:$0x3FB6] =	sst s9;
	s0 =	simm.s32 @!p0 $0x0  }
0x12: {  	s1 =	sld [smem:$0x3F9C];
	s0 =	simm.s32 @p0 $0x1  }
0x13: {  	[smem:$0x3FB7] =	sst s0;
	s0 =	simm.s32 @!p1 $0x0  }
0x14: {  	s2 =	sld [smem:$0x3F9B];
	s0 =	simm.s32 @p1 $0x1  }
0x15: {  	[smem:$0x3FB8] =	sst s0;
	s0 =	simm.s32 @!p2 $0x0  }
0x16: {  	s3 =	sld [smem:$0x3FDB];
	s0 =	simm.s32 @p2 $0x1  }
0x17: {  	s4 =	simm.s32 $0x1BF5;
	[smem:$0x3FBA] =	sst s0  }
0x18: {  	s0 =	sld [smem:$0x3F9D];
	_ =	swait.ge [sflag:s4], $0x0  }
0x19: {  	s7 =	sld [smem:$0x3F9E]  }
0x1a: {  	s8 =	sadd.s32 $0xFFFFE003, lr  }
0x1b: {  	s9 =	sadd.s32 $0xFFFFFEF7, lr;
	s5 =	simm.s32 $0xFFFFFFFF;
	p2 =	slt.u32 s8, $0xFFFFF086  }
0x1c: {  	p1 =	slt.u32 s9, $0xF7A;
	s5 =	simm.s32 @!p2 $0x0  }
0x1d: {  	s5 =	simm.s32 @p1 $0x1;
	p0 =	seq.s32 s7, s2  }
0x1e: {  	s7 =	smul.u32 @!p0 $0xF7A, s2;
	p2 =	seq.s32 @!p0 s5, $0x0  }
0x1f: {  	s9 =	smul.u32 $0xF7A, s1;
	s8 =	simm.s32 @!p0 $0x1BF5;
	p2 =	por !p2, p0  }
0x20: {  	[sflag:s8] =	ssyncset.s32 @!p0 $0xFFFFF086;
	s6 =	sadd.s32 @!p0 s3, s7;
	s7 =	simm.s32 @!p0 $0x108  }
0x21: {  	s3 =	sadd.s32 s3, s9;
	s6 =	sadd.s32 @!p0 $0x88, s6;
	s7 =	simm.s32 @p2 $0x1082  }
0x22: {  	[simem:s7], [sflag:s8] =	dma.local @!p0 [hbm:s6], $0xF7A  }
0x23: {  	s9 =	sor.u32 $0xD0000000, s2;
	s6 =	simm.s32 $0x108;
	_ =	swait.ge @!p0 [sflag:s8], $0x0  }
0x24: {  	s3 =	sadd.s32 $0x88, s3;
	s6 =	simm.s32 @!p1 $0x1082;
	[sflag:s4] =	ssyncset.s32 $0xFFFFF086  }
0x25: {  	[simem:s6], [sflag:s4] =	dma.local [hbm:s3], $0xF7A  }
0x26: {  	[smem:$0x3F9E] =	sst s1;
	(tag) =	ssettag s2;
	_ =	strace s9  }
0x27: {  	s1 =	sld [smem:$0x3FAE]  }
0x28: {  	s2 =	sld [smem:$0x3FAF]  }
0x29: {  	s4 =	sld [smem:$0x3FB1]  }
0x2a: {  	p0 =	seq.s32 s5, $0x0;
	s5 =	sld [smem:$0x3FB2]  }
0x2b: {  	s6 =	sld [smem:$0x3FB3]  }
0x2c: {  	s7 =	sld [smem:$0x3FB4]  }
0x2d: {  	s3 =	simm.s32 $0x108;
	s8 =	sld [smem:$0x3FB5]  }
0x2e: {  	s3 =	simm.s32 @!p0 $0x1082;
	s9 =	sld [smem:$0x3FB6]  }
0x2f: {  	lr =	sadd.s32 s0, s3;
	s0 =	sld [smem:$0x3FAD]  }
0x30: {  	s3 =	sld [smem:$0x3FB0]  }
0x31: {  	[smem:$0x3FB9] =	sst s10  }
0x32: {  	s10 =	sld [smem:$0x3FB7];
	_ =	sdelay $0x3  }
0x33: {  	p0 =	seq.s32 s10, $0x1;
	s10 =	sld [smem:$0x3FB9];
	_ =	sdelay $0x3  }
0x34: {  	[smem:$0x3FB9] =	sst s10  }
0x35: {  	s10 =	sld [smem:$0x3FB8];
	_ =	sdelay $0x3  }
0x36: {  	p1 =	seq.s32 s10, $0x1;
	s10 =	sld [smem:$0x3FB9];
	_ =	sdelay $0x3  }
0x37: {  	[smem:$0x3FB9] =	sst s10  }
0x38: {  	s10 =	sld [smem:$0x3FBA]  }
0x39: {  	_ = 	snop;
	(pc) =	sbr.ind lr, $3  }
0x3a: {  	_ = 	snop  }
0x3b: {  	_ = 	snop  }
0x3c: {  	p2 =	seq.s32 s10, $0x1;
	s10 =	sld [smem:$0x3FB9]  }
0x3d: {  	_ =	shalt  }
0x3e: {  	_ =	shalt  }
0x3f: {  	_ =	shalt  }
0x40: {  	_ =	shalt  }
0x41: {  	_ =	shalt  }
0x42: {  	_ =	shalt  }
0x43: {  	_ =	shalt  }
0x44: {  	_ =	shalt  }
0x45: {  	_ =	shalt  }
0x46: {  	_ =	shalt  }
0x47: {  	_ =	shalt  }
0x48: {  	_ =	shalt  }
0x49: {  	_ =	shalt  }
0x4a: {  	_ =	shalt  }
0x4b: {  	_ =	shalt  }
0x4c: {  	_ =	shalt  }
0x4d: {  	_ =	shalt  }
0x4e: {  	_ =	shalt  }
0x4f: {  	_ =	shalt  }
0x50: {  	_ =	shalt  }
0x51: {  	_ =	shalt  }
0x52: {  	_ =	shalt  }
0x53: {  	_ =	shalt  }
0x54: {  	_ =	shalt  }
0x55: {  	_ =	shalt  }
0x56: {  	_ =	shalt  }
0x57: {  	_ =	shalt  }
0x58: {  	_ =	shalt  }
0x59: {  	_ =	shalt  }
0x5a: {  	_ =	shalt  }
0x5b: {  	_ =	shalt  }
0x5c: {  	_ =	shalt  }
0x5d: {  	_ =	shalt  }
0x5e: {  	_ =	shalt  }
0x5f: {  	_ =	shalt  }
0x60: {  	_ =	shalt  }
0x61: {  	_ =	shalt  }
0x62: {  	_ =	shalt  }
0x63: {  	_ =	shalt  }
0x64: {  	_ =	shalt  }
0x65: {  	_ =	shalt  }
0x66: {  	_ =	shalt  }
0x67: {  	_ =	shalt  }
0x68: {  	_ =	shalt  }
0x69: {  	_ =	shalt  }
0x6a: {  	_ =	shalt  }
0x6b: {  	_ =	shalt  }
0x6c: {  	_ =	shalt  }
0x6d: {  	_ =	shalt  }
0x6e: {  	_ =	shalt  }
0x6f: {  	_ =	shalt  }
0x70: {  	_ =	shalt  }
0x71: {  	_ =	shalt  }
0x72: {  	_ =	shalt  }
0x73: {  	_ =	shalt  }
0x74: {  	_ =	shalt  }
0x75: {  	_ =	shalt  }
0x76: {  	_ =	shalt  }
0x77: {  	_ =	shalt  }
0x78: {  	_ =	shalt  }
0x79: {  	_ =	shalt  }
0x7a: {  	_ =	shalt  }
0x7b: {  	_ =	shalt  }
0x7c: {  	_ =	shalt  }
0x7d: {  	_ =	shalt  }
0x7e: {  	_ =	shalt  }
0x7f: {  	_ =	shalt  }
0x80: {  	_ =	shalt  }
0x81: {  	_ =	shalt  }
0x82: {  	_ =	shalt  }
0x83: {  	_ =	shalt  }
0x84: {  	_ =	shalt  }
0x85: {  	_ =	shalt  }
0x86: {  	_ =	shalt  }
0x87: {  	_ =	shalt  }
.Lfunc_end0:
.L_simem_size_0:
called_computation_lowered:
.L_overlay_start_0:
0x88: {  	s2 =	sld [smem:$0x3FD9]  }
0x89: {  	s3 =	sld [smem:$0x3FFE];
	_ =	sdelay $0x1  }
0x8a: {  	s1 =	srdreg.scid  }
0x8b: {  	s0 =	sand.u32 $0x1, s1  }
0x8c: {  	s18 =	sshll.u32 s0, $0xA;
	s2 =	sadd.s32 s3, s2  }
0x8d: {  	s2 =	sadd.s32 s2, s18  }
0x8e: {  	[smem:$0x3FC5] =	sst s2  }
0x8f: {  	_ = 	snop  }
0x90: {  	s2 =	sld [smem:$0x3FC9]  }
0x91: {  	s19 =	sld [smem:$0x3FC8]  }
0x92: {  	s4 =	sld [smem:$0x3FC7]  }
0x93: {  	s5 =	sld [smem:$0x3FD0];
	(tm) =	ssettm $0x1  }
0x94: {  	s6 =	sld [smem:$0x3FFB];
	_ =	sdelay $0x3  }
0x95: {  	_ =	strace s6  }
0x96: {  	s6 =	sld [smem:$0x3FFC];
	_ =	sdelay $0x3  }
0x97: {  	_ =	strace s6  }
0x98: {  	s6 =	sld [smem:$0x3FFD];
	_ =	sdelay $0x3  }
0x99: {  	_ =	strace s6  }
0x9a: {  	_ =	strace $0x8FFFFFFF  }
0x9b: {  	s20 =	sld [smem:$0x3FDB];
	_ =	sdelay $0x1  }
0x9c: {  	s7 =	simm.s32 $_scs_section_size  }
0x9d: {  	s8 =	simm.s32 $_size__tile_overlayer_lowered;
	s9 =	simm.s32 $_tile_overlayer_lowered  }
0x9e: {  	s23 =	simm.s32 $0x1BFF;
	s22 =	sshll.u32 s9, $0x1;
	s6 =	sadd.s32 s7, s20  }
0x9f: {  	s10 =	simm.s32 $0x0;
	s21 =	sshll.u32 s8, $0x1;
	s8 =	sadd.s32 s22, s6  }
0xa0: {  	[timem:s10], [sflag:s23] =	dma.local [hbm:s8], s21  }
0xa1: {  	_ =	swait.ge [sflag:s23], s21  }
0xa2: {  	s7 =	ssub.s32 $0x0, s21;
	[sflag:s23] =	ssyncset.done $0x0  }
0xa3: {  	[sflag:s23] =	ssyncadd.s32 s7;
	_ =	sdelay $0x1  }
0xa4: {  	s24 =	simm.s32 $0x1B8B  }
0xa5: {  	_ =	swait.ge [sflag:s24], $0x1  }
0xa6: {  	[sflag:s24] =	ssyncset.done $0x0  }
0xa7: {  	s25 =	simm.s32 $0x1B8E;
	[sflag:s24] =	ssyncadd.s32 $0xFFFFFFFF  }
0xa8: {  	s26 =	simm.s32 $execute0_lowered;
	[smem:$0x3FD2] =	sst s25  }
0xa9: {  	s7 =	sshll.u32 s26, $0x1;
	_ =	strace $0x80000046;
	[dreg:$0x1] =	wrdreg $0xFFFFFFFF  }
0xaa: {  	s28 =	simm.s32 $_size_execute0_lowered;
	s6 =	sadd.s32 s6, s7;
	[dreg:$0x0] =	wrdreg $0x0  }
0xab: {  	s7 =	sshll.u32 s28, $0x1;
	[dreg:$0x2] =	wrdreg s6  }
0xac: {  	[dreg:$0x3] =	wrdreg s7  }
0xad: {  	[dreg:$0x4] =	wrdreg $0xC0  }
0xae: {  	_ =	task [dreg:s10], $0x5FFFF  }
0xaf: {  	[dreg:$0x1] =	wrdreg $0xFFFFFFFF  }
0xb0: {  	[dreg:$0x0] =	wrdreg $0x60  }
0xb1: {  	[dreg:$0x2] =	wrdreg s2  }
0xb2: {  	[dreg:$0x3] =	wrdreg s19  }
0xb3: {  	[dreg:$0x4] =	wrdreg s4  }
0xb4: {  	[dreg:$0x5] =	wrdreg s5  }
0xb5: {  	[dreg:$0x6] =	wrdreg $0x9  }
0xb6: {  	_ =	task.clear_ibuf [dreg:s10], $0x7FFFF;
	_ =	strace $0x90000046  }
0xb7: {  	s29 =	simm.s32 $0x9;
	_ =	strace $0x80000048  }
0xb8: {  	_ =	swait.ge [sflag:s29], $0x1  }
0xb9: {  	[sflag:s29] =	ssyncadd.s32 $0xFFFFFFFF  }
0xba: {  	_ =	strace $0x90000048  }
0xbb: {  	_ =	sfence  }
0xbc: {  	s30 =	sld [smem:$0x0];
	_ =	sdelay $0x2  }
0xbd: {  	s31 =	sshll.u32 s1, $0xD;
	s1 =	sshrl.u32 s1, $0x2  }
0xbe: {  	s3 =	sand.u32 $0x4000, s31;
	s1 =	sadd.s32 s1, s30  }
0xbf: {  	s0 =	sor.u32 s3, s0;
	s1 =	sshll.u32 s1, $0x11  }
0xc0: {  	s0 =	sor.u32 s1, s0  }
0xc1: {  	s0 =	sadd.s32 $0x8F2B, s0  }
0xc2: {  	[sflag:s0] =	ssyncadd.remote.s32 $0x1  }
0xc3: {  	_ =	sfence.sel $0xFFFF  }
0xc4: {  	[dreg:$0x0] =	wrdreg $0xFFFFFFFF;
	(pc) =	sbr.abs _section_cstart, $3  }
0xc5: {  	[dreg:$0x1] =	wrdreg $0xFFFFFFFF  }
0xc6: {  	_ =	task.clear_ibuf [dreg:s10], $0x2FFFF;
	_ =	strace $0x9FFFFFFF  }
0xc7: {  	(tm) =	ssettm $0x7FFFFFFF  }
tec
execute0_lowered:
.L_overlay_start_1:
0x0: {  	(tag) =	ssettag $0x1  }
0x1: {  	s2 =	rddreg [dreg:$0x0];
	s4 =	stileid.u32  }
0x2: {  	s5 =	rddreg [dreg:$0x3];
	s1 =	srdreg.scid  }
0x3: {  	s6 =	simm.s32 $0x0;
	s13 =	simm.s32 $0x80;
	s15 =	simm.s32 $0x1  }
0x4: {  	s17 =	simm.s32 $0x9080;
	s18 =	simm.s32 $0x9480;
	s19 =	simm.s32 $0x9C80  }
0x5: {  	s20 =	simm.s32 $0xA080;
	s21 =	simm.s32 $0xA880;
	s22 =	simm.s32 $0xAC80  }
0x6: {  	s23 =	simm.s32 $0xB480;
	s24 =	simm.s32 $0xB880;
	s28 =	simm.s32 $0x2  }
0x7: {  	s29 =	simm.s32 $0x400;
	s30 =	simm.s32 $0x380;
	s0 =	smul.u32 $0x25, s4  }
0x8: {  	s1 =	sand.u32 $0x1, s1;
	s4 =	sshll.u32 s4, $0x1;
	[smem:$0x7FF] =	sst s6  }
0x9: {  	s3 =	ssub.s32 $0x2, s1;
	s7 =	sor.u32 s1, s4;
	s0 =	sshrl.u32 s0, $0x8  }
0xa: {  	_ =	strace $0x80000047;
	s9 =	sshrl.u32 s3, $0x1;
	s8 =	smul.u32 $0x3FFFFF2, s0  }
.Ltmp0:
0xb: {  	v1 =	vimm.f32 $0.0e+00;
	v2 =	vimm.s32 $0x1;
	v3 =	vimm.s32 $0x2;
	s11 =	sor.u32 $0x20, s7;
	s25 =	ssub.s32 s3, s9;
	(pc) =	sbr.rel .LBB2_1-.Ltmp0, $4  }
0xc: {  	v4 =	vimm.s32 $0x3;
	v10 =	vlaneseq.u32;
	v5 =	vimm.s32 $0x4;
	s0 =	sor.u32 $0xE0, s0;
	s9 =	sshll.u32 s7, $0x4;
	s26 =	sadd.s32 s7, s8  }
0xd: {  	v6 =	vimm.s32 $0x5;
	v7 =	vimm.s32 $0x0;
	vm0 =	vmmov $0xffff;
	s1 =	smax.u32 s25, $0x1;
	s25 =	simm.s32 $0xC080;
	s3 =	sshll.u32 s26, $0x6  }
0xe: {  	vm1 =	vmmov $0xff;
	v9 =	vshrl.u32 v10, $0x3;
	v8 =	vand.u32 $0x7, v10;
	s8 =	sadd.s32 $0x100, s2;
	[dreg:$0x5] =	wrdreg s1;
	s31 =	sshra.s32 s3, $0x2  }
0xf: {  	v10 =	vor.u32 $0x8, v10;
	v9 =	vmul.u32 $0x8, v9;
	v0 =	vmov s0;
	s1 =	simm.s32 $0x0;
	s26 =	simm.s32 $0x4;
	[dreg:$0x6] =	wrdreg s31  }
.LBB2_24:
0x10: {  	s0 =	simm.s32 $0x3  }
0x11: {  	_ =	swait.ge [sflag:s0], $0x1800  }
0x12: {  	[sflag:s0] =	ssyncset.done $0x0  }
0x13: {  	[sflag:s0] =	ssyncadd.s32 $0xFFFFE800  }
0x14: {  	_ =	swait.ge [sflag:s26], $0x1800  }
0x15: {  	s1 =	rddreg [dreg:$0x7]  }
0x16: {  	s31 =	rddreg [dreg:$0x5];
	s1 =	sadd.s32 $0x1, s1  }
0x17: {  	p0 =	sne.s32 s1, s31  }
.Ltmp1:
0x18: {  	_ = 	snop;
	(pc) =	sbr.rel @!p0 .LBB2_25-.Ltmp1, $3  }
0x19: {  	_ =	sdelay $0x1  }
0x1a: {  	[sflag:s26] =	ssyncset.done $0x0  }
0x1b: {  	[sflag:s26] =	ssyncadd.s32 $0xFFFFE800  }
.LBB2_1:
0x1c: {  	[dreg:$0x7] =	wrdreg s1  }
0x1d: {  	s0 =	rddreg [dreg:$0x1];
	s12 =	simm.s32 $0x5  }
0x1e: {  	[tilespmem:s6], [sflag:$0x5] =	stream.linear.gather [hbm4b:s0+s6], $0x80, $0x38;
	[tilespmem:$0x10C80] =	vst v63  }
0x1f: {  	_ =	swait.ge [sflag:s12], $0x80  }
0x20: {  	[sflag:s12] =	ssyncset.done $0x0  }
0x21: {  	[sflag:s12] =	ssyncadd.s32 $0xFFFFFF80  }
0x22: {  	s14 =	rddreg [dreg:$0x2]  }
0x23: {  	[tilespmem:s13], [sflag:$0x5] =	stream.linear.gather [hbm4b:s14+s6], $0x200, $0x38;
	[tilespmem:$0x10C80] =	vst v63  }
0x24: {  	_ =	swait.ge [sflag:s12], $0x200  }
0x25: {  	[sflag:s12] =	ssyncset.done $0x0  }
0x26: {  	[sflag:s12] =	ssyncadd.s32 $0xFFFFFE00  }
0x27: {  	v11 =	vld [tilespmem:$0x0]  }
0x28: {  	v12 =	vld [tilespmem:$0x10]  }
0x29: {  	v13 =	vld [tilespmem:$0x80]  }
0x2a: {  	v14 =	vld [tilespmem:$0x90]  }
0x2b: {  	v17 =	vld [tilespmem:$0xA0]  }
0x2c: {  	v26 =	vld [tilespmem:$0xB0]  }
0x2d: {  	v18 =	vld [tilespmem:$0xC0]  }
0x2e: {  	v20 =	vld [tilespmem:$0xD0]  }
0x2f: {  	v30 =	vld [tilespmem:$0xE0]  }
0x30: {  	v21 =	vld [tilespmem:$0xF0]  }
0x31: {  	v34 =	vld [tilespmem:$0x110]  }
0x32: {  	v24 =	vld [tilespmem:$0x120]  }
0x33: {  	v37 =	vld [tilespmem:$0x140]  }
0x34: {  	v42 =	vld [tilespmem:$0x170]  }
0x35: {  	v47 =	vld [tilespmem:$0x180]  }
0x36: {  	v15 =	vshrl.u32 v11, $0x10;
	v16 =	vshrl.u32 v12, $0x10;
	v25 =	vshrl.u32 v13, $0x10  }
0x37: {  	v27 =	vshrl.u32 v14, $0x10;
	v19 =	vshrl.u32 v17, $0x10;
	v29 =	vshrl.u32 v26, $0x10  }
0x38: {  	v31 =	vshrl.u32 v18, $0x10;
	v22 =	vshrl.u32 v20, $0x10;
	v33 =	vshrl.u32 v30, $0x10  }
0x39: {  	v35 =	vshrl.u32 v21, $0x10;
	v38 =	vshrl.u32 v34, $0x10;
	v39 =	vshrl.u32 v24, $0x10  }
0x3a: {  	v23 =	vld [tilespmem:$0x100];
	v41 =	vshrl.u32 v37, $0x10;
	v57 =	vshrl.u32 v42, $0x10;
	v62 =	vshrl.u32 v47, $0x10  }
0x3b: {  	v15 =	vand.u32 $0x1, v15;
	v16 =	vand.u32 $0x1, v16;
	v19 =	vand.u32 $0x1, v19  }
0x3c: {  	v22 =	vand.u32 $0x1, v22;
	v44 =	vand.u32 $0x1, v41;
	v59 =	vand.u32 $0x1, v57  }
0x3d: {  	v11 =	vadd.s32 v15, v11;
	v12 =	vadd.s32 v16, v12;
	v15 =	vand.u32 $0x1, v25  }
0x3e: {  	v28 =	vadd.s32 v19, v17;
	v17 =	vand.u32 $0x1, v29;
	v32 =	vadd.s32 v22, v20  }
0x3f: {  	v20 =	vand.u32 $0x1, v33;
	v25 =	vshrl.u32 v23, $0x10;
	v61 =	vadd.s32 v59, v42  }
0x40: {  	v11 =	vadd.s32 $0x7FFF, v11;
	v12 =	vadd.s32 $0x7FFF, v12;
	v13 =	vadd.s32 v15, v13  }
0x41: {  	v15 =	vand.u32 $0x1, v27;
	v16 =	vadd.s32 v17, v26;
	v17 =	vand.u32 $0x1, v31  }
0x42: {  	v63 =	vld [tilespmem:$0x1B0];
	v19 =	vadd.s32 v20, v30;
	v20 =	vand.u32 $0x1, v35;
	v25 =	vand.u32 $0x1, v25  }
0x43: {  	v11 =	vand.u32 $0xFFFF0000, v11;
	v12 =	vand.u32 $0xFFFF0000, v12;
	v13 =	vadd.s32 $0x7FFF, v13  }
0x44: {  	v14 =	vadd.s32 v15, v14;
	v15 =	vadd.s32 $0x7FFF, v28;
	v16 =	vadd.s32 $0x7FFF, v16  }
0x45: {  	v17 =	vadd.s32 v17, v18;
	v18 =	vadd.s32 $0x7FFF, v32;
	v19 =	vadd.s32 $0x7FFF, v19  }
0x46: {  	v20 =	vadd.s32 v20, v21;
	v36 =	vadd.s32 v25, v23;
	v25 =	vand.u32 $0x1, v38  }
0x47: {  	v23 =	vadd.s32 v44, v37;
	v32 =	vshrl.u32 v63, $0x10;
	v13 =	vand.u32 $0xFFFF0000, v13  }
0x48: {  	v14 =	vadd.s32 $0x7FFF, v14;
	v15 =	vand.u32 $0xFFFF0000, v15;
	v16 =	vand.u32 $0xFFFF0000, v16  }
0x49: {  	v17 =	vadd.s32 $0x7FFF, v17;
	v18 =	vand.u32 $0xFFFF0000, v18;
	v19 =	vand.u32 $0xFFFF0000, v19  }
0x4a: {  	v29 =	vld [tilespmem:$0x160];
	v20 =	vadd.s32 $0x7FFF, v20;
	v21 =	vadd.s32 $0x7FFF, v36;
	v22 =	vadd.s32 v25, v34  }
0x4b: {  	v26 =	vld [tilespmem:$0x130];
	v25 =	vand.u32 $0x1, v39;
	v49 =	vadd.s32 $0x7FFF, v23;
	v35 =	vand.u32 $0x1, v32  }
0x4c: {  	v33 =	vld [tilespmem:$0x1E0];
	[tilespmem:$0x0] =	vst v11;
	v14 =	vand.u32 $0xFFFF0000, v14;
	v17 =	vand.u32 $0xFFFF0000, v17;
	v20 =	vand.u32 $0xFFFF0000, v20  }
0x4d: {  	v30 =	vld [tilespmem:$0x1D0];
	[tilespmem:$0x10] =	vst v12;
	v21 =	vand.u32 $0xFFFF0000, v21;
	v22 =	vadd.s32 $0x7FFF, v22;
	v24 =	vadd.s32 v25, v24  }
0x4e: {  	v28 =	vld [tilespmem:$0x150];
	[tilespmem:$0x80] =	vst v13;
	v51 =	vand.u32 $0xFFFF0000, v49;
	v37 =	vadd.s32 v35, v63;
	v11 =	vand.u32 $0xFFFF0000, v22  }
0x4f: {  	v60 =	vld [tilespmem:$0x1A0];
	[tilespmem:$0xA0] =	vst v15;
	v43 =	vadd.s32 $0x7FFF, v24;
	v53 =	vshrl.u32 v29, $0x10;
	v22 =	vand.u32 $0x1, v62  }
0x50: {  	[tilespmem:$0xC0] =	vst v17;
	v17 =	vadd.s32 $0x7FFF, v61;
	v13 =	vadd.s32 $0x7FFF, v37;
	v27 =	vshrl.u32 v26, $0x10  }
0x51: {  	v54 =	vld [tilespmem:$0x190];
	[tilespmem:$0xD0] =	vst v18;
	v45 =	vand.u32 $0xFFFF0000, v43;
	v56 =	vand.u32 $0x1, v53;
	v18 =	vadd.s32 v22, v47  }
0x52: {  	v36 =	vld [tilespmem:$0x1F0];
	[tilespmem:$0xB0] =	vst v16;
	v17 =	vand.u32 $0xFFFF0000, v17;
	v13 =	vand.u32 $0xFFFF0000, v13;
	v41 =	vshrl.u32 v30, $0x10  }
0x53: {  	v42 =	vld [tilespmem:$0x210];
	[tilespmem:$0xE0] =	vst v19;
	v43 =	vshrl.u32 v33, $0x10;
	v27 =	vand.u32 $0x1, v27;
	v50 =	vshrl.u32 v28, $0x10  }
0x54: {  	v49 =	vld [tilespmem:$0x230];
	[tilespmem:$0x90] =	vst v14;
	v58 =	vadd.s32 v56, v29;
	v18 =	vadd.s32 $0x7FFF, v18;
	v29 =	vshrl.u32 v60, $0x10  }
0x55: {  	[tilespmem:$0xF0] =	vst v20;
	v40 =	vadd.s32 v27, v26;
	v52 =	vand.u32 $0x1, v50;
	v16 =	vadd.s32 $0x7FFF, v58  }
0x56: {  	v39 =	vld [tilespmem:$0x200];
	[tilespmem:$0x100] =	vst v21;
	v27 =	vshrl.u32 v54, $0x10;
	v18 =	vand.u32 $0xFFFF0000, v18;
	v31 =	vand.u32 $0x1, v29  }
0x57: {  	[tilespmem:$0x140] =	vst v51;
	v44 =	vshrl.u32 v36, $0x10;
	v46 =	vadd.s32 $0x7FFF, v40;
	v55 =	vadd.s32 v52, v28  }
0x58: {  	[tilespmem:$0x110] =	vst v11;
	v16 =	vand.u32 $0xFFFF0000, v16;
	v19 =	vand.u32 $0x1, v27;
	v34 =	vadd.s32 v31, v60  }
0x59: {  	[tilespmem:$0x170] =	vst v17;
	v28 =	vld [tilespmem:$0x1C0];
	v17 =	vand.u32 $0x1, v44;
	v52 =	vshrl.u32 v42, $0x10;
	v60 =	vshrl.u32 v49, $0x10  }
0x5a: {  	[tilespmem:$0x120] =	vst v45;
	v48 =	vand.u32 $0xFFFF0000, v46;
	v15 =	vadd.s32 $0x7FFF, v55;
	v19 =	vadd.s32 v19, v54  }
0x5b: {  	v12 =	vadd.s32 $0x7FFF, v34;
	[tilespmem:$0x160] =	vst v16;
	v16 =	vand.u32 $0x1, v43;
	v46 =	vshrl.u32 v39, $0x10  }
0x5c: {  	[tilespmem:$0x1B0] =	vst v13;
	v47 =	vadd.s32 v17, v36;
	v54 =	vand.u32 $0x1, v52;
	v62 =	vand.u32 $0x1, v60  }
0x5d: {  	[tilespmem:$0x180] =	vst v18;
	v15 =	vand.u32 $0xFFFF0000, v15;
	v11 =	vadd.s32 $0x7FFF, v19;
	v12 =	vand.u32 $0xFFFF0000, v12  }
0x5e: {  	v45 =	vld [tilespmem:$0x220];
	[tilespmem:$0x130] =	vst v48;
	v16 =	vadd.s32 v16, v33;
	v48 =	vand.u32 $0x1, v46;
	v38 =	vshrl.u32 v28, $0x10  }
0x5f: {  	v55 =	vadd.s32 v54, v42;
	v11 =	vand.u32 $0xFFFF0000, v11;
	[tilespmem:$0x150] =	vst v15;
	v40 =	vand.u32 $0x1, v38  }
0x60: {  	v15 =	vand.u32 $0x1, v41;
	[tilespmem:$0x1A0] =	vst v12;
	v53 =	vadd.s32 $0x7FFF, v16;
	v14 =	vadd.s32 v40, v28  }
0x61: {  	v15 =	vadd.s32 v15, v30;
	[tilespmem:$0x190] =	vst v11;
	v57 =	vand.u32 $0xFFFF0000, v53;
	v14 =	vadd.s32 $0x7FFF, v14  }
0x62: {  	v51 =	vadd.s32 v48, v39;
	v50 =	vadd.s32 $0x7FFF, v15;
	[tilespmem:$0x1E0] =	vst v57;
	v11 =	vand.u32 $0xFFFF0000, v14  }
0x63: {  	v56 =	vshrl.u32 v45, $0x10;
	v12 =	vand.u32 $0xFFFF0000, v50;
	[tilespmem:$0x1C0] =	vst v11;
	v11 =	vadd.s32 $0x7FFF, v47  }
0x64: {  	v58 =	vand.u32 $0x1, v56;
	v59 =	vadd.s32 $0x7FFF, v51;
	[tilespmem:$0x1D0] =	vst v12;
	v11 =	vand.u32 $0xFFFF0000, v11  }
0x65: {  	s16 =	simm.s32 $0x0;
	v61 =	vadd.s32 $0x7FFF, v55;
	v13 =	vadd.s32 v58, v45;
	[tilespmem:$0x1F0] =	vst v11;
	v11 =	vand.u32 $0xFFFF0000, v59  }
0x66: {  	s0 =	smul.u32 $0x3000, s16;
	v13 =	vadd.s32 $0x7FFF, v13;
	v12 =	vand.u32 $0xFFFF0000, v61;
	[tilespmem:$0x200] =	vst v11;
	v11 =	vadd.s32 v62, v49  }
0x67: {  	v63 =	vand.u32 $0xFFFF0000, v13;
	[tilespmem:$0x210] =	vst v12;
	v11 =	vadd.s32 $0x7FFF, v11  }
0x68: {  	s31 =	sand.u32 $0x380, s6;
	s0 =	sshra.s32 s0, $0x2;
	[tilespmem:$0x220] =	vst v63;
	v11 =	vand.u32 $0xFFFF0000, v11  }
0x69: {  	s0 =	sor.u32 s31, s0;
	[tilespmem:$0x230] =	vst v11  }
0x6a: {  	[tilespmem:s0+$0xFCF0] =	vst v1  }
0x6b: {  	[tilespmem:s0+$0xF480] =	vst v1  }
0x6c: {  	[tilespmem:s0+$0xF490] =	vst v1  }
0x6d: {  	[tilespmem:s0+$0xF4A0] =	vst v1  }
0x6e: {  	[tilespmem:s0+$0xF4B0] =	vst v1  }
0x6f: {  	[tilespmem:s0+$0xF4C0] =	vst v1  }
0x70: {  	[tilespmem:s0+$0xF4D0] =	vst v1  }
0x71: {  	[tilespmem:s0+$0xF4E0] =	vst v1  }
0x72: {  	[tilespmem:s0+$0xF4F0] =	vst v1  }
0x73: {  	[tilespmem:s0+$0xF880] =	vst v1  }
0x74: {  	[tilespmem:s0+$0xF890] =	vst v1  }
0x75: {  	[tilespmem:s0+$0xF8A0] =	vst v1  }
0x76: {  	[tilespmem:s0+$0xF8B0] =	vst v1  }
0x77: {  	[tilespmem:s0+$0xF8C0] =	vst v1  }
0x78: {  	[tilespmem:s0+$0xF8D0] =	vst v1  }
0x79: {  	[tilespmem:s0+$0xF8E0] =	vst v1  }
0x7a: {  	[tilespmem:s0+$0xF8F0] =	vst v1  }
0x7b: {  	[tilespmem:s0+$0xFC80] =	vst v1  }
0x7c: {  	[tilespmem:s0+$0xFC90] =	vst v1  }
0x7d: {  	s4 =	simm.s32 $0x0;
	s3 =	simm.s32 $0x2;
	s1 =	simm.s32 $0x0;
	[tilespmem:s0+$0xFCA0] =	vst v1  }
.LBB2_2:
0x7e: {  	p0 =	sne.s32 s3, $0xF;
	s4 =	smul.u32 $0x3000, s4;
	[tilespmem:s0+$0xFCB0] =	vst v1  }
0x7f: {  	s1 =	sadd.s32 $0x80, s1;
	[tilespmem:s0+$0xFCC0] =	vst v1  }
0x80: {  	s10 =	sand.u32 $0x380, s1;
	s4 =	sshra.s32 s4, $0x2;
	[tilespmem:s0+$0xFCD0] =	vst v1  }
0x81: {  	[tilespmem:s0+$0xFCE0] =	vst v1;
	s0 =	sor.u32 s10, s4  }
0x82: {  	[tilespmem:s0+$0xFCF0] =	vst v1  }
0x83: {  	[tilespmem:s0+$0xF480] =	vst v1  }
0x84: {  	[tilespmem:s0+$0xF490] =	vst v1  }
0x85: {  	[tilespmem:s0+$0xF4A0] =	vst v1  }
0x86: {  	[tilespmem:s0+$0xF4B0] =	vst v1  }
0x87: {  	[tilespmem:s0+$0xF4C0] =	vst v1  }
0x88: {  	[tilespmem:s0+$0xF4D0] =	vst v1  }
0x89: {  	[tilespmem:s0+$0xF4E0] =	vst v1  }
0x8a: {  	[tilespmem:s0+$0xF4F0] =	vst v1  }
0x8b: {  	[tilespmem:s0+$0xF880] =	vst v1  }
0x8c: {  	[tilespmem:s0+$0xF890] =	vst v1  }
0x8d: {  	[tilespmem:s0+$0xF8A0] =	vst v1  }
0x8e: {  	[tilespmem:s0+$0xF8B0] =	vst v1  }
0x8f: {  	[tilespmem:s0+$0xF8C0] =	vst v1  }
0x90: {  	[tilespmem:s0+$0xF8D0] =	vst v1  }
.Ltmp2:
0x91: {  	[tilespmem:s0+$0xF8E0] =	vst v1;
	(pc) =	sbr.rel @p0 .LBB2_2-.Ltmp2, $4  }
0x92: {  	[tilespmem:s0+$0xF8F0] =	vst v1  }
0x93: {  	[tilespmem:s0+$0xFC80] =	vst v1  }
0x94: {  	[tilespmem:s0+$0xFC90] =	vst v1  }
0x95: {  	s4 =	sshrl.u32 s3, $0x3;
	s3 =	sadd.s32 $0x1, s3;
	[tilespmem:s0+$0xFCA0] =	vst v1  }
0x96: {  	s3 =	smul.u32 $0x3000, s4;
	[tilespmem:s0+$0xFCB0] =	vst v1  }
0x97: {  	[tilespmem:s0+$0xFCC0] =	vst v1;
	s1 =	sadd.s32 $0x80, s1  }
0x98: {  	[tilespmem:s0+$0xFCD0] =	vst v1;
	s1 =	sand.u32 $0x380, s1;
	s3 =	sshra.s32 s3, $0x2  }
0x99: {  	[tilespmem:s0+$0xFCE0] =	vst v1;
	s1 =	sor.u32 s1, s3  }
0x9a: {  	[tilespmem:s1+$0xFCF0] =	vst v1  }
0x9b: {  	[tilespmem:s1+$0xF480] =	vst v1  }
0x9c: {  	[tilespmem:s1+$0xF490] =	vst v1  }
0x9d: {  	[tilespmem:s1+$0xF4A0] =	vst v1  }
0x9e: {  	[tilespmem:s1+$0xF4B0] =	vst v1  }
0x9f: {  	[tilespmem:s1+$0xF4C0] =	vst v1  }
0xa0: {  	[tilespmem:s1+$0xF4D0] =	vst v1  }
0xa1: {  	[tilespmem:s1+$0xF4E0] =	vst v1  }
0xa2: {  	[tilespmem:s1+$0xF4F0] =	vst v1  }
0xa3: {  	[tilespmem:s1+$0xF880] =	vst v1  }
0xa4: {  	[tilespmem:s1+$0xF890] =	vst v1  }
0xa5: {  	[tilespmem:s1+$0xF8A0] =	vst v1  }
0xa6: {  	[tilespmem:s1+$0xF8B0] =	vst v1  }
0xa7: {  	[tilespmem:s1+$0xF8C0] =	vst v1  }
0xa8: {  	[tilespmem:s1+$0xF8D0] =	vst v1  }
0xa9: {  	[tilespmem:s1+$0xF8E0] =	vst v1  }
0xaa: {  	[tilespmem:s1+$0xF8F0] =	vst v1  }
0xab: {  	[tilespmem:s1+$0xFC80] =	vst v1  }
0xac: {  	[tilespmem:s1+$0xFC90] =	vst v1  }
0xad: {  	[tilespmem:s1+$0xFCA0] =	vst v1  }
0xae: {  	[tilespmem:s1+$0xFCB0] =	vst v1  }
0xaf: {  	[tilespmem:s1+$0xFCC0] =	vst v1  }
0xb0: {  	[tilespmem:s1+$0xFCD0] =	vst v1  }
0xb1: {  	[tilespmem:s1+$0xFCE0] =	vst v1  }
0xb2: {  	v11 =	vld.msk [tilespmem:s6+$0x0], $0xffff  }
0xb3: {  	v12 =	vld.idx.msk [tilespmem:v2+s6+$0x0], $0xffff  }
0xb4: {  	v13 =	vld.idx.msk [tilespmem:v3+s6+$0x0], $0xffff  }
0xb5: {  	v14 =	vld.idx.msk [tilespmem:v4+s6+$0x0], $0xffff  }
0xb6: {  	v15 =	vld.idx.msk [tilespmem:v0+s13+$0x0], $0xffff  }
0xb7: {  	s16 =	rddreg [dreg:$0x6];
	v16 =	vld.idx.msk [tilespmem:v5+s6+$0x0], $0xffff  }
0xb8: {  	v17 =	vld [tilespmem:s16+$0x80]  }
0xb9: {  	v18 =	vld.idx.msk [tilespmem:v6+s6+$0x0], $0xffff;
	_ =	sdelay $0x1  }
0xba: {  	v12 =	vmul.f32 v15, v12  }
0xbb: {  	v15 =	vmul.f32 v15, v16  }
0xbc: {  	v11 =	vmul.f32 v17, v11;
	v12 =	vadd.f32 v12, v13  }
0xbd: {  	v13 =	vmul.f32 v17, v14;
	v14 =	vadd.f32 v15, v18  }
0xbe: {  	v11 =	vadd.f32 v12, v11  }
0xbf: {  	v12 =	vadd.f32 v14, v13  }
0xc0: {  	v11 =	vadd.f32 $1.000000000e+00, v11  }
0xc1: {  	v12 =	vadd.f32 $1.000000000e+00, v12  }
0xc2: {  	v11 =	vmul.f32 $5.000000000e-01, v11  }
0xc3: {  	v12 =	vmul.f32 $5.000000000e-01, v12  }
0xc4: {  	v11 =	vmul.f32 $2.240000000e+02, v11  }
0xc5: {  	v13 =	vmul.f32 $2.240000000e+02, v12  }
0xc6: {  	v12 =	vtrunc.f32 v11  }
0xc7: {  	v15 =	vtrunc.f32 v13;
	v14 =	vcvt.f32.s32 v12;
	vm2 =	vlt.f32 v11, v12  }
0xc8: {  	v12 =	vcvt.f32.s32 v15;
	v16 =	vsel vm2, $0xFFFFFFFF, v7;
	vm2 =	vlt.f32 v13, v15  }
0xc9: {  	v14 =	vadd.s32 v14, v16;
	v15 =	vsel vm2, $0xFFFFFFFF, v7  }
0xca: {  	v12 =	vadd.s32 v12, v15;
	v15 =	vadd.s32 $0x1, v14;
	vm2 =	vgt.s32 v14, $0x0  }
0xcb: {  	v16 =	vadd.s32 $0x1, v12;
	v14 =	vnsel vm2, $0x0, v14;
	vm2 =	vgt.s32 v15, $0x0  }
0xcc: {  	v15 =	vnsel vm2, $0x0, v15;
	vm2 =	vgt.s32 v12, $0x0;
	vm3 =	vgt.s32 v16, $0x0  }
0xcd: {  	v14 =	vmin.u32 v14, $0xDF;
	v17 =	vnsel vm2, $0x0, v12;
	v18 =	vnsel vm3, $0x0, v16  }
0xce: {  	v12 =	vmin.u32 v15, $0xDF;
	v16 =	vmin.u32 v17, $0xDF;
	v15 =	vmin.u32 v18, $0xDF  }
0xcf: {  	vm2 =	vne.s32 v14, v12;
	vm3 =	vne.s32 v16, v15  }
0xd0: {  	vm2 =	vmand vm2, vm3  }
0xd1: {  	v17 =	vsel vm2, $0x3F800000, v1  }
0xd2: {  	(xrf0) =	vmax.scan.msk.f32 $0xffff, v17;
	_ =	sdelay $0x5  }
0xd3: {  	v17, _, _ =	vpop (xrf0)  }
0xd4: {  	(v2sf) =	vpush v17, $0xF;
	_ =	sdelay $0xe  }
0xd5: {  	s31 =	spop (v2sf)  }
0xd6: {  	p0 =	sgt.f32 s31, $0.0e+00  }
.Ltmp3:
0xd7: {  	_ = 	snop;
	(pc) =	sbr.rel @!p0 .LBB2_5-.Ltmp3, $4  }
0xd8: {  	_ = 	snop  }
0xd9: {  	s0 =	simm.s32 $0x1  }
0xda: {  	s0 =	simm.s32 @!p0 $0x0  }
0xdb: {  	[smem:$0x0] =	sst s0  }
0xdc: {  	v19 =	vmul.u32 $0xE0, v16  }
0xdd: {  	v17 =	vcvt.s32.f32 v15;
	v18 =	vcvt.s32.f32 v12  }
0xde: {  	v50 =	vcvt.s32.f32 v16;
	v20 =	vcvt.s32.f32 v14;
	v21 =	vadd.s32 v14, v19  }
0xdf: {  	v55 =	vmul.u32 $0xE0, v15;
	v18 =	vsub.f32 v18, v11;
	v52 =	vshrl.u32 v21, $0x3  }
0xe0: {  	v17 =	vsub.f32 v17, v13;
	v11 =	vsub.f32 v11, v20;
	v16 =	vmul.u32 $0x18, v52  }
0xe1: {  	v53 =	vand.u32 $0x7, v14;
	v51 =	vsub.f32 v13, v50;
	v56 =	vadd.s32 v14, v55  }
0xe2: {  	[tilespmem:$0x280] =	vst v21;
	v22 =	vmul.f32 v17, v18;
	v17 =	vmul.f32 v17, v11;
	v16 =	vor.u32 v53, v16  }
0xe3: {  	v57 =	vadd.s32 v12, v19;
	[tilespmem:$0x290] =	vst v56;
	v11 =	vmul.f32 v51, v11;
	v54 =	vperm.xlane v16, v8  }
0xe4: {  	[tilespmem:$0x2A0] =	vst v57  }
0xe5: {  	v59 =	vadd.s32 v12, v55;
	[tilespmem:$0x3B0] =	vst v11;
	v11 =	vadd.s32 v9, v54  }
0xe6: {  	[tilespmem:$0x2B0] =	vst v59;
	v18 =	vmul.f32 v18, v51  }
0xe7: {  	[tilespmem:$0x380] =	vst v22;
	v58 =	vperm.xlane v16, v10  }
0xe8: {  	[tilespmem:$0x390] =	vst v18  }
0xe9: {  	s0 =	simm.s32 $0x480;
	[tilespmem:$0x3A0] =	vst v17;
	v60 =	vadd.s32 v9, v58  }
0xea: {  	[tilespmem:s0], [sflag:$0x1] =	stream.indirect_vreg.gather [hbm4b:s2+s6], $0x80, v11, vm0, $0xb8;
	[tilespmem:$0x10C80] =	vst v63  }
0xeb: {  	s3 =	simm.s32 $0xC80  }
0xec: {  	[tilespmem:s3], [sflag:$0x1] =	stream.indirect_vreg.gather [hbm4b:s8+s6], $0x80, v11, vm1, $0xb8;
	[tilespmem:$0x10C80] =	vst v63  }
0xed: {  	s4 =	simm.s32 $0x1080  }
0xee: {  	[tilespmem:s4], [sflag:$0x1] =	stream.indirect_vreg.gather [hbm4b:s2+s6], $0x80, v60, vm0, $0xb8;
	[tilespmem:$0x10C80] =	vst v63  }
0xef: {  	s10 =	simm.s32 $0x1880  }
0xf0: {  	[tilespmem:s10], [sflag:$0x1] =	stream.indirect_vreg.gather [hbm4b:s8+s6], $0x80, v60, vm1, $0xb8;
	[tilespmem:$0x10C80] =	vst v63  }
0xf1: {  	v11 =	vld [tilespmem:$0x290];
	_ =	sdelay $0x4  }
0xf2: {  	v61 =	vshrl.u32 v11, $0x3  }
0xf3: {  	v12 =	vmul.u32 $0x18, v61  }
0xf4: {  	v11 =	vand.u32 $0x7, v11  }
0xf5: {  	v11 =	vor.u32 v11, v12  }
0xf6: {  	v12 =	vperm.xlane v11, v8;
	_ =	sdelay $0x1  }
0xf7: {  	v12 =	vadd.s32 v9, v12;
	_ =	sdelay $0x1  }
0xf8: {  	v11 =	vperm.xlane v11, v10;
	_ =	sdelay $0x1  }
0xf9: {  	s12 =	simm.s32 $0x1C80;
	v11 =	vadd.s32 v9, v11  }
0xfa: {  	[tilespmem:s12], [sflag:$0x1] =	stream.indirect_vreg.gather [hbm4b:s2+s6], $0x80, v12, vm0, $0xb8;
	[tilespmem:$0x10C80] =	vst v63  }
0xfb: {  	s14 =	simm.s32 $0x2480  }
0xfc: {  	[tilespmem:s14], [sflag:$0x1] =	stream.indirect_vreg.gather [hbm4b:s8+s6], $0x80, v12, vm1, $0xb8;
	[tilespmem:$0x10C80] =	vst v63  }
0xfd: {  	s16 =	simm.s32 $0x2880  }
0xfe: {  	[tilespmem:s16], [sflag:$0x1] =	stream.indirect_vreg.gather [hbm4b:s2+s6], $0x80, v11, vm0, $0xb8;
	[tilespmem:$0x10C80] =	vst v63  }
0xff: {  	s31 =	simm.s32 $0x3080  }
0x100: {  	[tilespmem:s31], [sflag:$0x1] =	stream.indirect_vreg.gather [hbm4b:s8+s6], $0x80, v11, vm1, $0xb8;
	[tilespmem:$0x10C80] =	vst v63  }
0x101: {  	v11 =	vld [tilespmem:$0x2A0];
	_ =	sdelay $0x4  }
0x102: {  	v62 =	vshrl.u32 v11, $0x3  }
0x103: {  	v12 =	vmul.u32 $0x18, v62  }
0x104: {  	v11 =	vand.u32 $0x7, v11  }
0x105: {  	v11 =	vor.u32 v11, v12  }
0x106: {  	v12 =	vperm.xlane v11, v8;
	_ =	sdelay $0x1  }
0x107: {  	v12 =	vadd.s32 v9, v12;
	_ =	sdelay $0x1  }
0x108: {  	v11 =	vperm.xlane v11, v10;
	_ =	sdelay $0x1  }
0x109: {  	s1 =	simm.s32 $0x3480;
	v11 =	vadd.s32 v9, v11  }
0x10a: {  	[tilespmem:s1], [sflag:$0x1] =	stream.indirect_vreg.gather [hbm4b:s2+s6], $0x80, v12, vm0, $0xb8;
	[tilespmem:$0x10C80] =	vst v63  }
0x10b: {  	s3 =	simm.s32 $0x3C80  }
0x10c: {  	[tilespmem:s3], [sflag:$0x1] =	stream.indirect_vreg.gather [hbm4b:s8+s6], $0x80, v12, vm1, $0xb8;
	[tilespmem:$0x10C80] =	vst v63  }
0x10d: {  	s4 =	simm.s32 $0x4080  }
0x10e: {  	[tilespmem:s4], [sflag:$0x1] =	stream.indirect_vreg.gather [hbm4b:s2+s6], $0x80, v11, vm0, $0xb8;
	[tilespmem:$0x10C80] =	vst v63  }
0x10f: {  	s10 =	simm.s32 $0x4880  }
0x110: {  	[tilespmem:s10], [sflag:$0x1] =	stream.indirect_vreg.gather [hbm4b:s8+s6], $0x80, v11, vm1, $0xb8;
	[tilespmem:$0x10C80] =	vst v63  }
0x111: {  	v11 =	vld [tilespmem:$0x2B0];
	_ =	sdelay $0x4  }
0x112: {  	v63 =	vshrl.u32 v11, $0x3  }
0x113: {  	v12 =	vmul.u32 $0x18, v63  }
0x114: {  	v11 =	vand.u32 $0x7, v11  }
0x115: {  	v11 =	vor.u32 v11, v12  }
0x116: {  	v12 =	vperm.xlane v11, v8;
	_ =	sdelay $0x1  }
0x117: {  	v12 =	vadd.s32 v9, v12;
	_ =	sdelay $0x1  }
0x118: {  	v11 =	vperm.xlane v11, v10;
	_ =	sdelay $0x1  }
0x119: {  	s12 =	simm.s32 $0x4C80;
	v11 =	vadd.s32 v9, v11  }
0x11a: {  	[tilespmem:s12], [sflag:$0x1] =	stream.indirect_vreg.gather [hbm4b:s2+s6], $0x80, v12, vm0, $0xb8;
	[tilespmem:$0x10C80] =	vst v63  }
0x11b: {  	s14 =	simm.s32 $0x5480  }
0x11c: {  	[tilespmem:s14], [sflag:$0x1] =	stream.indirect_vreg.gather [hbm4b:s8+s6], $0x80, v12, vm1, $0xb8;
	[tilespmem:$0x10C80] =	vst v63  }
0x11d: {  	s16 =	simm.s32 $0x5880  }
0x11e: {  	[tilespmem:s16], [sflag:$0x1] =	stream.indirect_vreg.gather [hbm4b:s2+s6], $0x80, v11, vm0, $0xb8;
	[tilespmem:$0x10C80] =	vst v63  }
0x11f: {  	s31 =	simm.s32 $0x6080  }
0x120: {  	[tilespmem:s31], [sflag:$0x1] =	stream.indirect_vreg.gather [hbm4b:s8+s6], $0x80, v11, vm1, $0xb8;
	[tilespmem:$0x10C80] =	vst v63  }
.LBB2_5:
.Ltmp4:
0x121: {  	(pc) =	sbr.rel .LBB2_6-.Ltmp4, $2  }
0x122: {  	_ =	sdelay $0x2  }
0x123: {  	s1 =	simm.s32 $0x0  }
.LBB2_19:
0x124: {  	s0 =	simm.s32 $0xF480  }
.LBB2_23:
0x125: {  	s1 =	sadd.s32 $0x1, s1  }
0x126: {  	p0 =	sne.s32 s1, $0xC4  }
.Ltmp5:
0x127: {  	_ = 	snop;
	(pc) =	sbr.rel @!p0 .LBB2_24-.Ltmp5, $3  }
0x128: {  	s3 =	smul.u32 $0x300, s31;
	_ =	sdelay $0x1  }
0x129: {  	s3 =	sadd.s32 s5, s3  }
0x12a: {  	[hbm4b:s3+s6] =	stream.linear.scatter [tilespmem:s0], [sflag:$0x4], $0x1800, $0x38;
	[tilespmem:$0x10C80] =	vst v63  }
.LBB2_6:
0x12b: {  	s0 =	smul.u32 $0x4F, s1;
	_ =	sdelay $0x1  }
0x12c: {  	s0 =	sshrl.u32 s0, $0x8  }
0x12d: {  	s3 =	ssub.s32 s1, s0  }
0x12e: {  	s3 =	sand.u32 $0xFE, s3  }
0x12f: {  	s3 =	sshrl.u32 s3, $0x1  }
0x130: {  	s0 =	sadd.s32 s0, s3  }
0x131: {  	s0 =	sand.u32 $0xE0, s0  }
0x132: {  	s3 =	sshrl.u32 s0, $0x5  }
0x133: {  	s0 =	sshll.u32 s1, $0x6;
	s4 =	smul.u32 $0x6, s3  }
0x134: {  	s31 =	sor.u32 s11, s0  }
0x135: {  	s10 =	smulhi.u32 $0x92492493, s31;
	v11 =	vmov s4;
	s16 =	sor.u32 $0x1, s4  }
0x136: {  	s12 =	smul.u32 $0xFFFFFF20, s3;
	s14 =	sadd.s32 $0x2, s4;
	v11 =	vbroadcast v11, $0x0;
	v13 =	vmov s16  }
0x137: {  	v12 =	vmov s14;
	s10 =	sshrl.u32 s10, $0x3;
	s14 =	sadd.s32 $0x3, s4  }
0x138: {  	s16 =	sadd.s32 $0x4, s4;
	s12 =	sadd.s32 s12, s10;
	v14 =	vmov s14  }
0x139: {  	v15 =	vmov s16;
	s10 =	smul.u32 $0x3FFFFF2, s10;
	s12 =	sadd.s32 $0xE0, s12  }
0x13a: {  	v15 =	vbroadcast v15, $0x0;
	v16 =	vmov s12  }
0x13b: {  	s4 =	sadd.s32 $0x5, s4;
	v12 =	vbroadcast v12, $0x0;
	s14 =	sadd.s32 s31, s10;
	v13 =	vld.idx.msk [tilespmem:v13+s6+$0x0], $0xffff  }
0x13c: {  	v17 =	vmov s4;
	s4 =	sshll.u32 s14, $0x6;
	v11 =	vld.idx.msk [tilespmem:v11+s6+$0x0], $0xffff  }
0x13d: {  	s4 =	sshra.s32 s4, $0x2;
	v14 =	vld.idx.msk [tilespmem:v14+s6+$0x0], $0xffff  }
0x13e: {  	v18 =	vld [tilespmem:s4+$0x80]  }
0x13f: {  	v16 =	vld.idx.msk [tilespmem:v16+s13+$0x0], $0xffff  }
0x140: {  	v15 =	vld.idx.msk [tilespmem:v15+s6+$0x0], $0xffff  }
0x141: {  	v12 =	vld.idx.msk [tilespmem:v12+s6+$0x0], $0xffff  }
0x142: {  	v17 =	vld.idx.msk [tilespmem:v17+s6+$0x0], $0xffff;
	_ =	sdelay $0x1  }
0x143: {  	v13 =	vmul.f32 v16, v13  }
0x144: {  	v15 =	vmul.f32 v16, v15  }
0x145: {  	v11 =	vmul.f32 v18, v11;
	v12 =	vadd.f32 v13, v12  }
0x146: {  	v13 =	vmul.f32 v18, v14;
	v14 =	vadd.f32 v15, v17  }
0x147: {  	v11 =	vadd.f32 v12, v11  }
0x148: {  	v12 =	vadd.f32 v14, v13  }
0x149: {  	v11 =	vadd.f32 $1.000000000e+00, v11  }
0x14a: {  	v12 =	vadd.f32 $1.000000000e+00, v12  }
0x14b: {  	v11 =	vmul.f32 $5.000000000e-01, v11  }
0x14c: {  	v12 =	vmul.f32 $5.000000000e-01, v12  }
0x14d: {  	v11 =	vmul.f32 $2.240000000e+02, v11  }
0x14e: {  	v13 =	vmul.f32 $2.240000000e+02, v12  }
0x14f: {  	v12 =	vtrunc.f32 v11  }
0x150: {  	v15 =	vtrunc.f32 v13;
	v14 =	vcvt.f32.s32 v12;
	vm2 =	vlt.f32 v11, v12  }
0x151: {  	v12 =	vcvt.f32.s32 v15;
	v16 =	vsel vm2, $0xFFFFFFFF, v7;
	vm2 =	vlt.f32 v13, v15  }
0x152: {  	v14 =	vadd.s32 v14, v16;
	v15 =	vsel vm2, $0xFFFFFFFF, v7  }
0x153: {  	v12 =	vadd.s32 v12, v15;
	v15 =	vadd.s32 $0x1, v14;
	vm2 =	vgt.s32 v14, $0x0  }
0x154: {  	v16 =	vadd.s32 $0x1, v12;
	v14 =	vnsel vm2, $0x0, v14;
	vm2 =	vgt.s32 v15, $0x0  }
0x155: {  	v15 =	vnsel vm2, $0x0, v15;
	vm2 =	vgt.s32 v12, $0x0;
	vm3 =	vgt.s32 v16, $0x0  }
0x156: {  	v14 =	vmin.u32 v14, $0xDF;
	v17 =	vnsel vm2, $0x0, v12;
	v18 =	vnsel vm3, $0x0, v16  }
0x157: {  	v12 =	vmin.u32 v15, $0xDF;
	v16 =	vmin.u32 v17, $0xDF;
	v15 =	vmin.u32 v18, $0xDF  }
0x158: {  	vm2 =	vne.s32 v14, v12;
	vm3 =	vne.s32 v16, v15  }
0x159: {  	vm2 =	vmand vm2, vm3  }
0x15a: {  	v17 =	vsel vm2, $0x3F800000, v1  }
0x15b: {  	(xrf0) =	vmax.scan.msk.f32 $0xffff, v17;
	_ =	sdelay $0x5  }
0x15c: {  	v17, _, _ =	vpop (xrf0)  }
0x15d: {  	(v2sf) =	vpush v17, $0xF;
	_ =	sdelay $0xe  }
0x15e: {  	s16 =	spop (v2sf)  }
0x15f: {  	p0 =	sgt.f32 s16, $0.0e+00  }
.Ltmp6:
0x160: {  	_ = 	snop;
	(pc) =	sbr.rel @!p0 .LBB2_8-.Ltmp6, $4  }
0x161: {  	_ = 	snop  }
0x162: {  	s4 =	simm.s32 $0x1  }
0x163: {  	s4 =	simm.s32 @!p0 $0x0  }
0x164: {  	[smem:$0x1] =	sst s4  }
0x165: {  	s3 =	smul.u32 $0xC400, s3;
	v17 =	vmul.u32 $0xE0, v16;
	_ =	sdelay $0x1  }
0x166: {  	v17 =	vadd.s32 s3, v17  }
0x167: {  	v18 =	vcvt.s32.f32 v15;
	v19 =	vcvt.s32.f32 v12;
	v21 =	vadd.s32 v14, v17  }
0x168: {  	v51 =	vcvt.s32.f32 v16;
	v20 =	vcvt.s32.f32 v14;
	v53 =	vshrl.u32 v21, $0x3  }
0x169: {  	v19 =	vsub.f32 v19, v11;
	v18 =	vsub.f32 v18, v13;
	v16 =	vmul.u32 $0x18, v53  }
0x16a: {  	v54 =	vand.u32 $0x7, v14;
	v52 =	vsub.f32 v13, v51;
	v11 =	vsub.f32 v11, v20  }
0x16b: {  	v59 =	vadd.s32 v12, v17;
	v22 =	vmul.f32 v18, v19;
	[tilespmem:$0x300] =	vst v21;
	v16 =	vor.u32 v54, v16  }
0x16c: {  	v19 =	vmul.f32 v19, v52;
	[tilespmem:$0x320] =	vst v59;
	v56 =	vperm.xlane v16, v8  }
0x16d: {  	v55 =	vmul.u32 $0xE0, v15;
	v18 =	vmul.f32 v18, v11;
	v11 =	vmul.f32 v52, v11;
	[tilespmem:$0x400] =	vst v22  }
0x16e: {  	[tilespmem:$0x410] =	vst v19;
	v57 =	vadd.s32 v9, v56  }
0x16f: {  	[tilespmem:$0x430] =	vst v11;
	v11 =	vadd.s32 s3, v55  }
0x170: {  	[tilespmem:$0x420] =	vst v18;
	v58 =	vadd.s32 v14, v11;
	v60 =	vperm.xlane v16, v10  }
0x171: {  	v11 =	vadd.s32 v12, v11;
	[tilespmem:$0x310] =	vst v58  }
0x172: {  	s14 =	simm.s32 $0x6480;
	[tilespmem:$0x330] =	vst v11;
	v11 =	vadd.s32 v9, v60  }
0x173: {  	[tilespmem:s14], [sflag:$0x2] =	stream.indirect_vreg.gather [hbm4b:s2+s6], $0x80, v57, vm0, $0xb8;
	[tilespmem:$0x10C80] =	vst v63  }
0x174: {  	s16 =	simm.s32 $0x6C80  }
0x175: {  	[tilespmem:s16], [sflag:$0x2] =	stream.indirect_vreg.gather [hbm4b:s8+s6], $0x80, v57, vm1, $0xb8;
	[tilespmem:$0x10C80] =	vst v63  }
0x176: {  	s4 =	simm.s32 $0x7080  }
0x177: {  	[tilespmem:s4], [sflag:$0x2] =	stream.indirect_vreg.gather [hbm4b:s2+s6], $0x80, v11, vm0, $0xb8;
	[tilespmem:$0x10C80] =	vst v63  }
0x178: {  	s10 =	simm.s32 $0x7880  }
0x179: {  	[tilespmem:s10], [sflag:$0x2] =	stream.indirect_vreg.gather [hbm4b:s8+s6], $0x80, v11, vm1, $0xb8;
	[tilespmem:$0x10C80] =	vst v63  }
0x17a: {  	v11 =	vld [tilespmem:$0x310];
	_ =	sdelay $0x4  }
0x17b: {  	v61 =	vshrl.u32 v11, $0x3  }
0x17c: {  	v12 =	vmul.u32 $0x18, v61  }
0x17d: {  	v11 =	vand.u32 $0x7, v11  }
0x17e: {  	v11 =	vor.u32 v11, v12  }
0x17f: {  	v12 =	vperm.xlane v11, v8;
	_ =	sdelay $0x1  }
0x180: {  	v12 =	vadd.s32 v9, v12;
	_ =	sdelay $0x1  }
0x181: {  	v11 =	vperm.xlane v11, v10;
	_ =	sdelay $0x1  }
0x182: {  	s12 =	simm.s32 $0x7C80;
	v11 =	vadd.s32 v9, v11  }
0x183: {  	[tilespmem:s12], [sflag:$0x2] =	stream.indirect_vreg.gather [hbm4b:s2+s6], $0x80, v12, vm0, $0xb8;
	[tilespmem:$0x10C80] =	vst v63  }
0x184: {  	s14 =	simm.s32 $0x8480  }
0x185: {  	[tilespmem:s14], [sflag:$0x2] =	stream.indirect_vreg.gather [hbm4b:s8+s6], $0x80, v12, vm1, $0xb8;
	[tilespmem:$0x10C80] =	vst v63  }
0x186: {  	s16 =	simm.s32 $0x8880  }
0x187: {  	[tilespmem:s16], [sflag:$0x2] =	stream.indirect_vreg.gather [hbm4b:s2+s6], $0x80, v11, vm0, $0xb8;
	[tilespmem:$0x10C80] =	vst v63  }
0x188: {  	_ = 	snop  }
0x189: {  	[tilespmem:s17], [sflag:$0x2] =	stream.indirect_vreg.gather [hbm4b:s8+s6], $0x80, v11, vm1, $0xb8;
	[tilespmem:$0x10C80] =	vst v63  }
0x18a: {  	v11 =	vld [tilespmem:$0x320];
	_ =	sdelay $0x4  }
0x18b: {  	v62 =	vshrl.u32 v11, $0x3  }
0x18c: {  	v12 =	vmul.u32 $0x18, v62  }
0x18d: {  	v11 =	vand.u32 $0x7, v11  }
0x18e: {  	v11 =	vor.u32 v11, v12  }
0x18f: {  	v12 =	vperm.xlane v11, v8;
	_ =	sdelay $0x1  }
0x190: {  	v12 =	vadd.s32 v9, v12;
	_ =	sdelay $0x1  }
0x191: {  	v11 =	vperm.xlane v11, v10;
	_ =	sdelay $0x1  }
0x192: {  	v11 =	vadd.s32 v9, v11  }
0x193: {  	[tilespmem:s18], [sflag:$0x2] =	stream.indirect_vreg.gather [hbm4b:s2+s6], $0x80, v12, vm0, $0xb8;
	[tilespmem:$0x10C80] =	vst v63  }
0x194: {  	_ = 	snop  }
0x195: {  	[tilespmem:s19], [sflag:$0x2] =	stream.indirect_vreg.gather [hbm4b:s8+s6], $0x80, v12, vm1, $0xb8;
	[tilespmem:$0x10C80] =	vst v63  }
0x196: {  	_ = 	snop  }
0x197: {  	[tilespmem:s20], [sflag:$0x2] =	stream.indirect_vreg.gather [hbm4b:s2+s6], $0x80, v11, vm0, $0xb8;
	[tilespmem:$0x10C80] =	vst v63  }
0x198: {  	_ = 	snop  }
0x199: {  	[tilespmem:s21], [sflag:$0x2] =	stream.indirect_vreg.gather [hbm4b:s8+s6], $0x80, v11, vm1, $0xb8;
	[tilespmem:$0x10C80] =	vst v63  }
0x19a: {  	v11 =	vld [tilespmem:$0x330];
	_ =	sdelay $0x4  }
0x19b: {  	v63 =	vshrl.u32 v11, $0x3  }
0x19c: {  	v12 =	vmul.u32 $0x18, v63  }
0x19d: {  	v11 =	vand.u32 $0x7, v11  }
0x19e: {  	v11 =	vor.u32 v11, v12  }
0x19f: {  	v12 =	vperm.xlane v11, v8;
	_ =	sdelay $0x1  }
0x1a0: {  	v12 =	vadd.s32 v9, v12;
	_ =	sdelay $0x1  }
0x1a1: {  	v11 =	vperm.xlane v11, v10;
	_ =	sdelay $0x1  }
0x1a2: {  	v11 =	vadd.s32 v9, v11  }
0x1a3: {  	[tilespmem:s22], [sflag:$0x2] =	stream.indirect_vreg.gather [hbm4b:s2+s6], $0x80, v12, vm0, $0xb8;
	[tilespmem:$0x10C80] =	vst v63  }
0x1a4: {  	_ = 	snop  }
0x1a5: {  	[tilespmem:s23], [sflag:$0x2] =	stream.indirect_vreg.gather [hbm4b:s8+s6], $0x80, v12, vm1, $0xb8;
	[tilespmem:$0x10C80] =	vst v63  }
0x1a6: {  	_ = 	snop  }
0x1a7: {  	[tilespmem:s24], [sflag:$0x2] =	stream.indirect_vreg.gather [hbm4b:s2+s6], $0x80, v11, vm0, $0xb8;
	[tilespmem:$0x10C80] =	vst v63  }
0x1a8: {  	_ = 	snop  }
0x1a9: {  	[tilespmem:s25], [sflag:$0x2] =	stream.indirect_vreg.gather [hbm4b:s8+s6], $0x80, v11, vm1, $0xb8;
	[tilespmem:$0x10C80] =	vst v63  }
.LBB2_8:
0x1aa: {  	p0 =	seq.s32 s1, $0x0  }
0x1ab: {  	s3 =	simm.s32 @!p0 $0x3  }
0x1ac: {  	_ =	swait.ge @!p0 [sflag:s3], $0x1800  }
0x1ad: {  	[sflag:s3] =	ssyncset.done @!p0 $0x0  }
0x1ae: {  	[sflag:s3] =	ssyncadd.s32 @!p0 $0xFFFFE800  }
0x1af: {  	s3 =	sld [smem:$0x0];
	_ =	sdelay $0x2  }
0x1b0: {  	p1 =	seq.s32 s3, $0x0  }
.Ltmp7:
0x1b1: {  	_ = 	snop;
	(pc) =	sbr.rel @p1 .LBB2_9-.Ltmp7, $1  }
0x1b2: {  	_ =	sdelay $0x3  }
0x1b3: {  	_ =	swait.ge [sflag:s15], $0x6000  }
0x1b4: {  	[sflag:s15] =	ssyncset.done $0x0  }
0x1b5: {  	s3 =	simm.s32 $0x0;
	s4 =	simm.s32 $0x0;
	[sflag:s15] =	ssyncadd.s32 $0xFFFFA000  }
.LBB2_11:
0x1b6: {  	s10 =	sshrl.u32 s4, $0x3  }
0x1b7: {  	s10 =	smul.u32 $0xC00, s10  }
0x1b8: {  	s12 =	sand.u32 $0x380, s3  }
0x1b9: {  	s10 =	sor.u32 s12, s10  }
0x1ba: {  	v61 =	vld [tilespmem:s10+$0x480]  }
0x1bb: {  	v62 =	vld [tilespmem:s10+$0x1C80]  }
0x1bc: {  	v17 =	vld [tilespmem:s10+$0x3480]  }
0x1bd: {  	v18 =	vld [tilespmem:s10+$0x4C80]  }
0x1be: {  	v19 =	vld [tilespmem:s10+$0x490]  }
0x1bf: {  	v20 =	vld [tilespmem:s10+$0x1C90]  }
0x1c0: {  	v21 =	vld [tilespmem:s10+$0x3490]  }
0x1c1: {  	v22 =	vld [tilespmem:s10+$0x4C90]  }
0x1c2: {  	v23 =	vld [tilespmem:s10+$0x4A0]  }
0x1c3: {  	v24 =	vld [tilespmem:s10+$0x1CA0]  }
0x1c4: {  	v25 =	vld [tilespmem:s10+$0x34A0]  }
0x1c5: {  	v26 =	vld [tilespmem:s10+$0x4CA0]  }
0x1c6: {  	v27 =	vld [tilespmem:s10+$0x4B0]  }
0x1c7: {  	v28 =	vld [tilespmem:s10+$0x1CB0]  }
0x1c8: {  	v29 =	vld [tilespmem:s10+$0x34B0]  }
0x1c9: {  	v30 =	vld [tilespmem:s10+$0x4CB0]  }
0x1ca: {  	v31 =	vld [tilespmem:s10+$0x4C0]  }
0x1cb: {  	v32 =	vld [tilespmem:s10+$0x1CC0]  }
0x1cc: {  	v33 =	vld [tilespmem:s10+$0x34C0]  }
0x1cd: {  	v34 =	vld [tilespmem:s10+$0x4CC0]  }
0x1ce: {  	v35 =	vld [tilespmem:s10+$0x4D0]  }
0x1cf: {  	v36 =	vld [tilespmem:s10+$0x1CD0]  }
0x1d0: {  	v37 =	vld [tilespmem:s10+$0x34D0]  }
0x1d1: {  	v38 =	vld [tilespmem:s10+$0x4CD0]  }
0x1d2: {  	v39 =	vld [tilespmem:s10+$0x4E0]  }
0x1d3: {  	v40 =	vld [tilespmem:s10+$0x1CE0]  }
0x1d4: {  	v41 =	vld [tilespmem:s10+$0x34E0]  }
0x1d5: {  	v42 =	vld [tilespmem:s10+$0x4CE0]  }
0x1d6: {  	v43 =	vld [tilespmem:s10+$0x4F0]  }
0x1d7: {  	v44 =	vld [tilespmem:s10+$0x1CF0]  }
0x1d8: {  	v45 =	vld [tilespmem:s10+$0x34F0]  }
0x1d9: {  	v46 =	vld [tilespmem:s10+$0x4CF0]  }
0x1da: {  	v47 =	vld [tilespmem:s10+$0x880]  }
0x1db: {  	v48 =	vld [tilespmem:s10+$0x2080]  }
0x1dc: {  	v49 =	vld [tilespmem:s10+$0x3880]  }
0x1dd: {  	v50 =	vld [tilespmem:s10+$0x5080]  }
0x1de: {  	v51 =	vld [tilespmem:s10+$0x890]  }
0x1df: {  	v11 =	vmov s4;
	v52 =	vld [tilespmem:s10+$0x2090]  }
0x1e0: {  	v12 =	vor.u32 $0x10, v11;
	v53 =	vld [tilespmem:s10+$0x3890]  }
0x1e1: {  	v15 =	vor.u32 $0x20, v11;
	v54 =	vld [tilespmem:s10+$0x5090]  }
0x1e2: {  	v16 =	vor.u32 $0x30, v11;
	v55 =	vld [tilespmem:s10+$0x8A0]  }
0x1e3: {  	v56 =	vld [tilespmem:s10+$0x20A0]  }
0x1e4: {  	v13 =	vld.idx.msk [tilespmem:v11+s30+$0x0], $0xffff  }
0x1e5: {  	v14 =	vld.idx.msk [tilespmem:v12+s30+$0x0], $0xffff  }
0x1e6: {  	v12 =	vld.idx.msk [tilespmem:v15+s30+$0x0], $0xffff  }
0x1e7: {  	v11 =	vld.idx.msk [tilespmem:v16+s30+$0x0], $0xffff  }
0x1e8: {  	v57 =	vld [tilespmem:s10+$0x38A0]  }
0x1e9: {  	v58 =	vld [tilespmem:s10+$0x50A0]  }
0x1ea: {  	v59 =	vld [tilespmem:s10+$0x8B0];
	v15 =	vmul.f32 v61, v13;
	v19 =	vmul.f32 v19, v13  }
0x1eb: {  	v60 =	vld [tilespmem:s10+$0x20B0];
	v16 =	vmul.f32 v62, v14;
	v20 =	vmul.f32 v20, v14  }
0x1ec: {  	v63 =	vmul.f32 v17, v12;
	v17 =	vmul.f32 v18, v11;
	v18 =	vld [tilespmem:s10+$0x50B0]  }
0x1ed: {  	v62 =	vmul.f32 v21, v12;
	v21 =	vmul.f32 v22, v11;
	v22 =	vld [tilespmem:s10+$0x8C0]  }
0x1ee: {  	v61 =	vld [tilespmem:s10+$0x38B0];
	v26 =	vmul.f32 v26, v11;
	v30 =	vmul.f32 v30, v11;
	v15 =	vadd.f32 v16, v15  }
0x1ef: {  	v40 =	vmul.f32 v40, v14;
	v19 =	vadd.f32 v20, v19;
	v16 =	vmul.f32 v23, v13;
	v23 =	vld [tilespmem:s10+$0x50C0]  }
0x1f0: {  	v50 =	vmul.f32 v50, v11;
	v20 =	vmul.f32 v27, v13;
	v27 =	vld [tilespmem:s10+$0x20E0];
	v15 =	vadd.f32 v63, v15  }
0x1f1: {  	v63 =	vmul.f32 v24, v14;
	v24 =	vld [tilespmem:s10+$0x20C0];
	v19 =	vadd.f32 v62, v19;
	v62 =	vmul.f32 v28, v14  }
0x1f2: {  	v28 =	vld [tilespmem:s10+$0x38C0];
	v18 =	vmul.f32 v18, v11;
	v22 =	vmul.f32 v22, v13  }
0x1f3: {  	v15 =	vadd.f32 v17, v15;
	v16 =	vadd.f32 v63, v16;
	v63 =	vmul.f32 v25, v12;
	v25 =	vld [tilespmem:s10+$0x8D0]  }
0x1f4: {  	v20 =	vadd.f32 v62, v20;
	v62 =	vmul.f32 v29, v12;
	v17 =	vmul.f32 v31, v13;
	v29 =	vld [tilespmem:s10+$0x20D0]  }
0x1f5: {  	v19 =	vadd.f32 v21, v19;
	v21 =	vmul.f32 v35, v13;
	v35 =	vld [tilespmem:s10+$0x8E0];
	v23 =	vmul.f32 v23, v11  }
0x1f6: {  	v31 =	vld [tilespmem:s10+$0x38E0];
	v27 =	vmul.f32 v27, v14;
	v16 =	vadd.f32 v63, v16;
	v63 =	vmul.f32 v32, v14  }
0x1f7: {  	v20 =	vadd.f32 v62, v20;
	v62 =	vmul.f32 v36, v14;
	v32 =	vld [tilespmem:s10+$0x38D0];
	v36 =	vmul.f32 v37, v12  }
0x1f8: {  	v37 =	vmul.f32 v34, v11;
	v17 =	vadd.f32 v63, v17;
	v63 =	vmul.f32 v33, v12;
	v33 =	vld [tilespmem:s10+$0x50D0]  }
0x1f9: {  	v24 =	vmul.f32 v24, v14;
	v21 =	vadd.f32 v62, v21;
	v62 =	vmul.f32 v38, v11;
	v38 =	vld [tilespmem:s10+$0x8F0]  }
0x1fa: {  	v20 =	vadd.f32 v30, v20;
	v30 =	vmul.f32 v43, v13;
	v43 =	vld [tilespmem:s10+$0x2480];
	v25 =	vmul.f32 v25, v13  }
0x1fb: {  	v17 =	vadd.f32 v63, v17;
	v21 =	vadd.f32 v36, v21;
	v63 =	vmul.f32 v39, v13;
	v36 =	vld [tilespmem:s10+$0x50E0]  }
0x1fc: {  	v16 =	vadd.f32 v26, v16;
	v29 =	vmul.f32 v29, v14;
	v39 =	vmul.f32 v42, v11;
	v42 =	vld [tilespmem:s10+$0x38F0]  }
0x1fd: {  	v21 =	vadd.f32 v62, v21;
	v62 =	vmul.f32 v44, v14;
	v26 =	vadd.f32 v40, v63;
	v40 =	vld [tilespmem:s10+$0x20F0]  }
0x1fe: {  	v17 =	vadd.f32 v37, v17;
	v63 =	vmul.f32 v41, v12;
	v37 =	vmul.f32 v45, v12;
	v44 =	vld [tilespmem:s10+$0x50F0]  }
0x1ff: {  	v41 =	vmul.f32 v46, v11;
	v46 =	vld [tilespmem:s10+$0xC80];
	v30 =	vadd.f32 v62, v30;
	v62 =	vmul.f32 v47, v13  }
0x200: {  	v45 =	vld [tilespmem:s10+$0x3C80];
	v26 =	vadd.f32 v63, v26;
	v63 =	vmul.f32 v48, v14;
	v48 =	vmul.f32 v51, v13  }
0x201: {  	v25 =	vadd.f32 v29, v25;
	v51 =	vmul.f32 v52, v14;
	v52 =	vmul.f32 v49, v12;
	v49 =	vld [tilespmem:s10+$0xCA0]  }
0x202: {  	v47 =	vld [tilespmem:s10+$0x24A0];
	v30 =	vadd.f32 v37, v30;
	v34 =	vadd.f32 v63, v62;
	v62 =	vmul.f32 v53, v12  }
0x203: {  	v37 =	vadd.f32 v51, v48;
	v63 =	vmul.f32 v55, v13;
	v55 =	vmul.f32 v56, v14;
	v48 =	vld [tilespmem:s10+$0x5480]  }
0x204: {  	v26 =	vadd.f32 v39, v26;
	v56 =	vmul.f32 v59, v13;
	v59 =	vmul.f32 v60, v14;
	v51 =	vld [tilespmem:s10+$0xC90]  }
0x205: {  	v60 =	vmul.f32 v57, v12;
	v57 =	vmul.f32 v32, v12;
	v32 =	vld [tilespmem:s10+$0xCC0];
	v30 =	vadd.f32 v41, v30  }
0x206: {  	v53 =	vmul.f32 v42, v12;
	v42 =	vld [tilespmem:s10+$0x3CC0];
	v34 =	vadd.f32 v52, v34;
	v37 =	vadd.f32 v62, v37  }
0x207: {  	v39 =	vadd.f32 v55, v63;
	v52 =	vld [tilespmem:s10+$0x2490];
	v62 =	vmul.f32 v54, v11;
	v63 =	vmul.f32 v61, v12  }
0x208: {  	v41 =	vadd.f32 v59, v56;
	v54 =	vld [tilespmem:s10+$0x3C90];
	v55 =	vmul.f32 v58, v11;
	v56 =	vmul.f32 v28, v12  }
0x209: {  	v22 =	vadd.f32 v24, v22;
	v28 =	vld [tilespmem:s10+$0x54A0];
	v58 =	vmul.f32 v33, v11;
	v59 =	vmul.f32 v35, v13  }
0x20a: {  	v33 =	vld [tilespmem:s10+$0xCB0];
	v25 =	vadd.f32 v57, v25;
	v61 =	vmul.f32 v40, v14;
	v34 =	vadd.f32 v50, v34  }
0x20b: {  	v35 =	vld [tilespmem:s10+$0x24B0];
	v57 =	vmul.f32 v43, v14;
	v39 =	vadd.f32 v60, v39;
	v37 =	vadd.f32 v62, v37  }
0x20c: {  	v40 =	vld [tilespmem:s10+$0x3CB0];
	v41 =	vadd.f32 v63, v41;
	v22 =	vadd.f32 v56, v22;
	v60 =	vmul.f32 v38, v13  }
0x20d: {  	v43 =	vld [tilespmem:s10+$0xCD0];
	v62 =	vadd.f32 v27, v59;
	v63 =	vmul.f32 v31, v12;
	v56 =	vmul.f32 v46, v13  }
0x20e: {  	v50 =	vld [tilespmem:s10+$0x5490];
	v59 =	vmul.f32 v51, v13;
	v39 =	vadd.f32 v55, v39;
	v18 =	vadd.f32 v18, v41  }
0x20f: {  	[tilespmem:s10+$0xC480] =	vst v15;
	v27 =	vld [tilespmem:s10+$0x54B0];
	v51 =	vmul.f32 v48, v11;
	v22 =	vadd.f32 v23, v22;
	v29 =	vadd.f32 v61, v60  }
0x210: {  	[tilespmem:s10+$0xC490] =	vst v19;
	v38 =	vld [tilespmem:s10+$0x24C0];
	v55 =	vadd.f32 v63, v62;
	v61 =	vmul.f32 v36, v11;
	v62 =	vmul.f32 v45, v12  }
0x211: {  	[tilespmem:s10+$0xC4A0] =	vst v16;
	v41 =	vld [tilespmem:s10+$0x3CA0];
	v23 =	vadd.f32 v57, v56;
	v63 =	vmul.f32 v44, v11;
	v56 =	vmul.f32 v49, v13  }
0x212: {  	[tilespmem:s10+$0xC4B0] =	vst v20;
	v25 =	vadd.f32 v58, v25;
	v36 =	vld [tilespmem:s10+$0x54C0];
	v57 =	vmul.f32 v47, v14;
	v49 =	vmul.f32 v42, v12  }
0x213: {  	[tilespmem:s10+$0xC890] =	vst v37;
	v37 =	vld [tilespmem:s10+$0xCF0];
	v60 =	vmul.f32 v52, v14;
	v45 =	vmul.f32 v54, v12;
	v58 =	vadd.f32 v53, v29  }
0x214: {  	[tilespmem:s10+$0xC4C0] =	vst v17;
	v44 =	vld [tilespmem:s10+$0x24F0];
	v28 =	vmul.f32 v28, v11;
	v15 =	vadd.f32 v61, v55;
	v46 =	vadd.f32 v62, v23  }
0x215: {  	[tilespmem:s10+$0xC4D0] =	vst v21;
	v52 =	vld [tilespmem:s10+$0x24D0];
	v17 =	vadd.f32 v57, v56;
	v29 =	vadd.f32 v60, v59;
	v54 =	vmul.f32 v50, v11  }
0x216: {  	[tilespmem:s10+$0xC4E0] =	vst v26;
	v55 =	vld [tilespmem:s10+$0x3CD0];
	v59 =	vmul.f32 v35, v14;
	v27 =	vmul.f32 v27, v11;
	v19 =	vadd.f32 v63, v58  }
0x217: {  	[tilespmem:s10+$0xC4F0] =	vst v30;
	v62 =	vld [tilespmem:s10+$0x24E0];
	v16 =	vadd.f32 v51, v46;
	v58 =	vmul.f32 v33, v13;
	v63 =	vmul.f32 v40, v12  }
0x218: {  	[tilespmem:s10+$0xC880] =	vst v34;
	v60 =	vld [tilespmem:s10+$0xCE0];
	v40 =	vmul.f32 v32, v13;
	v46 =	vmul.f32 v43, v13;
	v53 =	vadd.f32 v45, v29  }
0x219: {  	v47 =	vld [tilespmem:s10+$0x3CE0];
	[tilespmem:s10+$0xC8D0] =	vst v25;
	v61 =	vmul.f32 v41, v12;
	v41 =	vmul.f32 v38, v14;
	v21 =	vadd.f32 v59, v58  }
0x21a: {  	[tilespmem:s10+$0xC8A0] =	vst v39;
	v50 =	vld [tilespmem:s10+$0x3CF0];
	v23 =	vmul.f32 v52, v14;
	v59 =	vmul.f32 v36, v11;
	v20 =	vadd.f32 v54, v53  }
0x21b: {  	[tilespmem:s10+$0xC8B0] =	vst v18;
	v29 =	vld [tilespmem:s10+$0x54D0];
	v17 =	vadd.f32 v61, v17;
	v48 =	vadd.f32 v41, v40;
	v51 =	vmul.f32 v55, v12  }
0x21c: {  	[tilespmem:s10+$0xC8C0] =	vst v22;
	v52 =	vld [tilespmem:s10+$0x54E0];
	v55 =	vmul.f32 v62, v14;
	v14 =	vmul.f32 v44, v14;
	v45 =	vadd.f32 v63, v21  }
0x21d: {  	v56 =	vld [tilespmem:s10+$0x54F0];
	[tilespmem:s10+$0xC8E0] =	vst v15;
	v21 =	vadd.f32 v23, v46;
	v54 =	vmul.f32 v60, v13;
	v13 =	vmul.f32 v37, v13  }
0x21e: {  	[tilespmem:s10+$0xC8F0] =	vst v19;
	v60 =	vmul.f32 v47, v12;
	v17 =	vadd.f32 v28, v17;
	v53 =	vadd.f32 v49, v48  }
0x21f: {  	[tilespmem:s10+$0xCC80] =	vst v16;
	v12 =	vmul.f32 v50, v12;
	v18 =	vadd.f32 v27, v45;
	v58 =	vadd.f32 v55, v54  }
0x220: {  	[tilespmem:s10+$0xCC90] =	vst v20;
	v57 =	vadd.f32 v51, v21;
	v13 =	vadd.f32 v14, v13;
	v61 =	vmul.f32 v29, v11  }
0x221: {  	p1 =	sne.s32 s4, $0xF;
	[tilespmem:s10+$0xCCA0] =	vst v17;
	v15 =	vadd.f32 v59, v53;
	v62 =	vmul.f32 v52, v11;
	v16 =	vadd.f32 v60, v58  }
.Ltmp8:
0x222: {  	v11 =	vmul.f32 v56, v11;
	[tilespmem:s10+$0xCCB0] =	vst v18;
	v14 =	vadd.f32 v61, v57;
	v12 =	vadd.f32 v12, v13;
	(pc) =	sbr.rel @p1 .LBB2_11-.Ltmp8, $4  }
0x223: {  	[tilespmem:s10+$0xCCC0] =	vst v15;
	v63 =	vadd.f32 v62, v16  }
0x224: {  	[tilespmem:s10+$0xCCD0] =	vst v14;
	v11 =	vadd.f32 v11, v12  }
0x225: {  	[tilespmem:s10+$0xCCE0] =	vst v63  }
0x226: {  	s3 =	sadd.s32 $0x80, s3;
	s4 =	sadd.s32 $0x1, s4;
	[tilespmem:s10+$0xCCF0] =	vst v11  }
.Ltmp9:
0x227: {  	(pc) =	sbr.rel .LBB2_13-.Ltmp9, $2  }
0x228: {  	_ =	sdelay $0x2  }
0x229: {  	s3 =	simm.s32 $0xC480  }
.LBB2_9:
0x22a: {  	s3 =	simm.s32 $0xF480  }
.LBB2_13:
0x22b: {  	s4 =	sshll.u32 s1, $0xA  }
0x22c: {  	p1 =	seq.s32 s1, $0xC3;
	s4 =	sor.u32 s9, s4  }
.Ltmp10:
0x22d: {  	s4 =	sshrl.u32 s4, $0x3;
	(pc) =	sbr.rel @p1 .LBB2_17-.Ltmp10, $3  }
0x22e: {  	s4 =	smul.u32 $0x180, s4;
	_ =	sdelay $0x1  }
0x22f: {  	s4 =	sadd.s32 s5, s4  }
0x230: {  	[hbm4b:s4+s6] =	stream.linear.scatter [tilespmem:s3], [sflag:$0x3], $0x1800, $0x38;
	[tilespmem:$0x10C80] =	vst v63  }
0x231: {  	s3 =	sadd.s32 $0x40, s0  }
0x232: {  	s0 =	smulhi.u32 $0x5397829D, s3  }
0x233: {  	s3 =	sor.u32 s7, s3  }
0x234: {  	s10 =	smulhi.u32 $0x92492493, s3;
	s0 =	sshrl.u32 s0, $0xA  }
0x235: {  	s4 =	smul.u32 $0x6, s0  }
0x236: {  	s14 =	smul.u32 $0xFFFFFF20, s0  }
0x237: {  	s10 =	sshrl.u32 s10, $0x3  }
0x238: {  	v11 =	vmov s4;
	s16 =	sor.u32 $0x1, s4;
	s14 =	sadd.s32 s14, s10;
	s10 =	smul.u32 $0x3FFFFF2, s10  }
0x239: {  	s12 =	sadd.s32 $0x2, s4;
	v11 =	vbroadcast v11, $0x0;
	v13 =	vmov s16  }
0x23a: {  	v12 =	vmov s12;
	s12 =	sadd.s32 $0x3, s4;
	s16 =	sadd.s32 $0x4, s4;
	s3 =	sadd.s32 s3, s10  }
0x23b: {  	s14 =	sadd.s32 $0xE0, s14;
	v14 =	vmov s12;
	v15 =	vmov s16;
	s3 =	sshll.u32 s3, $0x6  }
0x23c: {  	v16 =	vmov s14;
	v15 =	vbroadcast v15, $0x0;
	s3 =	sshra.s32 s3, $0x2  }
0x23d: {  	v12 =	vbroadcast v12, $0x0;
	v18 =	vld [tilespmem:s3+$0x80]  }
0x23e: {  	s4 =	sadd.s32 $0x5, s4;
	v13 =	vld.idx.msk [tilespmem:v13+s6+$0x0], $0xffff  }
0x23f: {  	v17 =	vmov s4;
	v11 =	vld.idx.msk [tilespmem:v11+s6+$0x0], $0xffff  }
0x240: {  	v14 =	vld.idx.msk [tilespmem:v14+s6+$0x0], $0xffff  }
0x241: {  	v16 =	vld.idx.msk [tilespmem:v16+s13+$0x0], $0xffff  }
0x242: {  	v15 =	vld.idx.msk [tilespmem:v15+s6+$0x0], $0xffff  }
0x243: {  	v12 =	vld.idx.msk [tilespmem:v12+s6+$0x0], $0xffff  }
0x244: {  	v17 =	vld.idx.msk [tilespmem:v17+s6+$0x0], $0xffff;
	_ =	sdelay $0x1  }
0x245: {  	v13 =	vmul.f32 v16, v13  }
0x246: {  	v15 =	vmul.f32 v16, v15  }
0x247: {  	v11 =	vmul.f32 v18, v11;
	v12 =	vadd.f32 v13, v12  }
0x248: {  	v13 =	vmul.f32 v18, v14;
	v14 =	vadd.f32 v15, v17  }
0x249: {  	v11 =	vadd.f32 v12, v11  }
0x24a: {  	v12 =	vadd.f32 v14, v13  }
0x24b: {  	v11 =	vadd.f32 $1.000000000e+00, v11  }
0x24c: {  	v12 =	vadd.f32 $1.000000000e+00, v12  }
0x24d: {  	v11 =	vmul.f32 $5.000000000e-01, v11  }
0x24e: {  	v12 =	vmul.f32 $5.000000000e-01, v12  }
0x24f: {  	v11 =	vmul.f32 $2.240000000e+02, v11  }
0x250: {  	v13 =	vmul.f32 $2.240000000e+02, v12  }
0x251: {  	v12 =	vtrunc.f32 v11  }
0x252: {  	v14 =	vcvt.f32.s32 v12;
	vm2 =	vlt.f32 v11, v12;
	v15 =	vtrunc.f32 v13  }
0x253: {  	v16 =	vsel vm2, $0xFFFFFFFF, v7;
	v12 =	vcvt.f32.s32 v15;
	vm2 =	vlt.f32 v13, v15  }
0x254: {  	v14 =	vadd.s32 v14, v16;
	v15 =	vsel vm2, $0xFFFFFFFF, v7  }
0x255: {  	vm2 =	vgt.s32 v14, $0x0;
	v12 =	vadd.s32 v12, v15;
	v15 =	vadd.s32 $0x1, v14  }
0x256: {  	v14 =	vnsel vm2, $0x0, v14;
	v16 =	vadd.s32 $0x1, v12;
	vm2 =	vgt.s32 v15, $0x0  }
0x257: {  	v15 =	vnsel vm2, $0x0, v15;
	vm2 =	vgt.s32 v12, $0x0;
	vm3 =	vgt.s32 v16, $0x0  }
0x258: {  	v14 =	vmin.u32 v14, $0xDF;
	v17 =	vnsel vm2, $0x0, v12;
	v18 =	vnsel vm3, $0x0, v16  }
0x259: {  	v12 =	vmin.u32 v15, $0xDF;
	v16 =	vmin.u32 v17, $0xDF;
	v15 =	vmin.u32 v18, $0xDF  }
0x25a: {  	vm2 =	vne.s32 v14, v12;
	vm3 =	vne.s32 v16, v15  }
0x25b: {  	vm2 =	vmand vm2, vm3  }
0x25c: {  	v17 =	vsel vm2, $0x3F800000, v1  }
0x25d: {  	(xrf0) =	vmax.scan.msk.f32 $0xffff, v17;
	_ =	sdelay $0x5  }
0x25e: {  	v17, _, _ =	vpop (xrf0)  }
0x25f: {  	(v2sf) =	vpush v17, $0xF;
	_ =	sdelay $0xe  }
0x260: {  	s16 =	spop (v2sf)  }
0x261: {  	p1 =	sgt.f32 s16, $0.0e+00  }
.Ltmp11:
0x262: {  	_ = 	snop;
	(pc) =	sbr.rel @!p1 .LBB2_16-.Ltmp11, $4  }
0x263: {  	_ = 	snop  }
0x264: {  	s3 =	simm.s32 $0x1  }
0x265: {  	s3 =	simm.s32 @!p1 $0x0  }
0x266: {  	[smem:$0x0] =	sst s3  }
0x267: {  	s0 =	smul.u32 $0xC400, s0;
	v17 =	vmul.u32 $0xE0, v16;
	_ =	sdelay $0x1  }
0x268: {  	v17 =	vadd.s32 s0, v17  }
0x269: {  	v18 =	vcvt.s32.f32 v15;
	v19 =	vcvt.s32.f32 v12;
	v21 =	vadd.s32 v14, v17  }
0x26a: {  	v51 =	vcvt.s32.f32 v16;
	v20 =	vcvt.s32.f32 v14;
	v53 =	vshrl.u32 v21, $0x3  }
0x26b: {  	v19 =	vsub.f32 v19, v11;
	v18 =	vsub.f32 v18, v13;
	v16 =	vmul.u32 $0x18, v53  }
0x26c: {  	v54 =	vand.u32 $0x7, v14;
	v52 =	vsub.f32 v13, v51;
	v11 =	vsub.f32 v11, v20  }
0x26d: {  	v59 =	vadd.s32 v12, v17;
	v22 =	vmul.f32 v18, v19;
	[tilespmem:$0x280] =	vst v21;
	v16 =	vor.u32 v54, v16  }
0x26e: {  	v19 =	vmul.f32 v19, v52;
	[tilespmem:$0x2A0] =	vst v59;
	v56 =	vperm.xlane v16, v8  }
0x26f: {  	v55 =	vmul.u32 $0xE0, v15;
	v18 =	vmul.f32 v18, v11;
	v11 =	vmul.f32 v52, v11;
	[tilespmem:$0x380] =	vst v22  }
0x270: {  	[tilespmem:$0x390] =	vst v19;
	v57 =	vadd.s32 v9, v56  }
0x271: {  	[tilespmem:$0x3B0] =	vst v11;
	v11 =	vadd.s32 s0, v55  }
0x272: {  	[tilespmem:$0x3A0] =	vst v18;
	v58 =	vadd.s32 v14, v11;
	v60 =	vperm.xlane v16, v10  }
0x273: {  	v11 =	vadd.s32 v12, v11;
	[tilespmem:$0x290] =	vst v58  }
0x274: {  	s10 =	simm.s32 $0x480;
	[tilespmem:$0x2B0] =	vst v11;
	v11 =	vadd.s32 v9, v60  }
0x275: {  	[tilespmem:s10], [sflag:$0x1] =	stream.indirect_vreg.gather [hbm4b:s2+s6], $0x80, v57, vm0, $0xb8;
	[tilespmem:$0x10C80] =	vst v63  }
0x276: {  	s12 =	simm.s32 $0xC80  }
0x277: {  	[tilespmem:s12], [sflag:$0x1] =	stream.indirect_vreg.gather [hbm4b:s8+s6], $0x80, v57, vm1, $0xb8;
	[tilespmem:$0x10C80] =	vst v63  }
0x278: {  	s14 =	simm.s32 $0x1080  }
0x279: {  	[tilespmem:s14], [sflag:$0x1] =	stream.indirect_vreg.gather [hbm4b:s2+s6], $0x80, v11, vm0, $0xb8;
	[tilespmem:$0x10C80] =	vst v63  }
0x27a: {  	s16 =	simm.s32 $0x1880  }
0x27b: {  	[tilespmem:s16], [sflag:$0x1] =	stream.indirect_vreg.gather [hbm4b:s8+s6], $0x80, v11, vm1, $0xb8;
	[tilespmem:$0x10C80] =	vst v63  }
0x27c: {  	v11 =	vld [tilespmem:$0x290];
	_ =	sdelay $0x4  }
0x27d: {  	v61 =	vshrl.u32 v11, $0x3  }
0x27e: {  	v12 =	vmul.u32 $0x18, v61  }
0x27f: {  	v11 =	vand.u32 $0x7, v11  }
0x280: {  	v11 =	vor.u32 v11, v12  }
0x281: {  	v12 =	vperm.xlane v11, v8;
	_ =	sdelay $0x1  }
0x282: {  	v12 =	vadd.s32 v9, v12;
	_ =	sdelay $0x1  }
0x283: {  	v11 =	vperm.xlane v11, v10;
	_ =	sdelay $0x1  }
0x284: {  	s3 =	simm.s32 $0x1C80;
	v11 =	vadd.s32 v9, v11  }
0x285: {  	[tilespmem:s3], [sflag:$0x1] =	stream.indirect_vreg.gather [hbm4b:s2+s6], $0x80, v12, vm0, $0xb8;
	[tilespmem:$0x10C80] =	vst v63  }
0x286: {  	s4 =	simm.s32 $0x2480  }
0x287: {  	[tilespmem:s4], [sflag:$0x1] =	stream.indirect_vreg.gather [hbm4b:s8+s6], $0x80, v12, vm1, $0xb8;
	[tilespmem:$0x10C80] =	vst v63  }
0x288: {  	s10 =	simm.s32 $0x2880  }
0x289: {  	[tilespmem:s10], [sflag:$0x1] =	stream.indirect_vreg.gather [hbm4b:s2+s6], $0x80, v11, vm0, $0xb8;
	[tilespmem:$0x10C80] =	vst v63  }
0x28a: {  	s12 =	simm.s32 $0x3080  }
0x28b: {  	[tilespmem:s12], [sflag:$0x1] =	stream.indirect_vreg.gather [hbm4b:s8+s6], $0x80, v11, vm1, $0xb8;
	[tilespmem:$0x10C80] =	vst v63  }
0x28c: {  	v11 =	vld [tilespmem:$0x2A0];
	_ =	sdelay $0x4  }
0x28d: {  	v62 =	vshrl.u32 v11, $0x3  }
0x28e: {  	v12 =	vmul.u32 $0x18, v62  }
0x28f: {  	v11 =	vand.u32 $0x7, v11  }
0x290: {  	v11 =	vor.u32 v11, v12  }
0x291: {  	v12 =	vperm.xlane v11, v8;
	_ =	sdelay $0x1  }
0x292: {  	v12 =	vadd.s32 v9, v12;
	_ =	sdelay $0x1  }
0x293: {  	v11 =	vperm.xlane v11, v10;
	_ =	sdelay $0x1  }
0x294: {  	s14 =	simm.s32 $0x3480;
	v11 =	vadd.s32 v9, v11  }
0x295: {  	[tilespmem:s14], [sflag:$0x1] =	stream.indirect_vreg.gather [hbm4b:s2+s6], $0x80, v12, vm0, $0xb8;
	[tilespmem:$0x10C80] =	vst v63  }
0x296: {  	s16 =	simm.s32 $0x3C80  }
0x297: {  	[tilespmem:s16], [sflag:$0x1] =	stream.indirect_vreg.gather [hbm4b:s8+s6], $0x80, v12, vm1, $0xb8;
	[tilespmem:$0x10C80] =	vst v63  }
0x298: {  	s3 =	simm.s32 $0x4080  }
0x299: {  	[tilespmem:s3], [sflag:$0x1] =	stream.indirect_vreg.gather [hbm4b:s2+s6], $0x80, v11, vm0, $0xb8;
	[tilespmem:$0x10C80] =	vst v63  }
0x29a: {  	s4 =	simm.s32 $0x4880  }
0x29b: {  	[tilespmem:s4], [sflag:$0x1] =	stream.indirect_vreg.gather [hbm4b:s8+s6], $0x80, v11, vm1, $0xb8;
	[tilespmem:$0x10C80] =	vst v63  }
0x29c: {  	v11 =	vld [tilespmem:$0x2B0];
	_ =	sdelay $0x4  }
0x29d: {  	v63 =	vshrl.u32 v11, $0x3  }
0x29e: {  	v12 =	vmul.u32 $0x18, v63  }
0x29f: {  	v11 =	vand.u32 $0x7, v11  }
0x2a0: {  	v11 =	vor.u32 v11, v12  }
0x2a1: {  	v12 =	vperm.xlane v11, v8;
	_ =	sdelay $0x1  }
0x2a2: {  	v12 =	vadd.s32 v9, v12;
	_ =	sdelay $0x1  }
0x2a3: {  	v11 =	vperm.xlane v11, v10;
	_ =	sdelay $0x1  }
0x2a4: {  	s10 =	simm.s32 $0x4C80;
	v11 =	vadd.s32 v9, v11  }
0x2a5: {  	[tilespmem:s10], [sflag:$0x1] =	stream.indirect_vreg.gather [hbm4b:s2+s6], $0x80, v12, vm0, $0xb8;
	[tilespmem:$0x10C80] =	vst v63  }
0x2a6: {  	s12 =	simm.s32 $0x5480  }
0x2a7: {  	[tilespmem:s12], [sflag:$0x1] =	stream.indirect_vreg.gather [hbm4b:s8+s6], $0x80, v12, vm1, $0xb8;
	[tilespmem:$0x10C80] =	vst v63  }
0x2a8: {  	s14 =	simm.s32 $0x5880  }
0x2a9: {  	[tilespmem:s14], [sflag:$0x1] =	stream.indirect_vreg.gather [hbm4b:s2+s6], $0x80, v11, vm0, $0xb8;
	[tilespmem:$0x10C80] =	vst v63  }
0x2aa: {  	s16 =	simm.s32 $0x6080  }
0x2ab: {  	[tilespmem:s16], [sflag:$0x1] =	stream.indirect_vreg.gather [hbm4b:s8+s6], $0x80, v11, vm1, $0xb8;
	[tilespmem:$0x10C80] =	vst v63  }
.LBB2_16:
.Ltmp12:
0x2ac: {  	(pc) =	sbr.rel @p0 .LBB2_18-.Ltmp12, $1  }
0x2ad: {  	_ =	sdelay $0x3  }
.LBB2_17:
0x2ae: {  	_ =	swait.ge [sflag:s26], $0x1800  }
0x2af: {  	[sflag:s26] =	ssyncset.done $0x0  }
0x2b0: {  	[sflag:s26] =	ssyncadd.s32 $0xFFFFE800  }
.LBB2_18:
0x2b1: {  	s0 =	sld [smem:$0x1];
	_ =	sdelay $0x2  }
0x2b2: {  	p0 =	seq.s32 s0, $0x0  }
.Ltmp13:
0x2b3: {  	_ = 	snop;
	(pc) =	sbr.rel @p0 .LBB2_19-.Ltmp13, $1  }
0x2b4: {  	_ =	sdelay $0x3  }
0x2b5: {  	_ =	swait.ge [sflag:s28], $0x6000  }
0x2b6: {  	[sflag:s28] =	ssyncset.done $0x0  }
0x2b7: {  	s0 =	simm.s32 $0x0;
	s3 =	simm.s32 $0x0;
	[sflag:s28] =	ssyncadd.s32 $0xFFFFA000  }
.LBB2_21:
0x2b8: {  	s4 =	sshrl.u32 s3, $0x3  }
0x2b9: {  	s4 =	smul.u32 $0xC00, s4  }
0x2ba: {  	s10 =	sand.u32 $0x380, s0  }
0x2bb: {  	s4 =	sor.u32 s10, s4  }
0x2bc: {  	v61 =	vld [tilespmem:s4+$0x6480]  }
0x2bd: {  	v62 =	vld [tilespmem:s4+$0x7C80]  }
0x2be: {  	v17 =	vld [tilespmem:s4+$0x9480]  }
0x2bf: {  	v18 =	vld [tilespmem:s4+$0xAC80]  }
0x2c0: {  	v19 =	vld [tilespmem:s4+$0x6490]  }
0x2c1: {  	v20 =	vld [tilespmem:s4+$0x7C90]  }
0x2c2: {  	v21 =	vld [tilespmem:s4+$0x9490]  }
0x2c3: {  	v22 =	vld [tilespmem:s4+$0xAC90]  }
0x2c4: {  	v23 =	vld [tilespmem:s4+$0x64A0]  }
0x2c5: {  	v24 =	vld [tilespmem:s4+$0x7CA0]  }
0x2c6: {  	v25 =	vld [tilespmem:s4+$0x94A0]  }
0x2c7: {  	v26 =	vld [tilespmem:s4+$0xACA0]  }
0x2c8: {  	v27 =	vld [tilespmem:s4+$0x64B0]  }
0x2c9: {  	v28 =	vld [tilespmem:s4+$0x7CB0]  }
0x2ca: {  	v29 =	vld [tilespmem:s4+$0x94B0]  }
0x2cb: {  	v30 =	vld [tilespmem:s4+$0xACB0]  }
0x2cc: {  	v31 =	vld [tilespmem:s4+$0x64C0]  }
0x2cd: {  	v32 =	vld [tilespmem:s4+$0x7CC0]  }
0x2ce: {  	v33 =	vld [tilespmem:s4+$0x94C0]  }
0x2cf: {  	v34 =	vld [tilespmem:s4+$0xACC0]  }
0x2d0: {  	v35 =	vld [tilespmem:s4+$0x64D0]  }
0x2d1: {  	v36 =	vld [tilespmem:s4+$0x7CD0]  }
0x2d2: {  	v37 =	vld [tilespmem:s4+$0x94D0]  }
0x2d3: {  	v38 =	vld [tilespmem:s4+$0xACD0]  }
0x2d4: {  	v39 =	vld [tilespmem:s4+$0x64E0]  }
0x2d5: {  	v40 =	vld [tilespmem:s4+$0x7CE0]  }
0x2d6: {  	v41 =	vld [tilespmem:s4+$0x94E0]  }
0x2d7: {  	v42 =	vld [tilespmem:s4+$0xACE0]  }
0x2d8: {  	v43 =	vld [tilespmem:s4+$0x64F0]  }
0x2d9: {  	v44 =	vld [tilespmem:s4+$0x7CF0]  }
0x2da: {  	v45 =	vld [tilespmem:s4+$0x94F0]  }
0x2db: {  	v46 =	vld [tilespmem:s4+$0xACF0]  }
0x2dc: {  	v47 =	vld [tilespmem:s4+$0x6880]  }
0x2dd: {  	v48 =	vld [tilespmem:s4+$0x8080]  }
0x2de: {  	v49 =	vld [tilespmem:s4+$0x9880]  }
0x2df: {  	v50 =	vld [tilespmem:s4+$0xB080]  }
0x2e0: {  	v51 =	vld [tilespmem:s4+$0x6890]  }
0x2e1: {  	v11 =	vmov s3;
	v52 =	vld [tilespmem:s4+$0x8090]  }
0x2e2: {  	v12 =	vor.u32 $0x10, v11;
	v53 =	vld [tilespmem:s4+$0x9890]  }
0x2e3: {  	v15 =	vor.u32 $0x20, v11;
	v54 =	vld [tilespmem:s4+$0xB090]  }
0x2e4: {  	v16 =	vor.u32 $0x30, v11;
	v55 =	vld [tilespmem:s4+$0x68A0]  }
0x2e5: {  	v56 =	vld [tilespmem:s4+$0x80A0]  }
0x2e6: {  	v13 =	vld.idx.msk [tilespmem:v11+s29+$0x0], $0xffff  }
0x2e7: {  	v14 =	vld.idx.msk [tilespmem:v12+s29+$0x0], $0xffff  }
0x2e8: {  	v12 =	vld.idx.msk [tilespmem:v15+s29+$0x0], $0xffff  }
0x2e9: {  	v11 =	vld.idx.msk [tilespmem:v16+s29+$0x0], $0xffff  }
0x2ea: {  	v57 =	vld [tilespmem:s4+$0x98A0]  }
0x2eb: {  	v58 =	vld [tilespmem:s4+$0xB0A0]  }
0x2ec: {  	v59 =	vld [tilespmem:s4+$0x68B0];
	v15 =	vmul.f32 v61, v13;
	v19 =	vmul.f32 v19, v13  }
0x2ed: {  	v60 =	vld [tilespmem:s4+$0x80B0];
	v16 =	vmul.f32 v62, v14;
	v20 =	vmul.f32 v20, v14  }
0x2ee: {  	v63 =	vmul.f32 v17, v12;
	v17 =	vmul.f32 v18, v11;
	v18 =	vld [tilespmem:s4+$0xB0B0]  }
0x2ef: {  	v62 =	vmul.f32 v21, v12;
	v21 =	vmul.f32 v22, v11;
	v22 =	vld [tilespmem:s4+$0x68C0]  }
0x2f0: {  	v61 =	vld [tilespmem:s4+$0x98B0];
	v26 =	vmul.f32 v26, v11;
	v30 =	vmul.f32 v30, v11;
	v15 =	vadd.f32 v16, v15  }
0x2f1: {  	v40 =	vmul.f32 v40, v14;
	v19 =	vadd.f32 v20, v19;
	v16 =	vmul.f32 v23, v13;
	v23 =	vld [tilespmem:s4+$0xB0C0]  }
0x2f2: {  	v50 =	vmul.f32 v50, v11;
	v20 =	vmul.f32 v27, v13;
	v27 =	vld [tilespmem:s4+$0x80E0];
	v15 =	vadd.f32 v63, v15  }
0x2f3: {  	v63 =	vmul.f32 v24, v14;
	v24 =	vld [tilespmem:s4+$0x80C0];
	v19 =	vadd.f32 v62, v19;
	v62 =	vmul.f32 v28, v14  }
0x2f4: {  	v28 =	vld [tilespmem:s4+$0x98C0];
	v18 =	vmul.f32 v18, v11;
	v22 =	vmul.f32 v22, v13  }
0x2f5: {  	v15 =	vadd.f32 v17, v15;
	v16 =	vadd.f32 v63, v16;
	v63 =	vmul.f32 v25, v12;
	v25 =	vld [tilespmem:s4+$0x68D0]  }
0x2f6: {  	v20 =	vadd.f32 v62, v20;
	v62 =	vmul.f32 v29, v12;
	v17 =	vmul.f32 v31, v13;
	v29 =	vld [tilespmem:s4+$0x80D0]  }
0x2f7: {  	v19 =	vadd.f32 v21, v19;
	v21 =	vmul.f32 v35, v13;
	v35 =	vld [tilespmem:s4+$0x68E0];
	v23 =	vmul.f32 v23, v11  }
0x2f8: {  	v31 =	vld [tilespmem:s4+$0x98E0];
	v27 =	vmul.f32 v27, v14;
	v16 =	vadd.f32 v63, v16;
	v63 =	vmul.f32 v32, v14  }
0x2f9: {  	v20 =	vadd.f32 v62, v20;
	v62 =	vmul.f32 v36, v14;
	v32 =	vld [tilespmem:s4+$0x98D0];
	v36 =	vmul.f32 v37, v12  }
0x2fa: {  	v37 =	vmul.f32 v34, v11;
	v17 =	vadd.f32 v63, v17;
	v63 =	vmul.f32 v33, v12;
	v33 =	vld [tilespmem:s4+$0xB0D0]  }
0x2fb: {  	v24 =	vmul.f32 v24, v14;
	v21 =	vadd.f32 v62, v21;
	v62 =	vmul.f32 v38, v11;
	v38 =	vld [tilespmem:s4+$0x68F0]  }
0x2fc: {  	v20 =	vadd.f32 v30, v20;
	v30 =	vmul.f32 v43, v13;
	v43 =	vld [tilespmem:s4+$0x8480];
	v25 =	vmul.f32 v25, v13  }
0x2fd: {  	v17 =	vadd.f32 v63, v17;
	v21 =	vadd.f32 v36, v21;
	v63 =	vmul.f32 v39, v13;
	v36 =	vld [tilespmem:s4+$0xB0E0]  }
0x2fe: {  	v16 =	vadd.f32 v26, v16;
	v29 =	vmul.f32 v29, v14;
	v39 =	vmul.f32 v42, v11;
	v42 =	vld [tilespmem:s4+$0x98F0]  }
0x2ff: {  	v21 =	vadd.f32 v62, v21;
	v62 =	vmul.f32 v44, v14;
	v26 =	vadd.f32 v40, v63;
	v40 =	vld [tilespmem:s4+$0x80F0]  }
0x300: {  	v17 =	vadd.f32 v37, v17;
	v63 =	vmul.f32 v41, v12;
	v37 =	vmul.f32 v45, v12;
	v44 =	vld [tilespmem:s4+$0xB0F0]  }
0x301: {  	v41 =	vmul.f32 v46, v11;
	v46 =	vld [tilespmem:s4+$0x6C80];
	v30 =	vadd.f32 v62, v30;
	v62 =	vmul.f32 v47, v13  }
0x302: {  	v45 =	vld [tilespmem:s4+$0x9C80];
	v26 =	vadd.f32 v63, v26;
	v63 =	vmul.f32 v48, v14;
	v48 =	vmul.f32 v51, v13  }
0x303: {  	v25 =	vadd.f32 v29, v25;
	v51 =	vmul.f32 v52, v14;
	v52 =	vmul.f32 v49, v12;
	v49 =	vld [tilespmem:s4+$0x6CA0]  }
0x304: {  	v47 =	vld [tilespmem:s4+$0x84A0];
	v30 =	vadd.f32 v37, v30;
	v34 =	vadd.f32 v63, v62;
	v62 =	vmul.f32 v53, v12  }
0x305: {  	v37 =	vadd.f32 v51, v48;
	v63 =	vmul.f32 v55, v13;
	v55 =	vmul.f32 v56, v14;
	v48 =	vld [tilespmem:s4+$0xB480]  }
0x306: {  	v26 =	vadd.f32 v39, v26;
	v56 =	vmul.f32 v59, v13;
	v59 =	vmul.f32 v60, v14;
	v51 =	vld [tilespmem:s4+$0x6C90]  }
0x307: {  	v60 =	vmul.f32 v57, v12;
	v57 =	vmul.f32 v32, v12;
	v32 =	vld [tilespmem:s4+$0x6CC0];
	v30 =	vadd.f32 v41, v30  }
0x308: {  	v53 =	vmul.f32 v42, v12;
	v42 =	vld [tilespmem:s4+$0x9CC0];
	v34 =	vadd.f32 v52, v34;
	v37 =	vadd.f32 v62, v37  }
0x309: {  	v39 =	vadd.f32 v55, v63;
	v52 =	vld [tilespmem:s4+$0x8490];
	v62 =	vmul.f32 v54, v11;
	v63 =	vmul.f32 v61, v12  }
0x30a: {  	v41 =	vadd.f32 v59, v56;
	v54 =	vld [tilespmem:s4+$0x9C90];
	v55 =	vmul.f32 v58, v11;
	v56 =	vmul.f32 v28, v12  }
0x30b: {  	v22 =	vadd.f32 v24, v22;
	v28 =	vld [tilespmem:s4+$0xB4A0];
	v58 =	vmul.f32 v33, v11;
	v59 =	vmul.f32 v35, v13  }
0x30c: {  	v33 =	vld [tilespmem:s4+$0x6CB0];
	v25 =	vadd.f32 v57, v25;
	v61 =	vmul.f32 v40, v14;
	v34 =	vadd.f32 v50, v34  }
0x30d: {  	v35 =	vld [tilespmem:s4+$0x84B0];
	v57 =	vmul.f32 v43, v14;
	v39 =	vadd.f32 v60, v39;
	v37 =	vadd.f32 v62, v37  }
0x30e: {  	v40 =	vld [tilespmem:s4+$0x9CB0];
	v41 =	vadd.f32 v63, v41;
	v22 =	vadd.f32 v56, v22;
	v60 =	vmul.f32 v38, v13  }
0x30f: {  	v43 =	vld [tilespmem:s4+$0x6CD0];
	v62 =	vadd.f32 v27, v59;
	v63 =	vmul.f32 v31, v12;
	v56 =	vmul.f32 v46, v13  }
0x310: {  	v50 =	vld [tilespmem:s4+$0xB490];
	v59 =	vmul.f32 v51, v13;
	v39 =	vadd.f32 v55, v39;
	v18 =	vadd.f32 v18, v41  }
0x311: {  	[tilespmem:s4+$0xDC80] =	vst v15;
	v27 =	vld [tilespmem:s4+$0xB4B0];
	v51 =	vmul.f32 v48, v11;
	v22 =	vadd.f32 v23, v22;
	v29 =	vadd.f32 v61, v60  }
0x312: {  	[tilespmem:s4+$0xDC90] =	vst v19;
	v38 =	vld [tilespmem:s4+$0x84C0];
	v55 =	vadd.f32 v63, v62;
	v61 =	vmul.f32 v36, v11;
	v62 =	vmul.f32 v45, v12  }
0x313: {  	[tilespmem:s4+$0xDCA0] =	vst v16;
	v41 =	vld [tilespmem:s4+$0x9CA0];
	v23 =	vadd.f32 v57, v56;
	v63 =	vmul.f32 v44, v11;
	v56 =	vmul.f32 v49, v13  }
0x314: {  	[tilespmem:s4+$0xDCB0] =	vst v20;
	v25 =	vadd.f32 v58, v25;
	v36 =	vld [tilespmem:s4+$0xB4C0];
	v57 =	vmul.f32 v47, v14;
	v49 =	vmul.f32 v42, v12  }
0x315: {  	[tilespmem:s4+$0xE090] =	vst v37;
	v37 =	vld [tilespmem:s4+$0x6CF0];
	v60 =	vmul.f32 v52, v14;
	v45 =	vmul.f32 v54, v12;
	v58 =	vadd.f32 v53, v29  }
0x316: {  	[tilespmem:s4+$0xDCC0] =	vst v17;
	v44 =	vld [tilespmem:s4+$0x84F0];
	v28 =	vmul.f32 v28, v11;
	v15 =	vadd.f32 v61, v55;
	v46 =	vadd.f32 v62, v23  }
0x317: {  	[tilespmem:s4+$0xDCD0] =	vst v21;
	v52 =	vld [tilespmem:s4+$0x84D0];
	v17 =	vadd.f32 v57, v56;
	v29 =	vadd.f32 v60, v59;
	v54 =	vmul.f32 v50, v11  }
0x318: {  	[tilespmem:s4+$0xDCE0] =	vst v26;
	v55 =	vld [tilespmem:s4+$0x9CD0];
	v59 =	vmul.f32 v35, v14;
	v27 =	vmul.f32 v27, v11;
	v19 =	vadd.f32 v63, v58  }
0x319: {  	[tilespmem:s4+$0xDCF0] =	vst v30;
	v62 =	vld [tilespmem:s4+$0x84E0];
	v16 =	vadd.f32 v51, v46;
	v58 =	vmul.f32 v33, v13;
	v63 =	vmul.f32 v40, v12  }
0x31a: {  	[tilespmem:s4+$0xE080] =	vst v34;
	v60 =	vld [tilespmem:s4+$0x6CE0];
	v40 =	vmul.f32 v32, v13;
	v46 =	vmul.f32 v43, v13;
	v53 =	vadd.f32 v45, v29  }
0x31b: {  	v47 =	vld [tilespmem:s4+$0x9CE0];
	[tilespmem:s4+$0xE0D0] =	vst v25;
	v61 =	vmul.f32 v41, v12;
	v41 =	vmul.f32 v38, v14;
	v21 =	vadd.f32 v59, v58  }
0x31c: {  	[tilespmem:s4+$0xE0A0] =	vst v39;
	v50 =	vld [tilespmem:s4+$0x9CF0];
	v23 =	vmul.f32 v52, v14;
	v59 =	vmul.f32 v36, v11;
	v20 =	vadd.f32 v54, v53  }
0x31d: {  	[tilespmem:s4+$0xE0B0] =	vst v18;
	v29 =	vld [tilespmem:s4+$0xB4D0];
	v17 =	vadd.f32 v61, v17;
	v48 =	vadd.f32 v41, v40;
	v51 =	vmul.f32 v55, v12  }
0x31e: {  	[tilespmem:s4+$0xE0C0] =	vst v22;
	v52 =	vld [tilespmem:s4+$0xB4E0];
	v55 =	vmul.f32 v62, v14;
	v14 =	vmul.f32 v44, v14;
	v45 =	vadd.f32 v63, v21  }
0x31f: {  	v56 =	vld [tilespmem:s4+$0xB4F0];
	[tilespmem:s4+$0xE0E0] =	vst v15;
	v21 =	vadd.f32 v23, v46;
	v54 =	vmul.f32 v60, v13;
	v13 =	vmul.f32 v37, v13  }
0x320: {  	[tilespmem:s4+$0xE0F0] =	vst v19;
	v60 =	vmul.f32 v47, v12;
	v17 =	vadd.f32 v28, v17;
	v53 =	vadd.f32 v49, v48  }
0x321: {  	[tilespmem:s4+$0xE480] =	vst v16;
	v12 =	vmul.f32 v50, v12;
	v18 =	vadd.f32 v27, v45;
	v58 =	vadd.f32 v55, v54  }
0x322: {  	[tilespmem:s4+$0xE490] =	vst v20;
	v57 =	vadd.f32 v51, v21;
	v13 =	vadd.f32 v14, v13;
	v61 =	vmul.f32 v29, v11  }
0x323: {  	p0 =	sne.s32 s3, $0xF;
	[tilespmem:s4+$0xE4A0] =	vst v17;
	v15 =	vadd.f32 v59, v53;
	v62 =	vmul.f32 v52, v11;
	v16 =	vadd.f32 v60, v58  }
.Ltmp14:
0x324: {  	v11 =	vmul.f32 v56, v11;
	[tilespmem:s4+$0xE4B0] =	vst v18;
	v14 =	vadd.f32 v61, v57;
	v12 =	vadd.f32 v12, v13;
	(pc) =	sbr.rel @p0 .LBB2_21-.Ltmp14, $4  }
0x325: {  	[tilespmem:s4+$0xE4C0] =	vst v15;
	v63 =	vadd.f32 v62, v16  }
0x326: {  	[tilespmem:s4+$0xE4D0] =	vst v14;
	v11 =	vadd.f32 v11, v12  }
0x327: {  	[tilespmem:s4+$0xE4E0] =	vst v63  }
0x328: {  	s0 =	sadd.s32 $0x80, s0;
	s3 =	sadd.s32 $0x1, s3;
	[tilespmem:s4+$0xE4F0] =	vst v11  }
.Ltmp15:
0x329: {  	(pc) =	sbr.rel .LBB2_23-.Ltmp15, $2  }
0x32a: {  	_ =	sdelay $0x2  }
0x32b: {  	s0 =	simm.s32 $0xDC80  }
.LBB2_25:
0x32c: {  	_ =	sfence.sel $0x180000  }
0x32d: {  	[bflag:$0x0] =	sbarrier.arrive $0xFFFF  }
0x32e: {  	_ =	strace $0x90000047  }
0x32f: {  	s0 =	stileid.u32;
	[bflag:$0x2] =	sbarrier.arrive $0xFFFF  }
0x330: {  	p0 =	sne.s32 s0, $0x0;
	s0 =	rddreg [dreg:$0x4]  }
0x331: {  	s0 =	sadd.s32 @!p0 $0x100000, s0  }
0x332: {  	[sflag:s0] =	ssyncadd.tile.s32 @!p0 $0x1;
	_ =	shalt  }
.Lfunc_end2:
_tile_overlayer_lowered:
.L_overlay_start_2:
0x333: {  	(tag) =	ssettag $0x2  }
0x334: {  	s0 =	rddreg [dreg:$0x0];
	s2 =	stileid.u32  }
0x335: {  	s1 =	rddreg [dreg:$0x1];
	p0 =	sne.s32 s2, $0x0  }
0x336: {  	s3 =	rddreg [dreg:$0x2];
	[bflag:$0x3] =	sbarrier.arrive $0xFFFF;
	s2 =	simm.s32 @!p0 $0x1C05  }
0x337: {  	[timem:s3], [sflag:s2] =	dma.local @!p0 [hbm:s0], s1  }
0x338: {  	s0 =	simm.s32 @!p0 $0x5  }
0x339: {  	_ =	swait.ge @!p0 [sflag:s0], s1  }
0x33a: {  	s1 =	ssub.s32 @!p0 $0x0, s1;
	[sflag:s0] =	ssyncset.done @!p0 $0x0  }
0x33b: {  	[sflag:s0] =	ssyncadd.s32 @!p0 s1  }
0x33c: {  	[bflag:$0x3] =	sbarrier.arrive $0xFFFF  }
0x33d: {  	_ =	shalt  }

</sc_bundles>
